<compile_context>
chip_gen: v7x
topology: tpu7x:2x2x1
jax: 0.10.2.dev20260603
libtpu: 0.0.44.dev20260713+nightly
codegen_flags: <defaults>
</compile_context>

<pallas_src>
import functools
import numpy as np
import jax
import jax.numpy as jnp
from jax import lax
from jax.experimental import pallas as pl
from jax.experimental.pallas import tpu as pltpu
from jax.experimental.pallas import tpu_sc as plsc

N_NODES = 10000
N_EDGES = 320000
NQ = 8
DIM = 256
N_GRAPHS = 128
OUT = 2

FW = 16
N_PAD = 10240
DUMMY = N_NODES
EB = 128
NC, NS = 2, 16
NW = NC * NS
K_PER_W = 80
E_PAD = EB * K_PER_W * NW
ROWS_PER_TILE = N_PAD // NS

BLK = 1024
NBLK = N_PAD // BLK

_HIGH = lax.Precision.HIGHEST


def _split_bf16(a):
    hi = a.astype(jnp.bfloat16)
    lo = (a - hi.astype(jnp.float32)).astype(jnp.bfloat16)
    return hi, lo


def _mm(a, b, dims=(((1,), (0,)), ((), ()))):
    return lax.dot_general(a, b, dims, preferred_element_type=jnp.float32)


def _dot3(a, b):
    ah, al = _split_bf16(a)
    bh, bl = _split_bf16(b)
    return _mm(ah, bh) + (_mm(al, bh) + _mm(ah, bl))


def _dot2(a, b_exact, dims=(((1,), (0,)), ((), ()))):
    ah, al = _split_bf16(a)
    bh = b_exact.astype(jnp.bfloat16)
    return _mm(ah, bh, dims) + _mm(al, bh, dims)


def _cnot_chain_matrix():
    i = np.arange(DIM)
    T = np.eye(DIM, dtype=np.float32)
    for q in range(NQ - 1):
        cb = (i >> (NQ - 1 - q)) & 1
        newi = np.where(cb == 1, i ^ (1 << (NQ - 2 - q)), i)
        Tq = np.zeros((DIM, DIM), np.float32)
        Tq[i, newi] = 1.0
        T = T @ Tq
    return T


_TCHAIN = _cnot_chain_matrix()
_G = (1.0 - 2.0 * ((np.arange(DIM)[:, None] >> (NQ - 1 - np.arange(NQ)[None, :])) & 1)).astype(np.float32)

NBUF = 8
K_FAST, K_SLOW = 120, 40


def _sc_body(gather, vals_hbm, row2_hbm, col2_hbm, zeros_hbm, out_hbm,
             ridx_v, cidx_v, vals_v, stage_v, acc_sh, *sems):
    cid = lax.axis_index("c")
    sid = lax.axis_index("s")
    wid = sid * NC + cid
    pltpu.sync_copy(zeros_hbm, acc_sh.at[pl.ds(sid * ROWS_PER_TILE, ROWS_PER_TILE)])
    plsc.subcore_barrier()

    if gather:
        def pipe(k, cbase):
            pltpu.sync_copy(col2_hbm.at[pl.ds(cbase, k)], cidx_v.at[pl.ds(0, k)])
            pltpu.sync_copy(row2_hbm.at[pl.ds(cbase, k)], ridx_v.at[pl.ds(0, k)])
            for b in range(NBUF):
                pltpu.async_copy(vals_hbm.at[ridx_v.at[b]], vals_v.at[b], sems[b])

            def step(m, carry):
                for b in range(NBUF):
                    j = m * NBUF + b
                    pltpu.make_async_copy(
                        vals_hbm.at[ridx_v.at[j]], vals_v.at[b], sems[b]).wait()
                    pltpu.sync_copy(vals_v.at[b], acc_sh.at[cidx_v.at[j]], add=True)

                    @pl.when(j + NBUF < k)
                    def _():
                        pltpu.async_copy(
                            vals_hbm.at[ridx_v.at[j + NBUF]], vals_v.at[b], sems[b])
                return carry

            lax.fori_loop(0, k // NBUF, step, 0)

        @pl.when(cid == 0)
        def _():
            pipe(K_FAST, sid * K_FAST)

        @pl.when(cid == 1)
        def _():
            pipe(K_SLOW, NS * K_FAST + sid * K_SLOW)
    else:
        pltpu.sync_copy(col2_hbm.at[pl.ds(wid * K_PER_W, K_PER_W)], cidx_v)
        pltpu.sync_copy(vals_hbm, vals_v.at[0])

        def step(j, carry):
            pltpu.sync_copy(vals_v.at[0], acc_sh.at[cidx_v.at[j]], add=True)
            return carry

        lax.fori_loop(0, K_PER_W, step, 0)
    plsc.subcore_barrier()
    pltpu.sync_copy(acc_sh.at[pl.ds(sid * ROWS_PER_TILE, ROWS_PER_TILE)], stage_v)
    pltpu.sync_copy(
        stage_v, out_hbm.at[pl.ds(cid * N_PAD + sid * ROWS_PER_TILE, ROWS_PER_TILE)])


@functools.lru_cache(maxsize=None)
def _make_sc(gather):
    mesh = plsc.VectorSubcoreMesh(
        core_axis_name="c", subcore_axis_name="s", num_cores=NC, num_subcores=NS)
    kmax = K_FAST if gather else K_PER_W
    scratch = [
        pltpu.VMEM((kmax, EB), jnp.int32),
        pltpu.VMEM((kmax, EB), jnp.int32),
        pltpu.VMEM((NBUF, EB, FW), jnp.float32),
        pltpu.VMEM((ROWS_PER_TILE, FW), jnp.float32),
        pltpu.VMEM_SHARED((N_PAD, FW), jnp.float32),
    ] + [pltpu.SemaphoreType.DMA] * NBUF
    return pl.kernel(
        functools.partial(_sc_body, gather),
        out_type=jax.ShapeDtypeStruct((NC * N_PAD, FW), jnp.float32),
        mesh=mesh,
        scratch_types=scratch,
        compiler_params=pltpu.CompilerParams(use_tc_tiling_on_sc=False),
        name="sc_edge_scatter" if gather else "sc_degree",
    )


def _sc_scatter(*args):
    return _make_sc(True)(*args)


def _sc_degree(*args):
    return _make_sc(False)(*args)


def _prologue_body(x_ref, deg_ref, xs_ref, dinv_ref):
    deg = deg_ref[:N_PAD, 0:1] + deg_ref[N_PAD:, 0:1] + 1.0
    dinv = lax.rsqrt(deg)
    dinv = dinv * (1.5 - 0.5 * deg * dinv * dinv)
    xs8 = x_ref[...] * dinv
    ones = jnp.ones((N_PAD, 1), jnp.float32)
    zeros = jnp.zeros((N_PAD, FW - NQ - 1), jnp.float32)
    xs_ref[...] = jnp.concatenate([xs8, ones, zeros], axis=1)
    dinv_ref[...] = jnp.broadcast_to(dinv, (N_PAD, NQ))


def _prologue(x_pad, degacc):
    return pl.pallas_call(
        _prologue_body,
        out_shape=(
            jax.ShapeDtypeStruct((N_PAD, FW), jnp.float32),
            jax.ShapeDtypeStruct((N_PAD, NQ), jnp.float32),
        ),
    )(x_pad, degacc)


def _build_t_body(w0_ref, w1_ref, tc_ref, ta_ref, tb_ref):
    jb = lax.broadcasted_iota(jnp.int32, (DIM, DIM), 0)
    ib = lax.broadcasted_iota(jnp.int32, (DIM, DIM), 1)
    for w_ref, t_ref in ((w0_ref, ta_ref), (w1_ref, tb_ref)):
        T = tc_ref[...]
        for l in range(2):
            TR = jnp.ones((DIM, DIM), jnp.float32)
            for q in range(NQ):
                ang = w_ref[l, q] * 0.5
                c = jnp.cos(ang)
                s = jnp.sin(ang)
                jbq = (jb >> (NQ - 1 - q)) & 1
                ibq = (ib >> (NQ - 1 - q)) & 1
                TR = TR * jnp.where(jbq == ibq, c, jnp.where(jbq > ibq, -s, s))
            T = jnp.dot(T, TR, precision=_HIGH, preferred_element_type=jnp.float32)
            if l == 0:
                T = jnp.dot(T, tc_ref[...], precision=_HIGH,
                            preferred_element_type=jnp.float32)
        t_ref[...] = T


def _build_t(w0, w1, tchain):
    return pl.pallas_call(
        _build_t_body,
        in_specs=[
            pl.BlockSpec(memory_space=pltpu.SMEM),
            pl.BlockSpec(memory_space=pltpu.SMEM),
            pl.BlockSpec((DIM, DIM), lambda: (0, 0)),
        ],
        out_shape=(
            jax.ShapeDtypeStruct((DIM, DIM), jnp.float32),
            jax.ShapeDtypeStruct((DIM, DIM), jnp.float32),
        ),
    )(w0, w1, tchain)


def _dense_body(first_layer, acca_ref, accb_ref, xs_ref, dinv_ref, t_ref, g_ref, out_ref):
    dinv8 = dinv_ref[...]
    feats = dinv8 * (acca_ref[:, :NQ] + accb_ref[:, :NQ] + xs_ref[:, :NQ])
    phi = feats * 0.5 + (np.pi / 4.0)
    cv = jnp.cos(phi)
    sv = jnp.sin(phi)
    ib = lax.broadcasted_iota(jnp.int32, (1, DIM), 1)
    S = jnp.ones((BLK, DIM), jnp.float32)
    for q in range(NQ):
        bit = (ib >> (NQ - 1 - q)) & 1
        S = S * jnp.where(bit == 1, sv[:, q:q + 1], cv[:, q:q + 1])
    F = _dot3(S, t_ref[...])
    P = F * F
    z = _dot2(P, g_ref[...])
    h = jnp.where(z >= 0.0, z, 0.2 * z)
    if first_layer:
        ones = jnp.ones((BLK, 1), jnp.float32)
        zeros = jnp.zeros((BLK, FW - NQ - 1), jnp.float32)
        out_ref[...] = jnp.concatenate([dinv8 * h, ones, zeros], axis=1)
    else:
        out_ref[...] = h


def _dense(first_layer, acc, xs16, dinv8, T, G):
    width = FW if first_layer else NQ
    return pl.pallas_call(
        functools.partial(_dense_body, first_layer),
        grid=(NBLK,),
        in_specs=[
            pl.BlockSpec((BLK, FW), lambda i: (i, 0)),
            pl.BlockSpec((BLK, FW), lambda i: (i + NBLK, 0)),
            pl.BlockSpec((BLK, FW), lambda i: (i, 0)),
            pl.BlockSpec((BLK, NQ), lambda i: (i, 0)),
            pl.BlockSpec((DIM, DIM), lambda i: (0, 0)),
            pl.BlockSpec((DIM, NQ), lambda i: (0, 0)),
        ],
        out_specs=pl.BlockSpec((BLK, width), lambda i: (i, 0)),
        out_shape=jax.ShapeDtypeStruct((N_PAD, width), jnp.float32),
    )(acc, acc, xs16, dinv8, T, G)


def _pool_body(h_ref, batch_ref, w_ref, b_ref, out_ref, sums, cnts):
    i = pl.program_id(0)

    @pl.when(i == 0)
    def _():
        sums[...] = jnp.zeros((N_GRAPHS, NQ), jnp.float32)
        cnts[...] = jnp.zeros((N_GRAPHS, 1), jnp.float32)

    onehot = (batch_ref[...] == lax.broadcasted_iota(jnp.int32, (1, N_GRAPHS), 1)
              ).astype(jnp.bfloat16)
    hh, hl = _split_bf16(h_ref[...])
    tdims = (((0,), (0,)), ((), ()))
    sums[...] += _mm(onehot, hh, tdims) + _mm(onehot, hl, tdims)
    cnts[...] += _mm(onehot, jnp.ones((BLK, 1), jnp.bfloat16), tdims)

    @pl.when(i == NBLK - 1)
    def _():
        pooled = sums[...] / jnp.maximum(cnts[...], 1.0)
        out_ref[...] = _mm(pooled.astype(jnp.bfloat16),
                           w_ref[...].astype(jnp.bfloat16),
                           (((1,), (1,)), ((), ()))) + b_ref[...]


def _pool(h2, batch2, W, b2):
    return pl.pallas_call(
        _pool_body,
        grid=(NBLK,),
        in_specs=[
            pl.BlockSpec((BLK, NQ), lambda i: (i, 0)),
            pl.BlockSpec((BLK, 1), lambda i: (i, 0)),
            pl.BlockSpec((OUT, NQ), lambda i: (0, 0)),
            pl.BlockSpec((1, OUT), lambda i: (0, 0)),
        ],
        out_specs=pl.BlockSpec((N_GRAPHS, OUT), lambda i: (0, 0)),
        out_shape=jax.ShapeDtypeStruct((N_GRAPHS, OUT), jnp.float32),
        scratch_shapes=[
            pltpu.VMEM((N_GRAPHS, NQ), jnp.float32),
            pltpu.VMEM((N_GRAPHS, 1), jnp.float32),
        ],
    )(h2, batch2, W, b2)


def kernel(x, edge_index, batch, q_weights_0, q_weights_1, W, b):
    row = edge_index[0].astype(jnp.int32)
    col = edge_index[1].astype(jnp.int32)
    pad = jnp.full((E_PAD - N_EDGES,), DUMMY, jnp.int32)
    row2 = jnp.concatenate([row, pad]).reshape(NW * K_PER_W, EB)
    col2 = jnp.concatenate([col, pad]).reshape(NW * K_PER_W, EB)
    zeros_tile = jnp.zeros((ROWS_PER_TILE, FW), jnp.float32)
    ones_eb = jnp.ones((EB, FW), jnp.float32)
    x_pad = jnp.concatenate(
        [x, jnp.zeros((N_PAD - N_NODES, NQ), jnp.float32)], axis=0)
    batch2 = jnp.concatenate(
        [batch.astype(jnp.int32), jnp.full((N_PAD - N_NODES,), -1, jnp.int32)]
    ).reshape(N_PAD, 1)

    degacc = _sc_degree(ones_eb, row2, col2, zeros_tile)
    xs16, dinv8 = _prologue(x_pad, degacc)
    Ta, Tb = _build_t(q_weights_0, q_weights_1, jnp.asarray(_TCHAIN))

    acc1 = _sc_scatter(xs16, row2, col2, zeros_tile)
    xs16_2 = _dense(True, acc1, xs16, dinv8, Ta, jnp.asarray(_G))
    acc2 = _sc_scatter(xs16_2, row2, col2, zeros_tile)
    h2 = _dense(False, acc2, xs16_2, dinv8, Tb, jnp.asarray(_G))
    return _pool(h2, batch2, W, b.reshape(1, OUT))

# --- scband reference (transcript-rebuilt; emitter-appended) ---
"""Pipeline reference for scband-qgcn-84945863180626 (READ-ONLY COPY).

The authoritative reference and input builder live on the scoring server;
editing this copy changes nothing except your own understanding.
"""

import jax, jax.numpy as jnp
import numpy as np

N_NODES = 10000
N_EDGES = 320000
NQ = 8
QD = 2
N_GRAPHS = 128
OUT = 2


def _ry(state, q, theta):
    # single-qubit RY on qubit q; state [N, 2**NQ] real float32
    N = state.shape[0]
    left = 2 ** q
    right = 2 ** (NQ - q - 1)
    s = state.reshape(N, left, 2, right)
    c = jnp.cos(theta / 2.0)
    sn = jnp.sin(theta / 2.0)
    if jnp.ndim(theta) == 1:
        c = c[:, None, None]
        sn = sn[:, None, None]
    a0 = s[:, :, 0, :]
    a1 = s[:, :, 1, :]
    n0 = c * a0 - sn * a1
    n1 = sn * a0 + c * a1
    return jnp.stack([n0, n1], axis=2).reshape(N, -1)


def _cnot(state, q):
    # CNOT control q, target q+1
    N = state.shape[0]
    left = 2 ** q
    right = 2 ** (NQ - q - 2)
    s = state.reshape(N, left, 2, 2, right)
    flipped = s[:, :, 1, ::-1, :]
    new = jnp.concatenate([s[:, :, 0:1, :, :], flipped[:, :, None, :, :]], axis=2)
    return new.reshape(N, -1)


def _quantum_net(feats, weights):
    # Hadamard layer on |0..0> -> uniform real state, RY angle embedding,
    # QD x (CNOT chain + trainable RY), PauliZ expectation per qubit.
    N = feats.shape[0]
    dim = 2 ** NQ
    state = jnp.full((N, dim), 1.0 / np.sqrt(dim), dtype=feats.dtype)
    for q in range(NQ):
        state = _ry(state, q, feats[:, q])
    for layer in range(weights.shape[0]):
        for q in range(NQ - 1):
            state = _cnot(state, q)
        for q in range(NQ):
            state = _ry(state, q, weights[layer, q])
    probs = state * state
    outs = []
    for q in range(NQ):
        p = probs.reshape(N, 2 ** q, 2, 2 ** (NQ - q - 1))
        outs.append(jnp.sum(p[:, :, 0, :], axis=(1, 2)) - jnp.sum(p[:, :, 1, :], axis=(1, 2)))
    return jnp.stack(outs, axis=1)


def _gcn_agg(x, edge_index):
    # symmetric-normalized GCN aggregation with self loops
    row = edge_index[0]
    col = edge_index[1]
    loop = jnp.arange(N_NODES, dtype=row.dtype)
    row = jnp.concatenate([row, loop])
    col = jnp.concatenate([col, loop])
    deg = jax.ops.segment_sum(jnp.ones_like(col, dtype=x.dtype), col, num_segments=N_NODES)
    dinv = jnp.where(deg > 0, 1.0 / jnp.sqrt(deg), 0.0)
    norm = dinv[row] * dinv[col]
    msgs = x[row] * norm[:, None]
    return jax.ops.segment_sum(msgs, col, num_segments=N_NODES)


def setup_inputs(seed: int = 0) -> dict:
    key = jax.random.key(seed)
    k1, k2, k3, k4, k5, k6, k7 = jax.random.split(key, 7)
    x = jax.random.normal(k1, (N_NODES, NQ), dtype=jnp.float32)
    edge_index = jax.random.randint(k2, (2, N_EDGES), 0, N_NODES, dtype=jnp.int32)
    batch = jnp.sort(jax.random.randint(k3, (N_NODES,), 0, N_GRAPHS, dtype=jnp.int32))
    q_weights_0 = jax.random.uniform(k4, (QD, NQ), dtype=jnp.float32, minval=0.0, maxval=2.0 * np.pi)
    q_weights_1 = jax.random.uniform(k5, (QD, NQ), dtype=jnp.float32, minval=0.0, maxval=2.0 * np.pi)
    W = jax.random.normal(k6, (OUT, NQ), dtype=jnp.float32) * 0.1
    b = jax.random.normal(k7, (OUT,), dtype=jnp.float32) * 0.1
    return {"x": x, "edge_index": edge_index, "batch": batch,
            "q_weights_0": q_weights_0, "q_weights_1": q_weights_1, "W": W, "b": b}


def reference(x, edge_index, batch, q_weights_0, q_weights_1, W, b):
    h = x
    for w in (q_weights_0, q_weights_1):
        agg = _gcn_agg(h, edge_index)
        h = _quantum_net(agg, w)
        h = jnp.where(h >= 0, h, 0.2 * h)  # LeakyReLU(0.2)
    sums = jax.ops.segment_sum(h, batch, num_segments=N_GRAPHS)
    cnt = jax.ops.segment_sum(jnp.ones((h.shape[0],), h.dtype), batch, num_segments=N_GRAPHS)
    pooled = sums / jnp.maximum(cnt, 1.0)[:, None]
    return pooled @ W.T + b

if __name__ == "__main__":
    import jax
    _d = setup_inputs()
    print(jax.jit(kernel)(*tuple(_d.values())))

</pallas_src>

<mosaic_0001>
#map = affine_map<(d0, d1) -> (0, 0)>
module attributes {stable_mosaic.version = 14 : i64} {
  func.func @sc_edge_scatter(%arg0: i32, %arg1: i32, %arg2: memref<10240x16xf32, #tpu.memory_space<hbm>>, %arg3: memref<2560x128xi32, #tpu.memory_space<hbm>>, %arg4: memref<2560x128xi32, #tpu.memory_space<hbm>>, %arg5: memref<640x16xf32, #tpu.memory_space<hbm>>, %arg6: memref<20480x16xf32, #tpu.memory_space<hbm>>, %arg7: memref<120x128xi32, #tpu.memory_space<vmem>>, %arg8: memref<120x128xi32, #tpu.memory_space<vmem>>, %arg9: memref<8x128x16xf32, #tpu.memory_space<vmem>>, %arg10: memref<640x16xf32, #tpu.memory_space<vmem>>, %arg11: memref<10240x16xf32, #tpu.memory_space<vmem_shared>>, %arg12: memref<!tpu.dma_semaphore, #tpu.memory_space<semaphore_mem>>, %arg13: memref<!tpu.dma_semaphore, #tpu.memory_space<semaphore_mem>>, %arg14: memref<!tpu.dma_semaphore, #tpu.memory_space<semaphore_mem>>, %arg15: memref<!tpu.dma_semaphore, #tpu.memory_space<semaphore_mem>>, %arg16: memref<!tpu.dma_semaphore, #tpu.memory_space<semaphore_mem>>, %arg17: memref<!tpu.dma_semaphore, #tpu.memory_space<semaphore_mem>>, %arg18: memref<!tpu.dma_semaphore, #tpu.memory_space<semaphore_mem>>, %arg19: memref<!tpu.dma_semaphore, #tpu.memory_space<semaphore_mem>>) attributes {dimension_semantics = [#tpu.dimension_semantics<core_parallel>, #tpu.dimension_semantics<subcore_parallel>], iteration_bounds = array<i64: 2, 16>, scalar_prefetch = 0 : i64, scratch_operands = 13 : i64, tpu.core_type = #tpu.core_type<sc_vector_subcore>, window_params = [{transform_indices = #map}, {transform_indices = #map}, {transform_indices = #map}, {transform_indices = #map}, {transform_indices = #map}]} {
    %mul3A = arith.constant 2 : i32
    %mul3A_0 = arith.muli %arg1, %mul3A : i32
    %add3A = arith.addi %mul3A_0, %arg0 : i32
    %mul3A_1 = arith.constant 640 : i32
    %mul3A_2 = arith.muli %arg1, %mul3A_1 : i32
    "tpu.region"() ({
      %run_scoped3A = tpu.sem_alloc : memref<!tpu.dma_semaphore, #tpu.memory_space<semaphore_mem>>
      %dma_start3A = arith.constant 0 : i32
      %dma_start3A_18 = tpu.memref_slice %arg11[%mul3A_2, %dma_start3A] : memref<10240x16xf32, #tpu.memory_space<vmem_shared>> -> memref<640x16xf32, #tpu.memory_space<vmem_shared>>
      tpu.enqueue_dma source(%arg5 : memref<640x16xf32, #tpu.memory_space<hbm>>) target(%dma_start3A_18 : memref<640x16xf32, #tpu.memory_space<vmem_shared>>) target_semaphore(%run_scoped3A : memref<!tpu.dma_semaphore, #tpu.memory_space<semaphore_mem>>)
      %dma_wait3A = arith.constant 0 : i32
      %dma_wait3A_19 = tpu.memref_slice %arg11[%mul3A_2, %dma_wait3A] : memref<10240x16xf32, #tpu.memory_space<vmem_shared>> -> memref<640x16xf32, #tpu.memory_space<vmem_shared>>
      tpu.wait_dma2 semaphore(%run_scoped3A : memref<!tpu.dma_semaphore, #tpu.memory_space<semaphore_mem>>) src(%arg5 : memref<640x16xf32, #tpu.memory_space<hbm>>) dst(%dma_wait3A_19 : memref<640x16xf32, #tpu.memory_space<vmem_shared>>)
      tpu.yield
    }) : () -> ()
    %barrier3A = arith.constant 0 : index
    tpu.barrier barrier_id(%barrier3A)
    %eq3A = arith.constant 0 : i32
    %eq3A_3 = arith.cmpi eq, %arg0, %eq3A : i32
    %convert_element_type3A = arith.extui %eq3A_3 : i1 to i32
    %cond3A = arith.constant 0 : i32
    %cond3A_4 = arith.cmpi ne, %convert_element_type3A, %cond3A : i32
    scf.if %cond3A_4 {
      %mul3A_18 = arith.constant 120 : i32
      %mul3A_19 = arith.muli %arg1, %mul3A_18 : i32
      "tpu.region"() ({
        %run_scoped3A = tpu.sem_alloc : memref<!tpu.dma_semaphore, #tpu.memory_space<semaphore_mem>>
        %dma_start3A_120 = arith.constant 0 : i32
        %dma_start3A_121 = arith.constant 0 : i32
        %dma_start3A_122 = tpu.memref_slice %arg8[%dma_start3A_120, %dma_start3A_121] : memref<120x128xi32, #tpu.memory_space<vmem>> -> memref<120x128xi32, #tpu.memory_space<vmem>>
        %dma_start3A_123 = arith.constant 0 : i32
        %dma_start3A_124 = tpu.memref_slice %arg4[%mul3A_19, %dma_start3A_123] : memref<2560x128xi32, #tpu.memory_space<hbm>> -> memref<120x128xi32, #tpu.memory_space<hbm>>
        %dma_start3A_125 = arith.constant 0 : i32
        %dma_start3A_126 = arith.constant 0 : i32
        %dma_start3A_127 = tpu.memref_slice %arg8[%dma_start3A_125, %dma_start3A_126] : memref<120x128xi32, #tpu.memory_space<vmem>> -> memref<120x128xi32, #tpu.memory_space<vmem>>
        %dma_start3A_128 = arith.constant 0 : i32
        %dma_start3A_129 = tpu.memref_slice %arg4[%mul3A_19, %dma_start3A_128] : memref<2560x128xi32, #tpu.memory_space<hbm>> -> memref<120x128xi32, #tpu.memory_space<hbm>>
        tpu.enqueue_dma source(%dma_start3A_129 : memref<120x128xi32, #tpu.memory_space<hbm>>) target(%dma_start3A_127 : memref<120x128xi32, #tpu.memory_space<vmem>>) target_semaphore(%run_scoped3A : memref<!tpu.dma_semaphore, #tpu.memory_space<semaphore_mem>>)
        %dma_wait3A = arith.constant 0 : i32
        %dma_wait3A_130 = arith.constant 0 : i32
        %dma_wait3A_131 = tpu.memref_slice %arg8[%dma_wait3A, %dma_wait3A_130] : memref<120x128xi32, #tpu.memory_space<vmem>> -> memref<120x128xi32, #tpu.memory_space<vmem>>
        %dma_wait3A_132 = arith.constant 0 : i32
        %dma_wait3A_133 = tpu.memref_slice %arg4[%mul3A_19, %dma_wait3A_132] : memref<2560x128xi32, #tpu.memory_space<hbm>> -> memref<120x128xi32, #tpu.memory_space<hbm>>
        %dma_wait3A_134 = arith.constant 0 : i32
        %dma_wait3A_135 = arith.constant 0 : i32
        %dma_wait3A_136 = tpu.memref_slice %arg8[%dma_wait3A_134, %dma_wait3A_135] : memref<120x128xi32, #tpu.memory_space<vmem>> -> memref<120x128xi32, #tpu.memory_space<vmem>>
        %dma_wait3A_137 = arith.constant 0 : i32
        %dma_wait3A_138 = tpu.memref_slice %arg4[%mul3A_19, %dma_wait3A_137] : memref<2560x128xi32, #tpu.memory_space<hbm>> -> memref<120x128xi32, #tpu.memory_space<hbm>>
        tpu.wait_dma2 semaphore(%run_scoped3A : memref<!tpu.dma_semaphore, #tpu.memory_space<semaphore_mem>>) src(%dma_wait3A_138 : memref<120x128xi32, #tpu.memory_space<hbm>>) dst(%dma_wait3A_136 : memref<120x128xi32, #tpu.memory_space<vmem>>)
        tpu.yield
      }) : () -> ()
      "tpu.region"() ({
        %run_scoped3A = tpu.sem_alloc : memref<!tpu.dma_semaphore, #tpu.memory_space<semaphore_mem>>
        %dma_start3A_120 = arith.constant 0 : i32
        %dma_start3A_121 = arith.constant 0 : i32
        %dma_start3A_122 = tpu.memref_slice %arg7[%dma_start3A_120, %dma_start3A_121] : memref<120x128xi32, #tpu.memory_space<vmem>> -> memref<120x128xi32, #tpu.memory_space<vmem>>
        %dma_start3A_123 = arith.constant 0 : i32
        %dma_start3A_124 = tpu.memref_slice %arg3[%mul3A_19, %dma_start3A_123] : memref<2560x128xi32, #tpu.memory_space<hbm>> -> memref<120x128xi32, #tpu.memory_space<hbm>>
        %dma_start3A_125 = arith.constant 0 : i32
        %dma_start3A_126 = arith.constant 0 : i32
        %dma_start3A_127 = tpu.memref_slice %arg7[%dma_start3A_125, %dma_start3A_126] : memref<120x128xi32, #tpu.memory_space<vmem>> -> memref<120x128xi32, #tpu.memory_space<vmem>>
        %dma_start3A_128 = arith.constant 0 : i32
        %dma_start3A_129 = tpu.memref_slice %arg3[%mul3A_19, %dma_start3A_128] : memref<2560x128xi32, #tpu.memory_space<hbm>> -> memref<120x128xi32, #tpu.memory_space<hbm>>
        tpu.enqueue_dma source(%dma_start3A_129 : memref<120x128xi32, #tpu.memory_space<hbm>>) target(%dma_start3A_127 : memref<120x128xi32, #tpu.memory_space<vmem>>) target_semaphore(%run_scoped3A : memref<!tpu.dma_semaphore, #tpu.memory_space<semaphore_mem>>)
        %dma_wait3A = arith.constant 0 : i32
        %dma_wait3A_130 = arith.constant 0 : i32
        %dma_wait3A_131 = tpu.memref_slice %arg7[%dma_wait3A, %dma_wait3A_130] : memref<120x128xi32, #tpu.memory_space<vmem>> -> memref<120x128xi32, #tpu.memory_space<vmem>>
        %dma_wait3A_132 = arith.constant 0 : i32
        %dma_wait3A_133 = tpu.memref_slice %arg3[%mul3A_19, %dma_wait3A_132] : memref<2560x128xi32, #tpu.memory_space<hbm>> -> memref<120x128xi32, #tpu.memory_space<hbm>>
        %dma_wait3A_134 = arith.constant 0 : i32
        %dma_wait3A_135 = arith.constant 0 : i32
        %dma_wait3A_136 = tpu.memref_slice %arg7[%dma_wait3A_134, %dma_wait3A_135] : memref<120x128xi32, #tpu.memory_space<vmem>> -> memref<120x128xi32, #tpu.memory_space<vmem>>
        %dma_wait3A_137 = arith.constant 0 : i32
        %dma_wait3A_138 = tpu.memref_slice %arg3[%mul3A_19, %dma_wait3A_137] : memref<2560x128xi32, #tpu.memory_space<hbm>> -> memref<120x128xi32, #tpu.memory_space<hbm>>
        tpu.wait_dma2 semaphore(%run_scoped3A : memref<!tpu.dma_semaphore, #tpu.memory_space<semaphore_mem>>) src(%dma_wait3A_138 : memref<120x128xi32, #tpu.memory_space<hbm>>) dst(%dma_wait3A_136 : memref<120x128xi32, #tpu.memory_space<vmem>>)
        tpu.yield
      }) : () -> ()
      %dma_start3A = arith.constant 0 : i32
      %dma_start3A_20 = arith.constant 0 : i32
      %dma_start3A_21 = arith.constant 0 : i32
      %dma_start3A_22 = arith.constant 0 : i32
      %dma_start3A_23 = tpu.memref_slice %arg9[%dma_start3A_20, %dma_start3A_21, %dma_start3A_22] : memref<8x128x16xf32, #tpu.memory_space<vmem>> -> memref<1x128x16xf32, #tpu.memory_space<vmem>>
      %dma_start3A_24 = tpu.memref_squeeze %dma_start3A_23 : memref<1x128x16xf32, #tpu.memory_space<vmem>> -> memref<128x16xf32, #tpu.memory_space<vmem>>
      %dma_start3A_25 = arith.constant 0 : i32
      %dma_start3A_26 = tpu.memref_slice %arg7[%dma_start3A, %dma_start3A_25] : memref<120x128xi32, #tpu.memory_space<vmem>> -> memref<1x128xi32, #tpu.memory_space<vmem>>
      %dma_start3A_27 = tpu.memref_squeeze %dma_start3A_26 : memref<1x128xi32, #tpu.memory_space<vmem>> -> memref<128xi32, #tpu.memory_space<vmem>>
      %dma_start3A_28 = arith.constant 0 : i32
      %dma_start3A_29 = arith.constant 0 : i32
      %dma_start3A_30 = tpu.memref_slice %arg2[%dma_start3A_28, %dma_start3A_29] : memref<10240x16xf32, #tpu.memory_space<hbm>> -> memref<10240x16xf32, #tpu.memory_space<hbm>>
      tpu.enqueue_indirect_dma source(%dma_start3A_30 : memref<10240x16xf32, #tpu.memory_space<hbm>>) target(%dma_start3A_24 : memref<128x16xf32, #tpu.memory_space<vmem>>) offsets(%dma_start3A_27 : memref<128xi32, #tpu.memory_space<vmem>>) semaphore(%arg12 : memref<!tpu.dma_semaphore, #tpu.memory_space<semaphore_mem>>)
      %dma_start3A_31 = arith.constant 1 : i32
      %dma_start3A_32 = arith.constant 1 : i32
      %dma_start3A_33 = arith.constant 0 : i32
      %dma_start3A_34 = arith.constant 0 : i32
      %dma_start3A_35 = tpu.memref_slice %arg9[%dma_start3A_32, %dma_start3A_33, %dma_start3A_34] : memref<8x128x16xf32, #tpu.memory_space<vmem>> -> memref<1x128x16xf32, #tpu.memory_space<vmem>>
      %dma_start3A_36 = tpu.memref_squeeze %dma_start3A_35 : memref<1x128x16xf32, #tpu.memory_space<vmem>> -> memref<128x16xf32, #tpu.memory_space<vmem>>
      %dma_start3A_37 = arith.constant 0 : i32
      %dma_start3A_38 = tpu.memref_slice %arg7[%dma_start3A_31, %dma_start3A_37] : memref<120x128xi32, #tpu.memory_space<vmem>> -> memref<1x128xi32, #tpu.memory_space<vmem>>
      %dma_start3A_39 = tpu.memref_squeeze %dma_start3A_38 : memref<1x128xi32, #tpu.memory_space<vmem>> -> memref<128xi32, #tpu.memory_space<vmem>>
      %dma_start3A_40 = arith.constant 0 : i32
      %dma_start3A_41 = arith.constant 0 : i32
      %dma_start3A_42 = tpu.memref_slice %arg2[%dma_start3A_40, %dma_start3A_41] : memref<10240x16xf32, #tpu.memory_space<hbm>> -> memref<10240x16xf32, #tpu.memory_space<hbm>>
      tpu.enqueue_indirect_dma source(%dma_start3A_42 : memref<10240x16xf32, #tpu.memory_space<hbm>>) target(%dma_start3A_36 : memref<128x16xf32, #tpu.memory_space<vmem>>) offsets(%dma_start3A_39 : memref<128xi32, #tpu.memory_space<vmem>>) semaphore(%arg13 : memref<!tpu.dma_semaphore, #tpu.memory_space<semaphore_mem>>)
      %dma_start3A_43 = arith.constant 2 : i32
      %dma_start3A_44 = arith.constant 2 : i32
      %dma_start3A_45 = arith.constant 0 : i32
      %dma_start3A_46 = arith.constant 0 : i32
      %dma_start3A_47 = tpu.memref_slice %arg9[%dma_start3A_44, %dma_start3A_45, %dma_start3A_46] : memref<8x128x16xf32, #tpu.memory_space<vmem>> -> memref<1x128x16xf32, #tpu.memory_space<vmem>>
      %dma_start3A_48 = tpu.memref_squeeze %dma_start3A_47 : memref<1x128x16xf32, #tpu.memory_space<vmem>> -> memref<128x16xf32, #tpu.memory_space<vmem>>
      %dma_start3A_49 = arith.constant 0 : i32
      %dma_start3A_50 = tpu.memref_slice %arg7[%dma_start3A_43, %dma_start3A_49] : memref<120x128xi32, #tpu.memory_space<vmem>> -> memref<1x128xi32, #tpu.memory_space<vmem>>
      %dma_start3A_51 = tpu.memref_squeeze %dma_start3A_50 : memref<1x128xi32, #tpu.memory_space<vmem>> -> memref<128xi32, #tpu.memory_space<vmem>>
      %dma_start3A_52 = arith.constant 0 : i32
      %dma_start3A_53 = arith.constant 0 : i32
      %dma_start3A_54 = tpu.memref_slice %arg2[%dma_start3A_52, %dma_start3A_53] : memref<10240x16xf32, #tpu.memory_space<hbm>> -> memref<10240x16xf32, #tpu.memory_space<hbm>>
      tpu.enqueue_indirect_dma source(%dma_start3A_54 : memref<10240x16xf32, #tpu.memory_space<hbm>>) target(%dma_start3A_48 : memref<128x16xf32, #tpu.memory_space<vmem>>) offsets(%dma_start3A_51 : memref<128xi32, #tpu.memory_space<vmem>>) semaphore(%arg14 : memref<!tpu.dma_semaphore, #tpu.memory_space<semaphore_mem>>)
      %dma_start3A_55 = arith.constant 3 : i32
      %dma_start3A_56 = arith.constant 3 : i32
      %dma_start3A_57 = arith.constant 0 : i32
      %dma_start3A_58 = arith.constant 0 : i32
      %dma_start3A_59 = tpu.memref_slice %arg9[%dma_start3A_56, %dma_start3A_57, %dma_start3A_58] : memref<8x128x16xf32, #tpu.memory_space<vmem>> -> memref<1x128x16xf32, #tpu.memory_space<vmem>>
      %dma_start3A_60 = tpu.memref_squeeze %dma_start3A_59 : memref<1x128x16xf32, #tpu.memory_space<vmem>> -> memref<128x16xf32, #tpu.memory_space<vmem>>
      %dma_start3A_61 = arith.constant 0 : i32
      %dma_start3A_62 = tpu.memref_slice %arg7[%dma_start3A_55, %dma_start3A_61] : memref<120x128xi32, #tpu.memory_space<vmem>> -> memref<1x128xi32, #tpu.memory_space<vmem>>
      %dma_start3A_63 = tpu.memref_squeeze %dma_start3A_62 : memref<1x128xi32, #tpu.memory_space<vmem>> -> memref<128xi32, #tpu.memory_space<vmem>>
      %dma_start3A_64 = arith.constant 0 : i32
      %dma_start3A_65 = arith.constant 0 : i32
      %dma_start3A_66 = tpu.memref_slice %arg2[%dma_start3A_64, %dma_start3A_65] : memref<10240x16xf32, #tpu.memory_space<hbm>> -> memref<10240x16xf32, #tpu.memory_space<hbm>>
      tpu.enqueue_indirect_dma source(%dma_start3A_66 : memref<10240x16xf32, #tpu.memory_space<hbm>>) target(%dma_start3A_60 : memref<128x16xf32, #tpu.memory_space<vmem>>) offsets(%dma_start3A_63 : memref<128xi32, #tpu.memory_space<vmem>>) semaphore(%arg15 : memref<!tpu.dma_semaphore, #tpu.memory_space<semaphore_mem>>)
      %dma_start3A_67 = arith.constant 4 : i32
      %dma_start3A_68 = arith.constant 4 : i32
      %dma_start3A_69 = arith.constant 0 : i32
      %dma_start3A_70 = arith.constant 0 : i32
      %dma_start3A_71 = tpu.memref_slice %arg9[%dma_start3A_68, %dma_start3A_69, %dma_start3A_70] : memref<8x128x16xf32, #tpu.memory_space<vmem>> -> memref<1x128x16xf32, #tpu.memory_space<vmem>>
      %dma_start3A_72 = tpu.memref_squeeze %dma_start3A_71 : memref<1x128x16xf32, #tpu.memory_space<vmem>> -> memref<128x16xf32, #tpu.memory_space<vmem>>
      %dma_start3A_73 = arith.constant 0 : i32
      %dma_start3A_74 = tpu.memref_slice %arg7[%dma_start3A_67, %dma_start3A_73] : memref<120x128xi32, #tpu.memory_space<vmem>> -> memref<1x128xi32, #tpu.memory_space<vmem>>
      %dma_start3A_75 = tpu.memref_squeeze %dma_start3A_74 : memref<1x128xi32, #tpu.memory_space<vmem>> -> memref<128xi32, #tpu.memory_space<vmem>>
      %dma_start3A_76 = arith.constant 0 : i32
      %dma_start3A_77 = arith.constant 0 : i32
      %dma_start3A_78 = tpu.memref_slice %arg2[%dma_start3A_76, %dma_start3A_77] : memref<10240x16xf32, #tpu.memory_space<hbm>> -> memref<10240x16xf32, #tpu.memory_space<hbm>>
      tpu.enqueue_indirect_dma source(%dma_start3A_78 : memref<10240x16xf32, #tpu.memory_space<hbm>>) target(%dma_start3A_72 : memref<128x16xf32, #tpu.memory_space<vmem>>) offsets(%dma_start3A_75 : memref<128xi32, #tpu.memory_space<vmem>>) semaphore(%arg16 : memref<!tpu.dma_semaphore, #tpu.memory_space<semaphore_mem>>)
      %dma_start3A_79 = arith.constant 5 : i32
      %dma_start3A_80 = arith.constant 5 : i32
      %dma_start3A_81 = arith.constant 0 : i32
      %dma_start3A_82 = arith.constant 0 : i32
      %dma_start3A_83 = tpu.memref_slice %arg9[%dma_start3A_80, %dma_start3A_81, %dma_start3A_82] : memref<8x128x16xf32, #tpu.memory_space<vmem>> -> memref<1x128x16xf32, #tpu.memory_space<vmem>>
      %dma_start3A_84 = tpu.memref_squeeze %dma_start3A_83 : memref<1x128x16xf32, #tpu.memory_space<vmem>> -> memref<128x16xf32, #tpu.memory_space<vmem>>
      %dma_start3A_85 = arith.constant 0 : i32
      %dma_start3A_86 = tpu.memref_slice %arg7[%dma_start3A_79, %dma_start3A_85] : memref<120x128xi32, #tpu.memory_space<vmem>> -> memref<1x128xi32, #tpu.memory_space<vmem>>
      %dma_start3A_87 = tpu.memref_squeeze %dma_start3A_86 : memref<1x128xi32, #tpu.memory_space<vmem>> -> memref<128xi32, #tpu.memory_space<vmem>>
      %dma_start3A_88 = arith.constant 0 : i32
      %dma_start3A_89 = arith.constant 0 : i32
      %dma_start3A_90 = tpu.memref_slice %arg2[%dma_start3A_88, %dma_start3A_89] : memref<10240x16xf32, #tpu.memory_space<hbm>> -> memref<10240x16xf32, #tpu.memory_space<hbm>>
      tpu.enqueue_indirect_dma source(%dma_start3A_90 : memref<10240x16xf32, #tpu.memory_space<hbm>>) target(%dma_start3A_84 : memref<128x16xf32, #tpu.memory_space<vmem>>) offsets(%dma_start3A_87 : memref<128xi32, #tpu.memory_space<vmem>>) semaphore(%arg17 : memref<!tpu.dma_semaphore, #tpu.memory_space<semaphore_mem>>)
      %dma_start3A_91 = arith.constant 6 : i32
      %dma_start3A_92 = arith.constant 6 : i32
      %dma_start3A_93 = arith.constant 0 : i32
      %dma_start3A_94 = arith.constant 0 : i32
      %dma_start3A_95 = tpu.memref_slice %arg9[%dma_start3A_92, %dma_start3A_93, %dma_start3A_94] : memref<8x128x16xf32, #tpu.memory_space<vmem>> -> memref<1x128x16xf32, #tpu.memory_space<vmem>>
      %dma_start3A_96 = tpu.memref_squeeze %dma_start3A_95 : memref<1x128x16xf32, #tpu.memory_space<vmem>> -> memref<128x16xf32, #tpu.memory_space<vmem>>
      %dma_start3A_97 = arith.constant 0 : i32
      %dma_start3A_98 = tpu.memref_slice %arg7[%dma_start3A_91, %dma_start3A_97] : memref<120x128xi32, #tpu.memory_space<vmem>> -> memref<1x128xi32, #tpu.memory_space<vmem>>
      %dma_start3A_99 = tpu.memref_squeeze %dma_start3A_98 : memref<1x128xi32, #tpu.memory_space<vmem>> -> memref<128xi32, #tpu.memory_space<vmem>>
      %dma_start3A_100 = arith.constant 0 : i32
      %dma_start3A_101 = arith.constant 0 : i32
      %dma_start3A_102 = tpu.memref_slice %arg2[%dma_start3A_100, %dma_start3A_101] : memref<10240x16xf32, #tpu.memory_space<hbm>> -> memref<10240x16xf32, #tpu.memory_space<hbm>>
      tpu.enqueue_indirect_dma source(%dma_start3A_102 : memref<10240x16xf32, #tpu.memory_space<hbm>>) target(%dma_start3A_96 : memref<128x16xf32, #tpu.memory_space<vmem>>) offsets(%dma_start3A_99 : memref<128xi32, #tpu.memory_space<vmem>>) semaphore(%arg18 : memref<!tpu.dma_semaphore, #tpu.memory_space<semaphore_mem>>)
      %dma_start3A_103 = arith.constant 7 : i32
      %dma_start3A_104 = arith.constant 7 : i32
      %dma_start3A_105 = arith.constant 0 : i32
      %dma_start3A_106 = arith.constant 0 : i32
      %dma_start3A_107 = tpu.memref_slice %arg9[%dma_start3A_104, %dma_start3A_105, %dma_start3A_106] : memref<8x128x16xf32, #tpu.memory_space<vmem>> -> memref<1x128x16xf32, #tpu.memory_space<vmem>>
      %dma_start3A_108 = tpu.memref_squeeze %dma_start3A_107 : memref<1x128x16xf32, #tpu.memory_space<vmem>> -> memref<128x16xf32, #tpu.memory_space<vmem>>
      %dma_start3A_109 = arith.constant 0 : i32
      %dma_start3A_110 = tpu.memref_slice %arg7[%dma_start3A_103, %dma_start3A_109] : memref<120x128xi32, #tpu.memory_space<vmem>> -> memref<1x128xi32, #tpu.memory_space<vmem>>
      %dma_start3A_111 = tpu.memref_squeeze %dma_start3A_110 : memref<1x128xi32, #tpu.memory_space<vmem>> -> memref<128xi32, #tpu.memory_space<vmem>>
      %dma_start3A_112 = arith.constant 0 : i32
      %dma_start3A_113 = arith.constant 0 : i32
      %dma_start3A_114 = tpu.memref_slice %arg2[%dma_start3A_112, %dma_start3A_113] : memref<10240x16xf32, #tpu.memory_space<hbm>> -> memref<10240x16xf32, #tpu.memory_space<hbm>>
      tpu.enqueue_indirect_dma source(%dma_start3A_114 : memref<10240x16xf32, #tpu.memory_space<hbm>>) target(%dma_start3A_108 : memref<128x16xf32, #tpu.memory_space<vmem>>) offsets(%dma_start3A_111 : memref<128xi32, #tpu.memory_space<vmem>>) semaphore(%arg19 : memref<!tpu.dma_semaphore, #tpu.memory_space<semaphore_mem>>)
      %scan3A = arith.constant 0 : i32
      %scan3A_115 = arith.constant 0 : i32
      %scan3A_116 = arith.constant 15 : i32
      %scan3A_117 = arith.addi %scan3A_115, %scan3A_116 : i32
      %scan3A_118 = arith.constant 1 : i32
      scf.for %scan3A_120 = %scan3A_115 to %scan3A_117 step %scan3A_118  : i32 {
        %mul3A_121 = arith.constant 8 : i32
        %mul3A_122 = arith.muli %scan3A_120, %mul3A_121 : i32
        %add3A_123 = arith.constant 0 : i32
        %add3A_124 = arith.addi %mul3A_122, %add3A_123 : i32
        %dma_wait3A = arith.constant 0 : i32
        %dma_wait3A_125 = arith.constant 0 : i32
        %dma_wait3A_126 = arith.constant 0 : i32
        %dma_wait3A_127 = tpu.memref_slice %arg9[%dma_wait3A, %dma_wait3A_125, %dma_wait3A_126] : memref<8x128x16xf32, #tpu.memory_space<vmem>> -> memref<1x128x16xf32, #tpu.memory_space<vmem>>
        %dma_wait3A_128 = tpu.memref_squeeze %dma_wait3A_127 : memref<1x128x16xf32, #tpu.memory_space<vmem>> -> memref<128x16xf32, #tpu.memory_space<vmem>>
        %dma_wait3A_129 = arith.constant 0 : i32
        %dma_wait3A_130 = tpu.memref_slice %arg7[%add3A_124, %dma_wait3A_129] : memref<120x128xi32, #tpu.memory_space<vmem>> -> memref<1x128xi32, #tpu.memory_space<vmem>>
        %dma_wait3A_131 = tpu.memref_squeeze %dma_wait3A_130 : memref<1x128xi32, #tpu.memory_space<vmem>> -> memref<128xi32, #tpu.memory_space<vmem>>
        %dma_wait3A_132 = arith.constant 0 : i32
        %dma_wait3A_133 = arith.constant 0 : i32
        %dma_wait3A_134 = tpu.memref_slice %arg2[%dma_wait3A_132, %dma_wait3A_133] : memref<10240x16xf32, #tpu.memory_space<hbm>> -> memref<10240x16xf32, #tpu.memory_space<hbm>>
        tpu.wait_indirect_dma semaphore(%arg12 : memref<!tpu.dma_semaphore, #tpu.memory_space<semaphore_mem>>) src(%dma_wait3A_134 : memref<10240x16xf32, #tpu.memory_space<hbm>>) dst(%dma_wait3A_128 : memref<128x16xf32, #tpu.memory_space<vmem>>)
        %run_scoped3A = arith.constant 0 : i32
        "tpu.region"() ({
          %run_scoped3A_302 = tpu.sem_alloc : memref<!tpu.dma_semaphore, #tpu.memory_space<semaphore_mem>>
          %dma_start3A_303 = arith.constant 0 : i32
          %dma_start3A_304 = arith.constant 0 : i32
          %dma_start3A_305 = tpu.memref_slice %arg9[%run_scoped3A, %dma_start3A_303, %dma_start3A_304] : memref<8x128x16xf32, #tpu.memory_space<vmem>> -> memref<1x128x16xf32, #tpu.memory_space<vmem>>
          %dma_start3A_306 = tpu.memref_squeeze %dma_start3A_305 : memref<1x128x16xf32, #tpu.memory_space<vmem>> -> memref<128x16xf32, #tpu.memory_space<vmem>>
          %dma_start3A_307 = arith.constant 0 : i32
          %dma_start3A_308 = tpu.memref_slice %arg8[%add3A_124, %dma_start3A_307] : memref<120x128xi32, #tpu.memory_space<vmem>> -> memref<1x128xi32, #tpu.memory_space<vmem>>
          %dma_start3A_309 = tpu.memref_squeeze %dma_start3A_308 : memref<1x128xi32, #tpu.memory_space<vmem>> -> memref<128xi32, #tpu.memory_space<vmem>>
          %dma_start3A_310 = arith.constant 0 : i32
          %dma_start3A_311 = arith.constant 0 : i32
          %dma_start3A_312 = tpu.memref_slice %arg11[%dma_start3A_310, %dma_start3A_311] : memref<10240x16xf32, #tpu.memory_space<vmem_shared>> -> memref<10240x16xf32, #tpu.memory_space<vmem_shared>>
          tpu.enqueue_indirect_dma source(%dma_start3A_306 : memref<128x16xf32, #tpu.memory_space<vmem>>) target(%dma_start3A_312 : memref<10240x16xf32, #tpu.memory_space<vmem_shared>>) offsets(%dma_start3A_309 : memref<128xi32, #tpu.memory_space<vmem>>) semaphore(%run_scoped3A_302 : memref<!tpu.dma_semaphore, #tpu.memory_space<semaphore_mem>>) {add = true}
          %dma_wait3A_313 = arith.constant 0 : i32
          %dma_wait3A_314 = arith.constant 0 : i32
          %dma_wait3A_315 = tpu.memref_slice %arg9[%run_scoped3A, %dma_wait3A_313, %dma_wait3A_314] : memref<8x128x16xf32, #tpu.memory_space<vmem>> -> memref<1x128x16xf32, #tpu.memory_space<vmem>>
          %dma_wait3A_316 = tpu.memref_squeeze %dma_wait3A_315 : memref<1x128x16xf32, #tpu.memory_space<vmem>> -> memref<128x16xf32, #tpu.memory_space<vmem>>
          %dma_wait3A_317 = arith.constant 0 : i32
          %dma_wait3A_318 = tpu.memref_slice %arg8[%add3A_124, %dma_wait3A_317] : memref<120x128xi32, #tpu.memory_space<vmem>> -> memref<1x128xi32, #tpu.memory_space<vmem>>
          %dma_wait3A_319 = tpu.memref_squeeze %dma_wait3A_318 : memref<1x128xi32, #tpu.memory_space<vmem>> -> memref<128xi32, #tpu.memory_space<vmem>>
          %dma_wait3A_320 = arith.constant 0 : i32
          %dma_wait3A_321 = arith.constant 0 : i32
          %dma_wait3A_322 = tpu.memref_slice %arg11[%dma_wait3A_320, %dma_wait3A_321] : memref<10240x16xf32, #tpu.memory_space<vmem_shared>> -> memref<10240x16xf32, #tpu.memory_space<vmem_shared>>
          tpu.wait_indirect_dma semaphore(%run_scoped3A_302 : memref<!tpu.dma_semaphore, #tpu.memory_space<semaphore_mem>>) src(%dma_wait3A_316 : memref<128x16xf32, #tpu.memory_space<vmem>>) dst(%dma_wait3A_322 : memref<10240x16xf32, #tpu.memory_space<vmem_shared>>)
          tpu.yield
        }) : () -> ()
        %add3A_135 = arith.constant 8 : i32
        %add3A_136 = arith.addi %add3A_124, %add3A_135 : i32
        %lt3A = arith.constant 120 : i32
        %lt3A_137 = arith.cmpi slt, %add3A_136, %lt3A : i32
        %convert_element_type3A_138 = arith.extui %lt3A_137 : i1 to i32
        %cond3A_139 = arith.constant 0 : i32
        %cond3A_140 = arith.cmpi ne, %convert_element_type3A_138, %cond3A_139 : i32
        scf.if %cond3A_140 {
          %add3A_302 = arith.constant 8 : i32
          %add3A_303 = arith.addi %add3A_124, %add3A_302 : i32
          %dma_start3A_304 = arith.constant 0 : i32
          %dma_start3A_305 = arith.constant 0 : i32
          %dma_start3A_306 = arith.constant 0 : i32
          %dma_start3A_307 = tpu.memref_slice %arg9[%dma_start3A_304, %dma_start3A_305, %dma_start3A_306] : memref<8x128x16xf32, #tpu.memory_space<vmem>> -> memref<1x128x16xf32, #tpu.memory_space<vmem>>
          %dma_start3A_308 = tpu.memref_squeeze %dma_start3A_307 : memref<1x128x16xf32, #tpu.memory_space<vmem>> -> memref<128x16xf32, #tpu.memory_space<vmem>>
          %dma_start3A_309 = arith.constant 0 : i32
          %dma_start3A_310 = tpu.memref_slice %arg7[%add3A_303, %dma_start3A_309] : memref<120x128xi32, #tpu.memory_space<vmem>> -> memref<1x128xi32, #tpu.memory_space<vmem>>
          %dma_start3A_311 = tpu.memref_squeeze %dma_start3A_310 : memref<1x128xi32, #tpu.memory_space<vmem>> -> memref<128xi32, #tpu.memory_space<vmem>>
          %dma_start3A_312 = arith.constant 0 : i32
          %dma_start3A_313 = arith.constant 0 : i32
          %dma_start3A_314 = tpu.memref_slice %arg2[%dma_start3A_312, %dma_start3A_313] : memref<10240x16xf32, #tpu.memory_space<hbm>> -> memref<10240x16xf32, #tpu.memory_space<hbm>>
          tpu.enqueue_indirect_dma source(%dma_start3A_314 : memref<10240x16xf32, #tpu.memory_space<hbm>>) target(%dma_start3A_308 : memref<128x16xf32, #tpu.memory_space<vmem>>) offsets(%dma_start3A_311 : memref<128xi32, #tpu.memory_space<vmem>>) semaphore(%arg12 : memref<!tpu.dma_semaphore, #tpu.memory_space<semaphore_mem>>)
        } else {
        }
        %mul3A_141 = arith.constant 8 : i32
        %mul3A_142 = arith.muli %scan3A_120, %mul3A_141 : i32
        %add3A_143 = arith.constant 1 : i32
        %add3A_144 = arith.addi %mul3A_142, %add3A_143 : i32
        %dma_wait3A_145 = arith.constant 1 : i32
        %dma_wait3A_146 = arith.constant 0 : i32
        %dma_wait3A_147 = arith.constant 0 : i32
        %dma_wait3A_148 = tpu.memref_slice %arg9[%dma_wait3A_145, %dma_wait3A_146, %dma_wait3A_147] : memref<8x128x16xf32, #tpu.memory_space<vmem>> -> memref<1x128x16xf32, #tpu.memory_space<vmem>>
        %dma_wait3A_149 = tpu.memref_squeeze %dma_wait3A_148 : memref<1x128x16xf32, #tpu.memory_space<vmem>> -> memref<128x16xf32, #tpu.memory_space<vmem>>
        %dma_wait3A_150 = arith.constant 0 : i32
        %dma_wait3A_151 = tpu.memref_slice %arg7[%add3A_144, %dma_wait3A_150] : memref<120x128xi32, #tpu.memory_space<vmem>> -> memref<1x128xi32, #tpu.memory_space<vmem>>
        %dma_wait3A_152 = tpu.memref_squeeze %dma_wait3A_151 : memref<1x128xi32, #tpu.memory_space<vmem>> -> memref<128xi32, #tpu.memory_space<vmem>>
        %dma_wait3A_153 = arith.constant 0 : i32
        %dma_wait3A_154 = arith.constant 0 : i32
        %dma_wait3A_155 = tpu.memref_slice %arg2[%dma_wait3A_153, %dma_wait3A_154] : memref<10240x16xf32, #tpu.memory_space<hbm>> -> memref<10240x16xf32, #tpu.memory_space<hbm>>
        tpu.wait_indirect_dma semaphore(%arg13 : memref<!tpu.dma_semaphore, #tpu.memory_space<semaphore_mem>>) src(%dma_wait3A_155 : memref<10240x16xf32, #tpu.memory_space<hbm>>) dst(%dma_wait3A_149 : memref<128x16xf32, #tpu.memory_space<vmem>>)
        %run_scoped3A_156 = arith.constant 1 : i32
        "tpu.region"() ({
          %run_scoped3A_302 = tpu.sem_alloc : memref<!tpu.dma_semaphore, #tpu.memory_space<semaphore_mem>>
          %dma_start3A_303 = arith.constant 0 : i32
          %dma_start3A_304 = arith.constant 0 : i32
          %dma_start3A_305 = tpu.memref_slice %arg9[%run_scoped3A_156, %dma_start3A_303, %dma_start3A_304] : memref<8x128x16xf32, #tpu.memory_space<vmem>> -> memref<1x128x16xf32, #tpu.memory_space<vmem>>
          %dma_start3A_306 = tpu.memref_squeeze %dma_start3A_305 : memref<1x128x16xf32, #tpu.memory_space<vmem>> -> memref<128x16xf32, #tpu.memory_space<vmem>>
          %dma_start3A_307 = arith.constant 0 : i32
          %dma_start3A_308 = tpu.memref_slice %arg8[%add3A_144, %dma_start3A_307] : memref<120x128xi32, #tpu.memory_space<vmem>> -> memref<1x128xi32, #tpu.memory_space<vmem>>
          %dma_start3A_309 = tpu.memref_squeeze %dma_start3A_308 : memref<1x128xi32, #tpu.memory_space<vmem>> -> memref<128xi32, #tpu.memory_space<vmem>>
          %dma_start3A_310 = arith.constant 0 : i32
          %dma_start3A_311 = arith.constant 0 : i32
          %dma_start3A_312 = tpu.memref_slice %arg11[%dma_start3A_310, %dma_start3A_311] : memref<10240x16xf32, #tpu.memory_space<vmem_shared>> -> memref<10240x16xf32, #tpu.memory_space<vmem_shared>>
          tpu.enqueue_indirect_dma source(%dma_start3A_306 : memref<128x16xf32, #tpu.memory_space<vmem>>) target(%dma_start3A_312 : memref<10240x16xf32, #tpu.memory_space<vmem_shared>>) offsets(%dma_start3A_309 : memref<128xi32, #tpu.memory_space<vmem>>) semaphore(%run_scoped3A_302 : memref<!tpu.dma_semaphore, #tpu.memory_space<semaphore_mem>>) {add = true}
          %dma_wait3A_313 = arith.constant 0 : i32
          %dma_wait3A_314 = arith.constant 0 : i32
          %dma_wait3A_315 = tpu.memref_slice %arg9[%run_scoped3A_156, %dma_wait3A_313, %dma_wait3A_314] : memref<8x128x16xf32, #tpu.memory_space<vmem>> -> memref<1x128x16xf32, #tpu.memory_space<vmem>>
          %dma_wait3A_316 = tpu.memref_squeeze %dma_wait3A_315 : memref<1x128x16xf32, #tpu.memory_space<vmem>> -> memref<128x16xf32, #tpu.memory_space<vmem>>
          %dma_wait3A_317 = arith.constant 0 : i32
          %dma_wait3A_318 = tpu.memref_slice %arg8[%add3A_144, %dma_wait3A_317] : memref<120x128xi32, #tpu.memory_space<vmem>> -> memref<1x128xi32, #tpu.memory_space<vmem>>
          %dma_wait3A_319 = tpu.memref_squeeze %dma_wait3A_318 : memref<1x128xi32, #tpu.memory_space<vmem>> -> memref<128xi32, #tpu.memory_space<vmem>>
          %dma_wait3A_320 = arith.constant 0 : i32
          %dma_wait3A_321 = arith.constant 0 : i32
          %dma_wait3A_322 = tpu.memref_slice %arg11[%dma_wait3A_320, %dma_wait3A_321] : memref<10240x16xf32, #tpu.memory_space<vmem_shared>> -> memref<10240x16xf32, #tpu.memory_space<vmem_shared>>
          tpu.wait_indirect_dma semaphore(%run_scoped3A_302 : memref<!tpu.dma_semaphore, #tpu.memory_space<semaphore_mem>>) src(%dma_wait3A_316 : memref<128x16xf32, #tpu.memory_space<vmem>>) dst(%dma_wait3A_322 : memref<10240x16xf32, #tpu.memory_space<vmem_shared>>)
          tpu.yield
        }) : () -> ()
        %add3A_157 = arith.constant 8 : i32
        %add3A_158 = arith.addi %add3A_144, %add3A_157 : i32
        %lt3A_159 = arith.constant 120 : i32
        %lt3A_160 = arith.cmpi slt, %add3A_158, %lt3A_159 : i32
        %convert_element_type3A_161 = arith.extui %lt3A_160 : i1 to i32
        %cond3A_162 = arith.constant 0 : i32
        %cond3A_163 = arith.cmpi ne, %convert_element_type3A_161, %cond3A_162 : i32
        scf.if %cond3A_163 {
          %add3A_302 = arith.constant 8 : i32
          %add3A_303 = arith.addi %add3A_144, %add3A_302 : i32
          %dma_start3A_304 = arith.constant 1 : i32
          %dma_start3A_305 = arith.constant 0 : i32
          %dma_start3A_306 = arith.constant 0 : i32
          %dma_start3A_307 = tpu.memref_slice %arg9[%dma_start3A_304, %dma_start3A_305, %dma_start3A_306] : memref<8x128x16xf32, #tpu.memory_space<vmem>> -> memref<1x128x16xf32, #tpu.memory_space<vmem>>
          %dma_start3A_308 = tpu.memref_squeeze %dma_start3A_307 : memref<1x128x16xf32, #tpu.memory_space<vmem>> -> memref<128x16xf32, #tpu.memory_space<vmem>>
          %dma_start3A_309 = arith.constant 0 : i32
          %dma_start3A_310 = tpu.memref_slice %arg7[%add3A_303, %dma_start3A_309] : memref<120x128xi32, #tpu.memory_space<vmem>> -> memref<1x128xi32, #tpu.memory_space<vmem>>
          %dma_start3A_311 = tpu.memref_squeeze %dma_start3A_310 : memref<1x128xi32, #tpu.memory_space<vmem>> -> memref<128xi32, #tpu.memory_space<vmem>>
          %dma_start3A_312 = arith.constant 0 : i32
          %dma_start3A_313 = arith.constant 0 : i32
          %dma_start3A_314 = tpu.memref_slice %arg2[%dma_start3A_312, %dma_start3A_313] : memref<10240x16xf32, #tpu.memory_space<hbm>> -> memref<10240x16xf32, #tpu.memory_space<hbm>>
          tpu.enqueue_indirect_dma source(%dma_start3A_314 : memref<10240x16xf32, #tpu.memory_space<hbm>>) target(%dma_start3A_308 : memref<128x16xf32, #tpu.memory_space<vmem>>) offsets(%dma_start3A_311 : memref<128xi32, #tpu.memory_space<vmem>>) semaphore(%arg13 : memref<!tpu.dma_semaphore, #tpu.memory_space<semaphore_mem>>)
        } else {
        }
        %mul3A_164 = arith.constant 8 : i32
        %mul3A_165 = arith.muli %scan3A_120, %mul3A_164 : i32
        %add3A_166 = arith.constant 2 : i32
        %add3A_167 = arith.addi %mul3A_165, %add3A_166 : i32
        %dma_wait3A_168 = arith.constant 2 : i32
        %dma_wait3A_169 = arith.constant 0 : i32
        %dma_wait3A_170 = arith.constant 0 : i32
        %dma_wait3A_171 = tpu.memref_slice %arg9[%dma_wait3A_168, %dma_wait3A_169, %dma_wait3A_170] : memref<8x128x16xf32, #tpu.memory_space<vmem>> -> memref<1x128x16xf32, #tpu.memory_space<vmem>>
        %dma_wait3A_172 = tpu.memref_squeeze %dma_wait3A_171 : memref<1x128x16xf32, #tpu.memory_space<vmem>> -> memref<128x16xf32, #tpu.memory_space<vmem>>
        %dma_wait3A_173 = arith.constant 0 : i32
        %dma_wait3A_174 = tpu.memref_slice %arg7[%add3A_167, %dma_wait3A_173] : memref<120x128xi32, #tpu.memory_space<vmem>> -> memref<1x128xi32, #tpu.memory_space<vmem>>
        %dma_wait3A_175 = tpu.memref_squeeze %dma_wait3A_174 : memref<1x128xi32, #tpu.memory_space<vmem>> -> memref<128xi32, #tpu.memory_space<vmem>>
        %dma_wait3A_176 = arith.constant 0 : i32
        %dma_wait3A_177 = arith.constant 0 : i32
        %dma_wait3A_178 = tpu.memref_slice %arg2[%dma_wait3A_176, %dma_wait3A_177] : memref<10240x16xf32, #tpu.memory_space<hbm>> -> memref<10240x16xf32, #tpu.memory_space<hbm>>
        tpu.wait_indirect_dma semaphore(%arg14 : memref<!tpu.dma_semaphore, #tpu.memory_space<semaphore_mem>>) src(%dma_wait3A_178 : memref<10240x16xf32, #tpu.memory_space<hbm>>) dst(%dma_wait3A_172 : memref<128x16xf32, #tpu.memory_space<vmem>>)
        %run_scoped3A_179 = arith.constant 2 : i32
        "tpu.region"() ({
          %run_scoped3A_302 = tpu.sem_alloc : memref<!tpu.dma_semaphore, #tpu.memory_space<semaphore_mem>>
          %dma_start3A_303 = arith.constant 0 : i32
          %dma_start3A_304 = arith.constant 0 : i32
          %dma_start3A_305 = tpu.memref_slice %arg9[%run_scoped3A_179, %dma_start3A_303, %dma_start3A_304] : memref<8x128x16xf32, #tpu.memory_space<vmem>> -> memref<1x128x16xf32, #tpu.memory_space<vmem>>
          %dma_start3A_306 = tpu.memref_squeeze %dma_start3A_305 : memref<1x128x16xf32, #tpu.memory_space<vmem>> -> memref<128x16xf32, #tpu.memory_space<vmem>>
          %dma_start3A_307 = arith.constant 0 : i32
          %dma_start3A_308 = tpu.memref_slice %arg8[%add3A_167, %dma_start3A_307] : memref<120x128xi32, #tpu.memory_space<vmem>> -> memref<1x128xi32, #tpu.memory_space<vmem>>
          %dma_start3A_309 = tpu.memref_squeeze %dma_start3A_308 : memref<1x128xi32, #tpu.memory_space<vmem>> -> memref<128xi32, #tpu.memory_space<vmem>>
          %dma_start3A_310 = arith.constant 0 : i32
          %dma_start3A_311 = arith.constant 0 : i32
          %dma_start3A_312 = tpu.memref_slice %arg11[%dma_start3A_310, %dma_start3A_311] : memref<10240x16xf32, #tpu.memory_space<vmem_shared>> -> memref<10240x16xf32, #tpu.memory_space<vmem_shared>>
          tpu.enqueue_indirect_dma source(%dma_start3A_306 : memref<128x16xf32, #tpu.memory_space<vmem>>) target(%dma_start3A_312 : memref<10240x16xf32, #tpu.memory_space<vmem_shared>>) offsets(%dma_start3A_309 : memref<128xi32, #tpu.memory_space<vmem>>) semaphore(%run_scoped3A_302 : memref<!tpu.dma_semaphore, #tpu.memory_space<semaphore_mem>>) {add = true}
          %dma_wait3A_313 = arith.constant 0 : i32
          %dma_wait3A_314 = arith.constant 0 : i32
          %dma_wait3A_315 = tpu.memref_slice %arg9[%run_scoped3A_179, %dma_wait3A_313, %dma_wait3A_314] : memref<8x128x16xf32, #tpu.memory_space<vmem>> -> memref<1x128x16xf32, #tpu.memory_space<vmem>>
          %dma_wait3A_316 = tpu.memref_squeeze %dma_wait3A_315 : memref<1x128x16xf32, #tpu.memory_space<vmem>> -> memref<128x16xf32, #tpu.memory_space<vmem>>
          %dma_wait3A_317 = arith.constant 0 : i32
          %dma_wait3A_318 = tpu.memref_slice %arg8[%add3A_167, %dma_wait3A_317] : memref<120x128xi32, #tpu.memory_space<vmem>> -> memref<1x128xi32, #tpu.memory_space<vmem>>
          %dma_wait3A_319 = tpu.memref_squeeze %dma_wait3A_318 : memref<1x128xi32, #tpu.memory_space<vmem>> -> memref<128xi32, #tpu.memory_space<vmem>>
          %dma_wait3A_320 = arith.constant 0 : i32
          %dma_wait3A_321 = arith.constant 0 : i32
          %dma_wait3A_322 = tpu.memref_slice %arg11[%dma_wait3A_320, %dma_wait3A_321] : memref<10240x16xf32, #tpu.memory_space<vmem_shared>> -> memref<10240x16xf32, #tpu.memory_space<vmem_shared>>
          tpu.wait_indirect_dma semaphore(%run_scoped3A_302 : memref<!tpu.dma_semaphore, #tpu.memory_space<semaphore_mem>>) src(%dma_wait3A_316 : memref<128x16xf32, #tpu.memory_space<vmem>>) dst(%dma_wait3A_322 : memref<10240x16xf32, #tpu.memory_space<vmem_shared>>)
          tpu.yield
        }) : () -> ()
        %add3A_180 = arith.constant 8 : i32
        %add3A_181 = arith.addi %add3A_167, %add3A_180 : i32
        %lt3A_182 = arith.constant 120 : i32
        %lt3A_183 = arith.cmpi slt, %add3A_181, %lt3A_182 : i32
        %convert_element_type3A_184 = arith.extui %lt3A_183 : i1 to i32
        %cond3A_185 = arith.constant 0 : i32
        %cond3A_186 = arith.cmpi ne, %convert_element_type3A_184, %cond3A_185 : i32
        scf.if %cond3A_186 {
          %add3A_302 = arith.constant 8 : i32
          %add3A_303 = arith.addi %add3A_167, %add3A_302 : i32
          %dma_start3A_304 = arith.constant 2 : i32
          %dma_start3A_305 = arith.constant 0 : i32
          %dma_start3A_306 = arith.constant 0 : i32
          %dma_start3A_307 = tpu.memref_slice %arg9[%dma_start3A_304, %dma_start3A_305, %dma_start3A_306] : memref<8x128x16xf32, #tpu.memory_space<vmem>> -> memref<1x128x16xf32, #tpu.memory_space<vmem>>
          %dma_start3A_308 = tpu.memref_squeeze %dma_start3A_307 : memref<1x128x16xf32, #tpu.memory_space<vmem>> -> memref<128x16xf32, #tpu.memory_space<vmem>>
          %dma_start3A_309 = arith.constant 0 : i32
          %dma_start3A_310 = tpu.memref_slice %arg7[%add3A_303, %dma_start3A_309] : memref<120x128xi32, #tpu.memory_space<vmem>> -> memref<1x128xi32, #tpu.memory_space<vmem>>
          %dma_start3A_311 = tpu.memref_squeeze %dma_start3A_310 : memref<1x128xi32, #tpu.memory_space<vmem>> -> memref<128xi32, #tpu.memory_space<vmem>>
          %dma_start3A_312 = arith.constant 0 : i32
          %dma_start3A_313 = arith.constant 0 : i32
          %dma_start3A_314 = tpu.memref_slice %arg2[%dma_start3A_312, %dma_start3A_313] : memref<10240x16xf32, #tpu.memory_space<hbm>> -> memref<10240x16xf32, #tpu.memory_space<hbm>>
          tpu.enqueue_indirect_dma source(%dma_start3A_314 : memref<10240x16xf32, #tpu.memory_space<hbm>>) target(%dma_start3A_308 : memref<128x16xf32, #tpu.memory_space<vmem>>) offsets(%dma_start3A_311 : memref<128xi32, #tpu.memory_space<vmem>>) semaphore(%arg14 : memref<!tpu.dma_semaphore, #tpu.memory_space<semaphore_mem>>)
        } else {
        }
        %mul3A_187 = arith.constant 8 : i32
        %mul3A_188 = arith.muli %scan3A_120, %mul3A_187 : i32
        %add3A_189 = arith.constant 3 : i32
        %add3A_190 = arith.addi %mul3A_188, %add3A_189 : i32
        %dma_wait3A_191 = arith.constant 3 : i32
        %dma_wait3A_192 = arith.constant 0 : i32
        %dma_wait3A_193 = arith.constant 0 : i32
        %dma_wait3A_194 = tpu.memref_slice %arg9[%dma_wait3A_191, %dma_wait3A_192, %dma_wait3A_193] : memref<8x128x16xf32, #tpu.memory_space<vmem>> -> memref<1x128x16xf32, #tpu.memory_space<vmem>>
        %dma_wait3A_195 = tpu.memref_squeeze %dma_wait3A_194 : memref<1x128x16xf32, #tpu.memory_space<vmem>> -> memref<128x16xf32, #tpu.memory_space<vmem>>
        %dma_wait3A_196 = arith.constant 0 : i32
        %dma_wait3A_197 = tpu.memref_slice %arg7[%add3A_190, %dma_wait3A_196] : memref<120x128xi32, #tpu.memory_space<vmem>> -> memref<1x128xi32, #tpu.memory_space<vmem>>
        %dma_wait3A_198 = tpu.memref_squeeze %dma_wait3A_197 : memref<1x128xi32, #tpu.memory_space<vmem>> -> memref<128xi32, #tpu.memory_space<vmem>>
        %dma_wait3A_199 = arith.constant 0 : i32
        %dma_wait3A_200 = arith.constant 0 : i32
        %dma_wait3A_201 = tpu.memref_slice %arg2[%dma_wait3A_199, %dma_wait3A_200] : memref<10240x16xf32, #tpu.memory_space<hbm>> -> memref<10240x16xf32, #tpu.memory_space<hbm>>
        tpu.wait_indirect_dma semaphore(%arg15 : memref<!tpu.dma_semaphore, #tpu.memory_space<semaphore_mem>>) src(%dma_wait3A_201 : memref<10240x16xf32, #tpu.memory_space<hbm>>) dst(%dma_wait3A_195 : memref<128x16xf32, #tpu.memory_space<vmem>>)
        %run_scoped3A_202 = arith.constant 3 : i32
        "tpu.region"() ({
          %run_scoped3A_302 = tpu.sem_alloc : memref<!tpu.dma_semaphore, #tpu.memory_space<semaphore_mem>>
          %dma_start3A_303 = arith.constant 0 : i32
          %dma_start3A_304 = arith.constant 0 : i32
          %dma_start3A_305 = tpu.memref_slice %arg9[%run_scoped3A_202, %dma_start3A_303, %dma_start3A_304] : memref<8x128x16xf32, #tpu.memory_space<vmem>> -> memref<1x128x16xf32, #tpu.memory_space<vmem>>
          %dma_start3A_306 = tpu.memref_squeeze %dma_start3A_305 : memref<1x128x16xf32, #tpu.memory_space<vmem>> -> memref<128x16xf32, #tpu.memory_space<vmem>>
          %dma_start3A_307 = arith.constant 0 : i32
          %dma_start3A_308 = tpu.memref_slice %arg8[%add3A_190, %dma_start3A_307] : memref<120x128xi32, #tpu.memory_space<vmem>> -> memref<1x128xi32, #tpu.memory_space<vmem>>
          %dma_start3A_309 = tpu.memref_squeeze %dma_start3A_308 : memref<1x128xi32, #tpu.memory_space<vmem>> -> memref<128xi32, #tpu.memory_space<vmem>>
          %dma_start3A_310 = arith.constant 0 : i32
          %dma_start3A_311 = arith.constant 0 : i32
          %dma_start3A_312 = tpu.memref_slice %arg11[%dma_start3A_310, %dma_start3A_311] : memref<10240x16xf32, #tpu.memory_space<vmem_shared>> -> memref<10240x16xf32, #tpu.memory_space<vmem_shared>>
          tpu.enqueue_indirect_dma source(%dma_start3A_306 : memref<128x16xf32, #tpu.memory_space<vmem>>) target(%dma_start3A_312 : memref<10240x16xf32, #tpu.memory_space<vmem_shared>>) offsets(%dma_start3A_309 : memref<128xi32, #tpu.memory_space<vmem>>) semaphore(%run_scoped3A_302 : memref<!tpu.dma_semaphore, #tpu.memory_space<semaphore_mem>>) {add = true}
          %dma_wait3A_313 = arith.constant 0 : i32
          %dma_wait3A_314 = arith.constant 0 : i32
          %dma_wait3A_315 = tpu.memref_slice %arg9[%run_scoped3A_202, %dma_wait3A_313, %dma_wait3A_314] : memref<8x128x16xf32, #tpu.memory_space<vmem>> -> memref<1x128x16xf32, #tpu.memory_space<vmem>>
          %dma_wait3A_316 = tpu.memref_squeeze %dma_wait3A_315 : memref<1x128x16xf32, #tpu.memory_space<vmem>> -> memref<128x16xf32, #tpu.memory_space<vmem>>
          %dma_wait3A_317 = arith.constant 0 : i32
          %dma_wait3A_318 = tpu.memref_slice %arg8[%add3A_190, %dma_wait3A_317] : memref<120x128xi32, #tpu.memory_space<vmem>> -> memref<1x128xi32, #tpu.memory_space<vmem>>
          %dma_wait3A_319 = tpu.memref_squeeze %dma_wait3A_318 : memref<1x128xi32, #tpu.memory_space<vmem>> -> memref<128xi32, #tpu.memory_space<vmem>>
          %dma_wait3A_320 = arith.constant 0 : i32
          %dma_wait3A_321 = arith.constant 0 : i32
          %dma_wait3A_322 = tpu.memref_slice %arg11[%dma_wait3A_320, %dma_wait3A_321] : memref<10240x16xf32, #tpu.memory_space<vmem_shared>> -> memref<10240x16xf32, #tpu.memory_space<vmem_shared>>
          tpu.wait_indirect_dma semaphore(%run_scoped3A_302 : memref<!tpu.dma_semaphore, #tpu.memory_space<semaphore_mem>>) src(%dma_wait3A_316 : memref<128x16xf32, #tpu.memory_space<vmem>>) dst(%dma_wait3A_322 : memref<10240x16xf32, #tpu.memory_space<vmem_shared>>)
          tpu.yield
        }) : () -> ()
        %add3A_203 = arith.constant 8 : i32
        %add3A_204 = arith.addi %add3A_190, %add3A_203 : i32
        %lt3A_205 = arith.constant 120 : i32
        %lt3A_206 = arith.cmpi slt, %add3A_204, %lt3A_205 : i32
        %convert_element_type3A_207 = arith.extui %lt3A_206 : i1 to i32
        %cond3A_208 = arith.constant 0 : i32
        %cond3A_209 = arith.cmpi ne, %convert_element_type3A_207, %cond3A_208 : i32
        scf.if %cond3A_209 {
          %add3A_302 = arith.constant 8 : i32
          %add3A_303 = arith.addi %add3A_190, %add3A_302 : i32
          %dma_start3A_304 = arith.constant 3 : i32
          %dma_start3A_305 = arith.constant 0 : i32
          %dma_start3A_306 = arith.constant 0 : i32
          %dma_start3A_307 = tpu.memref_slice %arg9[%dma_start3A_304, %dma_start3A_305, %dma_start3A_306] : memref<8x128x16xf32, #tpu.memory_space<vmem>> -> memref<1x128x16xf32, #tpu.memory_space<vmem>>
          %dma_start3A_308 = tpu.memref_squeeze %dma_start3A_307 : memref<1x128x16xf32, #tpu.memory_space<vmem>> -> memref<128x16xf32, #tpu.memory_space<vmem>>
          %dma_start3A_309 = arith.constant 0 : i32
          %dma_start3A_310 = tpu.memref_slice %arg7[%add3A_303, %dma_start3A_309] : memref<120x128xi32, #tpu.memory_space<vmem>> -> memref<1x128xi32, #tpu.memory_space<vmem>>
          %dma_start3A_311 = tpu.memref_squeeze %dma_start3A_310 : memref<1x128xi32, #tpu.memory_space<vmem>> -> memref<128xi32, #tpu.memory_space<vmem>>
          %dma_start3A_312 = arith.constant 0 : i32
          %dma_start3A_313 = arith.constant 0 : i32
          %dma_start3A_314 = tpu.memref_slice %arg2[%dma_start3A_312, %dma_start3A_313] : memref<10240x16xf32, #tpu.memory_space<hbm>> -> memref<10240x16xf32, #tpu.memory_space<hbm>>
          tpu.enqueue_indirect_dma source(%dma_start3A_314 : memref<10240x16xf32, #tpu.memory_space<hbm>>) target(%dma_start3A_308 : memref<128x16xf32, #tpu.memory_space<vmem>>) offsets(%dma_start3A_311 : memref<128xi32, #tpu.memory_space<vmem>>) semaphore(%arg15 : memref<!tpu.dma_semaphore, #tpu.memory_space<semaphore_mem>>)
        } else {
        }
        %mul3A_210 = arith.constant 8 : i32
        %mul3A_211 = arith.muli %scan3A_120, %mul3A_210 : i32
        %add3A_212 = arith.constant 4 : i32
        %add3A_213 = arith.addi %mul3A_211, %add3A_212 : i32
        %dma_wait3A_214 = arith.constant 4 : i32
        %dma_wait3A_215 = arith.constant 0 : i32
        %dma_wait3A_216 = arith.constant 0 : i32
        %dma_wait3A_217 = tpu.memref_slice %arg9[%dma_wait3A_214, %dma_wait3A_215, %dma_wait3A_216] : memref<8x128x16xf32, #tpu.memory_space<vmem>> -> memref<1x128x16xf32, #tpu.memory_space<vmem>>
        %dma_wait3A_218 = tpu.memref_squeeze %dma_wait3A_217 : memref<1x128x16xf32, #tpu.memory_space<vmem>> -> memref<128x16xf32, #tpu.memory_space<vmem>>
        %dma_wait3A_219 = arith.constant 0 : i32
        %dma_wait3A_220 = tpu.memref_slice %arg7[%add3A_213, %dma_wait3A_219] : memref<120x128xi32, #tpu.memory_space<vmem>> -> memref<1x128xi32, #tpu.memory_space<vmem>>
        %dma_wait3A_221 = tpu.memref_squeeze %dma_wait3A_220 : memref<1x128xi32, #tpu.memory_space<vmem>> -> memref<128xi32, #tpu.memory_space<vmem>>
        %dma_wait3A_222 = arith.constant 0 : i32
        %dma_wait3A_223 = arith.constant 0 : i32
        %dma_wait3A_224 = tpu.memref_slice %arg2[%dma_wait3A_222, %dma_wait3A_223] : memref<10240x16xf32, #tpu.memory_space<hbm>> -> memref<10240x16xf32, #tpu.memory_space<hbm>>
        tpu.wait_indirect_dma semaphore(%arg16 : memref<!tpu.dma_semaphore, #tpu.memory_space<semaphore_mem>>) src(%dma_wait3A_224 : memref<10240x16xf32, #tpu.memory_space<hbm>>) dst(%dma_wait3A_218 : memref<128x16xf32, #tpu.memory_space<vmem>>)
        %run_scoped3A_225 = arith.constant 4 : i32
        "tpu.region"() ({
          %run_scoped3A_302 = tpu.sem_alloc : memref<!tpu.dma_semaphore, #tpu.memory_space<semaphore_mem>>
          %dma_start3A_303 = arith.constant 0 : i32
          %dma_start3A_304 = arith.constant 0 : i32
          %dma_start3A_305 = tpu.memref_slice %arg9[%run_scoped3A_225, %dma_start3A_303, %dma_start3A_304] : memref<8x128x16xf32, #tpu.memory_space<vmem>> -> memref<1x128x16xf32, #tpu.memory_space<vmem>>
          %dma_start3A_306 = tpu.memref_squeeze %dma_start3A_305 : memref<1x128x16xf32, #tpu.memory_space<vmem>> -> memref<128x16xf32, #tpu.memory_space<vmem>>
          %dma_start3A_307 = arith.constant 0 : i32
          %dma_start3A_308 = tpu.memref_slice %arg8[%add3A_213, %dma_start3A_307] : memref<120x128xi32, #tpu.memory_space<vmem>> -> memref<1x128xi32, #tpu.memory_space<vmem>>
          %dma_start3A_309 = tpu.memref_squeeze %dma_start3A_308 : memref<1x128xi32, #tpu.memory_space<vmem>> -> memref<128xi32, #tpu.memory_space<vmem>>
          %dma_start3A_310 = arith.constant 0 : i32
          %dma_start3A_311 = arith.constant 0 : i32
          %dma_start3A_312 = tpu.memref_slice %arg11[%dma_start3A_310, %dma_start3A_311] : memref<10240x16xf32, #tpu.memory_space<vmem_shared>> -> memref<10240x16xf32, #tpu.memory_space<vmem_shared>>
          tpu.enqueue_indirect_dma source(%dma_start3A_306 : memref<128x16xf32, #tpu.memory_space<vmem>>) target(%dma_start3A_312 : memref<10240x16xf32, #tpu.memory_space<vmem_shared>>) offsets(%dma_start3A_309 : memref<128xi32, #tpu.memory_space<vmem>>) semaphore(%run_scoped3A_302 : memref<!tpu.dma_semaphore, #tpu.memory_space<semaphore_mem>>) {add = true}
          %dma_wait3A_313 = arith.constant 0 : i32
          %dma_wait3A_314 = arith.constant 0 : i32
          %dma_wait3A_315 = tpu.memref_slice %arg9[%run_scoped3A_225, %dma_wait3A_313, %dma_wait3A_314] : memref<8x128x16xf32, #tpu.memory_space<vmem>> -> memref<1x128x16xf32, #tpu.memory_space<vmem>>
          %dma_wait3A_316 = tpu.memref_squeeze %dma_wait3A_315 : memref<1x128x16xf32, #tpu.memory_space<vmem>> -> memref<128x16xf32, #tpu.memory_space<vmem>>
          %dma_wait3A_317 = arith.constant 0 : i32
          %dma_wait3A_318 = tpu.memref_slice %arg8[%add3A_213, %dma_wait3A_317] : memref<120x128xi32, #tpu.memory_space<vmem>> -> memref<1x128xi32, #tpu.memory_space<vmem>>
          %dma_wait3A_319 = tpu.memref_squeeze %dma_wait3A_318 : memref<1x128xi32, #tpu.memory_space<vmem>> -> memref<128xi32, #tpu.memory_space<vmem>>
          %dma_wait3A_320 = arith.constant 0 : i32
          %dma_wait3A_321 = arith.constant 0 : i32
          %dma_wait3A_322 = tpu.memref_slice %arg11[%dma_wait3A_320, %dma_wait3A_321] : memref<10240x16xf32, #tpu.memory_space<vmem_shared>> -> memref<10240x16xf32, #tpu.memory_space<vmem_shared>>
          tpu.wait_indirect_dma semaphore(%run_scoped3A_302 : memref<!tpu.dma_semaphore, #tpu.memory_space<semaphore_mem>>) src(%dma_wait3A_316 : memref<128x16xf32, #tpu.memory_space<vmem>>) dst(%dma_wait3A_322 : memref<10240x16xf32, #tpu.memory_space<vmem_shared>>)
          tpu.yield
        }) : () -> ()
        %add3A_226 = arith.constant 8 : i32
        %add3A_227 = arith.addi %add3A_213, %add3A_226 : i32
        %lt3A_228 = arith.constant 120 : i32
        %lt3A_229 = arith.cmpi slt, %add3A_227, %lt3A_228 : i32
        %convert_element_type3A_230 = arith.extui %lt3A_229 : i1 to i32
        %cond3A_231 = arith.constant 0 : i32
        %cond3A_232 = arith.cmpi ne, %convert_element_type3A_230, %cond3A_231 : i32
        scf.if %cond3A_232 {
          %add3A_302 = arith.constant 8 : i32
          %add3A_303 = arith.addi %add3A_213, %add3A_302 : i32
          %dma_start3A_304 = arith.constant 4 : i32
          %dma_start3A_305 = arith.constant 0 : i32
          %dma_start3A_306 = arith.constant 0 : i32
          %dma_start3A_307 = tpu.memref_slice %arg9[%dma_start3A_304, %dma_start3A_305, %dma_start3A_306] : memref<8x128x16xf32, #tpu.memory_space<vmem>> -> memref<1x128x16xf32, #tpu.memory_space<vmem>>
          %dma_start3A_308 = tpu.memref_squeeze %dma_start3A_307 : memref<1x128x16xf32, #tpu.memory_space<vmem>> -> memref<128x16xf32, #tpu.memory_space<vmem>>
          %dma_start3A_309 = arith.constant 0 : i32
          %dma_start3A_310 = tpu.memref_slice %arg7[%add3A_303, %dma_start3A_309] : memref<120x128xi32, #tpu.memory_space<vmem>> -> memref<1x128xi32, #tpu.memory_space<vmem>>
          %dma_start3A_311 = tpu.memref_squeeze %dma_start3A_310 : memref<1x128xi32, #tpu.memory_space<vmem>> -> memref<128xi32, #tpu.memory_space<vmem>>
          %dma_start3A_312 = arith.constant 0 : i32
          %dma_start3A_313 = arith.constant 0 : i32
          %dma_start3A_314 = tpu.memref_slice %arg2[%dma_start3A_312, %dma_start3A_313] : memref<10240x16xf32, #tpu.memory_space<hbm>> -> memref<10240x16xf32, #tpu.memory_space<hbm>>
          tpu.enqueue_indirect_dma source(%dma_start3A_314 : memref<10240x16xf32, #tpu.memory_space<hbm>>) target(%dma_start3A_308 : memref<128x16xf32, #tpu.memory_space<vmem>>) offsets(%dma_start3A_311 : memref<128xi32, #tpu.memory_space<vmem>>) semaphore(%arg16 : memref<!tpu.dma_semaphore, #tpu.memory_space<semaphore_mem>>)
        } else {
        }
        %mul3A_233 = arith.constant 8 : i32
        %mul3A_234 = arith.muli %scan3A_120, %mul3A_233 : i32
        %add3A_235 = arith.constant 5 : i32
        %add3A_236 = arith.addi %mul3A_234, %add3A_235 : i32
        %dma_wait3A_237 = arith.constant 5 : i32
        %dma_wait3A_238 = arith.constant 0 : i32
        %dma_wait3A_239 = arith.constant 0 : i32
        %dma_wait3A_240 = tpu.memref_slice %arg9[%dma_wait3A_237, %dma_wait3A_238, %dma_wait3A_239] : memref<8x128x16xf32, #tpu.memory_space<vmem>> -> memref<1x128x16xf32, #tpu.memory_space<vmem>>
        %dma_wait3A_241 = tpu.memref_squeeze %dma_wait3A_240 : memref<1x128x16xf32, #tpu.memory_space<vmem>> -> memref<128x16xf32, #tpu.memory_space<vmem>>
        %dma_wait3A_242 = arith.constant 0 : i32
        %dma_wait3A_243 = tpu.memref_slice %arg7[%add3A_236, %dma_wait3A_242] : memref<120x128xi32, #tpu.memory_space<vmem>> -> memref<1x128xi32, #tpu.memory_space<vmem>>
        %dma_wait3A_244 = tpu.memref_squeeze %dma_wait3A_243 : memref<1x128xi32, #tpu.memory_space<vmem>> -> memref<128xi32, #tpu.memory_space<vmem>>
        %dma_wait3A_245 = arith.constant 0 : i32
        %dma_wait3A_246 = arith.constant 0 : i32
        %dma_wait3A_247 = tpu.memref_slice %arg2[%dma_wait3A_245, %dma_wait3A_246] : memref<10240x16xf32, #tpu.memory_space<hbm>> -> memref<10240x16xf32, #tpu.memory_space<hbm>>
        tpu.wait_indirect_dma semaphore(%arg17 : memref<!tpu.dma_semaphore, #tpu.memory_space<semaphore_mem>>) src(%dma_wait3A_247 : memref<10240x16xf32, #tpu.memory_space<hbm>>) dst(%dma_wait3A_241 : memref<128x16xf32, #tpu.memory_space<vmem>>)
        %run_scoped3A_248 = arith.constant 5 : i32
        "tpu.region"() ({
          %run_scoped3A_302 = tpu.sem_alloc : memref<!tpu.dma_semaphore, #tpu.memory_space<semaphore_mem>>
          %dma_start3A_303 = arith.constant 0 : i32
          %dma_start3A_304 = arith.constant 0 : i32
          %dma_start3A_305 = tpu.memref_slice %arg9[%run_scoped3A_248, %dma_start3A_303, %dma_start3A_304] : memref<8x128x16xf32, #tpu.memory_space<vmem>> -> memref<1x128x16xf32, #tpu.memory_space<vmem>>
          %dma_start3A_306 = tpu.memref_squeeze %dma_start3A_305 : memref<1x128x16xf32, #tpu.memory_space<vmem>> -> memref<128x16xf32, #tpu.memory_space<vmem>>
          %dma_start3A_307 = arith.constant 0 : i32
          %dma_start3A_308 = tpu.memref_slice %arg8[%add3A_236, %dma_start3A_307] : memref<120x128xi32, #tpu.memory_space<vmem>> -> memref<1x128xi32, #tpu.memory_space<vmem>>
          %dma_start3A_309 = tpu.memref_squeeze %dma_start3A_308 : memref<1x128xi32, #tpu.memory_space<vmem>> -> memref<128xi32, #tpu.memory_space<vmem>>
          %dma_start3A_310 = arith.constant 0 : i32
          %dma_start3A_311 = arith.constant 0 : i32
          %dma_start3A_312 = tpu.memref_slice %arg11[%dma_start3A_310, %dma_start3A_311] : memref<10240x16xf32, #tpu.memory_space<vmem_shared>> -> memref<10240x16xf32, #tpu.memory_space<vmem_shared>>
          tpu.enqueue_indirect_dma source(%dma_start3A_306 : memref<128x16xf32, #tpu.memory_space<vmem>>) target(%dma_start3A_312 : memref<10240x16xf32, #tpu.memory_space<vmem_shared>>) offsets(%dma_start3A_309 : memref<128xi32, #tpu.memory_space<vmem>>) semaphore(%run_scoped3A_302 : memref<!tpu.dma_semaphore, #tpu.memory_space<semaphore_mem>>) {add = true}
          %dma_wait3A_313 = arith.constant 0 : i32
          %dma_wait3A_314 = arith.constant 0 : i32
          %dma_wait3A_315 = tpu.memref_slice %arg9[%run_scoped3A_248, %dma_wait3A_313, %dma_wait3A_314] : memref<8x128x16xf32, #tpu.memory_space<vmem>> -> memref<1x128x16xf32, #tpu.memory_space<vmem>>
          %dma_wait3A_316 = tpu.memref_squeeze %dma_wait3A_315 : memref<1x128x16xf32, #tpu.memory_space<vmem>> -> memref<128x16xf32, #tpu.memory_space<vmem>>
          %dma_wait3A_317 = arith.constant 0 : i32
          %dma_wait3A_318 = tpu.memref_slice %arg8[%add3A_236, %dma_wait3A_317] : memref<120x128xi32, #tpu.memory_space<vmem>> -> memref<1x128xi32, #tpu.memory_space<vmem>>
          %dma_wait3A_319 = tpu.memref_squeeze %dma_wait3A_318 : memref<1x128xi32, #tpu.memory_space<vmem>> -> memref<128xi32, #tpu.memory_space<vmem>>
          %dma_wait3A_320 = arith.constant 0 : i32
          %dma_wait3A_321 = arith.constant 0 : i32
          %dma_wait3A_322 = tpu.memref_slice %arg11[%dma_wait3A_320, %dma_wait3A_321] : memref<10240x16xf32, #tpu.memory_space<vmem_shared>> -> memref<10240x16xf32, #tpu.memory_space<vmem_shared>>
          tpu.wait_indirect_dma semaphore(%run_scoped3A_302 : memref<!tpu.dma_semaphore, #tpu.memory_space<semaphore_mem>>) src(%dma_wait3A_316 : memref<128x16xf32, #tpu.memory_space<vmem>>) dst(%dma_wait3A_322 : memref<10240x16xf32, #tpu.memory_space<vmem_shared>>)
          tpu.yield
        }) : () -> ()
        %add3A_249 = arith.constant 8 : i32
        %add3A_250 = arith.addi %add3A_236, %add3A_249 : i32
        %lt3A_251 = arith.constant 120 : i32
        %lt3A_252 = arith.cmpi slt, %add3A_250, %lt3A_251 : i32
        %convert_element_type3A_253 = arith.extui %lt3A_252 : i1 to i32
        %cond3A_254 = arith.constant 0 : i32
        %cond3A_255 = arith.cmpi ne, %convert_element_type3A_253, %cond3A_254 : i32
        scf.if %cond3A_255 {
          %add3A_302 = arith.constant 8 : i32
          %add3A_303 = arith.addi %add3A_236, %add3A_302 : i32
          %dma_start3A_304 = arith.constant 5 : i32
          %dma_start3A_305 = arith.constant 0 : i32
          %dma_start3A_306 = arith.constant 0 : i32
          %dma_start3A_307 = tpu.memref_slice %arg9[%dma_start3A_304, %dma_start3A_305, %dma_start3A_306] : memref<8x128x16xf32, #tpu.memory_space<vmem>> -> memref<1x128x16xf32, #tpu.memory_space<vmem>>
          %dma_start3A_308 = tpu.memref_squeeze %dma_start3A_307 : memref<1x128x16xf32, #tpu.memory_space<vmem>> -> memref<128x16xf32, #tpu.memory_space<vmem>>
          %dma_start3A_309 = arith.constant 0 : i32
          %dma_start3A_310 = tpu.memref_slice %arg7[%add3A_303, %dma_start3A_309] : memref<120x128xi32, #tpu.memory_space<vmem>> -> memref<1x128xi32, #tpu.memory_space<vmem>>
          %dma_start3A_311 = tpu.memref_squeeze %dma_start3A_310 : memref<1x128xi32, #tpu.memory_space<vmem>> -> memref<128xi32, #tpu.memory_space<vmem>>
          %dma_start3A_312 = arith.constant 0 : i32
          %dma_start3A_313 = arith.constant 0 : i32
          %dma_start3A_314 = tpu.memref_slice %arg2[%dma_start3A_312, %dma_start3A_313] : memref<10240x16xf32, #tpu.memory_space<hbm>> -> memref<10240x16xf32, #tpu.memory_space<hbm>>
          tpu.enqueue_indirect_dma source(%dma_start3A_314 : memref<10240x16xf32, #tpu.memory_space<hbm>>) target(%dma_start3A_308 : memref<128x16xf32, #tpu.memory_space<vmem>>) offsets(%dma_start3A_311 : memref<128xi32, #tpu.memory_space<vmem>>) semaphore(%arg17 : memref<!tpu.dma_semaphore, #tpu.memory_space<semaphore_mem>>)
        } else {
        }
        %mul3A_256 = arith.constant 8 : i32
        %mul3A_257 = arith.muli %scan3A_120, %mul3A_256 : i32
        %add3A_258 = arith.constant 6 : i32
        %add3A_259 = arith.addi %mul3A_257, %add3A_258 : i32
        %dma_wait3A_260 = arith.constant 6 : i32
        %dma_wait3A_261 = arith.constant 0 : i32
        %dma_wait3A_262 = arith.constant 0 : i32
        %dma_wait3A_263 = tpu.memref_slice %arg9[%dma_wait3A_260, %dma_wait3A_261, %dma_wait3A_262] : memref<8x128x16xf32, #tpu.memory_space<vmem>> -> memref<1x128x16xf32, #tpu.memory_space<vmem>>
        %dma_wait3A_264 = tpu.memref_squeeze %dma_wait3A_263 : memref<1x128x16xf32, #tpu.memory_space<vmem>> -> memref<128x16xf32, #tpu.memory_space<vmem>>
        %dma_wait3A_265 = arith.constant 0 : i32
        %dma_wait3A_266 = tpu.memref_slice %arg7[%add3A_259, %dma_wait3A_265] : memref<120x128xi32, #tpu.memory_space<vmem>> -> memref<1x128xi32, #tpu.memory_space<vmem>>
        %dma_wait3A_267 = tpu.memref_squeeze %dma_wait3A_266 : memref<1x128xi32, #tpu.memory_space<vmem>> -> memref<128xi32, #tpu.memory_space<vmem>>
        %dma_wait3A_268 = arith.constant 0 : i32
        %dma_wait3A_269 = arith.constant 0 : i32
        %dma_wait3A_270 = tpu.memref_slice %arg2[%dma_wait3A_268, %dma_wait3A_269] : memref<10240x16xf32, #tpu.memory_space<hbm>> -> memref<10240x16xf32, #tpu.memory_space<hbm>>
        tpu.wait_indirect_dma semaphore(%arg18 : memref<!tpu.dma_semaphore, #tpu.memory_space<semaphore_mem>>) src(%dma_wait3A_270 : memref<10240x16xf32, #tpu.memory_space<hbm>>) dst(%dma_wait3A_264 : memref<128x16xf32, #tpu.memory_space<vmem>>)
        %run_scoped3A_271 = arith.constant 6 : i32
        "tpu.region"() ({
          %run_scoped3A_302 = tpu.sem_alloc : memref<!tpu.dma_semaphore, #tpu.memory_space<semaphore_mem>>
          %dma_start3A_303 = arith.constant 0 : i32
          %dma_start3A_304 = arith.constant 0 : i32
          %dma_start3A_305 = tpu.memref_slice %arg9[%run_scoped3A_271, %dma_start3A_303, %dma_start3A_304] : memref<8x128x16xf32, #tpu.memory_space<vmem>> -> memref<1x128x16xf32, #tpu.memory_space<vmem>>
          %dma_start3A_306 = tpu.memref_squeeze %dma_start3A_305 : memref<1x128x16xf32, #tpu.memory_space<vmem>> -> memref<128x16xf32, #tpu.memory_space<vmem>>
          %dma_start3A_307 = arith.constant 0 : i32
          %dma_start3A_308 = tpu.memref_slice %arg8[%add3A_259, %dma_start3A_307] : memref<120x128xi32, #tpu.memory_space<vmem>> -> memref<1x128xi32, #tpu.memory_space<vmem>>
          %dma_start3A_309 = tpu.memref_squeeze %dma_start3A_308 : memref<1x128xi32, #tpu.memory_space<vmem>> -> memref<128xi32, #tpu.memory_space<vmem>>
          %dma_start3A_310 = arith.constant 0 : i32
          %dma_start3A_311 = arith.constant 0 : i32
          %dma_start3A_312 = tpu.memref_slice %arg11[%dma_start3A_310, %dma_start3A_311] : memref<10240x16xf32, #tpu.memory_space<vmem_shared>> -> memref<10240x16xf32, #tpu.memory_space<vmem_shared>>
          tpu.enqueue_indirect_dma source(%dma_start3A_306 : memref<128x16xf32, #tpu.memory_space<vmem>>) target(%dma_start3A_312 : memref<10240x16xf32, #tpu.memory_space<vmem_shared>>) offsets(%dma_start3A_309 : memref<128xi32, #tpu.memory_space<vmem>>) semaphore(%run_scoped3A_302 : memref<!tpu.dma_semaphore, #tpu.memory_space<semaphore_mem>>) {add = true}
          %dma_wait3A_313 = arith.constant 0 : i32
          %dma_wait3A_314 = arith.constant 0 : i32
          %dma_wait3A_315 = tpu.memref_slice %arg9[%run_scoped3A_271, %dma_wait3A_313, %dma_wait3A_314] : memref<8x128x16xf32, #tpu.memory_space<vmem>> -> memref<1x128x16xf32, #tpu.memory_space<vmem>>
          %dma_wait3A_316 = tpu.memref_squeeze %dma_wait3A_315 : memref<1x128x16xf32, #tpu.memory_space<vmem>> -> memref<128x16xf32, #tpu.memory_space<vmem>>
          %dma_wait3A_317 = arith.constant 0 : i32
          %dma_wait3A_318 = tpu.memref_slice %arg8[%add3A_259, %dma_wait3A_317] : memref<120x128xi32, #tpu.memory_space<vmem>> -> memref<1x128xi32, #tpu.memory_space<vmem>>
          %dma_wait3A_319 = tpu.memref_squeeze %dma_wait3A_318 : memref<1x128xi32, #tpu.memory_space<vmem>> -> memref<128xi32, #tpu.memory_space<vmem>>
          %dma_wait3A_320 = arith.constant 0 : i32
          %dma_wait3A_321 = arith.constant 0 : i32
          %dma_wait3A_322 = tpu.memref_slice %arg11[%dma_wait3A_320, %dma_wait3A_321] : memref<10240x16xf32, #tpu.memory_space<vmem_shared>> -> memref<10240x16xf32, #tpu.memory_space<vmem_shared>>
          tpu.wait_indirect_dma semaphore(%run_scoped3A_302 : memref<!tpu.dma_semaphore, #tpu.memory_space<semaphore_mem>>) src(%dma_wait3A_316 : memref<128x16xf32, #tpu.memory_space<vmem>>) dst(%dma_wait3A_322 : memref<10240x16xf32, #tpu.memory_space<vmem_shared>>)
          tpu.yield
        }) : () -> ()
        %add3A_272 = arith.constant 8 : i32
        %add3A_273 = arith.addi %add3A_259, %add3A_272 : i32
        %lt3A_274 = arith.constant 120 : i32
        %lt3A_275 = arith.cmpi slt, %add3A_273, %lt3A_274 : i32
        %convert_element_type3A_276 = arith.extui %lt3A_275 : i1 to i32
        %cond3A_277 = arith.constant 0 : i32
        %cond3A_278 = arith.cmpi ne, %convert_element_type3A_276, %cond3A_277 : i32
        scf.if %cond3A_278 {
          %add3A_302 = arith.constant 8 : i32
          %add3A_303 = arith.addi %add3A_259, %add3A_302 : i32
          %dma_start3A_304 = arith.constant 6 : i32
          %dma_start3A_305 = arith.constant 0 : i32
          %dma_start3A_306 = arith.constant 0 : i32
          %dma_start3A_307 = tpu.memref_slice %arg9[%dma_start3A_304, %dma_start3A_305, %dma_start3A_306] : memref<8x128x16xf32, #tpu.memory_space<vmem>> -> memref<1x128x16xf32, #tpu.memory_space<vmem>>
          %dma_start3A_308 = tpu.memref_squeeze %dma_start3A_307 : memref<1x128x16xf32, #tpu.memory_space<vmem>> -> memref<128x16xf32, #tpu.memory_space<vmem>>
          %dma_start3A_309 = arith.constant 0 : i32
          %dma_start3A_310 = tpu.memref_slice %arg7[%add3A_303, %dma_start3A_309] : memref<120x128xi32, #tpu.memory_space<vmem>> -> memref<1x128xi32, #tpu.memory_space<vmem>>
          %dma_start3A_311 = tpu.memref_squeeze %dma_start3A_310 : memref<1x128xi32, #tpu.memory_space<vmem>> -> memref<128xi32, #tpu.memory_space<vmem>>
          %dma_start3A_312 = arith.constant 0 : i32
          %dma_start3A_313 = arith.constant 0 : i32
          %dma_start3A_314 = tpu.memref_slice %arg2[%dma_start3A_312, %dma_start3A_313] : memref<10240x16xf32, #tpu.memory_space<hbm>> -> memref<10240x16xf32, #tpu.memory_space<hbm>>
          tpu.enqueue_indirect_dma source(%dma_start3A_314 : memref<10240x16xf32, #tpu.memory_space<hbm>>) target(%dma_start3A_308 : memref<128x16xf32, #tpu.memory_space<vmem>>) offsets(%dma_start3A_311 : memref<128xi32, #tpu.memory_space<vmem>>) semaphore(%arg18 : memref<!tpu.dma_semaphore, #tpu.memory_space<semaphore_mem>>)
        } else {
        }
        %mul3A_279 = arith.constant 8 : i32
        %mul3A_280 = arith.muli %scan3A_120, %mul3A_279 : i32
        %add3A_281 = arith.constant 7 : i32
        %add3A_282 = arith.addi %mul3A_280, %add3A_281 : i32
        %dma_wait3A_283 = arith.constant 7 : i32
        %dma_wait3A_284 = arith.constant 0 : i32
        %dma_wait3A_285 = arith.constant 0 : i32
        %dma_wait3A_286 = tpu.memref_slice %arg9[%dma_wait3A_283, %dma_wait3A_284, %dma_wait3A_285] : memref<8x128x16xf32, #tpu.memory_space<vmem>> -> memref<1x128x16xf32, #tpu.memory_space<vmem>>
        %dma_wait3A_287 = tpu.memref_squeeze %dma_wait3A_286 : memref<1x128x16xf32, #tpu.memory_space<vmem>> -> memref<128x16xf32, #tpu.memory_space<vmem>>
        %dma_wait3A_288 = arith.constant 0 : i32
        %dma_wait3A_289 = tpu.memref_slice %arg7[%add3A_282, %dma_wait3A_288] : memref<120x128xi32, #tpu.memory_space<vmem>> -> memref<1x128xi32, #tpu.memory_space<vmem>>
        %dma_wait3A_290 = tpu.memref_squeeze %dma_wait3A_289 : memref<1x128xi32, #tpu.memory_space<vmem>> -> memref<128xi32, #tpu.memory_space<vmem>>
        %dma_wait3A_291 = arith.constant 0 : i32
        %dma_wait3A_292 = arith.constant 0 : i32
        %dma_wait3A_293 = tpu.memref_slice %arg2[%dma_wait3A_291, %dma_wait3A_292] : memref<10240x16xf32, #tpu.memory_space<hbm>> -> memref<10240x16xf32, #tpu.memory_space<hbm>>
        tpu.wait_indirect_dma semaphore(%arg19 : memref<!tpu.dma_semaphore, #tpu.memory_space<semaphore_mem>>) src(%dma_wait3A_293 : memref<10240x16xf32, #tpu.memory_space<hbm>>) dst(%dma_wait3A_287 : memref<128x16xf32, #tpu.memory_space<vmem>>)
        %run_scoped3A_294 = arith.constant 7 : i32
        "tpu.region"() ({
          %run_scoped3A_302 = tpu.sem_alloc : memref<!tpu.dma_semaphore, #tpu.memory_space<semaphore_mem>>
          %dma_start3A_303 = arith.constant 0 : i32
          %dma_start3A_304 = arith.constant 0 : i32
          %dma_start3A_305 = tpu.memref_slice %arg9[%run_scoped3A_294, %dma_start3A_303, %dma_start3A_304] : memref<8x128x16xf32, #tpu.memory_space<vmem>> -> memref<1x128x16xf32, #tpu.memory_space<vmem>>
          %dma_start3A_306 = tpu.memref_squeeze %dma_start3A_305 : memref<1x128x16xf32, #tpu.memory_space<vmem>> -> memref<128x16xf32, #tpu.memory_space<vmem>>
          %dma_start3A_307 = arith.constant 0 : i32
          %dma_start3A_308 = tpu.memref_slice %arg8[%add3A_282, %dma_start3A_307] : memref<120x128xi32, #tpu.memory_space<vmem>> -> memref<1x128xi32, #tpu.memory_space<vmem>>
          %dma_start3A_309 = tpu.memref_squeeze %dma_start3A_308 : memref<1x128xi32, #tpu.memory_space<vmem>> -> memref<128xi32, #tpu.memory_space<vmem>>
          %dma_start3A_310 = arith.constant 0 : i32
          %dma_start3A_311 = arith.constant 0 : i32
          %dma_start3A_312 = tpu.memref_slice %arg11[%dma_start3A_310, %dma_start3A_311] : memref<10240x16xf32, #tpu.memory_space<vmem_shared>> -> memref<10240x16xf32, #tpu.memory_space<vmem_shared>>
          tpu.enqueue_indirect_dma source(%dma_start3A_306 : memref<128x16xf32, #tpu.memory_space<vmem>>) target(%dma_start3A_312 : memref<10240x16xf32, #tpu.memory_space<vmem_shared>>) offsets(%dma_start3A_309 : memref<128xi32, #tpu.memory_space<vmem>>) semaphore(%run_scoped3A_302 : memref<!tpu.dma_semaphore, #tpu.memory_space<semaphore_mem>>) {add = true}
          %dma_wait3A_313 = arith.constant 0 : i32
          %dma_wait3A_314 = arith.constant 0 : i32
          %dma_wait3A_315 = tpu.memref_slice %arg9[%run_scoped3A_294, %dma_wait3A_313, %dma_wait3A_314] : memref<8x128x16xf32, #tpu.memory_space<vmem>> -> memref<1x128x16xf32, #tpu.memory_space<vmem>>
          %dma_wait3A_316 = tpu.memref_squeeze %dma_wait3A_315 : memref<1x128x16xf32, #tpu.memory_space<vmem>> -> memref<128x16xf32, #tpu.memory_space<vmem>>
          %dma_wait3A_317 = arith.constant 0 : i32
          %dma_wait3A_318 = tpu.memref_slice %arg8[%add3A_282, %dma_wait3A_317] : memref<120x128xi32, #tpu.memory_space<vmem>> -> memref<1x128xi32, #tpu.memory_space<vmem>>
          %dma_wait3A_319 = tpu.memref_squeeze %dma_wait3A_318 : memref<1x128xi32, #tpu.memory_space<vmem>> -> memref<128xi32, #tpu.memory_space<vmem>>
          %dma_wait3A_320 = arith.constant 0 : i32
          %dma_wait3A_321 = arith.constant 0 : i32
          %dma_wait3A_322 = tpu.memref_slice %arg11[%dma_wait3A_320, %dma_wait3A_321] : memref<10240x16xf32, #tpu.memory_space<vmem_shared>> -> memref<10240x16xf32, #tpu.memory_space<vmem_shared>>
          tpu.wait_indirect_dma semaphore(%run_scoped3A_302 : memref<!tpu.dma_semaphore, #tpu.memory_space<semaphore_mem>>) src(%dma_wait3A_316 : memref<128x16xf32, #tpu.memory_space<vmem>>) dst(%dma_wait3A_322 : memref<10240x16xf32, #tpu.memory_space<vmem_shared>>)
          tpu.yield
        }) : () -> ()
        %add3A_295 = arith.constant 8 : i32
        %add3A_296 = arith.addi %add3A_282, %add3A_295 : i32
        %lt3A_297 = arith.constant 120 : i32
        %lt3A_298 = arith.cmpi slt, %add3A_296, %lt3A_297 : i32
        %convert_element_type3A_299 = arith.extui %lt3A_298 : i1 to i32
        %cond3A_300 = arith.constant 0 : i32
        %cond3A_301 = arith.cmpi ne, %convert_element_type3A_299, %cond3A_300 : i32
        scf.if %cond3A_301 {
          %add3A_302 = arith.constant 8 : i32
          %add3A_303 = arith.addi %add3A_282, %add3A_302 : i32
          %dma_start3A_304 = arith.constant 7 : i32
          %dma_start3A_305 = arith.constant 0 : i32
          %dma_start3A_306 = arith.constant 0 : i32
          %dma_start3A_307 = tpu.memref_slice %arg9[%dma_start3A_304, %dma_start3A_305, %dma_start3A_306] : memref<8x128x16xf32, #tpu.memory_space<vmem>> -> memref<1x128x16xf32, #tpu.memory_space<vmem>>
          %dma_start3A_308 = tpu.memref_squeeze %dma_start3A_307 : memref<1x128x16xf32, #tpu.memory_space<vmem>> -> memref<128x16xf32, #tpu.memory_space<vmem>>
          %dma_start3A_309 = arith.constant 0 : i32
          %dma_start3A_310 = tpu.memref_slice %arg7[%add3A_303, %dma_start3A_309] : memref<120x128xi32, #tpu.memory_space<vmem>> -> memref<1x128xi32, #tpu.memory_space<vmem>>
          %dma_start3A_311 = tpu.memref_squeeze %dma_start3A_310 : memref<1x128xi32, #tpu.memory_space<vmem>> -> memref<128xi32, #tpu.memory_space<vmem>>
          %dma_start3A_312 = arith.constant 0 : i32
          %dma_start3A_313 = arith.constant 0 : i32
          %dma_start3A_314 = tpu.memref_slice %arg2[%dma_start3A_312, %dma_start3A_313] : memref<10240x16xf32, #tpu.memory_space<hbm>> -> memref<10240x16xf32, #tpu.memory_space<hbm>>
          tpu.enqueue_indirect_dma source(%dma_start3A_314 : memref<10240x16xf32, #tpu.memory_space<hbm>>) target(%dma_start3A_308 : memref<128x16xf32, #tpu.memory_space<vmem>>) offsets(%dma_start3A_311 : memref<128xi32, #tpu.memory_space<vmem>>) semaphore(%arg19 : memref<!tpu.dma_semaphore, #tpu.memory_space<semaphore_mem>>)
        } else {
        }
      }
      %scan3A_119 = arith.constant 15 : i32
    } else {
    }
    %eq3A_5 = arith.constant 1 : i32
    %eq3A_6 = arith.cmpi eq, %arg0, %eq3A_5 : i32
    %convert_element_type3A_7 = arith.extui %eq3A_6 : i1 to i32
    %cond3A_8 = arith.constant 0 : i32
    %cond3A_9 = arith.cmpi ne, %convert_element_type3A_7, %cond3A_8 : i32
    scf.if %cond3A_9 {
      %mul3A_18 = arith.constant 40 : i32
      %mul3A_19 = arith.muli %arg1, %mul3A_18 : i32
      %add3A_20 = arith.constant 1920 : i32
      %add3A_21 = arith.addi %add3A_20, %mul3A_19 : i32
      "tpu.region"() ({
        %run_scoped3A = tpu.sem_alloc : memref<!tpu.dma_semaphore, #tpu.memory_space<semaphore_mem>>
        %dma_start3A_122 = arith.constant 0 : i32
        %dma_start3A_123 = arith.constant 0 : i32
        %dma_start3A_124 = tpu.memref_slice %arg8[%dma_start3A_122, %dma_start3A_123] : memref<120x128xi32, #tpu.memory_space<vmem>> -> memref<40x128xi32, #tpu.memory_space<vmem>>
        %dma_start3A_125 = arith.constant 0 : i32
        %dma_start3A_126 = tpu.memref_slice %arg4[%add3A_21, %dma_start3A_125] : memref<2560x128xi32, #tpu.memory_space<hbm>> -> memref<40x128xi32, #tpu.memory_space<hbm>>
        %dma_start3A_127 = arith.constant 0 : i32
        %dma_start3A_128 = arith.constant 0 : i32
        %dma_start3A_129 = tpu.memref_slice %arg8[%dma_start3A_127, %dma_start3A_128] : memref<120x128xi32, #tpu.memory_space<vmem>> -> memref<40x128xi32, #tpu.memory_space<vmem>>
        %dma_start3A_130 = arith.constant 0 : i32
        %dma_start3A_131 = tpu.memref_slice %arg4[%add3A_21, %dma_start3A_130] : memref<2560x128xi32, #tpu.memory_space<hbm>> -> memref<40x128xi32, #tpu.memory_space<hbm>>
        tpu.enqueue_dma source(%dma_start3A_131 : memref<40x128xi32, #tpu.memory_space<hbm>>) target(%dma_start3A_129 : memref<40x128xi32, #tpu.memory_space<vmem>>) target_semaphore(%run_scoped3A : memref<!tpu.dma_semaphore, #tpu.memory_space<semaphore_mem>>)
        %dma_wait3A = arith.constant 0 : i32
        %dma_wait3A_132 = arith.constant 0 : i32
        %dma_wait3A_133 = tpu.memref_slice %arg8[%dma_wait3A, %dma_wait3A_132] : memref<120x128xi32, #tpu.memory_space<vmem>> -> memref<40x128xi32, #tpu.memory_space<vmem>>
        %dma_wait3A_134 = arith.constant 0 : i32
        %dma_wait3A_135 = tpu.memref_slice %arg4[%add3A_21, %dma_wait3A_134] : memref<2560x128xi32, #tpu.memory_space<hbm>> -> memref<40x128xi32, #tpu.memory_space<hbm>>
        %dma_wait3A_136 = arith.constant 0 : i32
        %dma_wait3A_137 = arith.constant 0 : i32
        %dma_wait3A_138 = tpu.memref_slice %arg8[%dma_wait3A_136, %dma_wait3A_137] : memref<120x128xi32, #tpu.memory_space<vmem>> -> memref<40x128xi32, #tpu.memory_space<vmem>>
        %dma_wait3A_139 = arith.constant 0 : i32
        %dma_wait3A_140 = tpu.memref_slice %arg4[%add3A_21, %dma_wait3A_139] : memref<2560x128xi32, #tpu.memory_space<hbm>> -> memref<40x128xi32, #tpu.memory_space<hbm>>
        tpu.wait_dma2 semaphore(%run_scoped3A : memref<!tpu.dma_semaphore, #tpu.memory_space<semaphore_mem>>) src(%dma_wait3A_140 : memref<40x128xi32, #tpu.memory_space<hbm>>) dst(%dma_wait3A_138 : memref<40x128xi32, #tpu.memory_space<vmem>>)
        tpu.yield
      }) : () -> ()
      "tpu.region"() ({
        %run_scoped3A = tpu.sem_alloc : memref<!tpu.dma_semaphore, #tpu.memory_space<semaphore_mem>>
        %dma_start3A_122 = arith.constant 0 : i32
        %dma_start3A_123 = arith.constant 0 : i32
        %dma_start3A_124 = tpu.memref_slice %arg7[%dma_start3A_122, %dma_start3A_123] : memref<120x128xi32, #tpu.memory_space<vmem>> -> memref<40x128xi32, #tpu.memory_space<vmem>>
        %dma_start3A_125 = arith.constant 0 : i32
        %dma_start3A_126 = tpu.memref_slice %arg3[%add3A_21, %dma_start3A_125] : memref<2560x128xi32, #tpu.memory_space<hbm>> -> memref<40x128xi32, #tpu.memory_space<hbm>>
        %dma_start3A_127 = arith.constant 0 : i32
        %dma_start3A_128 = arith.constant 0 : i32
        %dma_start3A_129 = tpu.memref_slice %arg7[%dma_start3A_127, %dma_start3A_128] : memref<120x128xi32, #tpu.memory_space<vmem>> -> memref<40x128xi32, #tpu.memory_space<vmem>>
        %dma_start3A_130 = arith.constant 0 : i32
        %dma_start3A_131 = tpu.memref_slice %arg3[%add3A_21, %dma_start3A_130] : memref<2560x128xi32, #tpu.memory_space<hbm>> -> memref<40x128xi32, #tpu.memory_space<hbm>>
        tpu.enqueue_dma source(%dma_start3A_131 : memref<40x128xi32, #tpu.memory_space<hbm>>) target(%dma_start3A_129 : memref<40x128xi32, #tpu.memory_space<vmem>>) target_semaphore(%run_scoped3A : memref<!tpu.dma_semaphore, #tpu.memory_space<semaphore_mem>>)
        %dma_wait3A = arith.constant 0 : i32
        %dma_wait3A_132 = arith.constant 0 : i32
        %dma_wait3A_133 = tpu.memref_slice %arg7[%dma_wait3A, %dma_wait3A_132] : memref<120x128xi32, #tpu.memory_space<vmem>> -> memref<40x128xi32, #tpu.memory_space<vmem>>
        %dma_wait3A_134 = arith.constant 0 : i32
        %dma_wait3A_135 = tpu.memref_slice %arg3[%add3A_21, %dma_wait3A_134] : memref<2560x128xi32, #tpu.memory_space<hbm>> -> memref<40x128xi32, #tpu.memory_space<hbm>>
        %dma_wait3A_136 = arith.constant 0 : i32
        %dma_wait3A_137 = arith.constant 0 : i32
        %dma_wait3A_138 = tpu.memref_slice %arg7[%dma_wait3A_136, %dma_wait3A_137] : memref<120x128xi32, #tpu.memory_space<vmem>> -> memref<40x128xi32, #tpu.memory_space<vmem>>
        %dma_wait3A_139 = arith.constant 0 : i32
        %dma_wait3A_140 = tpu.memref_slice %arg3[%add3A_21, %dma_wait3A_139] : memref<2560x128xi32, #tpu.memory_space<hbm>> -> memref<40x128xi32, #tpu.memory_space<hbm>>
        tpu.wait_dma2 semaphore(%run_scoped3A : memref<!tpu.dma_semaphore, #tpu.memory_space<semaphore_mem>>) src(%dma_wait3A_140 : memref<40x128xi32, #tpu.memory_space<hbm>>) dst(%dma_wait3A_138 : memref<40x128xi32, #tpu.memory_space<vmem>>)
        tpu.yield
      }) : () -> ()
      %dma_start3A = arith.constant 0 : i32
      %dma_start3A_22 = arith.constant 0 : i32
      %dma_start3A_23 = arith.constant 0 : i32
      %dma_start3A_24 = arith.constant 0 : i32
      %dma_start3A_25 = tpu.memref_slice %arg9[%dma_start3A_22, %dma_start3A_23, %dma_start3A_24] : memref<8x128x16xf32, #tpu.memory_space<vmem>> -> memref<1x128x16xf32, #tpu.memory_space<vmem>>
      %dma_start3A_26 = tpu.memref_squeeze %dma_start3A_25 : memref<1x128x16xf32, #tpu.memory_space<vmem>> -> memref<128x16xf32, #tpu.memory_space<vmem>>
      %dma_start3A_27 = arith.constant 0 : i32
      %dma_start3A_28 = tpu.memref_slice %arg7[%dma_start3A, %dma_start3A_27] : memref<120x128xi32, #tpu.memory_space<vmem>> -> memref<1x128xi32, #tpu.memory_space<vmem>>
      %dma_start3A_29 = tpu.memref_squeeze %dma_start3A_28 : memref<1x128xi32, #tpu.memory_space<vmem>> -> memref<128xi32, #tpu.memory_space<vmem>>
      %dma_start3A_30 = arith.constant 0 : i32
      %dma_start3A_31 = arith.constant 0 : i32
      %dma_start3A_32 = tpu.memref_slice %arg2[%dma_start3A_30, %dma_start3A_31] : memref<10240x16xf32, #tpu.memory_space<hbm>> -> memref<10240x16xf32, #tpu.memory_space<hbm>>
      tpu.enqueue_indirect_dma source(%dma_start3A_32 : memref<10240x16xf32, #tpu.memory_space<hbm>>) target(%dma_start3A_26 : memref<128x16xf32, #tpu.memory_space<vmem>>) offsets(%dma_start3A_29 : memref<128xi32, #tpu.memory_space<vmem>>) semaphore(%arg12 : memref<!tpu.dma_semaphore, #tpu.memory_space<semaphore_mem>>)
      %dma_start3A_33 = arith.constant 1 : i32
      %dma_start3A_34 = arith.constant 1 : i32
      %dma_start3A_35 = arith.constant 0 : i32
      %dma_start3A_36 = arith.constant 0 : i32
      %dma_start3A_37 = tpu.memref_slice %arg9[%dma_start3A_34, %dma_start3A_35, %dma_start3A_36] : memref<8x128x16xf32, #tpu.memory_space<vmem>> -> memref<1x128x16xf32, #tpu.memory_space<vmem>>
      %dma_start3A_38 = tpu.memref_squeeze %dma_start3A_37 : memref<1x128x16xf32, #tpu.memory_space<vmem>> -> memref<128x16xf32, #tpu.memory_space<vmem>>
      %dma_start3A_39 = arith.constant 0 : i32
      %dma_start3A_40 = tpu.memref_slice %arg7[%dma_start3A_33, %dma_start3A_39] : memref<120x128xi32, #tpu.memory_space<vmem>> -> memref<1x128xi32, #tpu.memory_space<vmem>>
      %dma_start3A_41 = tpu.memref_squeeze %dma_start3A_40 : memref<1x128xi32, #tpu.memory_space<vmem>> -> memref<128xi32, #tpu.memory_space<vmem>>
      %dma_start3A_42 = arith.constant 0 : i32
      %dma_start3A_43 = arith.constant 0 : i32
      %dma_start3A_44 = tpu.memref_slice %arg2[%dma_start3A_42, %dma_start3A_43] : memref<10240x16xf32, #tpu.memory_space<hbm>> -> memref<10240x16xf32, #tpu.memory_space<hbm>>
      tpu.enqueue_indirect_dma source(%dma_start3A_44 : memref<10240x16xf32, #tpu.memory_space<hbm>>) target(%dma_start3A_38 : memref<128x16xf32, #tpu.memory_space<vmem>>) offsets(%dma_start3A_41 : memref<128xi32, #tpu.memory_space<vmem>>) semaphore(%arg13 : memref<!tpu.dma_semaphore, #tpu.memory_space<semaphore_mem>>)
      %dma_start3A_45 = arith.constant 2 : i32
      %dma_start3A_46 = arith.constant 2 : i32
      %dma_start3A_47 = arith.constant 0 : i32
      %dma_start3A_48 = arith.constant 0 : i32
      %dma_start3A_49 = tpu.memref_slice %arg9[%dma_start3A_46, %dma_start3A_47, %dma_start3A_48] : memref<8x128x16xf32, #tpu.memory_space<vmem>> -> memref<1x128x16xf32, #tpu.memory_space<vmem>>
      %dma_start3A_50 = tpu.memref_squeeze %dma_start3A_49 : memref<1x128x16xf32, #tpu.memory_space<vmem>> -> memref<128x16xf32, #tpu.memory_space<vmem>>
      %dma_start3A_51 = arith.constant 0 : i32
      %dma_start3A_52 = tpu.memref_slice %arg7[%dma_start3A_45, %dma_start3A_51] : memref<120x128xi32, #tpu.memory_space<vmem>> -> memref<1x128xi32, #tpu.memory_space<vmem>>
      %dma_start3A_53 = tpu.memref_squeeze %dma_start3A_52 : memref<1x128xi32, #tpu.memory_space<vmem>> -> memref<128xi32, #tpu.memory_space<vmem>>
      %dma_start3A_54 = arith.constant 0 : i32
      %dma_start3A_55 = arith.constant 0 : i32
      %dma_start3A_56 = tpu.memref_slice %arg2[%dma_start3A_54, %dma_start3A_55] : memref<10240x16xf32, #tpu.memory_space<hbm>> -> memref<10240x16xf32, #tpu.memory_space<hbm>>
      tpu.enqueue_indirect_dma source(%dma_start3A_56 : memref<10240x16xf32, #tpu.memory_space<hbm>>) target(%dma_start3A_50 : memref<128x16xf32, #tpu.memory_space<vmem>>) offsets(%dma_start3A_53 : memref<128xi32, #tpu.memory_space<vmem>>) semaphore(%arg14 : memref<!tpu.dma_semaphore, #tpu.memory_space<semaphore_mem>>)
      %dma_start3A_57 = arith.constant 3 : i32
      %dma_start3A_58 = arith.constant 3 : i32
      %dma_start3A_59 = arith.constant 0 : i32
      %dma_start3A_60 = arith.constant 0 : i32
      %dma_start3A_61 = tpu.memref_slice %arg9[%dma_start3A_58, %dma_start3A_59, %dma_start3A_60] : memref<8x128x16xf32, #tpu.memory_space<vmem>> -> memref<1x128x16xf32, #tpu.memory_space<vmem>>
      %dma_start3A_62 = tpu.memref_squeeze %dma_start3A_61 : memref<1x128x16xf32, #tpu.memory_space<vmem>> -> memref<128x16xf32, #tpu.memory_space<vmem>>
      %dma_start3A_63 = arith.constant 0 : i32
      %dma_start3A_64 = tpu.memref_slice %arg7[%dma_start3A_57, %dma_start3A_63] : memref<120x128xi32, #tpu.memory_space<vmem>> -> memref<1x128xi32, #tpu.memory_space<vmem>>
      %dma_start3A_65 = tpu.memref_squeeze %dma_start3A_64 : memref<1x128xi32, #tpu.memory_space<vmem>> -> memref<128xi32, #tpu.memory_space<vmem>>
      %dma_start3A_66 = arith.constant 0 : i32
      %dma_start3A_67 = arith.constant 0 : i32
      %dma_start3A_68 = tpu.memref_slice %arg2[%dma_start3A_66, %dma_start3A_67] : memref<10240x16xf32, #tpu.memory_space<hbm>> -> memref<10240x16xf32, #tpu.memory_space<hbm>>
      tpu.enqueue_indirect_dma source(%dma_start3A_68 : memref<10240x16xf32, #tpu.memory_space<hbm>>) target(%dma_start3A_62 : memref<128x16xf32, #tpu.memory_space<vmem>>) offsets(%dma_start3A_65 : memref<128xi32, #tpu.memory_space<vmem>>) semaphore(%arg15 : memref<!tpu.dma_semaphore, #tpu.memory_space<semaphore_mem>>)
      %dma_start3A_69 = arith.constant 4 : i32
      %dma_start3A_70 = arith.constant 4 : i32
      %dma_start3A_71 = arith.constant 0 : i32
      %dma_start3A_72 = arith.constant 0 : i32
      %dma_start3A_73 = tpu.memref_slice %arg9[%dma_start3A_70, %dma_start3A_71, %dma_start3A_72] : memref<8x128x16xf32, #tpu.memory_space<vmem>> -> memref<1x128x16xf32, #tpu.memory_space<vmem>>
      %dma_start3A_74 = tpu.memref_squeeze %dma_start3A_73 : memref<1x128x16xf32, #tpu.memory_space<vmem>> -> memref<128x16xf32, #tpu.memory_space<vmem>>
      %dma_start3A_75 = arith.constant 0 : i32
      %dma_start3A_76 = tpu.memref_slice %arg7[%dma_start3A_69, %dma_start3A_75] : memref<120x128xi32, #tpu.memory_space<vmem>> -> memref<1x128xi32, #tpu.memory_space<vmem>>
      %dma_start3A_77 = tpu.memref_squeeze %dma_start3A_76 : memref<1x128xi32, #tpu.memory_space<vmem>> -> memref<128xi32, #tpu.memory_space<vmem>>
      %dma_start3A_78 = arith.constant 0 : i32
      %dma_start3A_79 = arith.constant 0 : i32
      %dma_start3A_80 = tpu.memref_slice %arg2[%dma_start3A_78, %dma_start3A_79] : memref<10240x16xf32, #tpu.memory_space<hbm>> -> memref<10240x16xf32, #tpu.memory_space<hbm>>
      tpu.enqueue_indirect_dma source(%dma_start3A_80 : memref<10240x16xf32, #tpu.memory_space<hbm>>) target(%dma_start3A_74 : memref<128x16xf32, #tpu.memory_space<vmem>>) offsets(%dma_start3A_77 : memref<128xi32, #tpu.memory_space<vmem>>) semaphore(%arg16 : memref<!tpu.dma_semaphore, #tpu.memory_space<semaphore_mem>>)
      %dma_start3A_81 = arith.constant 5 : i32
      %dma_start3A_82 = arith.constant 5 : i32
      %dma_start3A_83 = arith.constant 0 : i32
      %dma_start3A_84 = arith.constant 0 : i32
      %dma_start3A_85 = tpu.memref_slice %arg9[%dma_start3A_82, %dma_start3A_83, %dma_start3A_84] : memref<8x128x16xf32, #tpu.memory_space<vmem>> -> memref<1x128x16xf32, #tpu.memory_space<vmem>>
      %dma_start3A_86 = tpu.memref_squeeze %dma_start3A_85 : memref<1x128x16xf32, #tpu.memory_space<vmem>> -> memref<128x16xf32, #tpu.memory_space<vmem>>
      %dma_start3A_87 = arith.constant 0 : i32
      %dma_start3A_88 = tpu.memref_slice %arg7[%dma_start3A_81, %dma_start3A_87] : memref<120x128xi32, #tpu.memory_space<vmem>> -> memref<1x128xi32, #tpu.memory_space<vmem>>
      %dma_start3A_89 = tpu.memref_squeeze %dma_start3A_88 : memref<1x128xi32, #tpu.memory_space<vmem>> -> memref<128xi32, #tpu.memory_space<vmem>>
      %dma_start3A_90 = arith.constant 0 : i32
      %dma_start3A_91 = arith.constant 0 : i32
      %dma_start3A_92 = tpu.memref_slice %arg2[%dma_start3A_90, %dma_start3A_91] : memref<10240x16xf32, #tpu.memory_space<hbm>> -> memref<10240x16xf32, #tpu.memory_space<hbm>>
      tpu.enqueue_indirect_dma source(%dma_start3A_92 : memref<10240x16xf32, #tpu.memory_space<hbm>>) target(%dma_start3A_86 : memref<128x16xf32, #tpu.memory_space<vmem>>) offsets(%dma_start3A_89 : memref<128xi32, #tpu.memory_space<vmem>>) semaphore(%arg17 : memref<!tpu.dma_semaphore, #tpu.memory_space<semaphore_mem>>)
      %dma_start3A_93 = arith.constant 6 : i32
      %dma_start3A_94 = arith.constant 6 : i32
      %dma_start3A_95 = arith.constant 0 : i32
      %dma_start3A_96 = arith.constant 0 : i32
      %dma_start3A_97 = tpu.memref_slice %arg9[%dma_start3A_94, %dma_start3A_95, %dma_start3A_96] : memref<8x128x16xf32, #tpu.memory_space<vmem>> -> memref<1x128x16xf32, #tpu.memory_space<vmem>>
      %dma_start3A_98 = tpu.memref_squeeze %dma_start3A_97 : memref<1x128x16xf32, #tpu.memory_space<vmem>> -> memref<128x16xf32, #tpu.memory_space<vmem>>
      %dma_start3A_99 = arith.constant 0 : i32
      %dma_start3A_100 = tpu.memref_slice %arg7[%dma_start3A_93, %dma_start3A_99] : memref<120x128xi32, #tpu.memory_space<vmem>> -> memref<1x128xi32, #tpu.memory_space<vmem>>
      %dma_start3A_101 = tpu.memref_squeeze %dma_start3A_100 : memref<1x128xi32, #tpu.memory_space<vmem>> -> memref<128xi32, #tpu.memory_space<vmem>>
      %dma_start3A_102 = arith.constant 0 : i32
      %dma_start3A_103 = arith.constant 0 : i32
      %dma_start3A_104 = tpu.memref_slice %arg2[%dma_start3A_102, %dma_start3A_103] : memref<10240x16xf32, #tpu.memory_space<hbm>> -> memref<10240x16xf32, #tpu.memory_space<hbm>>
      tpu.enqueue_indirect_dma source(%dma_start3A_104 : memref<10240x16xf32, #tpu.memory_space<hbm>>) target(%dma_start3A_98 : memref<128x16xf32, #tpu.memory_space<vmem>>) offsets(%dma_start3A_101 : memref<128xi32, #tpu.memory_space<vmem>>) semaphore(%arg18 : memref<!tpu.dma_semaphore, #tpu.memory_space<semaphore_mem>>)
      %dma_start3A_105 = arith.constant 7 : i32
      %dma_start3A_106 = arith.constant 7 : i32
      %dma_start3A_107 = arith.constant 0 : i32
      %dma_start3A_108 = arith.constant 0 : i32
      %dma_start3A_109 = tpu.memref_slice %arg9[%dma_start3A_106, %dma_start3A_107, %dma_start3A_108] : memref<8x128x16xf32, #tpu.memory_space<vmem>> -> memref<1x128x16xf32, #tpu.memory_space<vmem>>
      %dma_start3A_110 = tpu.memref_squeeze %dma_start3A_109 : memref<1x128x16xf32, #tpu.memory_space<vmem>> -> memref<128x16xf32, #tpu.memory_space<vmem>>
      %dma_start3A_111 = arith.constant 0 : i32
      %dma_start3A_112 = tpu.memref_slice %arg7[%dma_start3A_105, %dma_start3A_111] : memref<120x128xi32, #tpu.memory_space<vmem>> -> memref<1x128xi32, #tpu.memory_space<vmem>>
      %dma_start3A_113 = tpu.memref_squeeze %dma_start3A_112 : memref<1x128xi32, #tpu.memory_space<vmem>> -> memref<128xi32, #tpu.memory_space<vmem>>
      %dma_start3A_114 = arith.constant 0 : i32
      %dma_start3A_115 = arith.constant 0 : i32
      %dma_start3A_116 = tpu.memref_slice %arg2[%dma_start3A_114, %dma_start3A_115] : memref<10240x16xf32, #tpu.memory_space<hbm>> -> memref<10240x16xf32, #tpu.memory_space<hbm>>
      tpu.enqueue_indirect_dma source(%dma_start3A_116 : memref<10240x16xf32, #tpu.memory_space<hbm>>) target(%dma_start3A_110 : memref<128x16xf32, #tpu.memory_space<vmem>>) offsets(%dma_start3A_113 : memref<128xi32, #tpu.memory_space<vmem>>) semaphore(%arg19 : memref<!tpu.dma_semaphore, #tpu.memory_space<semaphore_mem>>)
      %scan3A = arith.constant 0 : i32
      %scan3A_117 = arith.constant 0 : i32
      %scan3A_118 = arith.constant 5 : i32
      %scan3A_119 = arith.addi %scan3A_117, %scan3A_118 : i32
      %scan3A_120 = arith.constant 1 : i32
      scf.for %scan3A_122 = %scan3A_117 to %scan3A_119 step %scan3A_120  : i32 {
        %mul3A_123 = arith.constant 8 : i32
        %mul3A_124 = arith.muli %scan3A_122, %mul3A_123 : i32
        %add3A_125 = arith.constant 0 : i32
        %add3A_126 = arith.addi %mul3A_124, %add3A_125 : i32
        %dma_wait3A = arith.constant 0 : i32
        %dma_wait3A_127 = arith.constant 0 : i32
        %dma_wait3A_128 = arith.constant 0 : i32
        %dma_wait3A_129 = tpu.memref_slice %arg9[%dma_wait3A, %dma_wait3A_127, %dma_wait3A_128] : memref<8x128x16xf32, #tpu.memory_space<vmem>> -> memref<1x128x16xf32, #tpu.memory_space<vmem>>
        %dma_wait3A_130 = tpu.memref_squeeze %dma_wait3A_129 : memref<1x128x16xf32, #tpu.memory_space<vmem>> -> memref<128x16xf32, #tpu.memory_space<vmem>>
        %dma_wait3A_131 = arith.constant 0 : i32
        %dma_wait3A_132 = tpu.memref_slice %arg7[%add3A_126, %dma_wait3A_131] : memref<120x128xi32, #tpu.memory_space<vmem>> -> memref<1x128xi32, #tpu.memory_space<vmem>>
        %dma_wait3A_133 = tpu.memref_squeeze %dma_wait3A_132 : memref<1x128xi32, #tpu.memory_space<vmem>> -> memref<128xi32, #tpu.memory_space<vmem>>
        %dma_wait3A_134 = arith.constant 0 : i32
        %dma_wait3A_135 = arith.constant 0 : i32
        %dma_wait3A_136 = tpu.memref_slice %arg2[%dma_wait3A_134, %dma_wait3A_135] : memref<10240x16xf32, #tpu.memory_space<hbm>> -> memref<10240x16xf32, #tpu.memory_space<hbm>>
        tpu.wait_indirect_dma semaphore(%arg12 : memref<!tpu.dma_semaphore, #tpu.memory_space<semaphore_mem>>) src(%dma_wait3A_136 : memref<10240x16xf32, #tpu.memory_space<hbm>>) dst(%dma_wait3A_130 : memref<128x16xf32, #tpu.memory_space<vmem>>)
        %run_scoped3A = arith.constant 0 : i32
        "tpu.region"() ({
          %run_scoped3A_304 = tpu.sem_alloc : memref<!tpu.dma_semaphore, #tpu.memory_space<semaphore_mem>>
          %dma_start3A_305 = arith.constant 0 : i32
          %dma_start3A_306 = arith.constant 0 : i32
          %dma_start3A_307 = tpu.memref_slice %arg9[%run_scoped3A, %dma_start3A_305, %dma_start3A_306] : memref<8x128x16xf32, #tpu.memory_space<vmem>> -> memref<1x128x16xf32, #tpu.memory_space<vmem>>
          %dma_start3A_308 = tpu.memref_squeeze %dma_start3A_307 : memref<1x128x16xf32, #tpu.memory_space<vmem>> -> memref<128x16xf32, #tpu.memory_space<vmem>>
          %dma_start3A_309 = arith.constant 0 : i32
          %dma_start3A_310 = tpu.memref_slice %arg8[%add3A_126, %dma_start3A_309] : memref<120x128xi32, #tpu.memory_space<vmem>> -> memref<1x128xi32, #tpu.memory_space<vmem>>
          %dma_start3A_311 = tpu.memref_squeeze %dma_start3A_310 : memref<1x128xi32, #tpu.memory_space<vmem>> -> memref<128xi32, #tpu.memory_space<vmem>>
          %dma_start3A_312 = arith.constant 0 : i32
          %dma_start3A_313 = arith.constant 0 : i32
          %dma_start3A_314 = tpu.memref_slice %arg11[%dma_start3A_312, %dma_start3A_313] : memref<10240x16xf32, #tpu.memory_space<vmem_shared>> -> memref<10240x16xf32, #tpu.memory_space<vmem_shared>>
          tpu.enqueue_indirect_dma source(%dma_start3A_308 : memref<128x16xf32, #tpu.memory_space<vmem>>) target(%dma_start3A_314 : memref<10240x16xf32, #tpu.memory_space<vmem_shared>>) offsets(%dma_start3A_311 : memref<128xi32, #tpu.memory_space<vmem>>) semaphore(%run_scoped3A_304 : memref<!tpu.dma_semaphore, #tpu.memory_space<semaphore_mem>>) {add = true}
          %dma_wait3A_315 = arith.constant 0 : i32
          %dma_wait3A_316 = arith.constant 0 : i32
          %dma_wait3A_317 = tpu.memref_slice %arg9[%run_scoped3A, %dma_wait3A_315, %dma_wait3A_316] : memref<8x128x16xf32, #tpu.memory_space<vmem>> -> memref<1x128x16xf32, #tpu.memory_space<vmem>>
          %dma_wait3A_318 = tpu.memref_squeeze %dma_wait3A_317 : memref<1x128x16xf32, #tpu.memory_space<vmem>> -> memref<128x16xf32, #tpu.memory_space<vmem>>
          %dma_wait3A_319 = arith.constant 0 : i32
          %dma_wait3A_320 = tpu.memref_slice %arg8[%add3A_126, %dma_wait3A_319] : memref<120x128xi32, #tpu.memory_space<vmem>> -> memref<1x128xi32, #tpu.memory_space<vmem>>
          %dma_wait3A_321 = tpu.memref_squeeze %dma_wait3A_320 : memref<1x128xi32, #tpu.memory_space<vmem>> -> memref<128xi32, #tpu.memory_space<vmem>>
          %dma_wait3A_322 = arith.constant 0 : i32
          %dma_wait3A_323 = arith.constant 0 : i32
          %dma_wait3A_324 = tpu.memref_slice %arg11[%dma_wait3A_322, %dma_wait3A_323] : memref<10240x16xf32, #tpu.memory_space<vmem_shared>> -> memref<10240x16xf32, #tpu.memory_space<vmem_shared>>
          tpu.wait_indirect_dma semaphore(%run_scoped3A_304 : memref<!tpu.dma_semaphore, #tpu.memory_space<semaphore_mem>>) src(%dma_wait3A_318 : memref<128x16xf32, #tpu.memory_space<vmem>>) dst(%dma_wait3A_324 : memref<10240x16xf32, #tpu.memory_space<vmem_shared>>)
          tpu.yield
        }) : () -> ()
        %add3A_137 = arith.constant 8 : i32
        %add3A_138 = arith.addi %add3A_126, %add3A_137 : i32
        %lt3A = arith.constant 40 : i32
        %lt3A_139 = arith.cmpi slt, %add3A_138, %lt3A : i32
        %convert_element_type3A_140 = arith.extui %lt3A_139 : i1 to i32
        %cond3A_141 = arith.constant 0 : i32
        %cond3A_142 = arith.cmpi ne, %convert_element_type3A_140, %cond3A_141 : i32
        scf.if %cond3A_142 {
          %add3A_304 = arith.constant 8 : i32
          %add3A_305 = arith.addi %add3A_126, %add3A_304 : i32
          %dma_start3A_306 = arith.constant 0 : i32
          %dma_start3A_307 = arith.constant 0 : i32
          %dma_start3A_308 = arith.constant 0 : i32
          %dma_start3A_309 = tpu.memref_slice %arg9[%dma_start3A_306, %dma_start3A_307, %dma_start3A_308] : memref<8x128x16xf32, #tpu.memory_space<vmem>> -> memref<1x128x16xf32, #tpu.memory_space<vmem>>
          %dma_start3A_310 = tpu.memref_squeeze %dma_start3A_309 : memref<1x128x16xf32, #tpu.memory_space<vmem>> -> memref<128x16xf32, #tpu.memory_space<vmem>>
          %dma_start3A_311 = arith.constant 0 : i32
          %dma_start3A_312 = tpu.memref_slice %arg7[%add3A_305, %dma_start3A_311] : memref<120x128xi32, #tpu.memory_space<vmem>> -> memref<1x128xi32, #tpu.memory_space<vmem>>
          %dma_start3A_313 = tpu.memref_squeeze %dma_start3A_312 : memref<1x128xi32, #tpu.memory_space<vmem>> -> memref<128xi32, #tpu.memory_space<vmem>>
          %dma_start3A_314 = arith.constant 0 : i32
          %dma_start3A_315 = arith.constant 0 : i32
          %dma_start3A_316 = tpu.memref_slice %arg2[%dma_start3A_314, %dma_start3A_315] : memref<10240x16xf32, #tpu.memory_space<hbm>> -> memref<10240x16xf32, #tpu.memory_space<hbm>>
          tpu.enqueue_indirect_dma source(%dma_start3A_316 : memref<10240x16xf32, #tpu.memory_space<hbm>>) target(%dma_start3A_310 : memref<128x16xf32, #tpu.memory_space<vmem>>) offsets(%dma_start3A_313 : memref<128xi32, #tpu.memory_space<vmem>>) semaphore(%arg12 : memref<!tpu.dma_semaphore, #tpu.memory_space<semaphore_mem>>)
        } else {
        }
        %mul3A_143 = arith.constant 8 : i32
        %mul3A_144 = arith.muli %scan3A_122, %mul3A_143 : i32
        %add3A_145 = arith.constant 1 : i32
        %add3A_146 = arith.addi %mul3A_144, %add3A_145 : i32
        %dma_wait3A_147 = arith.constant 1 : i32
        %dma_wait3A_148 = arith.constant 0 : i32
        %dma_wait3A_149 = arith.constant 0 : i32
        %dma_wait3A_150 = tpu.memref_slice %arg9[%dma_wait3A_147, %dma_wait3A_148, %dma_wait3A_149] : memref<8x128x16xf32, #tpu.memory_space<vmem>> -> memref<1x128x16xf32, #tpu.memory_space<vmem>>
        %dma_wait3A_151 = tpu.memref_squeeze %dma_wait3A_150 : memref<1x128x16xf32, #tpu.memory_space<vmem>> -> memref<128x16xf32, #tpu.memory_space<vmem>>
        %dma_wait3A_152 = arith.constant 0 : i32
        %dma_wait3A_153 = tpu.memref_slice %arg7[%add3A_146, %dma_wait3A_152] : memref<120x128xi32, #tpu.memory_space<vmem>> -> memref<1x128xi32, #tpu.memory_space<vmem>>
        %dma_wait3A_154 = tpu.memref_squeeze %dma_wait3A_153 : memref<1x128xi32, #tpu.memory_space<vmem>> -> memref<128xi32, #tpu.memory_space<vmem>>
        %dma_wait3A_155 = arith.constant 0 : i32
        %dma_wait3A_156 = arith.constant 0 : i32
        %dma_wait3A_157 = tpu.memref_slice %arg2[%dma_wait3A_155, %dma_wait3A_156] : memref<10240x16xf32, #tpu.memory_space<hbm>> -> memref<10240x16xf32, #tpu.memory_space<hbm>>
        tpu.wait_indirect_dma semaphore(%arg13 : memref<!tpu.dma_semaphore, #tpu.memory_space<semaphore_mem>>) src(%dma_wait3A_157 : memref<10240x16xf32, #tpu.memory_space<hbm>>) dst(%dma_wait3A_151 : memref<128x16xf32, #tpu.memory_space<vmem>>)
        %run_scoped3A_158 = arith.constant 1 : i32
        "tpu.region"() ({
          %run_scoped3A_304 = tpu.sem_alloc : memref<!tpu.dma_semaphore, #tpu.memory_space<semaphore_mem>>
          %dma_start3A_305 = arith.constant 0 : i32
          %dma_start3A_306 = arith.constant 0 : i32
          %dma_start3A_307 = tpu.memref_slice %arg9[%run_scoped3A_158, %dma_start3A_305, %dma_start3A_306] : memref<8x128x16xf32, #tpu.memory_space<vmem>> -> memref<1x128x16xf32, #tpu.memory_space<vmem>>
          %dma_start3A_308 = tpu.memref_squeeze %dma_start3A_307 : memref<1x128x16xf32, #tpu.memory_space<vmem>> -> memref<128x16xf32, #tpu.memory_space<vmem>>
          %dma_start3A_309 = arith.constant 0 : i32
          %dma_start3A_310 = tpu.memref_slice %arg8[%add3A_146, %dma_start3A_309] : memref<120x128xi32, #tpu.memory_space<vmem>> -> memref<1x128xi32, #tpu.memory_space<vmem>>
          %dma_start3A_311 = tpu.memref_squeeze %dma_start3A_310 : memref<1x128xi32, #tpu.memory_space<vmem>> -> memref<128xi32, #tpu.memory_space<vmem>>
          %dma_start3A_312 = arith.constant 0 : i32
          %dma_start3A_313 = arith.constant 0 : i32
          %dma_start3A_314 = tpu.memref_slice %arg11[%dma_start3A_312, %dma_start3A_313] : memref<10240x16xf32, #tpu.memory_space<vmem_shared>> -> memref<10240x16xf32, #tpu.memory_space<vmem_shared>>
          tpu.enqueue_indirect_dma source(%dma_start3A_308 : memref<128x16xf32, #tpu.memory_space<vmem>>) target(%dma_start3A_314 : memref<10240x16xf32, #tpu.memory_space<vmem_shared>>) offsets(%dma_start3A_311 : memref<128xi32, #tpu.memory_space<vmem>>) semaphore(%run_scoped3A_304 : memref<!tpu.dma_semaphore, #tpu.memory_space<semaphore_mem>>) {add = true}
          %dma_wait3A_315 = arith.constant 0 : i32
          %dma_wait3A_316 = arith.constant 0 : i32
          %dma_wait3A_317 = tpu.memref_slice %arg9[%run_scoped3A_158, %dma_wait3A_315, %dma_wait3A_316] : memref<8x128x16xf32, #tpu.memory_space<vmem>> -> memref<1x128x16xf32, #tpu.memory_space<vmem>>
          %dma_wait3A_318 = tpu.memref_squeeze %dma_wait3A_317 : memref<1x128x16xf32, #tpu.memory_space<vmem>> -> memref<128x16xf32, #tpu.memory_space<vmem>>
          %dma_wait3A_319 = arith.constant 0 : i32
          %dma_wait3A_320 = tpu.memref_slice %arg8[%add3A_146, %dma_wait3A_319] : memref<120x128xi32, #tpu.memory_space<vmem>> -> memref<1x128xi32, #tpu.memory_space<vmem>>
          %dma_wait3A_321 = tpu.memref_squeeze %dma_wait3A_320 : memref<1x128xi32, #tpu.memory_space<vmem>> -> memref<128xi32, #tpu.memory_space<vmem>>
          %dma_wait3A_322 = arith.constant 0 : i32
          %dma_wait3A_323 = arith.constant 0 : i32
          %dma_wait3A_324 = tpu.memref_slice %arg11[%dma_wait3A_322, %dma_wait3A_323] : memref<10240x16xf32, #tpu.memory_space<vmem_shared>> -> memref<10240x16xf32, #tpu.memory_space<vmem_shared>>
          tpu.wait_indirect_dma semaphore(%run_scoped3A_304 : memref<!tpu.dma_semaphore, #tpu.memory_space<semaphore_mem>>) src(%dma_wait3A_318 : memref<128x16xf32, #tpu.memory_space<vmem>>) dst(%dma_wait3A_324 : memref<10240x16xf32, #tpu.memory_space<vmem_shared>>)
          tpu.yield
        }) : () -> ()
        %add3A_159 = arith.constant 8 : i32
        %add3A_160 = arith.addi %add3A_146, %add3A_159 : i32
        %lt3A_161 = arith.constant 40 : i32
        %lt3A_162 = arith.cmpi slt, %add3A_160, %lt3A_161 : i32
        %convert_element_type3A_163 = arith.extui %lt3A_162 : i1 to i32
        %cond3A_164 = arith.constant 0 : i32
        %cond3A_165 = arith.cmpi ne, %convert_element_type3A_163, %cond3A_164 : i32
        scf.if %cond3A_165 {
          %add3A_304 = arith.constant 8 : i32
          %add3A_305 = arith.addi %add3A_146, %add3A_304 : i32
          %dma_start3A_306 = arith.constant 1 : i32
          %dma_start3A_307 = arith.constant 0 : i32
          %dma_start3A_308 = arith.constant 0 : i32
          %dma_start3A_309 = tpu.memref_slice %arg9[%dma_start3A_306, %dma_start3A_307, %dma_start3A_308] : memref<8x128x16xf32, #tpu.memory_space<vmem>> -> memref<1x128x16xf32, #tpu.memory_space<vmem>>
          %dma_start3A_310 = tpu.memref_squeeze %dma_start3A_309 : memref<1x128x16xf32, #tpu.memory_space<vmem>> -> memref<128x16xf32, #tpu.memory_space<vmem>>
          %dma_start3A_311 = arith.constant 0 : i32
          %dma_start3A_312 = tpu.memref_slice %arg7[%add3A_305, %dma_start3A_311] : memref<120x128xi32, #tpu.memory_space<vmem>> -> memref<1x128xi32, #tpu.memory_space<vmem>>
          %dma_start3A_313 = tpu.memref_squeeze %dma_start3A_312 : memref<1x128xi32, #tpu.memory_space<vmem>> -> memref<128xi32, #tpu.memory_space<vmem>>
          %dma_start3A_314 = arith.constant 0 : i32
          %dma_start3A_315 = arith.constant 0 : i32
          %dma_start3A_316 = tpu.memref_slice %arg2[%dma_start3A_314, %dma_start3A_315] : memref<10240x16xf32, #tpu.memory_space<hbm>> -> memref<10240x16xf32, #tpu.memory_space<hbm>>
          tpu.enqueue_indirect_dma source(%dma_start3A_316 : memref<10240x16xf32, #tpu.memory_space<hbm>>) target(%dma_start3A_310 : memref<128x16xf32, #tpu.memory_space<vmem>>) offsets(%dma_start3A_313 : memref<128xi32, #tpu.memory_space<vmem>>) semaphore(%arg13 : memref<!tpu.dma_semaphore, #tpu.memory_space<semaphore_mem>>)
        } else {
        }
        %mul3A_166 = arith.constant 8 : i32
        %mul3A_167 = arith.muli %scan3A_122, %mul3A_166 : i32
        %add3A_168 = arith.constant 2 : i32
        %add3A_169 = arith.addi %mul3A_167, %add3A_168 : i32
        %dma_wait3A_170 = arith.constant 2 : i32
        %dma_wait3A_171 = arith.constant 0 : i32
        %dma_wait3A_172 = arith.constant 0 : i32
        %dma_wait3A_173 = tpu.memref_slice %arg9[%dma_wait3A_170, %dma_wait3A_171, %dma_wait3A_172] : memref<8x128x16xf32, #tpu.memory_space<vmem>> -> memref<1x128x16xf32, #tpu.memory_space<vmem>>
        %dma_wait3A_174 = tpu.memref_squeeze %dma_wait3A_173 : memref<1x128x16xf32, #tpu.memory_space<vmem>> -> memref<128x16xf32, #tpu.memory_space<vmem>>
        %dma_wait3A_175 = arith.constant 0 : i32
        %dma_wait3A_176 = tpu.memref_slice %arg7[%add3A_169, %dma_wait3A_175] : memref<120x128xi32, #tpu.memory_space<vmem>> -> memref<1x128xi32, #tpu.memory_space<vmem>>
        %dma_wait3A_177 = tpu.memref_squeeze %dma_wait3A_176 : memref<1x128xi32, #tpu.memory_space<vmem>> -> memref<128xi32, #tpu.memory_space<vmem>>
        %dma_wait3A_178 = arith.constant 0 : i32
        %dma_wait3A_179 = arith.constant 0 : i32
        %dma_wait3A_180 = tpu.memref_slice %arg2[%dma_wait3A_178, %dma_wait3A_179] : memref<10240x16xf32, #tpu.memory_space<hbm>> -> memref<10240x16xf32, #tpu.memory_space<hbm>>
        tpu.wait_indirect_dma semaphore(%arg14 : memref<!tpu.dma_semaphore, #tpu.memory_space<semaphore_mem>>) src(%dma_wait3A_180 : memref<10240x16xf32, #tpu.memory_space<hbm>>) dst(%dma_wait3A_174 : memref<128x16xf32, #tpu.memory_space<vmem>>)
        %run_scoped3A_181 = arith.constant 2 : i32
        "tpu.region"() ({
          %run_scoped3A_304 = tpu.sem_alloc : memref<!tpu.dma_semaphore, #tpu.memory_space<semaphore_mem>>
          %dma_start3A_305 = arith.constant 0 : i32
          %dma_start3A_306 = arith.constant 0 : i32
          %dma_start3A_307 = tpu.memref_slice %arg9[%run_scoped3A_181, %dma_start3A_305, %dma_start3A_306] : memref<8x128x16xf32, #tpu.memory_space<vmem>> -> memref<1x128x16xf32, #tpu.memory_space<vmem>>
          %dma_start3A_308 = tpu.memref_squeeze %dma_start3A_307 : memref<1x128x16xf32, #tpu.memory_space<vmem>> -> memref<128x16xf32, #tpu.memory_space<vmem>>
          %dma_start3A_309 = arith.constant 0 : i32
          %dma_start3A_310 = tpu.memref_slice %arg8[%add3A_169, %dma_start3A_309] : memref<120x128xi32, #tpu.memory_space<vmem>> -> memref<1x128xi32, #tpu.memory_space<vmem>>
          %dma_start3A_311 = tpu.memref_squeeze %dma_start3A_310 : memref<1x128xi32, #tpu.memory_space<vmem>> -> memref<128xi32, #tpu.memory_space<vmem>>
          %dma_start3A_312 = arith.constant 0 : i32
          %dma_start3A_313 = arith.constant 0 : i32
          %dma_start3A_314 = tpu.memref_slice %arg11[%dma_start3A_312, %dma_start3A_313] : memref<10240x16xf32, #tpu.memory_space<vmem_shared>> -> memref<10240x16xf32, #tpu.memory_space<vmem_shared>>
          tpu.enqueue_indirect_dma source(%dma_start3A_308 : memref<128x16xf32, #tpu.memory_space<vmem>>) target(%dma_start3A_314 : memref<10240x16xf32, #tpu.memory_space<vmem_shared>>) offsets(%dma_start3A_311 : memref<128xi32, #tpu.memory_space<vmem>>) semaphore(%run_scoped3A_304 : memref<!tpu.dma_semaphore, #tpu.memory_space<semaphore_mem>>) {add = true}
          %dma_wait3A_315 = arith.constant 0 : i32
          %dma_wait3A_316 = arith.constant 0 : i32
          %dma_wait3A_317 = tpu.memref_slice %arg9[%run_scoped3A_181, %dma_wait3A_315, %dma_wait3A_316] : memref<8x128x16xf32, #tpu.memory_space<vmem>> -> memref<1x128x16xf32, #tpu.memory_space<vmem>>
          %dma_wait3A_318 = tpu.memref_squeeze %dma_wait3A_317 : memref<1x128x16xf32, #tpu.memory_space<vmem>> -> memref<128x16xf32, #tpu.memory_space<vmem>>
          %dma_wait3A_319 = arith.constant 0 : i32
          %dma_wait3A_320 = tpu.memref_slice %arg8[%add3A_169, %dma_wait3A_319] : memref<120x128xi32, #tpu.memory_space<vmem>> -> memref<1x128xi32, #tpu.memory_space<vmem>>
          %dma_wait3A_321 = tpu.memref_squeeze %dma_wait3A_320 : memref<1x128xi32, #tpu.memory_space<vmem>> -> memref<128xi32, #tpu.memory_space<vmem>>
          %dma_wait3A_322 = arith.constant 0 : i32
          %dma_wait3A_323 = arith.constant 0 : i32
          %dma_wait3A_324 = tpu.memref_slice %arg11[%dma_wait3A_322, %dma_wait3A_323] : memref<10240x16xf32, #tpu.memory_space<vmem_shared>> -> memref<10240x16xf32, #tpu.memory_space<vmem_shared>>
          tpu.wait_indirect_dma semaphore(%run_scoped3A_304 : memref<!tpu.dma_semaphore, #tpu.memory_space<semaphore_mem>>) src(%dma_wait3A_318 : memref<128x16xf32, #tpu.memory_space<vmem>>) dst(%dma_wait3A_324 : memref<10240x16xf32, #tpu.memory_space<vmem_shared>>)
          tpu.yield
        }) : () -> ()
        %add3A_182 = arith.constant 8 : i32
        %add3A_183 = arith.addi %add3A_169, %add3A_182 : i32
        %lt3A_184 = arith.constant 40 : i32
        %lt3A_185 = arith.cmpi slt, %add3A_183, %lt3A_184 : i32
        %convert_element_type3A_186 = arith.extui %lt3A_185 : i1 to i32
        %cond3A_187 = arith.constant 0 : i32
        %cond3A_188 = arith.cmpi ne, %convert_element_type3A_186, %cond3A_187 : i32
        scf.if %cond3A_188 {
          %add3A_304 = arith.constant 8 : i32
          %add3A_305 = arith.addi %add3A_169, %add3A_304 : i32
          %dma_start3A_306 = arith.constant 2 : i32
          %dma_start3A_307 = arith.constant 0 : i32
          %dma_start3A_308 = arith.constant 0 : i32
          %dma_start3A_309 = tpu.memref_slice %arg9[%dma_start3A_306, %dma_start3A_307, %dma_start3A_308] : memref<8x128x16xf32, #tpu.memory_space<vmem>> -> memref<1x128x16xf32, #tpu.memory_space<vmem>>
          %dma_start3A_310 = tpu.memref_squeeze %dma_start3A_309 : memref<1x128x16xf32, #tpu.memory_space<vmem>> -> memref<128x16xf32, #tpu.memory_space<vmem>>
          %dma_start3A_311 = arith.constant 0 : i32
          %dma_start3A_312 = tpu.memref_slice %arg7[%add3A_305, %dma_start3A_311] : memref<120x128xi32, #tpu.memory_space<vmem>> -> memref<1x128xi32, #tpu.memory_space<vmem>>
          %dma_start3A_313 = tpu.memref_squeeze %dma_start3A_312 : memref<1x128xi32, #tpu.memory_space<vmem>> -> memref<128xi32, #tpu.memory_space<vmem>>
          %dma_start3A_314 = arith.constant 0 : i32
          %dma_start3A_315 = arith.constant 0 : i32
          %dma_start3A_316 = tpu.memref_slice %arg2[%dma_start3A_314, %dma_start3A_315] : memref<10240x16xf32, #tpu.memory_space<hbm>> -> memref<10240x16xf32, #tpu.memory_space<hbm>>
          tpu.enqueue_indirect_dma source(%dma_start3A_316 : memref<10240x16xf32, #tpu.memory_space<hbm>>) target(%dma_start3A_310 : memref<128x16xf32, #tpu.memory_space<vmem>>) offsets(%dma_start3A_313 : memref<128xi32, #tpu.memory_space<vmem>>) semaphore(%arg14 : memref<!tpu.dma_semaphore, #tpu.memory_space<semaphore_mem>>)
        } else {
        }
        %mul3A_189 = arith.constant 8 : i32
        %mul3A_190 = arith.muli %scan3A_122, %mul3A_189 : i32
        %add3A_191 = arith.constant 3 : i32
        %add3A_192 = arith.addi %mul3A_190, %add3A_191 : i32
        %dma_wait3A_193 = arith.constant 3 : i32
        %dma_wait3A_194 = arith.constant 0 : i32
        %dma_wait3A_195 = arith.constant 0 : i32
        %dma_wait3A_196 = tpu.memref_slice %arg9[%dma_wait3A_193, %dma_wait3A_194, %dma_wait3A_195] : memref<8x128x16xf32, #tpu.memory_space<vmem>> -> memref<1x128x16xf32, #tpu.memory_space<vmem>>
        %dma_wait3A_197 = tpu.memref_squeeze %dma_wait3A_196 : memref<1x128x16xf32, #tpu.memory_space<vmem>> -> memref<128x16xf32, #tpu.memory_space<vmem>>
        %dma_wait3A_198 = arith.constant 0 : i32
        %dma_wait3A_199 = tpu.memref_slice %arg7[%add3A_192, %dma_wait3A_198] : memref<120x128xi32, #tpu.memory_space<vmem>> -> memref<1x128xi32, #tpu.memory_space<vmem>>
        %dma_wait3A_200 = tpu.memref_squeeze %dma_wait3A_199 : memref<1x128xi32, #tpu.memory_space<vmem>> -> memref<128xi32, #tpu.memory_space<vmem>>
        %dma_wait3A_201 = arith.constant 0 : i32
        %dma_wait3A_202 = arith.constant 0 : i32
        %dma_wait3A_203 = tpu.memref_slice %arg2[%dma_wait3A_201, %dma_wait3A_202] : memref<10240x16xf32, #tpu.memory_space<hbm>> -> memref<10240x16xf32, #tpu.memory_space<hbm>>
        tpu.wait_indirect_dma semaphore(%arg15 : memref<!tpu.dma_semaphore, #tpu.memory_space<semaphore_mem>>) src(%dma_wait3A_203 : memref<10240x16xf32, #tpu.memory_space<hbm>>) dst(%dma_wait3A_197 : memref<128x16xf32, #tpu.memory_space<vmem>>)
        %run_scoped3A_204 = arith.constant 3 : i32
        "tpu.region"() ({
          %run_scoped3A_304 = tpu.sem_alloc : memref<!tpu.dma_semaphore, #tpu.memory_space<semaphore_mem>>
          %dma_start3A_305 = arith.constant 0 : i32
          %dma_start3A_306 = arith.constant 0 : i32
          %dma_start3A_307 = tpu.memref_slice %arg9[%run_scoped3A_204, %dma_start3A_305, %dma_start3A_306] : memref<8x128x16xf32, #tpu.memory_space<vmem>> -> memref<1x128x16xf32, #tpu.memory_space<vmem>>
          %dma_start3A_308 = tpu.memref_squeeze %dma_start3A_307 : memref<1x128x16xf32, #tpu.memory_space<vmem>> -> memref<128x16xf32, #tpu.memory_space<vmem>>
          %dma_start3A_309 = arith.constant 0 : i32
          %dma_start3A_310 = tpu.memref_slice %arg8[%add3A_192, %dma_start3A_309] : memref<120x128xi32, #tpu.memory_space<vmem>> -> memref<1x128xi32, #tpu.memory_space<vmem>>
          %dma_start3A_311 = tpu.memref_squeeze %dma_start3A_310 : memref<1x128xi32, #tpu.memory_space<vmem>> -> memref<128xi32, #tpu.memory_space<vmem>>
          %dma_start3A_312 = arith.constant 0 : i32
          %dma_start3A_313 = arith.constant 0 : i32
          %dma_start3A_314 = tpu.memref_slice %arg11[%dma_start3A_312, %dma_start3A_313] : memref<10240x16xf32, #tpu.memory_space<vmem_shared>> -> memref<10240x16xf32, #tpu.memory_space<vmem_shared>>
          tpu.enqueue_indirect_dma source(%dma_start3A_308 : memref<128x16xf32, #tpu.memory_space<vmem>>) target(%dma_start3A_314 : memref<10240x16xf32, #tpu.memory_space<vmem_shared>>) offsets(%dma_start3A_311 : memref<128xi32, #tpu.memory_space<vmem>>) semaphore(%run_scoped3A_304 : memref<!tpu.dma_semaphore, #tpu.memory_space<semaphore_mem>>) {add = true}
          %dma_wait3A_315 = arith.constant 0 : i32
          %dma_wait3A_316 = arith.constant 0 : i32
          %dma_wait3A_317 = tpu.memref_slice %arg9[%run_scoped3A_204, %dma_wait3A_315, %dma_wait3A_316] : memref<8x128x16xf32, #tpu.memory_space<vmem>> -> memref<1x128x16xf32, #tpu.memory_space<vmem>>
          %dma_wait3A_318 = tpu.memref_squeeze %dma_wait3A_317 : memref<1x128x16xf32, #tpu.memory_space<vmem>> -> memref<128x16xf32, #tpu.memory_space<vmem>>
          %dma_wait3A_319 = arith.constant 0 : i32
          %dma_wait3A_320 = tpu.memref_slice %arg8[%add3A_192, %dma_wait3A_319] : memref<120x128xi32, #tpu.memory_space<vmem>> -> memref<1x128xi32, #tpu.memory_space<vmem>>
          %dma_wait3A_321 = tpu.memref_squeeze %dma_wait3A_320 : memref<1x128xi32, #tpu.memory_space<vmem>> -> memref<128xi32, #tpu.memory_space<vmem>>
          %dma_wait3A_322 = arith.constant 0 : i32
          %dma_wait3A_323 = arith.constant 0 : i32
          %dma_wait3A_324 = tpu.memref_slice %arg11[%dma_wait3A_322, %dma_wait3A_323] : memref<10240x16xf32, #tpu.memory_space<vmem_shared>> -> memref<10240x16xf32, #tpu.memory_space<vmem_shared>>
          tpu.wait_indirect_dma semaphore(%run_scoped3A_304 : memref<!tpu.dma_semaphore, #tpu.memory_space<semaphore_mem>>) src(%dma_wait3A_318 : memref<128x16xf32, #tpu.memory_space<vmem>>) dst(%dma_wait3A_324 : memref<10240x16xf32, #tpu.memory_space<vmem_shared>>)
          tpu.yield
        }) : () -> ()
        %add3A_205 = arith.constant 8 : i32
        %add3A_206 = arith.addi %add3A_192, %add3A_205 : i32
        %lt3A_207 = arith.constant 40 : i32
        %lt3A_208 = arith.cmpi slt, %add3A_206, %lt3A_207 : i32
        %convert_element_type3A_209 = arith.extui %lt3A_208 : i1 to i32
        %cond3A_210 = arith.constant 0 : i32
        %cond3A_211 = arith.cmpi ne, %convert_element_type3A_209, %cond3A_210 : i32
        scf.if %cond3A_211 {
          %add3A_304 = arith.constant 8 : i32
          %add3A_305 = arith.addi %add3A_192, %add3A_304 : i32
          %dma_start3A_306 = arith.constant 3 : i32
          %dma_start3A_307 = arith.constant 0 : i32
          %dma_start3A_308 = arith.constant 0 : i32
          %dma_start3A_309 = tpu.memref_slice %arg9[%dma_start3A_306, %dma_start3A_307, %dma_start3A_308] : memref<8x128x16xf32, #tpu.memory_space<vmem>> -> memref<1x128x16xf32, #tpu.memory_space<vmem>>
          %dma_start3A_310 = tpu.memref_squeeze %dma_start3A_309 : memref<1x128x16xf32, #tpu.memory_space<vmem>> -> memref<128x16xf32, #tpu.memory_space<vmem>>
          %dma_start3A_311 = arith.constant 0 : i32
          %dma_start3A_312 = tpu.memref_slice %arg7[%add3A_305, %dma_start3A_311] : memref<120x128xi32, #tpu.memory_space<vmem>> -> memref<1x128xi32, #tpu.memory_space<vmem>>
          %dma_start3A_313 = tpu.memref_squeeze %dma_start3A_312 : memref<1x128xi32, #tpu.memory_space<vmem>> -> memref<128xi32, #tpu.memory_space<vmem>>
          %dma_start3A_314 = arith.constant 0 : i32
          %dma_start3A_315 = arith.constant 0 : i32
          %dma_start3A_316 = tpu.memref_slice %arg2[%dma_start3A_314, %dma_start3A_315] : memref<10240x16xf32, #tpu.memory_space<hbm>> -> memref<10240x16xf32, #tpu.memory_space<hbm>>
          tpu.enqueue_indirect_dma source(%dma_start3A_316 : memref<10240x16xf32, #tpu.memory_space<hbm>>) target(%dma_start3A_310 : memref<128x16xf32, #tpu.memory_space<vmem>>) offsets(%dma_start3A_313 : memref<128xi32, #tpu.memory_space<vmem>>) semaphore(%arg15 : memref<!tpu.dma_semaphore, #tpu.memory_space<semaphore_mem>>)
        } else {
        }
        %mul3A_212 = arith.constant 8 : i32
        %mul3A_213 = arith.muli %scan3A_122, %mul3A_212 : i32
        %add3A_214 = arith.constant 4 : i32
        %add3A_215 = arith.addi %mul3A_213, %add3A_214 : i32
        %dma_wait3A_216 = arith.constant 4 : i32
        %dma_wait3A_217 = arith.constant 0 : i32
        %dma_wait3A_218 = arith.constant 0 : i32
        %dma_wait3A_219 = tpu.memref_slice %arg9[%dma_wait3A_216, %dma_wait3A_217, %dma_wait3A_218] : memref<8x128x16xf32, #tpu.memory_space<vmem>> -> memref<1x128x16xf32, #tpu.memory_space<vmem>>
        %dma_wait3A_220 = tpu.memref_squeeze %dma_wait3A_219 : memref<1x128x16xf32, #tpu.memory_space<vmem>> -> memref<128x16xf32, #tpu.memory_space<vmem>>
        %dma_wait3A_221 = arith.constant 0 : i32
        %dma_wait3A_222 = tpu.memref_slice %arg7[%add3A_215, %dma_wait3A_221] : memref<120x128xi32, #tpu.memory_space<vmem>> -> memref<1x128xi32, #tpu.memory_space<vmem>>
        %dma_wait3A_223 = tpu.memref_squeeze %dma_wait3A_222 : memref<1x128xi32, #tpu.memory_space<vmem>> -> memref<128xi32, #tpu.memory_space<vmem>>
        %dma_wait3A_224 = arith.constant 0 : i32
        %dma_wait3A_225 = arith.constant 0 : i32
        %dma_wait3A_226 = tpu.memref_slice %arg2[%dma_wait3A_224, %dma_wait3A_225] : memref<10240x16xf32, #tpu.memory_space<hbm>> -> memref<10240x16xf32, #tpu.memory_space<hbm>>
        tpu.wait_indirect_dma semaphore(%arg16 : memref<!tpu.dma_semaphore, #tpu.memory_space<semaphore_mem>>) src(%dma_wait3A_226 : memref<10240x16xf32, #tpu.memory_space<hbm>>) dst(%dma_wait3A_220 : memref<128x16xf32, #tpu.memory_space<vmem>>)
        %run_scoped3A_227 = arith.constant 4 : i32
        "tpu.region"() ({
          %run_scoped3A_304 = tpu.sem_alloc : memref<!tpu.dma_semaphore, #tpu.memory_space<semaphore_mem>>
          %dma_start3A_305 = arith.constant 0 : i32
          %dma_start3A_306 = arith.constant 0 : i32
          %dma_start3A_307 = tpu.memref_slice %arg9[%run_scoped3A_227, %dma_start3A_305, %dma_start3A_306] : memref<8x128x16xf32, #tpu.memory_space<vmem>> -> memref<1x128x16xf32, #tpu.memory_space<vmem>>
          %dma_start3A_308 = tpu.memref_squeeze %dma_start3A_307 : memref<1x128x16xf32, #tpu.memory_space<vmem>> -> memref<128x16xf32, #tpu.memory_space<vmem>>
          %dma_start3A_309 = arith.constant 0 : i32
          %dma_start3A_310 = tpu.memref_slice %arg8[%add3A_215, %dma_start3A_309] : memref<120x128xi32, #tpu.memory_space<vmem>> -> memref<1x128xi32, #tpu.memory_space<vmem>>
          %dma_start3A_311 = tpu.memref_squeeze %dma_start3A_310 : memref<1x128xi32, #tpu.memory_space<vmem>> -> memref<128xi32, #tpu.memory_space<vmem>>
          %dma_start3A_312 = arith.constant 0 : i32
          %dma_start3A_313 = arith.constant 0 : i32
          %dma_start3A_314 = tpu.memref_slice %arg11[%dma_start3A_312, %dma_start3A_313] : memref<10240x16xf32, #tpu.memory_space<vmem_shared>> -> memref<10240x16xf32, #tpu.memory_space<vmem_shared>>
          tpu.enqueue_indirect_dma source(%dma_start3A_308 : memref<128x16xf32, #tpu.memory_space<vmem>>) target(%dma_start3A_314 : memref<10240x16xf32, #tpu.memory_space<vmem_shared>>) offsets(%dma_start3A_311 : memref<128xi32, #tpu.memory_space<vmem>>) semaphore(%run_scoped3A_304 : memref<!tpu.dma_semaphore, #tpu.memory_space<semaphore_mem>>) {add = true}
          %dma_wait3A_315 = arith.constant 0 : i32
          %dma_wait3A_316 = arith.constant 0 : i32
          %dma_wait3A_317 = tpu.memref_slice %arg9[%run_scoped3A_227, %dma_wait3A_315, %dma_wait3A_316] : memref<8x128x16xf32, #tpu.memory_space<vmem>> -> memref<1x128x16xf32, #tpu.memory_space<vmem>>
          %dma_wait3A_318 = tpu.memref_squeeze %dma_wait3A_317 : memref<1x128x16xf32, #tpu.memory_space<vmem>> -> memref<128x16xf32, #tpu.memory_space<vmem>>
          %dma_wait3A_319 = arith.constant 0 : i32
          %dma_wait3A_320 = tpu.memref_slice %arg8[%add3A_215, %dma_wait3A_319] : memref<120x128xi32, #tpu.memory_space<vmem>> -> memref<1x128xi32, #tpu.memory_space<vmem>>
          %dma_wait3A_321 = tpu.memref_squeeze %dma_wait3A_320 : memref<1x128xi32, #tpu.memory_space<vmem>> -> memref<128xi32, #tpu.memory_space<vmem>>
          %dma_wait3A_322 = arith.constant 0 : i32
          %dma_wait3A_323 = arith.constant 0 : i32
          %dma_wait3A_324 = tpu.memref_slice %arg11[%dma_wait3A_322, %dma_wait3A_323] : memref<10240x16xf32, #tpu.memory_space<vmem_shared>> -> memref<10240x16xf32, #tpu.memory_space<vmem_shared>>
          tpu.wait_indirect_dma semaphore(%run_scoped3A_304 : memref<!tpu.dma_semaphore, #tpu.memory_space<semaphore_mem>>) src(%dma_wait3A_318 : memref<128x16xf32, #tpu.memory_space<vmem>>) dst(%dma_wait3A_324 : memref<10240x16xf32, #tpu.memory_space<vmem_shared>>)
          tpu.yield
        }) : () -> ()
        %add3A_228 = arith.constant 8 : i32
        %add3A_229 = arith.addi %add3A_215, %add3A_228 : i32
        %lt3A_230 = arith.constant 40 : i32
        %lt3A_231 = arith.cmpi slt, %add3A_229, %lt3A_230 : i32
        %convert_element_type3A_232 = arith.extui %lt3A_231 : i1 to i32
        %cond3A_233 = arith.constant 0 : i32
        %cond3A_234 = arith.cmpi ne, %convert_element_type3A_232, %cond3A_233 : i32
        scf.if %cond3A_234 {
          %add3A_304 = arith.constant 8 : i32
          %add3A_305 = arith.addi %add3A_215, %add3A_304 : i32
          %dma_start3A_306 = arith.constant 4 : i32
          %dma_start3A_307 = arith.constant 0 : i32
          %dma_start3A_308 = arith.constant 0 : i32
          %dma_start3A_309 = tpu.memref_slice %arg9[%dma_start3A_306, %dma_start3A_307, %dma_start3A_308] : memref<8x128x16xf32, #tpu.memory_space<vmem>> -> memref<1x128x16xf32, #tpu.memory_space<vmem>>
          %dma_start3A_310 = tpu.memref_squeeze %dma_start3A_309 : memref<1x128x16xf32, #tpu.memory_space<vmem>> -> memref<128x16xf32, #tpu.memory_space<vmem>>
          %dma_start3A_311 = arith.constant 0 : i32
          %dma_start3A_312 = tpu.memref_slice %arg7[%add3A_305, %dma_start3A_311] : memref<120x128xi32, #tpu.memory_space<vmem>> -> memref<1x128xi32, #tpu.memory_space<vmem>>
          %dma_start3A_313 = tpu.memref_squeeze %dma_start3A_312 : memref<1x128xi32, #tpu.memory_space<vmem>> -> memref<128xi32, #tpu.memory_space<vmem>>
          %dma_start3A_314 = arith.constant 0 : i32
          %dma_start3A_315 = arith.constant 0 : i32
          %dma_start3A_316 = tpu.memref_slice %arg2[%dma_start3A_314, %dma_start3A_315] : memref<10240x16xf32, #tpu.memory_space<hbm>> -> memref<10240x16xf32, #tpu.memory_space<hbm>>
          tpu.enqueue_indirect_dma source(%dma_start3A_316 : memref<10240x16xf32, #tpu.memory_space<hbm>>) target(%dma_start3A_310 : memref<128x16xf32, #tpu.memory_space<vmem>>) offsets(%dma_start3A_313 : memref<128xi32, #tpu.memory_space<vmem>>) semaphore(%arg16 : memref<!tpu.dma_semaphore, #tpu.memory_space<semaphore_mem>>)
        } else {
        }
        %mul3A_235 = arith.constant 8 : i32
        %mul3A_236 = arith.muli %scan3A_122, %mul3A_235 : i32
        %add3A_237 = arith.constant 5 : i32
        %add3A_238 = arith.addi %mul3A_236, %add3A_237 : i32
        %dma_wait3A_239 = arith.constant 5 : i32
        %dma_wait3A_240 = arith.constant 0 : i32
        %dma_wait3A_241 = arith.constant 0 : i32
        %dma_wait3A_242 = tpu.memref_slice %arg9[%dma_wait3A_239, %dma_wait3A_240, %dma_wait3A_241] : memref<8x128x16xf32, #tpu.memory_space<vmem>> -> memref<1x128x16xf32, #tpu.memory_space<vmem>>
        %dma_wait3A_243 = tpu.memref_squeeze %dma_wait3A_242 : memref<1x128x16xf32, #tpu.memory_space<vmem>> -> memref<128x16xf32, #tpu.memory_space<vmem>>
        %dma_wait3A_244 = arith.constant 0 : i32
        %dma_wait3A_245 = tpu.memref_slice %arg7[%add3A_238, %dma_wait3A_244] : memref<120x128xi32, #tpu.memory_space<vmem>> -> memref<1x128xi32, #tpu.memory_space<vmem>>
        %dma_wait3A_246 = tpu.memref_squeeze %dma_wait3A_245 : memref<1x128xi32, #tpu.memory_space<vmem>> -> memref<128xi32, #tpu.memory_space<vmem>>
        %dma_wait3A_247 = arith.constant 0 : i32
        %dma_wait3A_248 = arith.constant 0 : i32
        %dma_wait3A_249 = tpu.memref_slice %arg2[%dma_wait3A_247, %dma_wait3A_248] : memref<10240x16xf32, #tpu.memory_space<hbm>> -> memref<10240x16xf32, #tpu.memory_space<hbm>>
        tpu.wait_indirect_dma semaphore(%arg17 : memref<!tpu.dma_semaphore, #tpu.memory_space<semaphore_mem>>) src(%dma_wait3A_249 : memref<10240x16xf32, #tpu.memory_space<hbm>>) dst(%dma_wait3A_243 : memref<128x16xf32, #tpu.memory_space<vmem>>)
        %run_scoped3A_250 = arith.constant 5 : i32
        "tpu.region"() ({
          %run_scoped3A_304 = tpu.sem_alloc : memref<!tpu.dma_semaphore, #tpu.memory_space<semaphore_mem>>
          %dma_start3A_305 = arith.constant 0 : i32
          %dma_start3A_306 = arith.constant 0 : i32
          %dma_start3A_307 = tpu.memref_slice %arg9[%run_scoped3A_250, %dma_start3A_305, %dma_start3A_306] : memref<8x128x16xf32, #tpu.memory_space<vmem>> -> memref<1x128x16xf32, #tpu.memory_space<vmem>>
          %dma_start3A_308 = tpu.memref_squeeze %dma_start3A_307 : memref<1x128x16xf32, #tpu.memory_space<vmem>> -> memref<128x16xf32, #tpu.memory_space<vmem>>
          %dma_start3A_309 = arith.constant 0 : i32
          %dma_start3A_310 = tpu.memref_slice %arg8[%add3A_238, %dma_start3A_309] : memref<120x128xi32, #tpu.memory_space<vmem>> -> memref<1x128xi32, #tpu.memory_space<vmem>>
          %dma_start3A_311 = tpu.memref_squeeze %dma_start3A_310 : memref<1x128xi32, #tpu.memory_space<vmem>> -> memref<128xi32, #tpu.memory_space<vmem>>
          %dma_start3A_312 = arith.constant 0 : i32
          %dma_start3A_313 = arith.constant 0 : i32
          %dma_start3A_314 = tpu.memref_slice %arg11[%dma_start3A_312, %dma_start3A_313] : memref<10240x16xf32, #tpu.memory_space<vmem_shared>> -> memref<10240x16xf32, #tpu.memory_space<vmem_shared>>
          tpu.enqueue_indirect_dma source(%dma_start3A_308 : memref<128x16xf32, #tpu.memory_space<vmem>>) target(%dma_start3A_314 : memref<10240x16xf32, #tpu.memory_space<vmem_shared>>) offsets(%dma_start3A_311 : memref<128xi32, #tpu.memory_space<vmem>>) semaphore(%run_scoped3A_304 : memref<!tpu.dma_semaphore, #tpu.memory_space<semaphore_mem>>) {add = true}
          %dma_wait3A_315 = arith.constant 0 : i32
          %dma_wait3A_316 = arith.constant 0 : i32
          %dma_wait3A_317 = tpu.memref_slice %arg9[%run_scoped3A_250, %dma_wait3A_315, %dma_wait3A_316] : memref<8x128x16xf32, #tpu.memory_space<vmem>> -> memref<1x128x16xf32, #tpu.memory_space<vmem>>
          %dma_wait3A_318 = tpu.memref_squeeze %dma_wait3A_317 : memref<1x128x16xf32, #tpu.memory_space<vmem>> -> memref<128x16xf32, #tpu.memory_space<vmem>>
          %dma_wait3A_319 = arith.constant 0 : i32
          %dma_wait3A_320 = tpu.memref_slice %arg8[%add3A_238, %dma_wait3A_319] : memref<120x128xi32, #tpu.memory_space<vmem>> -> memref<1x128xi32, #tpu.memory_space<vmem>>
          %dma_wait3A_321 = tpu.memref_squeeze %dma_wait3A_320 : memref<1x128xi32, #tpu.memory_space<vmem>> -> memref<128xi32, #tpu.memory_space<vmem>>
          %dma_wait3A_322 = arith.constant 0 : i32
          %dma_wait3A_323 = arith.constant 0 : i32
          %dma_wait3A_324 = tpu.memref_slice %arg11[%dma_wait3A_322, %dma_wait3A_323] : memref<10240x16xf32, #tpu.memory_space<vmem_shared>> -> memref<10240x16xf32, #tpu.memory_space<vmem_shared>>
          tpu.wait_indirect_dma semaphore(%run_scoped3A_304 : memref<!tpu.dma_semaphore, #tpu.memory_space<semaphore_mem>>) src(%dma_wait3A_318 : memref<128x16xf32, #tpu.memory_space<vmem>>) dst(%dma_wait3A_324 : memref<10240x16xf32, #tpu.memory_space<vmem_shared>>)
          tpu.yield
        }) : () -> ()
        %add3A_251 = arith.constant 8 : i32
        %add3A_252 = arith.addi %add3A_238, %add3A_251 : i32
        %lt3A_253 = arith.constant 40 : i32
        %lt3A_254 = arith.cmpi slt, %add3A_252, %lt3A_253 : i32
        %convert_element_type3A_255 = arith.extui %lt3A_254 : i1 to i32
        %cond3A_256 = arith.constant 0 : i32
        %cond3A_257 = arith.cmpi ne, %convert_element_type3A_255, %cond3A_256 : i32
        scf.if %cond3A_257 {
          %add3A_304 = arith.constant 8 : i32
          %add3A_305 = arith.addi %add3A_238, %add3A_304 : i32
          %dma_start3A_306 = arith.constant 5 : i32
          %dma_start3A_307 = arith.constant 0 : i32
          %dma_start3A_308 = arith.constant 0 : i32
          %dma_start3A_309 = tpu.memref_slice %arg9[%dma_start3A_306, %dma_start3A_307, %dma_start3A_308] : memref<8x128x16xf32, #tpu.memory_space<vmem>> -> memref<1x128x16xf32, #tpu.memory_space<vmem>>
          %dma_start3A_310 = tpu.memref_squeeze %dma_start3A_309 : memref<1x128x16xf32, #tpu.memory_space<vmem>> -> memref<128x16xf32, #tpu.memory_space<vmem>>
          %dma_start3A_311 = arith.constant 0 : i32
          %dma_start3A_312 = tpu.memref_slice %arg7[%add3A_305, %dma_start3A_311] : memref<120x128xi32, #tpu.memory_space<vmem>> -> memref<1x128xi32, #tpu.memory_space<vmem>>
          %dma_start3A_313 = tpu.memref_squeeze %dma_start3A_312 : memref<1x128xi32, #tpu.memory_space<vmem>> -> memref<128xi32, #tpu.memory_space<vmem>>
          %dma_start3A_314 = arith.constant 0 : i32
          %dma_start3A_315 = arith.constant 0 : i32
          %dma_start3A_316 = tpu.memref_slice %arg2[%dma_start3A_314, %dma_start3A_315] : memref<10240x16xf32, #tpu.memory_space<hbm>> -> memref<10240x16xf32, #tpu.memory_space<hbm>>
          tpu.enqueue_indirect_dma source(%dma_start3A_316 : memref<10240x16xf32, #tpu.memory_space<hbm>>) target(%dma_start3A_310 : memref<128x16xf32, #tpu.memory_space<vmem>>) offsets(%dma_start3A_313 : memref<128xi32, #tpu.memory_space<vmem>>) semaphore(%arg17 : memref<!tpu.dma_semaphore, #tpu.memory_space<semaphore_mem>>)
        } else {
        }
        %mul3A_258 = arith.constant 8 : i32
        %mul3A_259 = arith.muli %scan3A_122, %mul3A_258 : i32
        %add3A_260 = arith.constant 6 : i32
        %add3A_261 = arith.addi %mul3A_259, %add3A_260 : i32
        %dma_wait3A_262 = arith.constant 6 : i32
        %dma_wait3A_263 = arith.constant 0 : i32
        %dma_wait3A_264 = arith.constant 0 : i32
        %dma_wait3A_265 = tpu.memref_slice %arg9[%dma_wait3A_262, %dma_wait3A_263, %dma_wait3A_264] : memref<8x128x16xf32, #tpu.memory_space<vmem>> -> memref<1x128x16xf32, #tpu.memory_space<vmem>>
        %dma_wait3A_266 = tpu.memref_squeeze %dma_wait3A_265 : memref<1x128x16xf32, #tpu.memory_space<vmem>> -> memref<128x16xf32, #tpu.memory_space<vmem>>
        %dma_wait3A_267 = arith.constant 0 : i32
        %dma_wait3A_268 = tpu.memref_slice %arg7[%add3A_261, %dma_wait3A_267] : memref<120x128xi32, #tpu.memory_space<vmem>> -> memref<1x128xi32, #tpu.memory_space<vmem>>
        %dma_wait3A_269 = tpu.memref_squeeze %dma_wait3A_268 : memref<1x128xi32, #tpu.memory_space<vmem>> -> memref<128xi32, #tpu.memory_space<vmem>>
        %dma_wait3A_270 = arith.constant 0 : i32
        %dma_wait3A_271 = arith.constant 0 : i32
        %dma_wait3A_272 = tpu.memref_slice %arg2[%dma_wait3A_270, %dma_wait3A_271] : memref<10240x16xf32, #tpu.memory_space<hbm>> -> memref<10240x16xf32, #tpu.memory_space<hbm>>
        tpu.wait_indirect_dma semaphore(%arg18 : memref<!tpu.dma_semaphore, #tpu.memory_space<semaphore_mem>>) src(%dma_wait3A_272 : memref<10240x16xf32, #tpu.memory_space<hbm>>) dst(%dma_wait3A_266 : memref<128x16xf32, #tpu.memory_space<vmem>>)
        %run_scoped3A_273 = arith.constant 6 : i32
        "tpu.region"() ({
          %run_scoped3A_304 = tpu.sem_alloc : memref<!tpu.dma_semaphore, #tpu.memory_space<semaphore_mem>>
          %dma_start3A_305 = arith.constant 0 : i32
          %dma_start3A_306 = arith.constant 0 : i32
          %dma_start3A_307 = tpu.memref_slice %arg9[%run_scoped3A_273, %dma_start3A_305, %dma_start3A_306] : memref<8x128x16xf32, #tpu.memory_space<vmem>> -> memref<1x128x16xf32, #tpu.memory_space<vmem>>
          %dma_start3A_308 = tpu.memref_squeeze %dma_start3A_307 : memref<1x128x16xf32, #tpu.memory_space<vmem>> -> memref<128x16xf32, #tpu.memory_space<vmem>>
          %dma_start3A_309 = arith.constant 0 : i32
          %dma_start3A_310 = tpu.memref_slice %arg8[%add3A_261, %dma_start3A_309] : memref<120x128xi32, #tpu.memory_space<vmem>> -> memref<1x128xi32, #tpu.memory_space<vmem>>
          %dma_start3A_311 = tpu.memref_squeeze %dma_start3A_310 : memref<1x128xi32, #tpu.memory_space<vmem>> -> memref<128xi32, #tpu.memory_space<vmem>>
          %dma_start3A_312 = arith.constant 0 : i32
          %dma_start3A_313 = arith.constant 0 : i32
          %dma_start3A_314 = tpu.memref_slice %arg11[%dma_start3A_312, %dma_start3A_313] : memref<10240x16xf32, #tpu.memory_space<vmem_shared>> -> memref<10240x16xf32, #tpu.memory_space<vmem_shared>>
          tpu.enqueue_indirect_dma source(%dma_start3A_308 : memref<128x16xf32, #tpu.memory_space<vmem>>) target(%dma_start3A_314 : memref<10240x16xf32, #tpu.memory_space<vmem_shared>>) offsets(%dma_start3A_311 : memref<128xi32, #tpu.memory_space<vmem>>) semaphore(%run_scoped3A_304 : memref<!tpu.dma_semaphore, #tpu.memory_space<semaphore_mem>>) {add = true}
          %dma_wait3A_315 = arith.constant 0 : i32
          %dma_wait3A_316 = arith.constant 0 : i32
          %dma_wait3A_317 = tpu.memref_slice %arg9[%run_scoped3A_273, %dma_wait3A_315, %dma_wait3A_316] : memref<8x128x16xf32, #tpu.memory_space<vmem>> -> memref<1x128x16xf32, #tpu.memory_space<vmem>>
          %dma_wait3A_318 = tpu.memref_squeeze %dma_wait3A_317 : memref<1x128x16xf32, #tpu.memory_space<vmem>> -> memref<128x16xf32, #tpu.memory_space<vmem>>
          %dma_wait3A_319 = arith.constant 0 : i32
          %dma_wait3A_320 = tpu.memref_slice %arg8[%add3A_261, %dma_wait3A_319] : memref<120x128xi32, #tpu.memory_space<vmem>> -> memref<1x128xi32, #tpu.memory_space<vmem>>
          %dma_wait3A_321 = tpu.memref_squeeze %dma_wait3A_320 : memref<1x128xi32, #tpu.memory_space<vmem>> -> memref<128xi32, #tpu.memory_space<vmem>>
          %dma_wait3A_322 = arith.constant 0 : i32
          %dma_wait3A_323 = arith.constant 0 : i32
          %dma_wait3A_324 = tpu.memref_slice %arg11[%dma_wait3A_322, %dma_wait3A_323] : memref<10240x16xf32, #tpu.memory_space<vmem_shared>> -> memref<10240x16xf32, #tpu.memory_space<vmem_shared>>
          tpu.wait_indirect_dma semaphore(%run_scoped3A_304 : memref<!tpu.dma_semaphore, #tpu.memory_space<semaphore_mem>>) src(%dma_wait3A_318 : memref<128x16xf32, #tpu.memory_space<vmem>>) dst(%dma_wait3A_324 : memref<10240x16xf32, #tpu.memory_space<vmem_shared>>)
          tpu.yield
        }) : () -> ()
        %add3A_274 = arith.constant 8 : i32
        %add3A_275 = arith.addi %add3A_261, %add3A_274 : i32
        %lt3A_276 = arith.constant 40 : i32
        %lt3A_277 = arith.cmpi slt, %add3A_275, %lt3A_276 : i32
        %convert_element_type3A_278 = arith.extui %lt3A_277 : i1 to i32
        %cond3A_279 = arith.constant 0 : i32
        %cond3A_280 = arith.cmpi ne, %convert_element_type3A_278, %cond3A_279 : i32
        scf.if %cond3A_280 {
          %add3A_304 = arith.constant 8 : i32
          %add3A_305 = arith.addi %add3A_261, %add3A_304 : i32
          %dma_start3A_306 = arith.constant 6 : i32
          %dma_start3A_307 = arith.constant 0 : i32
          %dma_start3A_308 = arith.constant 0 : i32
          %dma_start3A_309 = tpu.memref_slice %arg9[%dma_start3A_306, %dma_start3A_307, %dma_start3A_308] : memref<8x128x16xf32, #tpu.memory_space<vmem>> -> memref<1x128x16xf32, #tpu.memory_space<vmem>>
          %dma_start3A_310 = tpu.memref_squeeze %dma_start3A_309 : memref<1x128x16xf32, #tpu.memory_space<vmem>> -> memref<128x16xf32, #tpu.memory_space<vmem>>
          %dma_start3A_311 = arith.constant 0 : i32
          %dma_start3A_312 = tpu.memref_slice %arg7[%add3A_305, %dma_start3A_311] : memref<120x128xi32, #tpu.memory_space<vmem>> -> memref<1x128xi32, #tpu.memory_space<vmem>>
          %dma_start3A_313 = tpu.memref_squeeze %dma_start3A_312 : memref<1x128xi32, #tpu.memory_space<vmem>> -> memref<128xi32, #tpu.memory_space<vmem>>
          %dma_start3A_314 = arith.constant 0 : i32
          %dma_start3A_315 = arith.constant 0 : i32
          %dma_start3A_316 = tpu.memref_slice %arg2[%dma_start3A_314, %dma_start3A_315] : memref<10240x16xf32, #tpu.memory_space<hbm>> -> memref<10240x16xf32, #tpu.memory_space<hbm>>
          tpu.enqueue_indirect_dma source(%dma_start3A_316 : memref<10240x16xf32, #tpu.memory_space<hbm>>) target(%dma_start3A_310 : memref<128x16xf32, #tpu.memory_space<vmem>>) offsets(%dma_start3A_313 : memref<128xi32, #tpu.memory_space<vmem>>) semaphore(%arg18 : memref<!tpu.dma_semaphore, #tpu.memory_space<semaphore_mem>>)
        } else {
        }
        %mul3A_281 = arith.constant 8 : i32
        %mul3A_282 = arith.muli %scan3A_122, %mul3A_281 : i32
        %add3A_283 = arith.constant 7 : i32
        %add3A_284 = arith.addi %mul3A_282, %add3A_283 : i32
        %dma_wait3A_285 = arith.constant 7 : i32
        %dma_wait3A_286 = arith.constant 0 : i32
        %dma_wait3A_287 = arith.constant 0 : i32
        %dma_wait3A_288 = tpu.memref_slice %arg9[%dma_wait3A_285, %dma_wait3A_286, %dma_wait3A_287] : memref<8x128x16xf32, #tpu.memory_space<vmem>> -> memref<1x128x16xf32, #tpu.memory_space<vmem>>
        %dma_wait3A_289 = tpu.memref_squeeze %dma_wait3A_288 : memref<1x128x16xf32, #tpu.memory_space<vmem>> -> memref<128x16xf32, #tpu.memory_space<vmem>>
        %dma_wait3A_290 = arith.constant 0 : i32
        %dma_wait3A_291 = tpu.memref_slice %arg7[%add3A_284, %dma_wait3A_290] : memref<120x128xi32, #tpu.memory_space<vmem>> -> memref<1x128xi32, #tpu.memory_space<vmem>>
        %dma_wait3A_292 = tpu.memref_squeeze %dma_wait3A_291 : memref<1x128xi32, #tpu.memory_space<vmem>> -> memref<128xi32, #tpu.memory_space<vmem>>
        %dma_wait3A_293 = arith.constant 0 : i32
        %dma_wait3A_294 = arith.constant 0 : i32
        %dma_wait3A_295 = tpu.memref_slice %arg2[%dma_wait3A_293, %dma_wait3A_294] : memref<10240x16xf32, #tpu.memory_space<hbm>> -> memref<10240x16xf32, #tpu.memory_space<hbm>>
        tpu.wait_indirect_dma semaphore(%arg19 : memref<!tpu.dma_semaphore, #tpu.memory_space<semaphore_mem>>) src(%dma_wait3A_295 : memref<10240x16xf32, #tpu.memory_space<hbm>>) dst(%dma_wait3A_289 : memref<128x16xf32, #tpu.memory_space<vmem>>)
        %run_scoped3A_296 = arith.constant 7 : i32
        "tpu.region"() ({
          %run_scoped3A_304 = tpu.sem_alloc : memref<!tpu.dma_semaphore, #tpu.memory_space<semaphore_mem>>
          %dma_start3A_305 = arith.constant 0 : i32
          %dma_start3A_306 = arith.constant 0 : i32
          %dma_start3A_307 = tpu.memref_slice %arg9[%run_scoped3A_296, %dma_start3A_305, %dma_start3A_306] : memref<8x128x16xf32, #tpu.memory_space<vmem>> -> memref<1x128x16xf32, #tpu.memory_space<vmem>>
          %dma_start3A_308 = tpu.memref_squeeze %dma_start3A_307 : memref<1x128x16xf32, #tpu.memory_space<vmem>> -> memref<128x16xf32, #tpu.memory_space<vmem>>
          %dma_start3A_309 = arith.constant 0 : i32
          %dma_start3A_310 = tpu.memref_slice %arg8[%add3A_284, %dma_start3A_309] : memref<120x128xi32, #tpu.memory_space<vmem>> -> memref<1x128xi32, #tpu.memory_space<vmem>>
          %dma_start3A_311 = tpu.memref_squeeze %dma_start3A_310 : memref<1x128xi32, #tpu.memory_space<vmem>> -> memref<128xi32, #tpu.memory_space<vmem>>
          %dma_start3A_312 = arith.constant 0 : i32
          %dma_start3A_313 = arith.constant 0 : i32
          %dma_start3A_314 = tpu.memref_slice %arg11[%dma_start3A_312, %dma_start3A_313] : memref<10240x16xf32, #tpu.memory_space<vmem_shared>> -> memref<10240x16xf32, #tpu.memory_space<vmem_shared>>
          tpu.enqueue_indirect_dma source(%dma_start3A_308 : memref<128x16xf32, #tpu.memory_space<vmem>>) target(%dma_start3A_314 : memref<10240x16xf32, #tpu.memory_space<vmem_shared>>) offsets(%dma_start3A_311 : memref<128xi32, #tpu.memory_space<vmem>>) semaphore(%run_scoped3A_304 : memref<!tpu.dma_semaphore, #tpu.memory_space<semaphore_mem>>) {add = true}
          %dma_wait3A_315 = arith.constant 0 : i32
          %dma_wait3A_316 = arith.constant 0 : i32
          %dma_wait3A_317 = tpu.memref_slice %arg9[%run_scoped3A_296, %dma_wait3A_315, %dma_wait3A_316] : memref<8x128x16xf32, #tpu.memory_space<vmem>> -> memref<1x128x16xf32, #tpu.memory_space<vmem>>
          %dma_wait3A_318 = tpu.memref_squeeze %dma_wait3A_317 : memref<1x128x16xf32, #tpu.memory_space<vmem>> -> memref<128x16xf32, #tpu.memory_space<vmem>>
          %dma_wait3A_319 = arith.constant 0 : i32
          %dma_wait3A_320 = tpu.memref_slice %arg8[%add3A_284, %dma_wait3A_319] : memref<120x128xi32, #tpu.memory_space<vmem>> -> memref<1x128xi32, #tpu.memory_space<vmem>>
          %dma_wait3A_321 = tpu.memref_squeeze %dma_wait3A_320 : memref<1x128xi32, #tpu.memory_space<vmem>> -> memref<128xi32, #tpu.memory_space<vmem>>
          %dma_wait3A_322 = arith.constant 0 : i32
          %dma_wait3A_323 = arith.constant 0 : i32
          %dma_wait3A_324 = tpu.memref_slice %arg11[%dma_wait3A_322, %dma_wait3A_323] : memref<10240x16xf32, #tpu.memory_space<vmem_shared>> -> memref<10240x16xf32, #tpu.memory_space<vmem_shared>>
          tpu.wait_indirect_dma semaphore(%run_scoped3A_304 : memref<!tpu.dma_semaphore, #tpu.memory_space<semaphore_mem>>) src(%dma_wait3A_318 : memref<128x16xf32, #tpu.memory_space<vmem>>) dst(%dma_wait3A_324 : memref<10240x16xf32, #tpu.memory_space<vmem_shared>>)
          tpu.yield
        }) : () -> ()
        %add3A_297 = arith.constant 8 : i32
        %add3A_298 = arith.addi %add3A_284, %add3A_297 : i32
        %lt3A_299 = arith.constant 40 : i32
        %lt3A_300 = arith.cmpi slt, %add3A_298, %lt3A_299 : i32
        %convert_element_type3A_301 = arith.extui %lt3A_300 : i1 to i32
        %cond3A_302 = arith.constant 0 : i32
        %cond3A_303 = arith.cmpi ne, %convert_element_type3A_301, %cond3A_302 : i32
        scf.if %cond3A_303 {
          %add3A_304 = arith.constant 8 : i32
          %add3A_305 = arith.addi %add3A_284, %add3A_304 : i32
          %dma_start3A_306 = arith.constant 7 : i32
          %dma_start3A_307 = arith.constant 0 : i32
          %dma_start3A_308 = arith.constant 0 : i32
          %dma_start3A_309 = tpu.memref_slice %arg9[%dma_start3A_306, %dma_start3A_307, %dma_start3A_308] : memref<8x128x16xf32, #tpu.memory_space<vmem>> -> memref<1x128x16xf32, #tpu.memory_space<vmem>>
          %dma_start3A_310 = tpu.memref_squeeze %dma_start3A_309 : memref<1x128x16xf32, #tpu.memory_space<vmem>> -> memref<128x16xf32, #tpu.memory_space<vmem>>
          %dma_start3A_311 = arith.constant 0 : i32
          %dma_start3A_312 = tpu.memref_slice %arg7[%add3A_305, %dma_start3A_311] : memref<120x128xi32, #tpu.memory_space<vmem>> -> memref<1x128xi32, #tpu.memory_space<vmem>>
          %dma_start3A_313 = tpu.memref_squeeze %dma_start3A_312 : memref<1x128xi32, #tpu.memory_space<vmem>> -> memref<128xi32, #tpu.memory_space<vmem>>
          %dma_start3A_314 = arith.constant 0 : i32
          %dma_start3A_315 = arith.constant 0 : i32
          %dma_start3A_316 = tpu.memref_slice %arg2[%dma_start3A_314, %dma_start3A_315] : memref<10240x16xf32, #tpu.memory_space<hbm>> -> memref<10240x16xf32, #tpu.memory_space<hbm>>
          tpu.enqueue_indirect_dma source(%dma_start3A_316 : memref<10240x16xf32, #tpu.memory_space<hbm>>) target(%dma_start3A_310 : memref<128x16xf32, #tpu.memory_space<vmem>>) offsets(%dma_start3A_313 : memref<128xi32, #tpu.memory_space<vmem>>) semaphore(%arg19 : memref<!tpu.dma_semaphore, #tpu.memory_space<semaphore_mem>>)
        } else {
        }
      }
      %scan3A_121 = arith.constant 5 : i32
    } else {
    }
    %barrier3A_10 = arith.constant 0 : index
    tpu.barrier barrier_id(%barrier3A_10)
    %mul3A_11 = arith.constant 640 : i32
    %mul3A_12 = arith.muli %arg1, %mul3A_11 : i32
    "tpu.region"() ({
      %run_scoped3A = tpu.sem_alloc : memref<!tpu.dma_semaphore, #tpu.memory_space<semaphore_mem>>
      %dma_start3A = arith.constant 0 : i32
      %dma_start3A_18 = tpu.memref_slice %arg11[%mul3A_12, %dma_start3A] : memref<10240x16xf32, #tpu.memory_space<vmem_shared>> -> memref<640x16xf32, #tpu.memory_space<vmem_shared>>
      %dma_start3A_19 = arith.constant 0 : i32
      %dma_start3A_20 = tpu.memref_slice %arg11[%mul3A_12, %dma_start3A_19] : memref<10240x16xf32, #tpu.memory_space<vmem_shared>> -> memref<640x16xf32, #tpu.memory_space<vmem_shared>>
      tpu.enqueue_dma source(%dma_start3A_20 : memref<640x16xf32, #tpu.memory_space<vmem_shared>>) target(%arg10 : memref<640x16xf32, #tpu.memory_space<vmem>>) target_semaphore(%run_scoped3A : memref<!tpu.dma_semaphore, #tpu.memory_space<semaphore_mem>>)
      %dma_wait3A = arith.constant 0 : i32
      %dma_wait3A_21 = tpu.memref_slice %arg11[%mul3A_12, %dma_wait3A] : memref<10240x16xf32, #tpu.memory_space<vmem_shared>> -> memref<640x16xf32, #tpu.memory_space<vmem_shared>>
      %dma_wait3A_22 = arith.constant 0 : i32
      %dma_wait3A_23 = tpu.memref_slice %arg11[%mul3A_12, %dma_wait3A_22] : memref<10240x16xf32, #tpu.memory_space<vmem_shared>> -> memref<640x16xf32, #tpu.memory_space<vmem_shared>>
      tpu.wait_dma2 semaphore(%run_scoped3A : memref<!tpu.dma_semaphore, #tpu.memory_space<semaphore_mem>>) src(%dma_wait3A_23 : memref<640x16xf32, #tpu.memory_space<vmem_shared>>) dst(%arg10 : memref<640x16xf32, #tpu.memory_space<vmem>>)
      tpu.yield
    }) : () -> ()
    %mul3A_13 = arith.constant 10240 : i32
    %mul3A_14 = arith.muli %arg0, %mul3A_13 : i32
    %mul3A_15 = arith.constant 640 : i32
    %mul3A_16 = arith.muli %arg1, %mul3A_15 : i32
    %add3A_17 = arith.addi %mul3A_14, %mul3A_16 : i32
    "tpu.region"() ({
      %run_scoped3A = tpu.sem_alloc : memref<!tpu.dma_semaphore, #tpu.memory_space<semaphore_mem>>
      %dma_start3A = arith.constant 0 : i32
      %dma_start3A_18 = tpu.memref_slice %arg6[%add3A_17, %dma_start3A] : memref<20480x16xf32, #tpu.memory_space<hbm>> -> memref<640x16xf32, #tpu.memory_space<hbm>>
      %dma_start3A_19 = arith.constant 0 : i32
      %dma_start3A_20 = tpu.memref_slice %arg6[%add3A_17, %dma_start3A_19] : memref<20480x16xf32, #tpu.memory_space<hbm>> -> memref<640x16xf32, #tpu.memory_space<hbm>>
      tpu.enqueue_dma source(%arg10 : memref<640x16xf32, #tpu.memory_space<vmem>>) target(%dma_start3A_20 : memref<640x16xf32, #tpu.memory_space<hbm>>) target_semaphore(%run_scoped3A : memref<!tpu.dma_semaphore, #tpu.memory_space<semaphore_mem>>)
      %dma_wait3A = arith.constant 0 : i32
      %dma_wait3A_21 = tpu.memref_slice %arg6[%add3A_17, %dma_wait3A] : memref<20480x16xf32, #tpu.memory_space<hbm>> -> memref<640x16xf32, #tpu.memory_space<hbm>>
      %dma_wait3A_22 = arith.constant 0 : i32
      %dma_wait3A_23 = tpu.memref_slice %arg6[%add3A_17, %dma_wait3A_22] : memref<20480x16xf32, #tpu.memory_space<hbm>> -> memref<640x16xf32, #tpu.memory_space<hbm>>
      tpu.wait_dma2 semaphore(%run_scoped3A : memref<!tpu.dma_semaphore, #tpu.memory_space<semaphore_mem>>) src(%arg10 : memref<640x16xf32, #tpu.memory_space<vmem>>) dst(%dma_wait3A_23 : memref<640x16xf32, #tpu.memory_space<hbm>>)
      tpu.yield
    }) : () -> ()
    return
  }
}

#map = affine_map<(d0, d1) -> (0, 0)>
module attributes {stable_mosaic.version = 14 : i64} {
  func.func @sc_degree(%arg0: i32, %arg1: i32, %arg2: memref<128x16xf32, #tpu.memory_space<hbm>>, %arg3: memref<2560x128xi32, #tpu.memory_space<hbm>>, %arg4: memref<2560x128xi32, #tpu.memory_space<hbm>>, %arg5: memref<640x16xf32, #tpu.memory_space<hbm>>, %arg6: memref<20480x16xf32, #tpu.memory_space<hbm>>, %arg7: memref<80x128xi32, #tpu.memory_space<vmem>>, %arg8: memref<80x128xi32, #tpu.memory_space<vmem>>, %arg9: memref<8x128x16xf32, #tpu.memory_space<vmem>>, %arg10: memref<640x16xf32, #tpu.memory_space<vmem>>, %arg11: memref<10240x16xf32, #tpu.memory_space<vmem_shared>>, %arg12: memref<!tpu.dma_semaphore, #tpu.memory_space<semaphore_mem>>, %arg13: memref<!tpu.dma_semaphore, #tpu.memory_space<semaphore_mem>>, %arg14: memref<!tpu.dma_semaphore, #tpu.memory_space<semaphore_mem>>, %arg15: memref<!tpu.dma_semaphore, #tpu.memory_space<semaphore_mem>>, %arg16: memref<!tpu.dma_semaphore, #tpu.memory_space<semaphore_mem>>, %arg17: memref<!tpu.dma_semaphore, #tpu.memory_space<semaphore_mem>>, %arg18: memref<!tpu.dma_semaphore, #tpu.memory_space<semaphore_mem>>, %arg19: memref<!tpu.dma_semaphore, #tpu.memory_space<semaphore_mem>>) attributes {dimension_semantics = [#tpu.dimension_semantics<core_parallel>, #tpu.dimension_semantics<subcore_parallel>], iteration_bounds = array<i64: 2, 16>, scalar_prefetch = 0 : i64, scratch_operands = 13 : i64, tpu.core_type = #tpu.core_type<sc_vector_subcore>, window_params = [{transform_indices = #map}, {transform_indices = #map}, {transform_indices = #map}, {transform_indices = #map}, {transform_indices = #map}]} {
    %mul3A = arith.constant 2 : i32
    %mul3A_0 = arith.muli %arg1, %mul3A : i32
    %add3A = arith.addi %mul3A_0, %arg0 : i32
    %mul3A_1 = arith.constant 640 : i32
    %mul3A_2 = arith.muli %arg1, %mul3A_1 : i32
    "tpu.region"() ({
      %run_scoped3A_18 = tpu.sem_alloc : memref<!tpu.dma_semaphore, #tpu.memory_space<semaphore_mem>>
      %dma_start3A = arith.constant 0 : i32
      %dma_start3A_19 = tpu.memref_slice %arg11[%mul3A_2, %dma_start3A] : memref<10240x16xf32, #tpu.memory_space<vmem_shared>> -> memref<640x16xf32, #tpu.memory_space<vmem_shared>>
      tpu.enqueue_dma source(%arg5 : memref<640x16xf32, #tpu.memory_space<hbm>>) target(%dma_start3A_19 : memref<640x16xf32, #tpu.memory_space<vmem_shared>>) target_semaphore(%run_scoped3A_18 : memref<!tpu.dma_semaphore, #tpu.memory_space<semaphore_mem>>)
      %dma_wait3A = arith.constant 0 : i32
      %dma_wait3A_20 = tpu.memref_slice %arg11[%mul3A_2, %dma_wait3A] : memref<10240x16xf32, #tpu.memory_space<vmem_shared>> -> memref<640x16xf32, #tpu.memory_space<vmem_shared>>
      tpu.wait_dma2 semaphore(%run_scoped3A_18 : memref<!tpu.dma_semaphore, #tpu.memory_space<semaphore_mem>>) src(%arg5 : memref<640x16xf32, #tpu.memory_space<hbm>>) dst(%dma_wait3A_20 : memref<640x16xf32, #tpu.memory_space<vmem_shared>>)
      tpu.yield
    }) : () -> ()
    %barrier3A = arith.constant 0 : index
    tpu.barrier barrier_id(%barrier3A)
    %mul3A_3 = arith.constant 80 : i32
    %mul3A_4 = arith.muli %add3A, %mul3A_3 : i32
    "tpu.region"() ({
      %run_scoped3A_18 = tpu.sem_alloc : memref<!tpu.dma_semaphore, #tpu.memory_space<semaphore_mem>>
      %dma_start3A = arith.constant 0 : i32
      %dma_start3A_19 = tpu.memref_slice %arg4[%mul3A_4, %dma_start3A] : memref<2560x128xi32, #tpu.memory_space<hbm>> -> memref<80x128xi32, #tpu.memory_space<hbm>>
      %dma_start3A_20 = arith.constant 0 : i32
      %dma_start3A_21 = tpu.memref_slice %arg4[%mul3A_4, %dma_start3A_20] : memref<2560x128xi32, #tpu.memory_space<hbm>> -> memref<80x128xi32, #tpu.memory_space<hbm>>
      tpu.enqueue_dma source(%dma_start3A_21 : memref<80x128xi32, #tpu.memory_space<hbm>>) target(%arg8 : memref<80x128xi32, #tpu.memory_space<vmem>>) target_semaphore(%run_scoped3A_18 : memref<!tpu.dma_semaphore, #tpu.memory_space<semaphore_mem>>)
      %dma_wait3A = arith.constant 0 : i32
      %dma_wait3A_22 = tpu.memref_slice %arg4[%mul3A_4, %dma_wait3A] : memref<2560x128xi32, #tpu.memory_space<hbm>> -> memref<80x128xi32, #tpu.memory_space<hbm>>
      %dma_wait3A_23 = arith.constant 0 : i32
      %dma_wait3A_24 = tpu.memref_slice %arg4[%mul3A_4, %dma_wait3A_23] : memref<2560x128xi32, #tpu.memory_space<hbm>> -> memref<80x128xi32, #tpu.memory_space<hbm>>
      tpu.wait_dma2 semaphore(%run_scoped3A_18 : memref<!tpu.dma_semaphore, #tpu.memory_space<semaphore_mem>>) src(%dma_wait3A_24 : memref<80x128xi32, #tpu.memory_space<hbm>>) dst(%arg8 : memref<80x128xi32, #tpu.memory_space<vmem>>)
      tpu.yield
    }) : () -> ()
    %run_scoped3A = arith.constant 0 : i32
    "tpu.region"() ({
      %run_scoped3A_18 = tpu.sem_alloc : memref<!tpu.dma_semaphore, #tpu.memory_space<semaphore_mem>>
      %dma_start3A = arith.constant 0 : i32
      %dma_start3A_19 = arith.constant 0 : i32
      %dma_start3A_20 = tpu.memref_slice %arg9[%run_scoped3A, %dma_start3A, %dma_start3A_19] : memref<8x128x16xf32, #tpu.memory_space<vmem>> -> memref<1x128x16xf32, #tpu.memory_space<vmem>>
      %dma_start3A_21 = tpu.memref_squeeze %dma_start3A_20 : memref<1x128x16xf32, #tpu.memory_space<vmem>> -> memref<128x16xf32, #tpu.memory_space<vmem>>
      %dma_start3A_22 = arith.constant 0 : i32
      %dma_start3A_23 = arith.constant 0 : i32
      %dma_start3A_24 = tpu.memref_slice %arg9[%run_scoped3A, %dma_start3A_22, %dma_start3A_23] : memref<8x128x16xf32, #tpu.memory_space<vmem>> -> memref<1x128x16xf32, #tpu.memory_space<vmem>>
      %dma_start3A_25 = tpu.memref_squeeze %dma_start3A_24 : memref<1x128x16xf32, #tpu.memory_space<vmem>> -> memref<128x16xf32, #tpu.memory_space<vmem>>
      tpu.enqueue_dma source(%arg2 : memref<128x16xf32, #tpu.memory_space<hbm>>) target(%dma_start3A_25 : memref<128x16xf32, #tpu.memory_space<vmem>>) target_semaphore(%run_scoped3A_18 : memref<!tpu.dma_semaphore, #tpu.memory_space<semaphore_mem>>)
      %dma_wait3A = arith.constant 0 : i32
      %dma_wait3A_26 = arith.constant 0 : i32
      %dma_wait3A_27 = tpu.memref_slice %arg9[%run_scoped3A, %dma_wait3A, %dma_wait3A_26] : memref<8x128x16xf32, #tpu.memory_space<vmem>> -> memref<1x128x16xf32, #tpu.memory_space<vmem>>
      %dma_wait3A_28 = tpu.memref_squeeze %dma_wait3A_27 : memref<1x128x16xf32, #tpu.memory_space<vmem>> -> memref<128x16xf32, #tpu.memory_space<vmem>>
      %dma_wait3A_29 = arith.constant 0 : i32
      %dma_wait3A_30 = arith.constant 0 : i32
      %dma_wait3A_31 = tpu.memref_slice %arg9[%run_scoped3A, %dma_wait3A_29, %dma_wait3A_30] : memref<8x128x16xf32, #tpu.memory_space<vmem>> -> memref<1x128x16xf32, #tpu.memory_space<vmem>>
      %dma_wait3A_32 = tpu.memref_squeeze %dma_wait3A_31 : memref<1x128x16xf32, #tpu.memory_space<vmem>> -> memref<128x16xf32, #tpu.memory_space<vmem>>
      tpu.wait_dma2 semaphore(%run_scoped3A_18 : memref<!tpu.dma_semaphore, #tpu.memory_space<semaphore_mem>>) src(%arg2 : memref<128x16xf32, #tpu.memory_space<hbm>>) dst(%dma_wait3A_32 : memref<128x16xf32, #tpu.memory_space<vmem>>)
      tpu.yield
    }) : () -> ()
    %scan3A = arith.constant 0 : i32
    %scan3A_5 = arith.constant 0 : i32
    %scan3A_6 = arith.constant 80 : i32
    %scan3A_7 = arith.addi %scan3A_5, %scan3A_6 : i32
    %scan3A_8 = arith.constant 1 : i32
    scf.for %scan3A_18 = %scan3A_5 to %scan3A_7 step %scan3A_8  : i32 {
      %run_scoped3A_19 = arith.constant 0 : i32
      "tpu.region"() ({
        %run_scoped3A_20 = tpu.sem_alloc : memref<!tpu.dma_semaphore, #tpu.memory_space<semaphore_mem>>
        %dma_start3A = arith.constant 0 : i32
        %dma_start3A_21 = arith.constant 0 : i32
        %dma_start3A_22 = tpu.memref_slice %arg9[%run_scoped3A_19, %dma_start3A, %dma_start3A_21] : memref<8x128x16xf32, #tpu.memory_space<vmem>> -> memref<1x128x16xf32, #tpu.memory_space<vmem>>
        %dma_start3A_23 = tpu.memref_squeeze %dma_start3A_22 : memref<1x128x16xf32, #tpu.memory_space<vmem>> -> memref<128x16xf32, #tpu.memory_space<vmem>>
        %dma_start3A_24 = arith.constant 0 : i32
        %dma_start3A_25 = tpu.memref_slice %arg8[%scan3A_18, %dma_start3A_24] : memref<80x128xi32, #tpu.memory_space<vmem>> -> memref<1x128xi32, #tpu.memory_space<vmem>>
        %dma_start3A_26 = tpu.memref_squeeze %dma_start3A_25 : memref<1x128xi32, #tpu.memory_space<vmem>> -> memref<128xi32, #tpu.memory_space<vmem>>
        %dma_start3A_27 = arith.constant 0 : i32
        %dma_start3A_28 = arith.constant 0 : i32
        %dma_start3A_29 = tpu.memref_slice %arg11[%dma_start3A_27, %dma_start3A_28] : memref<10240x16xf32, #tpu.memory_space<vmem_shared>> -> memref<10240x16xf32, #tpu.memory_space<vmem_shared>>
        tpu.enqueue_indirect_dma source(%dma_start3A_23 : memref<128x16xf32, #tpu.memory_space<vmem>>) target(%dma_start3A_29 : memref<10240x16xf32, #tpu.memory_space<vmem_shared>>) offsets(%dma_start3A_26 : memref<128xi32, #tpu.memory_space<vmem>>) semaphore(%run_scoped3A_20 : memref<!tpu.dma_semaphore, #tpu.memory_space<semaphore_mem>>) {add = true}
        %dma_wait3A = arith.constant 0 : i32
        %dma_wait3A_30 = arith.constant 0 : i32
        %dma_wait3A_31 = tpu.memref_slice %arg9[%run_scoped3A_19, %dma_wait3A, %dma_wait3A_30] : memref<8x128x16xf32, #tpu.memory_space<vmem>> -> memref<1x128x16xf32, #tpu.memory_space<vmem>>
        %dma_wait3A_32 = tpu.memref_squeeze %dma_wait3A_31 : memref<1x128x16xf32, #tpu.memory_space<vmem>> -> memref<128x16xf32, #tpu.memory_space<vmem>>
        %dma_wait3A_33 = arith.constant 0 : i32
        %dma_wait3A_34 = tpu.memref_slice %arg8[%scan3A_18, %dma_wait3A_33] : memref<80x128xi32, #tpu.memory_space<vmem>> -> memref<1x128xi32, #tpu.memory_space<vmem>>
        %dma_wait3A_35 = tpu.memref_squeeze %dma_wait3A_34 : memref<1x128xi32, #tpu.memory_space<vmem>> -> memref<128xi32, #tpu.memory_space<vmem>>
        %dma_wait3A_36 = arith.constant 0 : i32
        %dma_wait3A_37 = arith.constant 0 : i32
        %dma_wait3A_38 = tpu.memref_slice %arg11[%dma_wait3A_36, %dma_wait3A_37] : memref<10240x16xf32, #tpu.memory_space<vmem_shared>> -> memref<10240x16xf32, #tpu.memory_space<vmem_shared>>
        tpu.wait_indirect_dma semaphore(%run_scoped3A_20 : memref<!tpu.dma_semaphore, #tpu.memory_space<semaphore_mem>>) src(%dma_wait3A_32 : memref<128x16xf32, #tpu.memory_space<vmem>>) dst(%dma_wait3A_38 : memref<10240x16xf32, #tpu.memory_space<vmem_shared>>)
        tpu.yield
      }) : () -> ()
    }
    %scan3A_9 = arith.constant 80 : i32
    %barrier3A_10 = arith.constant 0 : index
    tpu.barrier barrier_id(%barrier3A_10)
    %mul3A_11 = arith.constant 640 : i32
    %mul3A_12 = arith.muli %arg1, %mul3A_11 : i32
    "tpu.region"() ({
      %run_scoped3A_18 = tpu.sem_alloc : memref<!tpu.dma_semaphore, #tpu.memory_space<semaphore_mem>>
      %dma_start3A = arith.constant 0 : i32
      %dma_start3A_19 = tpu.memref_slice %arg11[%mul3A_12, %dma_start3A] : memref<10240x16xf32, #tpu.memory_space<vmem_shared>> -> memref<640x16xf32, #tpu.memory_space<vmem_shared>>
      %dma_start3A_20 = arith.constant 0 : i32
      %dma_start3A_21 = tpu.memref_slice %arg11[%mul3A_12, %dma_start3A_20] : memref<10240x16xf32, #tpu.memory_space<vmem_shared>> -> memref<640x16xf32, #tpu.memory_space<vmem_shared>>
      tpu.enqueue_dma source(%dma_start3A_21 : memref<640x16xf32, #tpu.memory_space<vmem_shared>>) target(%arg10 : memref<640x16xf32, #tpu.memory_space<vmem>>) target_semaphore(%run_scoped3A_18 : memref<!tpu.dma_semaphore, #tpu.memory_space<semaphore_mem>>)
      %dma_wait3A = arith.constant 0 : i32
      %dma_wait3A_22 = tpu.memref_slice %arg11[%mul3A_12, %dma_wait3A] : memref<10240x16xf32, #tpu.memory_space<vmem_shared>> -> memref<640x16xf32, #tpu.memory_space<vmem_shared>>
      %dma_wait3A_23 = arith.constant 0 : i32
      %dma_wait3A_24 = tpu.memref_slice %arg11[%mul3A_12, %dma_wait3A_23] : memref<10240x16xf32, #tpu.memory_space<vmem_shared>> -> memref<640x16xf32, #tpu.memory_space<vmem_shared>>
      tpu.wait_dma2 semaphore(%run_scoped3A_18 : memref<!tpu.dma_semaphore, #tpu.memory_space<semaphore_mem>>) src(%dma_wait3A_24 : memref<640x16xf32, #tpu.memory_space<vmem_shared>>) dst(%arg10 : memref<640x16xf32, #tpu.memory_space<vmem>>)
      tpu.yield
    }) : () -> ()
    %mul3A_13 = arith.constant 10240 : i32
    %mul3A_14 = arith.muli %arg0, %mul3A_13 : i32
    %mul3A_15 = arith.constant 640 : i32
    %mul3A_16 = arith.muli %arg1, %mul3A_15 : i32
    %add3A_17 = arith.addi %mul3A_14, %mul3A_16 : i32
    "tpu.region"() ({
      %run_scoped3A_18 = tpu.sem_alloc : memref<!tpu.dma_semaphore, #tpu.memory_space<semaphore_mem>>
      %dma_start3A = arith.constant 0 : i32
      %dma_start3A_19 = tpu.memref_slice %arg6[%add3A_17, %dma_start3A] : memref<20480x16xf32, #tpu.memory_space<hbm>> -> memref<640x16xf32, #tpu.memory_space<hbm>>
      %dma_start3A_20 = arith.constant 0 : i32
      %dma_start3A_21 = tpu.memref_slice %arg6[%add3A_17, %dma_start3A_20] : memref<20480x16xf32, #tpu.memory_space<hbm>> -> memref<640x16xf32, #tpu.memory_space<hbm>>
      tpu.enqueue_dma source(%arg10 : memref<640x16xf32, #tpu.memory_space<vmem>>) target(%dma_start3A_21 : memref<640x16xf32, #tpu.memory_space<hbm>>) target_semaphore(%run_scoped3A_18 : memref<!tpu.dma_semaphore, #tpu.memory_space<semaphore_mem>>)
      %dma_wait3A = arith.constant 0 : i32
      %dma_wait3A_22 = tpu.memref_slice %arg6[%add3A_17, %dma_wait3A] : memref<20480x16xf32, #tpu.memory_space<hbm>> -> memref<640x16xf32, #tpu.memory_space<hbm>>
      %dma_wait3A_23 = arith.constant 0 : i32
      %dma_wait3A_24 = tpu.memref_slice %arg6[%add3A_17, %dma_wait3A_23] : memref<20480x16xf32, #tpu.memory_space<hbm>> -> memref<640x16xf32, #tpu.memory_space<hbm>>
      tpu.wait_dma2 semaphore(%run_scoped3A_18 : memref<!tpu.dma_semaphore, #tpu.memory_space<semaphore_mem>>) src(%arg10 : memref<640x16xf32, #tpu.memory_space<vmem>>) dst(%dma_wait3A_24 : memref<640x16xf32, #tpu.memory_space<hbm>>)
      tpu.yield
    }) : () -> ()
    return
  }
}

#map = affine_map<(d0, d1) -> (0, 0)>
module attributes {stable_mosaic.version = 14 : i64} {
  func.func @sc_edge_scatter(%arg0: i32, %arg1: i32, %arg2: memref<10240x16xf32, #tpu.memory_space<hbm>>, %arg3: memref<2560x128xi32, #tpu.memory_space<hbm>>, %arg4: memref<2560x128xi32, #tpu.memory_space<hbm>>, %arg5: memref<640x16xf32, #tpu.memory_space<hbm>>, %arg6: memref<20480x16xf32, #tpu.memory_space<hbm>>, %arg7: memref<120x128xi32, #tpu.memory_space<vmem>>, %arg8: memref<120x128xi32, #tpu.memory_space<vmem>>, %arg9: memref<8x128x16xf32, #tpu.memory_space<vmem>>, %arg10: memref<640x16xf32, #tpu.memory_space<vmem>>, %arg11: memref<10240x16xf32, #tpu.memory_space<vmem_shared>>, %arg12: memref<!tpu.dma_semaphore, #tpu.memory_space<semaphore_mem>>, %arg13: memref<!tpu.dma_semaphore, #tpu.memory_space<semaphore_mem>>, %arg14: memref<!tpu.dma_semaphore, #tpu.memory_space<semaphore_mem>>, %arg15: memref<!tpu.dma_semaphore, #tpu.memory_space<semaphore_mem>>, %arg16: memref<!tpu.dma_semaphore, #tpu.memory_space<semaphore_mem>>, %arg17: memref<!tpu.dma_semaphore, #tpu.memory_space<semaphore_mem>>, %arg18: memref<!tpu.dma_semaphore, #tpu.memory_space<semaphore_mem>>, %arg19: memref<!tpu.dma_semaphore, #tpu.memory_space<semaphore_mem>>) attributes {dimension_semantics = [#tpu.dimension_semantics<core_parallel>, #tpu.dimension_semantics<subcore_parallel>], iteration_bounds = array<i64: 2, 16>, scalar_prefetch = 0 : i64, scratch_operands = 13 : i64, tpu.core_type = #tpu.core_type<sc_vector_subcore>, window_params = [{transform_indices = #map}, {transform_indices = #map}, {transform_indices = #map}, {transform_indices = #map}, {transform_indices = #map}]} {
    %mul3A = arith.constant 2 : i32
    %mul3A_0 = arith.muli %arg1, %mul3A : i32
    %add3A = arith.addi %mul3A_0, %arg0 : i32
    %mul3A_1 = arith.constant 640 : i32
    %mul3A_2 = arith.muli %arg1, %mul3A_1 : i32
    "tpu.region"() ({
      %run_scoped3A = tpu.sem_alloc : memref<!tpu.dma_semaphore, #tpu.memory_space<semaphore_mem>>
      %dma_start3A = arith.constant 0 : i32
      %dma_start3A_18 = tpu.memref_slice %arg11[%mul3A_2, %dma_start3A] : memref<10240x16xf32, #tpu.memory_space<vmem_shared>> -> memref<640x16xf32, #tpu.memory_space<vmem_shared>>
      tpu.enqueue_dma source(%arg5 : memref<640x16xf32, #tpu.memory_space<hbm>>) target(%dma_start3A_18 : memref<640x16xf32, #tpu.memory_space<vmem_shared>>) target_semaphore(%run_scoped3A : memref<!tpu.dma_semaphore, #tpu.memory_space<semaphore_mem>>)
      %dma_wait3A = arith.constant 0 : i32
      %dma_wait3A_19 = tpu.memref_slice %arg11[%mul3A_2, %dma_wait3A] : memref<10240x16xf32, #tpu.memory_space<vmem_shared>> -> memref<640x16xf32, #tpu.memory_space<vmem_shared>>
      tpu.wait_dma2 semaphore(%run_scoped3A : memref<!tpu.dma_semaphore, #tpu.memory_space<semaphore_mem>>) src(%arg5 : memref<640x16xf32, #tpu.memory_space<hbm>>) dst(%dma_wait3A_19 : memref<640x16xf32, #tpu.memory_space<vmem_shared>>)
      tpu.yield
    }) : () -> ()
    %barrier3A = arith.constant 0 : index
    tpu.barrier barrier_id(%barrier3A)
    %eq3A = arith.constant 0 : i32
    %eq3A_3 = arith.cmpi eq, %arg0, %eq3A : i32
    %convert_element_type3A = arith.extui %eq3A_3 : i1 to i32
    %cond3A = arith.constant 0 : i32
    %cond3A_4 = arith.cmpi ne, %convert_element_type3A, %cond3A : i32
    scf.if %cond3A_4 {
      %mul3A_18 = arith.constant 120 : i32
      %mul3A_19 = arith.muli %arg1, %mul3A_18 : i32
      "tpu.region"() ({
        %run_scoped3A = tpu.sem_alloc : memref<!tpu.dma_semaphore, #tpu.memory_space<semaphore_mem>>
        %dma_start3A_120 = arith.constant 0 : i32
        %dma_start3A_121 = arith.constant 0 : i32
        %dma_start3A_122 = tpu.memref_slice %arg8[%dma_start3A_120, %dma_start3A_121] : memref<120x128xi32, #tpu.memory_space<vmem>> -> memref<120x128xi32, #tpu.memory_space<vmem>>
        %dma_start3A_123 = arith.constant 0 : i32
        %dma_start3A_124 = tpu.memref_slice %arg4[%mul3A_19, %dma_start3A_123] : memref<2560x128xi32, #tpu.memory_space<hbm>> -> memref<120x128xi32, #tpu.memory_space<hbm>>
        %dma_start3A_125 = arith.constant 0 : i32
        %dma_start3A_126 = arith.constant 0 : i32
        %dma_start3A_127 = tpu.memref_slice %arg8[%dma_start3A_125, %dma_start3A_126] : memref<120x128xi32, #tpu.memory_space<vmem>> -> memref<120x128xi32, #tpu.memory_space<vmem>>
        %dma_start3A_128 = arith.constant 0 : i32
        %dma_start3A_129 = tpu.memref_slice %arg4[%mul3A_19, %dma_start3A_128] : memref<2560x128xi32, #tpu.memory_space<hbm>> -> memref<120x128xi32, #tpu.memory_space<hbm>>
        tpu.enqueue_dma source(%dma_start3A_129 : memref<120x128xi32, #tpu.memory_space<hbm>>) target(%dma_start3A_127 : memref<120x128xi32, #tpu.memory_space<vmem>>) target_semaphore(%run_scoped3A : memref<!tpu.dma_semaphore, #tpu.memory_space<semaphore_mem>>)
        %dma_wait3A = arith.constant 0 : i32
        %dma_wait3A_130 = arith.constant 0 : i32
        %dma_wait3A_131 = tpu.memref_slice %arg8[%dma_wait3A, %dma_wait3A_130] : memref<120x128xi32, #tpu.memory_space<vmem>> -> memref<120x128xi32, #tpu.memory_space<vmem>>
        %dma_wait3A_132 = arith.constant 0 : i32
        %dma_wait3A_133 = tpu.memref_slice %arg4[%mul3A_19, %dma_wait3A_132] : memref<2560x128xi32, #tpu.memory_space<hbm>> -> memref<120x128xi32, #tpu.memory_space<hbm>>
        %dma_wait3A_134 = arith.constant 0 : i32
        %dma_wait3A_135 = arith.constant 0 : i32
        %dma_wait3A_136 = tpu.memref_slice %arg8[%dma_wait3A_134, %dma_wait3A_135] : memref<120x128xi32, #tpu.memory_space<vmem>> -> memref<120x128xi32, #tpu.memory_space<vmem>>
        %dma_wait3A_137 = arith.constant 0 : i32
        %dma_wait3A_138 = tpu.memref_slice %arg4[%mul3A_19, %dma_wait3A_137] : memref<2560x128xi32, #tpu.memory_space<hbm>> -> memref<120x128xi32, #tpu.memory_space<hbm>>
        tpu.wait_dma2 semaphore(%run_scoped3A : memref<!tpu.dma_semaphore, #tpu.memory_space<semaphore_mem>>) src(%dma_wait3A_138 : memref<120x128xi32, #tpu.memory_space<hbm>>) dst(%dma_wait3A_136 : memref<120x128xi32, #tpu.memory_space<vmem>>)
        tpu.yield
      }) : () -> ()
      "tpu.region"() ({
        %run_scoped3A = tpu.sem_alloc : memref<!tpu.dma_semaphore, #tpu.memory_space<semaphore_mem>>
        %dma_start3A_120 = arith.constant 0 : i32
        %dma_start3A_121 = arith.constant 0 : i32
        %dma_start3A_122 = tpu.memref_slice %arg7[%dma_start3A_120, %dma_start3A_121] : memref<120x128xi32, #tpu.memory_space<vmem>> -> memref<120x128xi32, #tpu.memory_space<vmem>>
        %dma_start3A_123 = arith.constant 0 : i32
        %dma_start3A_124 = tpu.memref_slice %arg3[%mul3A_19, %dma_start3A_123] : memref<2560x128xi32, #tpu.memory_space<hbm>> -> memref<120x128xi32, #tpu.memory_space<hbm>>
        %dma_start3A_125 = arith.constant 0 : i32
        %dma_start3A_126 = arith.constant 0 : i32
        %dma_start3A_127 = tpu.memref_slice %arg7[%dma_start3A_125, %dma_start3A_126] : memref<120x128xi32, #tpu.memory_space<vmem>> -> memref<120x128xi32, #tpu.memory_space<vmem>>
        %dma_start3A_128 = arith.constant 0 : i32
        %dma_start3A_129 = tpu.memref_slice %arg3[%mul3A_19, %dma_start3A_128] : memref<2560x128xi32, #tpu.memory_space<hbm>> -> memref<120x128xi32, #tpu.memory_space<hbm>>
        tpu.enqueue_dma source(%dma_start3A_129 : memref<120x128xi32, #tpu.memory_space<hbm>>) target(%dma_start3A_127 : memref<120x128xi32, #tpu.memory_space<vmem>>) target_semaphore(%run_scoped3A : memref<!tpu.dma_semaphore, #tpu.memory_space<semaphore_mem>>)
        %dma_wait3A = arith.constant 0 : i32
        %dma_wait3A_130 = arith.constant 0 : i32
        %dma_wait3A_131 = tpu.memref_slice %arg7[%dma_wait3A, %dma_wait3A_130] : memref<120x128xi32, #tpu.memory_space<vmem>> -> memref<120x128xi32, #tpu.memory_space<vmem>>
        %dma_wait3A_132 = arith.constant 0 : i32
        %dma_wait3A_133 = tpu.memref_slice %arg3[%mul3A_19, %dma_wait3A_132] : memref<2560x128xi32, #tpu.memory_space<hbm>> -> memref<120x128xi32, #tpu.memory_space<hbm>>
        %dma_wait3A_134 = arith.constant 0 : i32
        %dma_wait3A_135 = arith.constant 0 : i32
        %dma_wait3A_136 = tpu.memref_slice %arg7[%dma_wait3A_134, %dma_wait3A_135] : memref<120x128xi32, #tpu.memory_space<vmem>> -> memref<120x128xi32, #tpu.memory_space<vmem>>
        %dma_wait3A_137 = arith.constant 0 : i32
        %dma_wait3A_138 = tpu.memref_slice %arg3[%mul3A_19, %dma_wait3A_137] : memref<2560x128xi32, #tpu.memory_space<hbm>> -> memref<120x128xi32, #tpu.memory_space<hbm>>
        tpu.wait_dma2 semaphore(%run_scoped3A : memref<!tpu.dma_semaphore, #tpu.memory_space<semaphore_mem>>) src(%dma_wait3A_138 : memref<120x128xi32, #tpu.memory_space<hbm>>) dst(%dma_wait3A_136 : memref<120x128xi32, #tpu.memory_space<vmem>>)
        tpu.yield
      }) : () -> ()
      %dma_start3A = arith.constant 0 : i32
      %dma_start3A_20 = arith.constant 0 : i32
      %dma_start3A_21 = arith.constant 0 : i32
      %dma_start3A_22 = arith.constant 0 : i32
      %dma_start3A_23 = tpu.memref_slice %arg9[%dma_start3A_20, %dma_start3A_21, %dma_start3A_22] : memref<8x128x16xf32, #tpu.memory_space<vmem>> -> memref<1x128x16xf32, #tpu.memory_space<vmem>>
      %dma_start3A_24 = tpu.memref_squeeze %dma_start3A_23 : memref<1x128x16xf32, #tpu.memory_space<vmem>> -> memref<128x16xf32, #tpu.memory_space<vmem>>
      %dma_start3A_25 = arith.constant 0 : i32
      %dma_start3A_26 = tpu.memref_slice %arg7[%dma_start3A, %dma_start3A_25] : memref<120x128xi32, #tpu.memory_space<vmem>> -> memref<1x128xi32, #tpu.memory_space<vmem>>
      %dma_start3A_27 = tpu.memref_squeeze %dma_start3A_26 : memref<1x128xi32, #tpu.memory_space<vmem>> -> memref<128xi32, #tpu.memory_space<vmem>>
      %dma_start3A_28 = arith.constant 0 : i32
      %dma_start3A_29 = arith.constant 0 : i32
      %dma_start3A_30 = tpu.memref_slice %arg2[%dma_start3A_28, %dma_start3A_29] : memref<10240x16xf32, #tpu.memory_space<hbm>> -> memref<10240x16xf32, #tpu.memory_space<hbm>>
      tpu.enqueue_indirect_dma source(%dma_start3A_30 : memref<10240x16xf32, #tpu.memory_space<hbm>>) target(%dma_start3A_24 : memref<128x16xf32, #tpu.memory_space<vmem>>) offsets(%dma_start3A_27 : memref<128xi32, #tpu.memory_space<vmem>>) semaphore(%arg12 : memref<!tpu.dma_semaphore, #tpu.memory_space<semaphore_mem>>)
      %dma_start3A_31 = arith.constant 1 : i32
      %dma_start3A_32 = arith.constant 1 : i32
      %dma_start3A_33 = arith.constant 0 : i32
      %dma_start3A_34 = arith.constant 0 : i32
      %dma_start3A_35 = tpu.memref_slice %arg9[%dma_start3A_32, %dma_start3A_33, %dma_start3A_34] : memref<8x128x16xf32, #tpu.memory_space<vmem>> -> memref<1x128x16xf32, #tpu.memory_space<vmem>>
      %dma_start3A_36 = tpu.memref_squeeze %dma_start3A_35 : memref<1x128x16xf32, #tpu.memory_space<vmem>> -> memref<128x16xf32, #tpu.memory_space<vmem>>
      %dma_start3A_37 = arith.constant 0 : i32
      %dma_start3A_38 = tpu.memref_slice %arg7[%dma_start3A_31, %dma_start3A_37] : memref<120x128xi32, #tpu.memory_space<vmem>> -> memref<1x128xi32, #tpu.memory_space<vmem>>
      %dma_start3A_39 = tpu.memref_squeeze %dma_start3A_38 : memref<1x128xi32, #tpu.memory_space<vmem>> -> memref<128xi32, #tpu.memory_space<vmem>>
      %dma_start3A_40 = arith.constant 0 : i32
      %dma_start3A_41 = arith.constant 0 : i32
      %dma_start3A_42 = tpu.memref_slice %arg2[%dma_start3A_40, %dma_start3A_41] : memref<10240x16xf32, #tpu.memory_space<hbm>> -> memref<10240x16xf32, #tpu.memory_space<hbm>>
      tpu.enqueue_indirect_dma source(%dma_start3A_42 : memref<10240x16xf32, #tpu.memory_space<hbm>>) target(%dma_start3A_36 : memref<128x16xf32, #tpu.memory_space<vmem>>) offsets(%dma_start3A_39 : memref<128xi32, #tpu.memory_space<vmem>>) semaphore(%arg13 : memref<!tpu.dma_semaphore, #tpu.memory_space<semaphore_mem>>)
      %dma_start3A_43 = arith.constant 2 : i32
      %dma_start3A_44 = arith.constant 2 : i32
      %dma_start3A_45 = arith.constant 0 : i32
      %dma_start3A_46 = arith.constant 0 : i32
      %dma_start3A_47 = tpu.memref_slice %arg9[%dma_start3A_44, %dma_start3A_45, %dma_start3A_46] : memref<8x128x16xf32, #tpu.memory_space<vmem>> -> memref<1x128x16xf32, #tpu.memory_space<vmem>>
      %dma_start3A_48 = tpu.memref_squeeze %dma_start3A_47 : memref<1x128x16xf32, #tpu.memory_space<vmem>> -> memref<128x16xf32, #tpu.memory_space<vmem>>
      %dma_start3A_49 = arith.constant 0 : i32
      %dma_start3A_50 = tpu.memref_slice %arg7[%dma_start3A_43, %dma_start3A_49] : memref<120x128xi32, #tpu.memory_space<vmem>> -> memref<1x128xi32, #tpu.memory_space<vmem>>
      %dma_start3A_51 = tpu.memref_squeeze %dma_start3A_50 : memref<1x128xi32, #tpu.memory_space<vmem>> -> memref<128xi32, #tpu.memory_space<vmem>>
      %dma_start3A_52 = arith.constant 0 : i32
      %dma_start3A_53 = arith.constant 0 : i32
      %dma_start3A_54 = tpu.memref_slice %arg2[%dma_start3A_52, %dma_start3A_53] : memref<10240x16xf32, #tpu.memory_space<hbm>> -> memref<10240x16xf32, #tpu.memory_space<hbm>>
      tpu.enqueue_indirect_dma source(%dma_start3A_54 : memref<10240x16xf32, #tpu.memory_space<hbm>>) target(%dma_start3A_48 : memref<128x16xf32, #tpu.memory_space<vmem>>) offsets(%dma_start3A_51 : memref<128xi32, #tpu.memory_space<vmem>>) semaphore(%arg14 : memref<!tpu.dma_semaphore, #tpu.memory_space<semaphore_mem>>)
      %dma_start3A_55 = arith.constant 3 : i32
      %dma_start3A_56 = arith.constant 3 : i32
      %dma_start3A_57 = arith.constant 0 : i32
      %dma_start3A_58 = arith.constant 0 : i32
      %dma_start3A_59 = tpu.memref_slice %arg9[%dma_start3A_56, %dma_start3A_57, %dma_start3A_58] : memref<8x128x16xf32, #tpu.memory_space<vmem>> -> memref<1x128x16xf32, #tpu.memory_space<vmem>>
      %dma_start3A_60 = tpu.memref_squeeze %dma_start3A_59 : memref<1x128x16xf32, #tpu.memory_space<vmem>> -> memref<128x16xf32, #tpu.memory_space<vmem>>
      %dma_start3A_61 = arith.constant 0 : i32
      %dma_start3A_62 = tpu.memref_slice %arg7[%dma_start3A_55, %dma_start3A_61] : memref<120x128xi32, #tpu.memory_space<vmem>> -> memref<1x128xi32, #tpu.memory_space<vmem>>
      %dma_start3A_63 = tpu.memref_squeeze %dma_start3A_62 : memref<1x128xi32, #tpu.memory_space<vmem>> -> memref<128xi32, #tpu.memory_space<vmem>>
      %dma_start3A_64 = arith.constant 0 : i32
      %dma_start3A_65 = arith.constant 0 : i32
      %dma_start3A_66 = tpu.memref_slice %arg2[%dma_start3A_64, %dma_start3A_65] : memref<10240x16xf32, #tpu.memory_space<hbm>> -> memref<10240x16xf32, #tpu.memory_space<hbm>>
      tpu.enqueue_indirect_dma source(%dma_start3A_66 : memref<10240x16xf32, #tpu.memory_space<hbm>>) target(%dma_start3A_60 : memref<128x16xf32, #tpu.memory_space<vmem>>) offsets(%dma_start3A_63 : memref<128xi32, #tpu.memory_space<vmem>>) semaphore(%arg15 : memref<!tpu.dma_semaphore, #tpu.memory_space<semaphore_mem>>)
      %dma_start3A_67 = arith.constant 4 : i32
      %dma_start3A_68 = arith.constant 4 : i32
      %dma_start3A_69 = arith.constant 0 : i32
      %dma_start3A_70 = arith.constant 0 : i32
      %dma_start3A_71 = tpu.memref_slice %arg9[%dma_start3A_68, %dma_start3A_69, %dma_start3A_70] : memref<8x128x16xf32, #tpu.memory_space<vmem>> -> memref<1x128x16xf32, #tpu.memory_space<vmem>>
      %dma_start3A_72 = tpu.memref_squeeze %dma_start3A_71 : memref<1x128x16xf32, #tpu.memory_space<vmem>> -> memref<128x16xf32, #tpu.memory_space<vmem>>
      %dma_start3A_73 = arith.constant 0 : i32
      %dma_start3A_74 = tpu.memref_slice %arg7[%dma_start3A_67, %dma_start3A_73] : memref<120x128xi32, #tpu.memory_space<vmem>> -> memref<1x128xi32, #tpu.memory_space<vmem>>
      %dma_start3A_75 = tpu.memref_squeeze %dma_start3A_74 : memref<1x128xi32, #tpu.memory_space<vmem>> -> memref<128xi32, #tpu.memory_space<vmem>>
      %dma_start3A_76 = arith.constant 0 : i32
      %dma_start3A_77 = arith.constant 0 : i32
      %dma_start3A_78 = tpu.memref_slice %arg2[%dma_start3A_76, %dma_start3A_77] : memref<10240x16xf32, #tpu.memory_space<hbm>> -> memref<10240x16xf32, #tpu.memory_space<hbm>>
      tpu.enqueue_indirect_dma source(%dma_start3A_78 : memref<10240x16xf32, #tpu.memory_space<hbm>>) target(%dma_start3A_72 : memref<128x16xf32, #tpu.memory_space<vmem>>) offsets(%dma_start3A_75 : memref<128xi32, #tpu.memory_space<vmem>>) semaphore(%arg16 : memref<!tpu.dma_semaphore, #tpu.memory_space<semaphore_mem>>)
      %dma_start3A_79 = arith.constant 5 : i32
      %dma_start3A_80 = arith.constant 5 : i32
      %dma_start3A_81 = arith.constant 0 : i32
      %dma_start3A_82 = arith.constant 0 : i32
      %dma_start3A_83 = tpu.memref_slice %arg9[%dma_start3A_80, %dma_start3A_81, %dma_start3A_82] : memref<8x128x16xf32, #tpu.memory_space<vmem>> -> memref<1x128x16xf32, #tpu.memory_space<vmem>>
      %dma_start3A_84 = tpu.memref_squeeze %dma_start3A_83 : memref<1x128x16xf32, #tpu.memory_space<vmem>> -> memref<128x16xf32, #tpu.memory_space<vmem>>
      %dma_start3A_85 = arith.constant 0 : i32
      %dma_start3A_86 = tpu.memref_slice %arg7[%dma_start3A_79, %dma_start3A_85] : memref<120x128xi32, #tpu.memory_space<vmem>> -> memref<1x128xi32, #tpu.memory_space<vmem>>
      %dma_start3A_87 = tpu.memref_squeeze %dma_start3A_86 : memref<1x128xi32, #tpu.memory_space<vmem>> -> memref<128xi32, #tpu.memory_space<vmem>>
      %dma_start3A_88 = arith.constant 0 : i32
      %dma_start3A_89 = arith.constant 0 : i32
      %dma_start3A_90 = tpu.memref_slice %arg2[%dma_start3A_88, %dma_start3A_89] : memref<10240x16xf32, #tpu.memory_space<hbm>> -> memref<10240x16xf32, #tpu.memory_space<hbm>>
      tpu.enqueue_indirect_dma source(%dma_start3A_90 : memref<10240x16xf32, #tpu.memory_space<hbm>>) target(%dma_start3A_84 : memref<128x16xf32, #tpu.memory_space<vmem>>) offsets(%dma_start3A_87 : memref<128xi32, #tpu.memory_space<vmem>>) semaphore(%arg17 : memref<!tpu.dma_semaphore, #tpu.memory_space<semaphore_mem>>)
      %dma_start3A_91 = arith.constant 6 : i32
      %dma_start3A_92 = arith.constant 6 : i32
      %dma_start3A_93 = arith.constant 0 : i32
      %dma_start3A_94 = arith.constant 0 : i32
      %dma_start3A_95 = tpu.memref_slice %arg9[%dma_start3A_92, %dma_start3A_93, %dma_start3A_94] : memref<8x128x16xf32, #tpu.memory_space<vmem>> -> memref<1x128x16xf32, #tpu.memory_space<vmem>>
      %dma_start3A_96 = tpu.memref_squeeze %dma_start3A_95 : memref<1x128x16xf32, #tpu.memory_space<vmem>> -> memref<128x16xf32, #tpu.memory_space<vmem>>
      %dma_start3A_97 = arith.constant 0 : i32
      %dma_start3A_98 = tpu.memref_slice %arg7[%dma_start3A_91, %dma_start3A_97] : memref<120x128xi32, #tpu.memory_space<vmem>> -> memref<1x128xi32, #tpu.memory_space<vmem>>
      %dma_start3A_99 = tpu.memref_squeeze %dma_start3A_98 : memref<1x128xi32, #tpu.memory_space<vmem>> -> memref<128xi32, #tpu.memory_space<vmem>>
      %dma_start3A_100 = arith.constant 0 : i32
      %dma_start3A_101 = arith.constant 0 : i32
      %dma_start3A_102 = tpu.memref_slice %arg2[%dma_start3A_100, %dma_start3A_101] : memref<10240x16xf32, #tpu.memory_space<hbm>> -> memref<10240x16xf32, #tpu.memory_space<hbm>>
      tpu.enqueue_indirect_dma source(%dma_start3A_102 : memref<10240x16xf32, #tpu.memory_space<hbm>>) target(%dma_start3A_96 : memref<128x16xf32, #tpu.memory_space<vmem>>) offsets(%dma_start3A_99 : memref<128xi32, #tpu.memory_space<vmem>>) semaphore(%arg18 : memref<!tpu.dma_semaphore, #tpu.memory_space<semaphore_mem>>)
      %dma_start3A_103 = arith.constant 7 : i32
      %dma_start3A_104 = arith.constant 7 : i32
      %dma_start3A_105 = arith.constant 0 : i32
      %dma_start3A_106 = arith.constant 0 : i32
      %dma_start3A_107 = tpu.memref_slice %arg9[%dma_start3A_104, %dma_start3A_105, %dma_start3A_106] : memref<8x128x16xf32, #tpu.memory_space<vmem>> -> memref<1x128x16xf32, #tpu.memory_space<vmem>>
      %dma_start3A_108 = tpu.memref_squeeze %dma_start3A_107 : memref<1x128x16xf32, #tpu.memory_space<vmem>> -> memref<128x16xf32, #tpu.memory_space<vmem>>
      %dma_start3A_109 = arith.constant 0 : i32
      %dma_start3A_110 = tpu.memref_slice %arg7[%dma_start3A_103, %dma_start3A_109] : memref<120x128xi32, #tpu.memory_space<vmem>> -> memref<1x128xi32, #tpu.memory_space<vmem>>
      %dma_start3A_111 = tpu.memref_squeeze %dma_start3A_110 : memref<1x128xi32, #tpu.memory_space<vmem>> -> memref<128xi32, #tpu.memory_space<vmem>>
      %dma_start3A_112 = arith.constant 0 : i32
      %dma_start3A_113 = arith.constant 0 : i32
      %dma_start3A_114 = tpu.memref_slice %arg2[%dma_start3A_112, %dma_start3A_113] : memref<10240x16xf32, #tpu.memory_space<hbm>> -> memref<10240x16xf32, #tpu.memory_space<hbm>>
      tpu.enqueue_indirect_dma source(%dma_start3A_114 : memref<10240x16xf32, #tpu.memory_space<hbm>>) target(%dma_start3A_108 : memref<128x16xf32, #tpu.memory_space<vmem>>) offsets(%dma_start3A_111 : memref<128xi32, #tpu.memory_space<vmem>>) semaphore(%arg19 : memref<!tpu.dma_semaphore, #tpu.memory_space<semaphore_mem>>)
      %scan3A = arith.constant 0 : i32
      %scan3A_115 = arith.constant 0 : i32
      %scan3A_116 = arith.constant 15 : i32
      %scan3A_117 = arith.addi %scan3A_115, %scan3A_116 : i32
      %scan3A_118 = arith.constant 1 : i32
      scf.for %scan3A_120 = %scan3A_115 to %scan3A_117 step %scan3A_118  : i32 {
        %mul3A_121 = arith.constant 8 : i32
        %mul3A_122 = arith.muli %scan3A_120, %mul3A_121 : i32
        %add3A_123 = arith.constant 0 : i32
        %add3A_124 = arith.addi %mul3A_122, %add3A_123 : i32
        %dma_wait3A = arith.constant 0 : i32
        %dma_wait3A_125 = arith.constant 0 : i32
        %dma_wait3A_126 = arith.constant 0 : i32
        %dma_wait3A_127 = tpu.memref_slice %arg9[%dma_wait3A, %dma_wait3A_125, %dma_wait3A_126] : memref<8x128x16xf32, #tpu.memory_space<vmem>> -> memref<1x128x16xf32, #tpu.memory_space<vmem>>
        %dma_wait3A_128 = tpu.memref_squeeze %dma_wait3A_127 : memref<1x128x16xf32, #tpu.memory_space<vmem>> -> memref<128x16xf32, #tpu.memory_space<vmem>>
        %dma_wait3A_129 = arith.constant 0 : i32
        %dma_wait3A_130 = tpu.memref_slice %arg7[%add3A_124, %dma_wait3A_129] : memref<120x128xi32, #tpu.memory_space<vmem>> -> memref<1x128xi32, #tpu.memory_space<vmem>>
        %dma_wait3A_131 = tpu.memref_squeeze %dma_wait3A_130 : memref<1x128xi32, #tpu.memory_space<vmem>> -> memref<128xi32, #tpu.memory_space<vmem>>
        %dma_wait3A_132 = arith.constant 0 : i32
        %dma_wait3A_133 = arith.constant 0 : i32
        %dma_wait3A_134 = tpu.memref_slice %arg2[%dma_wait3A_132, %dma_wait3A_133] : memref<10240x16xf32, #tpu.memory_space<hbm>> -> memref<10240x16xf32, #tpu.memory_space<hbm>>
        tpu.wait_indirect_dma semaphore(%arg12 : memref<!tpu.dma_semaphore, #tpu.memory_space<semaphore_mem>>) src(%dma_wait3A_134 : memref<10240x16xf32, #tpu.memory_space<hbm>>) dst(%dma_wait3A_128 : memref<128x16xf32, #tpu.memory_space<vmem>>)
        %run_scoped3A = arith.constant 0 : i32
        "tpu.region"() ({
          %run_scoped3A_302 = tpu.sem_alloc : memref<!tpu.dma_semaphore, #tpu.memory_space<semaphore_mem>>
          %dma_start3A_303 = arith.constant 0 : i32
          %dma_start3A_304 = arith.constant 0 : i32
          %dma_start3A_305 = tpu.memref_slice %arg9[%run_scoped3A, %dma_start3A_303, %dma_start3A_304] : memref<8x128x16xf32, #tpu.memory_space<vmem>> -> memref<1x128x16xf32, #tpu.memory_space<vmem>>
          %dma_start3A_306 = tpu.memref_squeeze %dma_start3A_305 : memref<1x128x16xf32, #tpu.memory_space<vmem>> -> memref<128x16xf32, #tpu.memory_space<vmem>>
          %dma_start3A_307 = arith.constant 0 : i32
          %dma_start3A_308 = tpu.memref_slice %arg8[%add3A_124, %dma_start3A_307] : memref<120x128xi32, #tpu.memory_space<vmem>> -> memref<1x128xi32, #tpu.memory_space<vmem>>
          %dma_start3A_309 = tpu.memref_squeeze %dma_start3A_308 : memref<1x128xi32, #tpu.memory_space<vmem>> -> memref<128xi32, #tpu.memory_space<vmem>>
          %dma_start3A_310 = arith.constant 0 : i32
          %dma_start3A_311 = arith.constant 0 : i32
          %dma_start3A_312 = tpu.memref_slice %arg11[%dma_start3A_310, %dma_start3A_311] : memref<10240x16xf32, #tpu.memory_space<vmem_shared>> -> memref<10240x16xf32, #tpu.memory_space<vmem_shared>>
          tpu.enqueue_indirect_dma source(%dma_start3A_306 : memref<128x16xf32, #tpu.memory_space<vmem>>) target(%dma_start3A_312 : memref<10240x16xf32, #tpu.memory_space<vmem_shared>>) offsets(%dma_start3A_309 : memref<128xi32, #tpu.memory_space<vmem>>) semaphore(%run_scoped3A_302 : memref<!tpu.dma_semaphore, #tpu.memory_space<semaphore_mem>>) {add = true}
          %dma_wait3A_313 = arith.constant 0 : i32
          %dma_wait3A_314 = arith.constant 0 : i32
          %dma_wait3A_315 = tpu.memref_slice %arg9[%run_scoped3A, %dma_wait3A_313, %dma_wait3A_314] : memref<8x128x16xf32, #tpu.memory_space<vmem>> -> memref<1x128x16xf32, #tpu.memory_space<vmem>>
          %dma_wait3A_316 = tpu.memref_squeeze %dma_wait3A_315 : memref<1x128x16xf32, #tpu.memory_space<vmem>> -> memref<128x16xf32, #tpu.memory_space<vmem>>
          %dma_wait3A_317 = arith.constant 0 : i32
          %dma_wait3A_318 = tpu.memref_slice %arg8[%add3A_124, %dma_wait3A_317] : memref<120x128xi32, #tpu.memory_space<vmem>> -> memref<1x128xi32, #tpu.memory_space<vmem>>
          %dma_wait3A_319 = tpu.memref_squeeze %dma_wait3A_318 : memref<1x128xi32, #tpu.memory_space<vmem>> -> memref<128xi32, #tpu.memory_space<vmem>>
          %dma_wait3A_320 = arith.constant 0 : i32
          %dma_wait3A_321 = arith.constant 0 : i32
          %dma_wait3A_322 = tpu.memref_slice %arg11[%dma_wait3A_320, %dma_wait3A_321] : memref<10240x16xf32, #tpu.memory_space<vmem_shared>> -> memref<10240x16xf32, #tpu.memory_space<vmem_shared>>
          tpu.wait_indirect_dma semaphore(%run_scoped3A_302 : memref<!tpu.dma_semaphore, #tpu.memory_space<semaphore_mem>>) src(%dma_wait3A_316 : memref<128x16xf32, #tpu.memory_space<vmem>>) dst(%dma_wait3A_322 : memref<10240x16xf32, #tpu.memory_space<vmem_shared>>)
          tpu.yield
        }) : () -> ()
        %add3A_135 = arith.constant 8 : i32
        %add3A_136 = arith.addi %add3A_124, %add3A_135 : i32
        %lt3A = arith.constant 120 : i32
        %lt3A_137 = arith.cmpi slt, %add3A_136, %lt3A : i32
        %convert_element_type3A_138 = arith.extui %lt3A_137 : i1 to i32
        %cond3A_139 = arith.constant 0 : i32
        %cond3A_140 = arith.cmpi ne, %convert_element_type3A_138, %cond3A_139 : i32
        scf.if %cond3A_140 {
          %add3A_302 = arith.constant 8 : i32
          %add3A_303 = arith.addi %add3A_124, %add3A_302 : i32
          %dma_start3A_304 = arith.constant 0 : i32
          %dma_start3A_305 = arith.constant 0 : i32
          %dma_start3A_306 = arith.constant 0 : i32
          %dma_start3A_307 = tpu.memref_slice %arg9[%dma_start3A_304, %dma_start3A_305, %dma_start3A_306] : memref<8x128x16xf32, #tpu.memory_space<vmem>> -> memref<1x128x16xf32, #tpu.memory_space<vmem>>
          %dma_start3A_308 = tpu.memref_squeeze %dma_start3A_307 : memref<1x128x16xf32, #tpu.memory_space<vmem>> -> memref<128x16xf32, #tpu.memory_space<vmem>>
          %dma_start3A_309 = arith.constant 0 : i32
          %dma_start3A_310 = tpu.memref_slice %arg7[%add3A_303, %dma_start3A_309] : memref<120x128xi32, #tpu.memory_space<vmem>> -> memref<1x128xi32, #tpu.memory_space<vmem>>
          %dma_start3A_311 = tpu.memref_squeeze %dma_start3A_310 : memref<1x128xi32, #tpu.memory_space<vmem>> -> memref<128xi32, #tpu.memory_space<vmem>>
          %dma_start3A_312 = arith.constant 0 : i32
          %dma_start3A_313 = arith.constant 0 : i32
          %dma_start3A_314 = tpu.memref_slice %arg2[%dma_start3A_312, %dma_start3A_313] : memref<10240x16xf32, #tpu.memory_space<hbm>> -> memref<10240x16xf32, #tpu.memory_space<hbm>>
          tpu.enqueue_indirect_dma source(%dma_start3A_314 : memref<10240x16xf32, #tpu.memory_space<hbm>>) target(%dma_start3A_308 : memref<128x16xf32, #tpu.memory_space<vmem>>) offsets(%dma_start3A_311 : memref<128xi32, #tpu.memory_space<vmem>>) semaphore(%arg12 : memref<!tpu.dma_semaphore, #tpu.memory_space<semaphore_mem>>)
        } else {
        }
        %mul3A_141 = arith.constant 8 : i32
        %mul3A_142 = arith.muli %scan3A_120, %mul3A_141 : i32
        %add3A_143 = arith.constant 1 : i32
        %add3A_144 = arith.addi %mul3A_142, %add3A_143 : i32
        %dma_wait3A_145 = arith.constant 1 : i32
        %dma_wait3A_146 = arith.constant 0 : i32
        %dma_wait3A_147 = arith.constant 0 : i32
        %dma_wait3A_148 = tpu.memref_slice %arg9[%dma_wait3A_145, %dma_wait3A_146, %dma_wait3A_147] : memref<8x128x16xf32, #tpu.memory_space<vmem>> -> memref<1x128x16xf32, #tpu.memory_space<vmem>>
        %dma_wait3A_149 = tpu.memref_squeeze %dma_wait3A_148 : memref<1x128x16xf32, #tpu.memory_space<vmem>> -> memref<128x16xf32, #tpu.memory_space<vmem>>
        %dma_wait3A_150 = arith.constant 0 : i32
        %dma_wait3A_151 = tpu.memref_slice %arg7[%add3A_144, %dma_wait3A_150] : memref<120x128xi32, #tpu.memory_space<vmem>> -> memref<1x128xi32, #tpu.memory_space<vmem>>
        %dma_wait3A_152 = tpu.memref_squeeze %dma_wait3A_151 : memref<1x128xi32, #tpu.memory_space<vmem>> -> memref<128xi32, #tpu.memory_space<vmem>>
        %dma_wait3A_153 = arith.constant 0 : i32
        %dma_wait3A_154 = arith.constant 0 : i32
        %dma_wait3A_155 = tpu.memref_slice %arg2[%dma_wait3A_153, %dma_wait3A_154] : memref<10240x16xf32, #tpu.memory_space<hbm>> -> memref<10240x16xf32, #tpu.memory_space<hbm>>
        tpu.wait_indirect_dma semaphore(%arg13 : memref<!tpu.dma_semaphore, #tpu.memory_space<semaphore_mem>>) src(%dma_wait3A_155 : memref<10240x16xf32, #tpu.memory_space<hbm>>) dst(%dma_wait3A_149 : memref<128x16xf32, #tpu.memory_space<vmem>>)
        %run_scoped3A_156 = arith.constant 1 : i32
        "tpu.region"() ({
          %run_scoped3A_302 = tpu.sem_alloc : memref<!tpu.dma_semaphore, #tpu.memory_space<semaphore_mem>>
          %dma_start3A_303 = arith.constant 0 : i32
          %dma_start3A_304 = arith.constant 0 : i32
          %dma_start3A_305 = tpu.memref_slice %arg9[%run_scoped3A_156, %dma_start3A_303, %dma_start3A_304] : memref<8x128x16xf32, #tpu.memory_space<vmem>> -> memref<1x128x16xf32, #tpu.memory_space<vmem>>
          %dma_start3A_306 = tpu.memref_squeeze %dma_start3A_305 : memref<1x128x16xf32, #tpu.memory_space<vmem>> -> memref<128x16xf32, #tpu.memory_space<vmem>>
          %dma_start3A_307 = arith.constant 0 : i32
          %dma_start3A_308 = tpu.memref_slice %arg8[%add3A_144, %dma_start3A_307] : memref<120x128xi32, #tpu.memory_space<vmem>> -> memref<1x128xi32, #tpu.memory_space<vmem>>
          %dma_start3A_309 = tpu.memref_squeeze %dma_start3A_308 : memref<1x128xi32, #tpu.memory_space<vmem>> -> memref<128xi32, #tpu.memory_space<vmem>>
          %dma_start3A_310 = arith.constant 0 : i32
          %dma_start3A_311 = arith.constant 0 : i32
          %dma_start3A_312 = tpu.memref_slice %arg11[%dma_start3A_310, %dma_start3A_311] : memref<10240x16xf32, #tpu.memory_space<vmem_shared>> -> memref<10240x16xf32, #tpu.memory_space<vmem_shared>>
          tpu.enqueue_indirect_dma source(%dma_start3A_306 : memref<128x16xf32, #tpu.memory_space<vmem>>) target(%dma_start3A_312 : memref<10240x16xf32, #tpu.memory_space<vmem_shared>>) offsets(%dma_start3A_309 : memref<128xi32, #tpu.memory_space<vmem>>) semaphore(%run_scoped3A_302 : memref<!tpu.dma_semaphore, #tpu.memory_space<semaphore_mem>>) {add = true}
          %dma_wait3A_313 = arith.constant 0 : i32
          %dma_wait3A_314 = arith.constant 0 : i32
          %dma_wait3A_315 = tpu.memref_slice %arg9[%run_scoped3A_156, %dma_wait3A_313, %dma_wait3A_314] : memref<8x128x16xf32, #tpu.memory_space<vmem>> -> memref<1x128x16xf32, #tpu.memory_space<vmem>>
          %dma_wait3A_316 = tpu.memref_squeeze %dma_wait3A_315 : memref<1x128x16xf32, #tpu.memory_space<vmem>> -> memref<128x16xf32, #tpu.memory_space<vmem>>
          %dma_wait3A_317 = arith.constant 0 : i32
          %dma_wait3A_318 = tpu.memref_slice %arg8[%add3A_144, %dma_wait3A_317] : memref<120x128xi32, #tpu.memory_space<vmem>> -> memref<1x128xi32, #tpu.memory_space<vmem>>
          %dma_wait3A_319 = tpu.memref_squeeze %dma_wait3A_318 : memref<1x128xi32, #tpu.memory_space<vmem>> -> memref<128xi32, #tpu.memory_space<vmem>>
          %dma_wait3A_320 = arith.constant 0 : i32
          %dma_wait3A_321 = arith.constant 0 : i32
          %dma_wait3A_322 = tpu.memref_slice %arg11[%dma_wait3A_320, %dma_wait3A_321] : memref<10240x16xf32, #tpu.memory_space<vmem_shared>> -> memref<10240x16xf32, #tpu.memory_space<vmem_shared>>
          tpu.wait_indirect_dma semaphore(%run_scoped3A_302 : memref<!tpu.dma_semaphore, #tpu.memory_space<semaphore_mem>>) src(%dma_wait3A_316 : memref<128x16xf32, #tpu.memory_space<vmem>>) dst(%dma_wait3A_322 : memref<10240x16xf32, #tpu.memory_space<vmem_shared>>)
          tpu.yield
        }) : () -> ()
        %add3A_157 = arith.constant 8 : i32
        %add3A_158 = arith.addi %add3A_144, %add3A_157 : i32
        %lt3A_159 = arith.constant 120 : i32
        %lt3A_160 = arith.cmpi slt, %add3A_158, %lt3A_159 : i32
        %convert_element_type3A_161 = arith.extui %lt3A_160 : i1 to i32
        %cond3A_162 = arith.constant 0 : i32
        %cond3A_163 = arith.cmpi ne, %convert_element_type3A_161, %cond3A_162 : i32
        scf.if %cond3A_163 {
          %add3A_302 = arith.constant 8 : i32
          %add3A_303 = arith.addi %add3A_144, %add3A_302 : i32
          %dma_start3A_304 = arith.constant 1 : i32
          %dma_start3A_305 = arith.constant 0 : i32
          %dma_start3A_306 = arith.constant 0 : i32
          %dma_start3A_307 = tpu.memref_slice %arg9[%dma_start3A_304, %dma_start3A_305, %dma_start3A_306] : memref<8x128x16xf32, #tpu.memory_space<vmem>> -> memref<1x128x16xf32, #tpu.memory_space<vmem>>
          %dma_start3A_308 = tpu.memref_squeeze %dma_start3A_307 : memref<1x128x16xf32, #tpu.memory_space<vmem>> -> memref<128x16xf32, #tpu.memory_space<vmem>>
          %dma_start3A_309 = arith.constant 0 : i32
          %dma_start3A_310 = tpu.memref_slice %arg7[%add3A_303, %dma_start3A_309] : memref<120x128xi32, #tpu.memory_space<vmem>> -> memref<1x128xi32, #tpu.memory_space<vmem>>
          %dma_start3A_311 = tpu.memref_squeeze %dma_start3A_310 : memref<1x128xi32, #tpu.memory_space<vmem>> -> memref<128xi32, #tpu.memory_space<vmem>>
          %dma_start3A_312 = arith.constant 0 : i32
          %dma_start3A_313 = arith.constant 0 : i32
          %dma_start3A_314 = tpu.memref_slice %arg2[%dma_start3A_312, %dma_start3A_313] : memref<10240x16xf32, #tpu.memory_space<hbm>> -> memref<10240x16xf32, #tpu.memory_space<hbm>>
          tpu.enqueue_indirect_dma source(%dma_start3A_314 : memref<10240x16xf32, #tpu.memory_space<hbm>>) target(%dma_start3A_308 : memref<128x16xf32, #tpu.memory_space<vmem>>) offsets(%dma_start3A_311 : memref<128xi32, #tpu.memory_space<vmem>>) semaphore(%arg13 : memref<!tpu.dma_semaphore, #tpu.memory_space<semaphore_mem>>)
        } else {
        }
        %mul3A_164 = arith.constant 8 : i32
        %mul3A_165 = arith.muli %scan3A_120, %mul3A_164 : i32
        %add3A_166 = arith.constant 2 : i32
        %add3A_167 = arith.addi %mul3A_165, %add3A_166 : i32
        %dma_wait3A_168 = arith.constant 2 : i32
        %dma_wait3A_169 = arith.constant 0 : i32
        %dma_wait3A_170 = arith.constant 0 : i32
        %dma_wait3A_171 = tpu.memref_slice %arg9[%dma_wait3A_168, %dma_wait3A_169, %dma_wait3A_170] : memref<8x128x16xf32, #tpu.memory_space<vmem>> -> memref<1x128x16xf32, #tpu.memory_space<vmem>>
        %dma_wait3A_172 = tpu.memref_squeeze %dma_wait3A_171 : memref<1x128x16xf32, #tpu.memory_space<vmem>> -> memref<128x16xf32, #tpu.memory_space<vmem>>
        %dma_wait3A_173 = arith.constant 0 : i32
        %dma_wait3A_174 = tpu.memref_slice %arg7[%add3A_167, %dma_wait3A_173] : memref<120x128xi32, #tpu.memory_space<vmem>> -> memref<1x128xi32, #tpu.memory_space<vmem>>
        %dma_wait3A_175 = tpu.memref_squeeze %dma_wait3A_174 : memref<1x128xi32, #tpu.memory_space<vmem>> -> memref<128xi32, #tpu.memory_space<vmem>>
        %dma_wait3A_176 = arith.constant 0 : i32
        %dma_wait3A_177 = arith.constant 0 : i32
        %dma_wait3A_178 = tpu.memref_slice %arg2[%dma_wait3A_176, %dma_wait3A_177] : memref<10240x16xf32, #tpu.memory_space<hbm>> -> memref<10240x16xf32, #tpu.memory_space<hbm>>
        tpu.wait_indirect_dma semaphore(%arg14 : memref<!tpu.dma_semaphore, #tpu.memory_space<semaphore_mem>>) src(%dma_wait3A_178 : memref<10240x16xf32, #tpu.memory_space<hbm>>) dst(%dma_wait3A_172 : memref<128x16xf32, #tpu.memory_space<vmem>>)
        %run_scoped3A_179 = arith.constant 2 : i32
        "tpu.region"() ({
          %run_scoped3A_302 = tpu.sem_alloc : memref<!tpu.dma_semaphore, #tpu.memory_space<semaphore_mem>>
          %dma_start3A_303 = arith.constant 0 : i32
          %dma_start3A_304 = arith.constant 0 : i32
          %dma_start3A_305 = tpu.memref_slice %arg9[%run_scoped3A_179, %dma_start3A_303, %dma_start3A_304] : memref<8x128x16xf32, #tpu.memory_space<vmem>> -> memref<1x128x16xf32, #tpu.memory_space<vmem>>
          %dma_start3A_306 = tpu.memref_squeeze %dma_start3A_305 : memref<1x128x16xf32, #tpu.memory_space<vmem>> -> memref<128x16xf32, #tpu.memory_space<vmem>>
          %dma_start3A_307 = arith.constant 0 : i32
          %dma_start3A_308 = tpu.memref_slice %arg8[%add3A_167, %dma_start3A_307] : memref<120x128xi32, #tpu.memory_space<vmem>> -> memref<1x128xi32, #tpu.memory_space<vmem>>
          %dma_start3A_309 = tpu.memref_squeeze %dma_start3A_308 : memref<1x128xi32, #tpu.memory_space<vmem>> -> memref<128xi32, #tpu.memory_space<vmem>>
          %dma_start3A_310 = arith.constant 0 : i32
          %dma_start3A_311 = arith.constant 0 : i32
          %dma_start3A_312 = tpu.memref_slice %arg11[%dma_start3A_310, %dma_start3A_311] : memref<10240x16xf32, #tpu.memory_space<vmem_shared>> -> memref<10240x16xf32, #tpu.memory_space<vmem_shared>>
          tpu.enqueue_indirect_dma source(%dma_start3A_306 : memref<128x16xf32, #tpu.memory_space<vmem>>) target(%dma_start3A_312 : memref<10240x16xf32, #tpu.memory_space<vmem_shared>>) offsets(%dma_start3A_309 : memref<128xi32, #tpu.memory_space<vmem>>) semaphore(%run_scoped3A_302 : memref<!tpu.dma_semaphore, #tpu.memory_space<semaphore_mem>>) {add = true}
          %dma_wait3A_313 = arith.constant 0 : i32
          %dma_wait3A_314 = arith.constant 0 : i32
          %dma_wait3A_315 = tpu.memref_slice %arg9[%run_scoped3A_179, %dma_wait3A_313, %dma_wait3A_314] : memref<8x128x16xf32, #tpu.memory_space<vmem>> -> memref<1x128x16xf32, #tpu.memory_space<vmem>>
          %dma_wait3A_316 = tpu.memref_squeeze %dma_wait3A_315 : memref<1x128x16xf32, #tpu.memory_space<vmem>> -> memref<128x16xf32, #tpu.memory_space<vmem>>
          %dma_wait3A_317 = arith.constant 0 : i32
          %dma_wait3A_318 = tpu.memref_slice %arg8[%add3A_167, %dma_wait3A_317] : memref<120x128xi32, #tpu.memory_space<vmem>> -> memref<1x128xi32, #tpu.memory_space<vmem>>
          %dma_wait3A_319 = tpu.memref_squeeze %dma_wait3A_318 : memref<1x128xi32, #tpu.memory_space<vmem>> -> memref<128xi32, #tpu.memory_space<vmem>>
          %dma_wait3A_320 = arith.constant 0 : i32
          %dma_wait3A_321 = arith.constant 0 : i32
          %dma_wait3A_322 = tpu.memref_slice %arg11[%dma_wait3A_320, %dma_wait3A_321] : memref<10240x16xf32, #tpu.memory_space<vmem_shared>> -> memref<10240x16xf32, #tpu.memory_space<vmem_shared>>
          tpu.wait_indirect_dma semaphore(%run_scoped3A_302 : memref<!tpu.dma_semaphore, #tpu.memory_space<semaphore_mem>>) src(%dma_wait3A_316 : memref<128x16xf32, #tpu.memory_space<vmem>>) dst(%dma_wait3A_322 : memref<10240x16xf32, #tpu.memory_space<vmem_shared>>)
          tpu.yield
        }) : () -> ()
        %add3A_180 = arith.constant 8 : i32
        %add3A_181 = arith.addi %add3A_167, %add3A_180 : i32
        %lt3A_182 = arith.constant 120 : i32
        %lt3A_183 = arith.cmpi slt, %add3A_181, %lt3A_182 : i32
        %convert_element_type3A_184 = arith.extui %lt3A_183 : i1 to i32
        %cond3A_185 = arith.constant 0 : i32
        %cond3A_186 = arith.cmpi ne, %convert_element_type3A_184, %cond3A_185 : i32
        scf.if %cond3A_186 {
          %add3A_302 = arith.constant 8 : i32
          %add3A_303 = arith.addi %add3A_167, %add3A_302 : i32
          %dma_start3A_304 = arith.constant 2 : i32
          %dma_start3A_305 = arith.constant 0 : i32
          %dma_start3A_306 = arith.constant 0 : i32
          %dma_start3A_307 = tpu.memref_slice %arg9[%dma_start3A_304, %dma_start3A_305, %dma_start3A_306] : memref<8x128x16xf32, #tpu.memory_space<vmem>> -> memref<1x128x16xf32, #tpu.memory_space<vmem>>
          %dma_start3A_308 = tpu.memref_squeeze %dma_start3A_307 : memref<1x128x16xf32, #tpu.memory_space<vmem>> -> memref<128x16xf32, #tpu.memory_space<vmem>>
          %dma_start3A_309 = arith.constant 0 : i32
          %dma_start3A_310 = tpu.memref_slice %arg7[%add3A_303, %dma_start3A_309] : memref<120x128xi32, #tpu.memory_space<vmem>> -> memref<1x128xi32, #tpu.memory_space<vmem>>
          %dma_start3A_311 = tpu.memref_squeeze %dma_start3A_310 : memref<1x128xi32, #tpu.memory_space<vmem>> -> memref<128xi32, #tpu.memory_space<vmem>>
          %dma_start3A_312 = arith.constant 0 : i32
          %dma_start3A_313 = arith.constant 0 : i32
          %dma_start3A_314 = tpu.memref_slice %arg2[%dma_start3A_312, %dma_start3A_313] : memref<10240x16xf32, #tpu.memory_space<hbm>> -> memref<10240x16xf32, #tpu.memory_space<hbm>>
          tpu.enqueue_indirect_dma source(%dma_start3A_314 : memref<10240x16xf32, #tpu.memory_space<hbm>>) target(%dma_start3A_308 : memref<128x16xf32, #tpu.memory_space<vmem>>) offsets(%dma_start3A_311 : memref<128xi32, #tpu.memory_space<vmem>>) semaphore(%arg14 : memref<!tpu.dma_semaphore, #tpu.memory_space<semaphore_mem>>)
        } else {
        }
        %mul3A_187 = arith.constant 8 : i32
        %mul3A_188 = arith.muli %scan3A_120, %mul3A_187 : i32
        %add3A_189 = arith.constant 3 : i32
        %add3A_190 = arith.addi %mul3A_188, %add3A_189 : i32
        %dma_wait3A_191 = arith.constant 3 : i32
        %dma_wait3A_192 = arith.constant 0 : i32
        %dma_wait3A_193 = arith.constant 0 : i32
        %dma_wait3A_194 = tpu.memref_slice %arg9[%dma_wait3A_191, %dma_wait3A_192, %dma_wait3A_193] : memref<8x128x16xf32, #tpu.memory_space<vmem>> -> memref<1x128x16xf32, #tpu.memory_space<vmem>>
        %dma_wait3A_195 = tpu.memref_squeeze %dma_wait3A_194 : memref<1x128x16xf32, #tpu.memory_space<vmem>> -> memref<128x16xf32, #tpu.memory_space<vmem>>
        %dma_wait3A_196 = arith.constant 0 : i32
        %dma_wait3A_197 = tpu.memref_slice %arg7[%add3A_190, %dma_wait3A_196] : memref<120x128xi32, #tpu.memory_space<vmem>> -> memref<1x128xi32, #tpu.memory_space<vmem>>
        %dma_wait3A_198 = tpu.memref_squeeze %dma_wait3A_197 : memref<1x128xi32, #tpu.memory_space<vmem>> -> memref<128xi32, #tpu.memory_space<vmem>>
        %dma_wait3A_199 = arith.constant 0 : i32
        %dma_wait3A_200 = arith.constant 0 : i32
        %dma_wait3A_201 = tpu.memref_slice %arg2[%dma_wait3A_199, %dma_wait3A_200] : memref<10240x16xf32, #tpu.memory_space<hbm>> -> memref<10240x16xf32, #tpu.memory_space<hbm>>
        tpu.wait_indirect_dma semaphore(%arg15 : memref<!tpu.dma_semaphore, #tpu.memory_space<semaphore_mem>>) src(%dma_wait3A_201 : memref<10240x16xf32, #tpu.memory_space<hbm>>) dst(%dma_wait3A_195 : memref<128x16xf32, #tpu.memory_space<vmem>>)
        %run_scoped3A_202 = arith.constant 3 : i32
        "tpu.region"() ({
          %run_scoped3A_302 = tpu.sem_alloc : memref<!tpu.dma_semaphore, #tpu.memory_space<semaphore_mem>>
          %dma_start3A_303 = arith.constant 0 : i32
          %dma_start3A_304 = arith.constant 0 : i32
          %dma_start3A_305 = tpu.memref_slice %arg9[%run_scoped3A_202, %dma_start3A_303, %dma_start3A_304] : memref<8x128x16xf32, #tpu.memory_space<vmem>> -> memref<1x128x16xf32, #tpu.memory_space<vmem>>
          %dma_start3A_306 = tpu.memref_squeeze %dma_start3A_305 : memref<1x128x16xf32, #tpu.memory_space<vmem>> -> memref<128x16xf32, #tpu.memory_space<vmem>>
          %dma_start3A_307 = arith.constant 0 : i32
          %dma_start3A_308 = tpu.memref_slice %arg8[%add3A_190, %dma_start3A_307] : memref<120x128xi32, #tpu.memory_space<vmem>> -> memref<1x128xi32, #tpu.memory_space<vmem>>
          %dma_start3A_309 = tpu.memref_squeeze %dma_start3A_308 : memref<1x128xi32, #tpu.memory_space<vmem>> -> memref<128xi32, #tpu.memory_space<vmem>>
          %dma_start3A_310 = arith.constant 0 : i32
          %dma_start3A_311 = arith.constant 0 : i32
          %dma_start3A_312 = tpu.memref_slice %arg11[%dma_start3A_310, %dma_start3A_311] : memref<10240x16xf32, #tpu.memory_space<vmem_shared>> -> memref<10240x16xf32, #tpu.memory_space<vmem_shared>>
          tpu.enqueue_indirect_dma source(%dma_start3A_306 : memref<128x16xf32, #tpu.memory_space<vmem>>) target(%dma_start3A_312 : memref<10240x16xf32, #tpu.memory_space<vmem_shared>>) offsets(%dma_start3A_309 : memref<128xi32, #tpu.memory_space<vmem>>) semaphore(%run_scoped3A_302 : memref<!tpu.dma_semaphore, #tpu.memory_space<semaphore_mem>>) {add = true}
          %dma_wait3A_313 = arith.constant 0 : i32
          %dma_wait3A_314 = arith.constant 0 : i32
          %dma_wait3A_315 = tpu.memref_slice %arg9[%run_scoped3A_202, %dma_wait3A_313, %dma_wait3A_314] : memref<8x128x16xf32, #tpu.memory_space<vmem>> -> memref<1x128x16xf32, #tpu.memory_space<vmem>>
          %dma_wait3A_316 = tpu.memref_squeeze %dma_wait3A_315 : memref<1x128x16xf32, #tpu.memory_space<vmem>> -> memref<128x16xf32, #tpu.memory_space<vmem>>
          %dma_wait3A_317 = arith.constant 0 : i32
          %dma_wait3A_318 = tpu.memref_slice %arg8[%add3A_190, %dma_wait3A_317] : memref<120x128xi32, #tpu.memory_space<vmem>> -> memref<1x128xi32, #tpu.memory_space<vmem>>
          %dma_wait3A_319 = tpu.memref_squeeze %dma_wait3A_318 : memref<1x128xi32, #tpu.memory_space<vmem>> -> memref<128xi32, #tpu.memory_space<vmem>>
          %dma_wait3A_320 = arith.constant 0 : i32
          %dma_wait3A_321 = arith.constant 0 : i32
          %dma_wait3A_322 = tpu.memref_slice %arg11[%dma_wait3A_320, %dma_wait3A_321] : memref<10240x16xf32, #tpu.memory_space<vmem_shared>> -> memref<10240x16xf32, #tpu.memory_space<vmem_shared>>
          tpu.wait_indirect_dma semaphore(%run_scoped3A_302 : memref<!tpu.dma_semaphore, #tpu.memory_space<semaphore_mem>>) src(%dma_wait3A_316 : memref<128x16xf32, #tpu.memory_space<vmem>>) dst(%dma_wait3A_322 : memref<10240x16xf32, #tpu.memory_space<vmem_shared>>)
          tpu.yield
        }) : () -> ()
        %add3A_203 = arith.constant 8 : i32
        %add3A_204 = arith.addi %add3A_190, %add3A_203 : i32
        %lt3A_205 = arith.constant 120 : i32
        %lt3A_206 = arith.cmpi slt, %add3A_204, %lt3A_205 : i32
        %convert_element_type3A_207 = arith.extui %lt3A_206 : i1 to i32
        %cond3A_208 = arith.constant 0 : i32
        %cond3A_209 = arith.cmpi ne, %convert_element_type3A_207, %cond3A_208 : i32
        scf.if %cond3A_209 {
          %add3A_302 = arith.constant 8 : i32
          %add3A_303 = arith.addi %add3A_190, %add3A_302 : i32
          %dma_start3A_304 = arith.constant 3 : i32
          %dma_start3A_305 = arith.constant 0 : i32
          %dma_start3A_306 = arith.constant 0 : i32
          %dma_start3A_307 = tpu.memref_slice %arg9[%dma_start3A_304, %dma_start3A_305, %dma_start3A_306] : memref<8x128x16xf32, #tpu.memory_space<vmem>> -> memref<1x128x16xf32, #tpu.memory_space<vmem>>
          %dma_start3A_308 = tpu.memref_squeeze %dma_start3A_307 : memref<1x128x16xf32, #tpu.memory_space<vmem>> -> memref<128x16xf32, #tpu.memory_space<vmem>>
          %dma_start3A_309 = arith.constant 0 : i32
          %dma_start3A_310 = tpu.memref_slice %arg7[%add3A_303, %dma_start3A_309] : memref<120x128xi32, #tpu.memory_space<vmem>> -> memref<1x128xi32, #tpu.memory_space<vmem>>
          %dma_start3A_311 = tpu.memref_squeeze %dma_start3A_310 : memref<1x128xi32, #tpu.memory_space<vmem>> -> memref<128xi32, #tpu.memory_space<vmem>>
          %dma_start3A_312 = arith.constant 0 : i32
          %dma_start3A_313 = arith.constant 0 : i32
          %dma_start3A_314 = tpu.memref_slice %arg2[%dma_start3A_312, %dma_start3A_313] : memref<10240x16xf32, #tpu.memory_space<hbm>> -> memref<10240x16xf32, #tpu.memory_space<hbm>>
          tpu.enqueue_indirect_dma source(%dma_start3A_314 : memref<10240x16xf32, #tpu.memory_space<hbm>>) target(%dma_start3A_308 : memref<128x16xf32, #tpu.memory_space<vmem>>) offsets(%dma_start3A_311 : memref<128xi32, #tpu.memory_space<vmem>>) semaphore(%arg15 : memref<!tpu.dma_semaphore, #tpu.memory_space<semaphore_mem>>)
        } else {
        }
        %mul3A_210 = arith.constant 8 : i32
        %mul3A_211 = arith.muli %scan3A_120, %mul3A_210 : i32
        %add3A_212 = arith.constant 4 : i32
        %add3A_213 = arith.addi %mul3A_211, %add3A_212 : i32
        %dma_wait3A_214 = arith.constant 4 : i32
        %dma_wait3A_215 = arith.constant 0 : i32
        %dma_wait3A_216 = arith.constant 0 : i32
        %dma_wait3A_217 = tpu.memref_slice %arg9[%dma_wait3A_214, %dma_wait3A_215, %dma_wait3A_216] : memref<8x128x16xf32, #tpu.memory_space<vmem>> -> memref<1x128x16xf32, #tpu.memory_space<vmem>>
        %dma_wait3A_218 = tpu.memref_squeeze %dma_wait3A_217 : memref<1x128x16xf32, #tpu.memory_space<vmem>> -> memref<128x16xf32, #tpu.memory_space<vmem>>
        %dma_wait3A_219 = arith.constant 0 : i32
        %dma_wait3A_220 = tpu.memref_slice %arg7[%add3A_213, %dma_wait3A_219] : memref<120x128xi32, #tpu.memory_space<vmem>> -> memref<1x128xi32, #tpu.memory_space<vmem>>
        %dma_wait3A_221 = tpu.memref_squeeze %dma_wait3A_220 : memref<1x128xi32, #tpu.memory_space<vmem>> -> memref<128xi32, #tpu.memory_space<vmem>>
        %dma_wait3A_222 = arith.constant 0 : i32
        %dma_wait3A_223 = arith.constant 0 : i32
        %dma_wait3A_224 = tpu.memref_slice %arg2[%dma_wait3A_222, %dma_wait3A_223] : memref<10240x16xf32, #tpu.memory_space<hbm>> -> memref<10240x16xf32, #tpu.memory_space<hbm>>
        tpu.wait_indirect_dma semaphore(%arg16 : memref<!tpu.dma_semaphore, #tpu.memory_space<semaphore_mem>>) src(%dma_wait3A_224 : memref<10240x16xf32, #tpu.memory_space<hbm>>) dst(%dma_wait3A_218 : memref<128x16xf32, #tpu.memory_space<vmem>>)
        %run_scoped3A_225 = arith.constant 4 : i32
        "tpu.region"() ({
          %run_scoped3A_302 = tpu.sem_alloc : memref<!tpu.dma_semaphore, #tpu.memory_space<semaphore_mem>>
          %dma_start3A_303 = arith.constant 0 : i32
          %dma_start3A_304 = arith.constant 0 : i32
          %dma_start3A_305 = tpu.memref_slice %arg9[%run_scoped3A_225, %dma_start3A_303, %dma_start3A_304] : memref<8x128x16xf32, #tpu.memory_space<vmem>> -> memref<1x128x16xf32, #tpu.memory_space<vmem>>
          %dma_start3A_306 = tpu.memref_squeeze %dma_start3A_305 : memref<1x128x16xf32, #tpu.memory_space<vmem>> -> memref<128x16xf32, #tpu.memory_space<vmem>>
          %dma_start3A_307 = arith.constant 0 : i32
          %dma_start3A_308 = tpu.memref_slice %arg8[%add3A_213, %dma_start3A_307] : memref<120x128xi32, #tpu.memory_space<vmem>> -> memref<1x128xi32, #tpu.memory_space<vmem>>
          %dma_start3A_309 = tpu.memref_squeeze %dma_start3A_308 : memref<1x128xi32, #tpu.memory_space<vmem>> -> memref<128xi32, #tpu.memory_space<vmem>>
          %dma_start3A_310 = arith.constant 0 : i32
          %dma_start3A_311 = arith.constant 0 : i32
          %dma_start3A_312 = tpu.memref_slice %arg11[%dma_start3A_310, %dma_start3A_311] : memref<10240x16xf32, #tpu.memory_space<vmem_shared>> -> memref<10240x16xf32, #tpu.memory_space<vmem_shared>>
          tpu.enqueue_indirect_dma source(%dma_start3A_306 : memref<128x16xf32, #tpu.memory_space<vmem>>) target(%dma_start3A_312 : memref<10240x16xf32, #tpu.memory_space<vmem_shared>>) offsets(%dma_start3A_309 : memref<128xi32, #tpu.memory_space<vmem>>) semaphore(%run_scoped3A_302 : memref<!tpu.dma_semaphore, #tpu.memory_space<semaphore_mem>>) {add = true}
          %dma_wait3A_313 = arith.constant 0 : i32
          %dma_wait3A_314 = arith.constant 0 : i32
          %dma_wait3A_315 = tpu.memref_slice %arg9[%run_scoped3A_225, %dma_wait3A_313, %dma_wait3A_314] : memref<8x128x16xf32, #tpu.memory_space<vmem>> -> memref<1x128x16xf32, #tpu.memory_space<vmem>>
          %dma_wait3A_316 = tpu.memref_squeeze %dma_wait3A_315 : memref<1x128x16xf32, #tpu.memory_space<vmem>> -> memref<128x16xf32, #tpu.memory_space<vmem>>
          %dma_wait3A_317 = arith.constant 0 : i32
          %dma_wait3A_318 = tpu.memref_slice %arg8[%add3A_213, %dma_wait3A_317] : memref<120x128xi32, #tpu.memory_space<vmem>> -> memref<1x128xi32, #tpu.memory_space<vmem>>
          %dma_wait3A_319 = tpu.memref_squeeze %dma_wait3A_318 : memref<1x128xi32, #tpu.memory_space<vmem>> -> memref<128xi32, #tpu.memory_space<vmem>>
          %dma_wait3A_320 = arith.constant 0 : i32
          %dma_wait3A_321 = arith.constant 0 : i32
          %dma_wait3A_322 = tpu.memref_slice %arg11[%dma_wait3A_320, %dma_wait3A_321] : memref<10240x16xf32, #tpu.memory_space<vmem_shared>> -> memref<10240x16xf32, #tpu.memory_space<vmem_shared>>
          tpu.wait_indirect_dma semaphore(%run_scoped3A_302 : memref<!tpu.dma_semaphore, #tpu.memory_space<semaphore_mem>>) src(%dma_wait3A_316 : memref<128x16xf32, #tpu.memory_space<vmem>>) dst(%dma_wait3A_322 : memref<10240x16xf32, #tpu.memory_space<vmem_shared>>)
          tpu.yield
        }) : () -> ()
        %add3A_226 = arith.constant 8 : i32
        %add3A_227 = arith.addi %add3A_213, %add3A_226 : i32
        %lt3A_228 = arith.constant 120 : i32
        %lt3A_229 = arith.cmpi slt, %add3A_227, %lt3A_228 : i32
        %convert_element_type3A_230 = arith.extui %lt3A_229 : i1 to i32
        %cond3A_231 = arith.constant 0 : i32
        %cond3A_232 = arith.cmpi ne, %convert_element_type3A_230, %cond3A_231 : i32
        scf.if %cond3A_232 {
          %add3A_302 = arith.constant 8 : i32
          %add3A_303 = arith.addi %add3A_213, %add3A_302 : i32
          %dma_start3A_304 = arith.constant 4 : i32
          %dma_start3A_305 = arith.constant 0 : i32
          %dma_start3A_306 = arith.constant 0 : i32
          %dma_start3A_307 = tpu.memref_slice %arg9[%dma_start3A_304, %dma_start3A_305, %dma_start3A_306] : memref<8x128x16xf32, #tpu.memory_space<vmem>> -> memref<1x128x16xf32, #tpu.memory_space<vmem>>
          %dma_start3A_308 = tpu.memref_squeeze %dma_start3A_307 : memref<1x128x16xf32, #tpu.memory_space<vmem>> -> memref<128x16xf32, #tpu.memory_space<vmem>>
          %dma_start3A_309 = arith.constant 0 : i32
          %dma_start3A_310 = tpu.memref_slice %arg7[%add3A_303, %dma_start3A_309] : memref<120x128xi32, #tpu.memory_space<vmem>> -> memref<1x128xi32, #tpu.memory_space<vmem>>
          %dma_start3A_311 = tpu.memref_squeeze %dma_start3A_310 : memref<1x128xi32, #tpu.memory_space<vmem>> -> memref<128xi32, #tpu.memory_space<vmem>>
          %dma_start3A_312 = arith.constant 0 : i32
          %dma_start3A_313 = arith.constant 0 : i32
          %dma_start3A_314 = tpu.memref_slice %arg2[%dma_start3A_312, %dma_start3A_313] : memref<10240x16xf32, #tpu.memory_space<hbm>> -> memref<10240x16xf32, #tpu.memory_space<hbm>>
          tpu.enqueue_indirect_dma source(%dma_start3A_314 : memref<10240x16xf32, #tpu.memory_space<hbm>>) target(%dma_start3A_308 : memref<128x16xf32, #tpu.memory_space<vmem>>) offsets(%dma_start3A_311 : memref<128xi32, #tpu.memory_space<vmem>>) semaphore(%arg16 : memref<!tpu.dma_semaphore, #tpu.memory_space<semaphore_mem>>)
        } else {
        }
        %mul3A_233 = arith.constant 8 : i32
        %mul3A_234 = arith.muli %scan3A_120, %mul3A_233 : i32
        %add3A_235 = arith.constant 5 : i32
        %add3A_236 = arith.addi %mul3A_234, %add3A_235 : i32
        %dma_wait3A_237 = arith.constant 5 : i32
        %dma_wait3A_238 = arith.constant 0 : i32
        %dma_wait3A_239 = arith.constant 0 : i32
        %dma_wait3A_240 = tpu.memref_slice %arg9[%dma_wait3A_237, %dma_wait3A_238, %dma_wait3A_239] : memref<8x128x16xf32, #tpu.memory_space<vmem>> -> memref<1x128x16xf32, #tpu.memory_space<vmem>>
        %dma_wait3A_241 = tpu.memref_squeeze %dma_wait3A_240 : memref<1x128x16xf32, #tpu.memory_space<vmem>> -> memref<128x16xf32, #tpu.memory_space<vmem>>
        %dma_wait3A_242 = arith.constant 0 : i32
        %dma_wait3A_243 = tpu.memref_slice %arg7[%add3A_236, %dma_wait3A_242] : memref<120x128xi32, #tpu.memory_space<vmem>> -> memref<1x128xi32, #tpu.memory_space<vmem>>
        %dma_wait3A_244 = tpu.memref_squeeze %dma_wait3A_243 : memref<1x128xi32, #tpu.memory_space<vmem>> -> memref<128xi32, #tpu.memory_space<vmem>>
        %dma_wait3A_245 = arith.constant 0 : i32
        %dma_wait3A_246 = arith.constant 0 : i32
        %dma_wait3A_247 = tpu.memref_slice %arg2[%dma_wait3A_245, %dma_wait3A_246] : memref<10240x16xf32, #tpu.memory_space<hbm>> -> memref<10240x16xf32, #tpu.memory_space<hbm>>
        tpu.wait_indirect_dma semaphore(%arg17 : memref<!tpu.dma_semaphore, #tpu.memory_space<semaphore_mem>>) src(%dma_wait3A_247 : memref<10240x16xf32, #tpu.memory_space<hbm>>) dst(%dma_wait3A_241 : memref<128x16xf32, #tpu.memory_space<vmem>>)
        %run_scoped3A_248 = arith.constant 5 : i32
        "tpu.region"() ({
          %run_scoped3A_302 = tpu.sem_alloc : memref<!tpu.dma_semaphore, #tpu.memory_space<semaphore_mem>>
          %dma_start3A_303 = arith.constant 0 : i32
          %dma_start3A_304 = arith.constant 0 : i32
          %dma_start3A_305 = tpu.memref_slice %arg9[%run_scoped3A_248, %dma_start3A_303, %dma_start3A_304] : memref<8x128x16xf32, #tpu.memory_space<vmem>> -> memref<1x128x16xf32, #tpu.memory_space<vmem>>
          %dma_start3A_306 = tpu.memref_squeeze %dma_start3A_305 : memref<1x128x16xf32, #tpu.memory_space<vmem>> -> memref<128x16xf32, #tpu.memory_space<vmem>>
          %dma_start3A_307 = arith.constant 0 : i32
          %dma_start3A_308 = tpu.memref_slice %arg8[%add3A_236, %dma_start3A_307] : memref<120x128xi32, #tpu.memory_space<vmem>> -> memref<1x128xi32, #tpu.memory_space<vmem>>
          %dma_start3A_309 = tpu.memref_squeeze %dma_start3A_308 : memref<1x128xi32, #tpu.memory_space<vmem>> -> memref<128xi32, #tpu.memory_space<vmem>>
          %dma_start3A_310 = arith.constant 0 : i32
          %dma_start3A_311 = arith.constant 0 : i32
          %dma_start3A_312 = tpu.memref_slice %arg11[%dma_start3A_310, %dma_start3A_311] : memref<10240x16xf32, #tpu.memory_space<vmem_shared>> -> memref<10240x16xf32, #tpu.memory_space<vmem_shared>>
          tpu.enqueue_indirect_dma source(%dma_start3A_306 : memref<128x16xf32, #tpu.memory_space<vmem>>) target(%dma_start3A_312 : memref<10240x16xf32, #tpu.memory_space<vmem_shared>>) offsets(%dma_start3A_309 : memref<128xi32, #tpu.memory_space<vmem>>) semaphore(%run_scoped3A_302 : memref<!tpu.dma_semaphore, #tpu.memory_space<semaphore_mem>>) {add = true}
          %dma_wait3A_313 = arith.constant 0 : i32
          %dma_wait3A_314 = arith.constant 0 : i32
          %dma_wait3A_315 = tpu.memref_slice %arg9[%run_scoped3A_248, %dma_wait3A_313, %dma_wait3A_314] : memref<8x128x16xf32, #tpu.memory_space<vmem>> -> memref<1x128x16xf32, #tpu.memory_space<vmem>>
          %dma_wait3A_316 = tpu.memref_squeeze %dma_wait3A_315 : memref<1x128x16xf32, #tpu.memory_space<vmem>> -> memref<128x16xf32, #tpu.memory_space<vmem>>
          %dma_wait3A_317 = arith.constant 0 : i32
          %dma_wait3A_318 = tpu.memref_slice %arg8[%add3A_236, %dma_wait3A_317] : memref<120x128xi32, #tpu.memory_space<vmem>> -> memref<1x128xi32, #tpu.memory_space<vmem>>
          %dma_wait3A_319 = tpu.memref_squeeze %dma_wait3A_318 : memref<1x128xi32, #tpu.memory_space<vmem>> -> memref<128xi32, #tpu.memory_space<vmem>>
          %dma_wait3A_320 = arith.constant 0 : i32
          %dma_wait3A_321 = arith.constant 0 : i32
          %dma_wait3A_322 = tpu.memref_slice %arg11[%dma_wait3A_320, %dma_wait3A_321] : memref<10240x16xf32, #tpu.memory_space<vmem_shared>> -> memref<10240x16xf32, #tpu.memory_space<vmem_shared>>
          tpu.wait_indirect_dma semaphore(%run_scoped3A_302 : memref<!tpu.dma_semaphore, #tpu.memory_space<semaphore_mem>>) src(%dma_wait3A_316 : memref<128x16xf32, #tpu.memory_space<vmem>>) dst(%dma_wait3A_322 : memref<10240x16xf32, #tpu.memory_space<vmem_shared>>)
          tpu.yield
        }) : () -> ()
        %add3A_249 = arith.constant 8 : i32
        %add3A_250 = arith.addi %add3A_236, %add3A_249 : i32
        %lt3A_251 = arith.constant 120 : i32
        %lt3A_252 = arith.cmpi slt, %add3A_250, %lt3A_251 : i32
        %convert_element_type3A_253 = arith.extui %lt3A_252 : i1 to i32
        %cond3A_254 = arith.constant 0 : i32
        %cond3A_255 = arith.cmpi ne, %convert_element_type3A_253, %cond3A_254 : i32
        scf.if %cond3A_255 {
          %add3A_302 = arith.constant 8 : i32
          %add3A_303 = arith.addi %add3A_236, %add3A_302 : i32
          %dma_start3A_304 = arith.constant 5 : i32
          %dma_start3A_305 = arith.constant 0 : i32
          %dma_start3A_306 = arith.constant 0 : i32
          %dma_start3A_307 = tpu.memref_slice %arg9[%dma_start3A_304, %dma_start3A_305, %dma_start3A_306] : memref<8x128x16xf32, #tpu.memory_space<vmem>> -> memref<1x128x16xf32, #tpu.memory_space<vmem>>
          %dma_start3A_308 = tpu.memref_squeeze %dma_start3A_307 : memref<1x128x16xf32, #tpu.memory_space<vmem>> -> memref<128x16xf32, #tpu.memory_space<vmem>>
          %dma_start3A_309 = arith.constant 0 : i32
          %dma_start3A_310 = tpu.memref_slice %arg7[%add3A_303, %dma_start3A_309] : memref<120x128xi32, #tpu.memory_space<vmem>> -> memref<1x128xi32, #tpu.memory_space<vmem>>
          %dma_start3A_311 = tpu.memref_squeeze %dma_start3A_310 : memref<1x128xi32, #tpu.memory_space<vmem>> -> memref<128xi32, #tpu.memory_space<vmem>>
          %dma_start3A_312 = arith.constant 0 : i32
          %dma_start3A_313 = arith.constant 0 : i32
          %dma_start3A_314 = tpu.memref_slice %arg2[%dma_start3A_312, %dma_start3A_313] : memref<10240x16xf32, #tpu.memory_space<hbm>> -> memref<10240x16xf32, #tpu.memory_space<hbm>>
          tpu.enqueue_indirect_dma source(%dma_start3A_314 : memref<10240x16xf32, #tpu.memory_space<hbm>>) target(%dma_start3A_308 : memref<128x16xf32, #tpu.memory_space<vmem>>) offsets(%dma_start3A_311 : memref<128xi32, #tpu.memory_space<vmem>>) semaphore(%arg17 : memref<!tpu.dma_semaphore, #tpu.memory_space<semaphore_mem>>)
        } else {
        }
        %mul3A_256 = arith.constant 8 : i32
        %mul3A_257 = arith.muli %scan3A_120, %mul3A_256 : i32
        %add3A_258 = arith.constant 6 : i32
        %add3A_259 = arith.addi %mul3A_257, %add3A_258 : i32
        %dma_wait3A_260 = arith.constant 6 : i32
        %dma_wait3A_261 = arith.constant 0 : i32
        %dma_wait3A_262 = arith.constant 0 : i32
        %dma_wait3A_263 = tpu.memref_slice %arg9[%dma_wait3A_260, %dma_wait3A_261, %dma_wait3A_262] : memref<8x128x16xf32, #tpu.memory_space<vmem>> -> memref<1x128x16xf32, #tpu.memory_space<vmem>>
        %dma_wait3A_264 = tpu.memref_squeeze %dma_wait3A_263 : memref<1x128x16xf32, #tpu.memory_space<vmem>> -> memref<128x16xf32, #tpu.memory_space<vmem>>
        %dma_wait3A_265 = arith.constant 0 : i32
        %dma_wait3A_266 = tpu.memref_slice %arg7[%add3A_259, %dma_wait3A_265] : memref<120x128xi32, #tpu.memory_space<vmem>> -> memref<1x128xi32, #tpu.memory_space<vmem>>
        %dma_wait3A_267 = tpu.memref_squeeze %dma_wait3A_266 : memref<1x128xi32, #tpu.memory_space<vmem>> -> memref<128xi32, #tpu.memory_space<vmem>>
        %dma_wait3A_268 = arith.constant 0 : i32
        %dma_wait3A_269 = arith.constant 0 : i32
        %dma_wait3A_270 = tpu.memref_slice %arg2[%dma_wait3A_268, %dma_wait3A_269] : memref<10240x16xf32, #tpu.memory_space<hbm>> -> memref<10240x16xf32, #tpu.memory_space<hbm>>
        tpu.wait_indirect_dma semaphore(%arg18 : memref<!tpu.dma_semaphore, #tpu.memory_space<semaphore_mem>>) src(%dma_wait3A_270 : memref<10240x16xf32, #tpu.memory_space<hbm>>) dst(%dma_wait3A_264 : memref<128x16xf32, #tpu.memory_space<vmem>>)
        %run_scoped3A_271 = arith.constant 6 : i32
        "tpu.region"() ({
          %run_scoped3A_302 = tpu.sem_alloc : memref<!tpu.dma_semaphore, #tpu.memory_space<semaphore_mem>>
          %dma_start3A_303 = arith.constant 0 : i32
          %dma_start3A_304 = arith.constant 0 : i32
          %dma_start3A_305 = tpu.memref_slice %arg9[%run_scoped3A_271, %dma_start3A_303, %dma_start3A_304] : memref<8x128x16xf32, #tpu.memory_space<vmem>> -> memref<1x128x16xf32, #tpu.memory_space<vmem>>
          %dma_start3A_306 = tpu.memref_squeeze %dma_start3A_305 : memref<1x128x16xf32, #tpu.memory_space<vmem>> -> memref<128x16xf32, #tpu.memory_space<vmem>>
          %dma_start3A_307 = arith.constant 0 : i32
          %dma_start3A_308 = tpu.memref_slice %arg8[%add3A_259, %dma_start3A_307] : memref<120x128xi32, #tpu.memory_space<vmem>> -> memref<1x128xi32, #tpu.memory_space<vmem>>
          %dma_start3A_309 = tpu.memref_squeeze %dma_start3A_308 : memref<1x128xi32, #tpu.memory_space<vmem>> -> memref<128xi32, #tpu.memory_space<vmem>>
          %dma_start3A_310 = arith.constant 0 : i32
          %dma_start3A_311 = arith.constant 0 : i32
          %dma_start3A_312 = tpu.memref_slice %arg11[%dma_start3A_310, %dma_start3A_311] : memref<10240x16xf32, #tpu.memory_space<vmem_shared>> -> memref<10240x16xf32, #tpu.memory_space<vmem_shared>>
          tpu.enqueue_indirect_dma source(%dma_start3A_306 : memref<128x16xf32, #tpu.memory_space<vmem>>) target(%dma_start3A_312 : memref<10240x16xf32, #tpu.memory_space<vmem_shared>>) offsets(%dma_start3A_309 : memref<128xi32, #tpu.memory_space<vmem>>) semaphore(%run_scoped3A_302 : memref<!tpu.dma_semaphore, #tpu.memory_space<semaphore_mem>>) {add = true}
          %dma_wait3A_313 = arith.constant 0 : i32
          %dma_wait3A_314 = arith.constant 0 : i32
          %dma_wait3A_315 = tpu.memref_slice %arg9[%run_scoped3A_271, %dma_wait3A_313, %dma_wait3A_314] : memref<8x128x16xf32, #tpu.memory_space<vmem>> -> memref<1x128x16xf32, #tpu.memory_space<vmem>>
          %dma_wait3A_316 = tpu.memref_squeeze %dma_wait3A_315 : memref<1x128x16xf32, #tpu.memory_space<vmem>> -> memref<128x16xf32, #tpu.memory_space<vmem>>
          %dma_wait3A_317 = arith.constant 0 : i32
          %dma_wait3A_318 = tpu.memref_slice %arg8[%add3A_259, %dma_wait3A_317] : memref<120x128xi32, #tpu.memory_space<vmem>> -> memref<1x128xi32, #tpu.memory_space<vmem>>
          %dma_wait3A_319 = tpu.memref_squeeze %dma_wait3A_318 : memref<1x128xi32, #tpu.memory_space<vmem>> -> memref<128xi32, #tpu.memory_space<vmem>>
          %dma_wait3A_320 = arith.constant 0 : i32
          %dma_wait3A_321 = arith.constant 0 : i32
          %dma_wait3A_322 = tpu.memref_slice %arg11[%dma_wait3A_320, %dma_wait3A_321] : memref<10240x16xf32, #tpu.memory_space<vmem_shared>> -> memref<10240x16xf32, #tpu.memory_space<vmem_shared>>
          tpu.wait_indirect_dma semaphore(%run_scoped3A_302 : memref<!tpu.dma_semaphore, #tpu.memory_space<semaphore_mem>>) src(%dma_wait3A_316 : memref<128x16xf32, #tpu.memory_space<vmem>>) dst(%dma_wait3A_322 : memref<10240x16xf32, #tpu.memory_space<vmem_shared>>)
          tpu.yield
        }) : () -> ()
        %add3A_272 = arith.constant 8 : i32
        %add3A_273 = arith.addi %add3A_259, %add3A_272 : i32
        %lt3A_274 = arith.constant 120 : i32
        %lt3A_275 = arith.cmpi slt, %add3A_273, %lt3A_274 : i32
        %convert_element_type3A_276 = arith.extui %lt3A_275 : i1 to i32
        %cond3A_277 = arith.constant 0 : i32
        %cond3A_278 = arith.cmpi ne, %convert_element_type3A_276, %cond3A_277 : i32
        scf.if %cond3A_278 {
          %add3A_302 = arith.constant 8 : i32
          %add3A_303 = arith.addi %add3A_259, %add3A_302 : i32
          %dma_start3A_304 = arith.constant 6 : i32
          %dma_start3A_305 = arith.constant 0 : i32
          %dma_start3A_306 = arith.constant 0 : i32
          %dma_start3A_307 = tpu.memref_slice %arg9[%dma_start3A_304, %dma_start3A_305, %dma_start3A_306] : memref<8x128x16xf32, #tpu.memory_space<vmem>> -> memref<1x128x16xf32, #tpu.memory_space<vmem>>
          %dma_start3A_308 = tpu.memref_squeeze %dma_start3A_307 : memref<1x128x16xf32, #tpu.memory_space<vmem>> -> memref<128x16xf32, #tpu.memory_space<vmem>>
          %dma_start3A_309 = arith.constant 0 : i32
          %dma_start3A_310 = tpu.memref_slice %arg7[%add3A_303, %dma_start3A_309] : memref<120x128xi32, #tpu.memory_space<vmem>> -> memref<1x128xi32, #tpu.memory_space<vmem>>
          %dma_start3A_311 = tpu.memref_squeeze %dma_start3A_310 : memref<1x128xi32, #tpu.memory_space<vmem>> -> memref<128xi32, #tpu.memory_space<vmem>>
          %dma_start3A_312 = arith.constant 0 : i32
          %dma_start3A_313 = arith.constant 0 : i32
          %dma_start3A_314 = tpu.memref_slice %arg2[%dma_start3A_312, %dma_start3A_313] : memref<10240x16xf32, #tpu.memory_space<hbm>> -> memref<10240x16xf32, #tpu.memory_space<hbm>>
          tpu.enqueue_indirect_dma source(%dma_start3A_314 : memref<10240x16xf32, #tpu.memory_space<hbm>>) target(%dma_start3A_308 : memref<128x16xf32, #tpu.memory_space<vmem>>) offsets(%dma_start3A_311 : memref<128xi32, #tpu.memory_space<vmem>>) semaphore(%arg18 : memref<!tpu.dma_semaphore, #tpu.memory_space<semaphore_mem>>)
        } else {
        }
        %mul3A_279 = arith.constant 8 : i32
        %mul3A_280 = arith.muli %scan3A_120, %mul3A_279 : i32
        %add3A_281 = arith.constant 7 : i32
        %add3A_282 = arith.addi %mul3A_280, %add3A_281 : i32
        %dma_wait3A_283 = arith.constant 7 : i32
        %dma_wait3A_284 = arith.constant 0 : i32
        %dma_wait3A_285 = arith.constant 0 : i32
        %dma_wait3A_286 = tpu.memref_slice %arg9[%dma_wait3A_283, %dma_wait3A_284, %dma_wait3A_285] : memref<8x128x16xf32, #tpu.memory_space<vmem>> -> memref<1x128x16xf32, #tpu.memory_space<vmem>>
        %dma_wait3A_287 = tpu.memref_squeeze %dma_wait3A_286 : memref<1x128x16xf32, #tpu.memory_space<vmem>> -> memref<128x16xf32, #tpu.memory_space<vmem>>
        %dma_wait3A_288 = arith.constant 0 : i32
        %dma_wait3A_289 = tpu.memref_slice %arg7[%add3A_282, %dma_wait3A_288] : memref<120x128xi32, #tpu.memory_space<vmem>> -> memref<1x128xi32, #tpu.memory_space<vmem>>
        %dma_wait3A_290 = tpu.memref_squeeze %dma_wait3A_289 : memref<1x128xi32, #tpu.memory_space<vmem>> -> memref<128xi32, #tpu.memory_space<vmem>>
        %dma_wait3A_291 = arith.constant 0 : i32
        %dma_wait3A_292 = arith.constant 0 : i32
        %dma_wait3A_293 = tpu.memref_slice %arg2[%dma_wait3A_291, %dma_wait3A_292] : memref<10240x16xf32, #tpu.memory_space<hbm>> -> memref<10240x16xf32, #tpu.memory_space<hbm>>
        tpu.wait_indirect_dma semaphore(%arg19 : memref<!tpu.dma_semaphore, #tpu.memory_space<semaphore_mem>>) src(%dma_wait3A_293 : memref<10240x16xf32, #tpu.memory_space<hbm>>) dst(%dma_wait3A_287 : memref<128x16xf32, #tpu.memory_space<vmem>>)
        %run_scoped3A_294 = arith.constant 7 : i32
        "tpu.region"() ({
          %run_scoped3A_302 = tpu.sem_alloc : memref<!tpu.dma_semaphore, #tpu.memory_space<semaphore_mem>>
          %dma_start3A_303 = arith.constant 0 : i32
          %dma_start3A_304 = arith.constant 0 : i32
          %dma_start3A_305 = tpu.memref_slice %arg9[%run_scoped3A_294, %dma_start3A_303, %dma_start3A_304] : memref<8x128x16xf32, #tpu.memory_space<vmem>> -> memref<1x128x16xf32, #tpu.memory_space<vmem>>
          %dma_start3A_306 = tpu.memref_squeeze %dma_start3A_305 : memref<1x128x16xf32, #tpu.memory_space<vmem>> -> memref<128x16xf32, #tpu.memory_space<vmem>>
          %dma_start3A_307 = arith.constant 0 : i32
          %dma_start3A_308 = tpu.memref_slice %arg8[%add3A_282, %dma_start3A_307] : memref<120x128xi32, #tpu.memory_space<vmem>> -> memref<1x128xi32, #tpu.memory_space<vmem>>
          %dma_start3A_309 = tpu.memref_squeeze %dma_start3A_308 : memref<1x128xi32, #tpu.memory_space<vmem>> -> memref<128xi32, #tpu.memory_space<vmem>>
          %dma_start3A_310 = arith.constant 0 : i32
          %dma_start3A_311 = arith.constant 0 : i32
          %dma_start3A_312 = tpu.memref_slice %arg11[%dma_start3A_310, %dma_start3A_311] : memref<10240x16xf32, #tpu.memory_space<vmem_shared>> -> memref<10240x16xf32, #tpu.memory_space<vmem_shared>>
          tpu.enqueue_indirect_dma source(%dma_start3A_306 : memref<128x16xf32, #tpu.memory_space<vmem>>) target(%dma_start3A_312 : memref<10240x16xf32, #tpu.memory_space<vmem_shared>>) offsets(%dma_start3A_309 : memref<128xi32, #tpu.memory_space<vmem>>) semaphore(%run_scoped3A_302 : memref<!tpu.dma_semaphore, #tpu.memory_space<semaphore_mem>>) {add = true}
          %dma_wait3A_313 = arith.constant 0 : i32
          %dma_wait3A_314 = arith.constant 0 : i32
          %dma_wait3A_315 = tpu.memref_slice %arg9[%run_scoped3A_294, %dma_wait3A_313, %dma_wait3A_314] : memref<8x128x16xf32, #tpu.memory_space<vmem>> -> memref<1x128x16xf32, #tpu.memory_space<vmem>>
          %dma_wait3A_316 = tpu.memref_squeeze %dma_wait3A_315 : memref<1x128x16xf32, #tpu.memory_space<vmem>> -> memref<128x16xf32, #tpu.memory_space<vmem>>
          %dma_wait3A_317 = arith.constant 0 : i32
          %dma_wait3A_318 = tpu.memref_slice %arg8[%add3A_282, %dma_wait3A_317] : memref<120x128xi32, #tpu.memory_space<vmem>> -> memref<1x128xi32, #tpu.memory_space<vmem>>
          %dma_wait3A_319 = tpu.memref_squeeze %dma_wait3A_318 : memref<1x128xi32, #tpu.memory_space<vmem>> -> memref<128xi32, #tpu.memory_space<vmem>>
          %dma_wait3A_320 = arith.constant 0 : i32
          %dma_wait3A_321 = arith.constant 0 : i32
          %dma_wait3A_322 = tpu.memref_slice %arg11[%dma_wait3A_320, %dma_wait3A_321] : memref<10240x16xf32, #tpu.memory_space<vmem_shared>> -> memref<10240x16xf32, #tpu.memory_space<vmem_shared>>
          tpu.wait_indirect_dma semaphore(%run_scoped3A_302 : memref<!tpu.dma_semaphore, #tpu.memory_space<semaphore_mem>>) src(%dma_wait3A_316 : memref<128x16xf32, #tpu.memory_space<vmem>>) dst(%dma_wait3A_322 : memref<10240x16xf32, #tpu.memory_space<vmem_shared>>)
          tpu.yield
        }) : () -> ()
        %add3A_295 = arith.constant 8 : i32
        %add3A_296 = arith.addi %add3A_282, %add3A_295 : i32
        %lt3A_297 = arith.constant 120 : i32
        %lt3A_298 = arith.cmpi slt, %add3A_296, %lt3A_297 : i32
        %convert_element_type3A_299 = arith.extui %lt3A_298 : i1 to i32
        %cond3A_300 = arith.constant 0 : i32
        %cond3A_301 = arith.cmpi ne, %convert_element_type3A_299, %cond3A_300 : i32
        scf.if %cond3A_301 {
          %add3A_302 = arith.constant 8 : i32
          %add3A_303 = arith.addi %add3A_282, %add3A_302 : i32
          %dma_start3A_304 = arith.constant 7 : i32
          %dma_start3A_305 = arith.constant 0 : i32
          %dma_start3A_306 = arith.constant 0 : i32
          %dma_start3A_307 = tpu.memref_slice %arg9[%dma_start3A_304, %dma_start3A_305, %dma_start3A_306] : memref<8x128x16xf32, #tpu.memory_space<vmem>> -> memref<1x128x16xf32, #tpu.memory_space<vmem>>
          %dma_start3A_308 = tpu.memref_squeeze %dma_start3A_307 : memref<1x128x16xf32, #tpu.memory_space<vmem>> -> memref<128x16xf32, #tpu.memory_space<vmem>>
          %dma_start3A_309 = arith.constant 0 : i32
          %dma_start3A_310 = tpu.memref_slice %arg7[%add3A_303, %dma_start3A_309] : memref<120x128xi32, #tpu.memory_space<vmem>> -> memref<1x128xi32, #tpu.memory_space<vmem>>
          %dma_start3A_311 = tpu.memref_squeeze %dma_start3A_310 : memref<1x128xi32, #tpu.memory_space<vmem>> -> memref<128xi32, #tpu.memory_space<vmem>>
          %dma_start3A_312 = arith.constant 0 : i32
          %dma_start3A_313 = arith.constant 0 : i32
          %dma_start3A_314 = tpu.memref_slice %arg2[%dma_start3A_312, %dma_start3A_313] : memref<10240x16xf32, #tpu.memory_space<hbm>> -> memref<10240x16xf32, #tpu.memory_space<hbm>>
          tpu.enqueue_indirect_dma source(%dma_start3A_314 : memref<10240x16xf32, #tpu.memory_space<hbm>>) target(%dma_start3A_308 : memref<128x16xf32, #tpu.memory_space<vmem>>) offsets(%dma_start3A_311 : memref<128xi32, #tpu.memory_space<vmem>>) semaphore(%arg19 : memref<!tpu.dma_semaphore, #tpu.memory_space<semaphore_mem>>)
        } else {
        }
      }
      %scan3A_119 = arith.constant 15 : i32
    } else {
    }
    %eq3A_5 = arith.constant 1 : i32
    %eq3A_6 = arith.cmpi eq, %arg0, %eq3A_5 : i32
    %convert_element_type3A_7 = arith.extui %eq3A_6 : i1 to i32
    %cond3A_8 = arith.constant 0 : i32
    %cond3A_9 = arith.cmpi ne, %convert_element_type3A_7, %cond3A_8 : i32
    scf.if %cond3A_9 {
      %mul3A_18 = arith.constant 40 : i32
      %mul3A_19 = arith.muli %arg1, %mul3A_18 : i32
      %add3A_20 = arith.constant 1920 : i32
      %add3A_21 = arith.addi %add3A_20, %mul3A_19 : i32
      "tpu.region"() ({
        %run_scoped3A = tpu.sem_alloc : memref<!tpu.dma_semaphore, #tpu.memory_space<semaphore_mem>>
        %dma_start3A_122 = arith.constant 0 : i32
        %dma_start3A_123 = arith.constant 0 : i32
        %dma_start3A_124 = tpu.memref_slice %arg8[%dma_start3A_122, %dma_start3A_123] : memref<120x128xi32, #tpu.memory_space<vmem>> -> memref<40x128xi32, #tpu.memory_space<vmem>>
        %dma_start3A_125 = arith.constant 0 : i32
        %dma_start3A_126 = tpu.memref_slice %arg4[%add3A_21, %dma_start3A_125] : memref<2560x128xi32, #tpu.memory_space<hbm>> -> memref<40x128xi32, #tpu.memory_space<hbm>>
        %dma_start3A_127 = arith.constant 0 : i32
        %dma_start3A_128 = arith.constant 0 : i32
        %dma_start3A_129 = tpu.memref_slice %arg8[%dma_start3A_127, %dma_start3A_128] : memref<120x128xi32, #tpu.memory_space<vmem>> -> memref<40x128xi32, #tpu.memory_space<vmem>>
        %dma_start3A_130 = arith.constant 0 : i32
        %dma_start3A_131 = tpu.memref_slice %arg4[%add3A_21, %dma_start3A_130] : memref<2560x128xi32, #tpu.memory_space<hbm>> -> memref<40x128xi32, #tpu.memory_space<hbm>>
        tpu.enqueue_dma source(%dma_start3A_131 : memref<40x128xi32, #tpu.memory_space<hbm>>) target(%dma_start3A_129 : memref<40x128xi32, #tpu.memory_space<vmem>>) target_semaphore(%run_scoped3A : memref<!tpu.dma_semaphore, #tpu.memory_space<semaphore_mem>>)
        %dma_wait3A = arith.constant 0 : i32
        %dma_wait3A_132 = arith.constant 0 : i32
        %dma_wait3A_133 = tpu.memref_slice %arg8[%dma_wait3A, %dma_wait3A_132] : memref<120x128xi32, #tpu.memory_space<vmem>> -> memref<40x128xi32, #tpu.memory_space<vmem>>
        %dma_wait3A_134 = arith.constant 0 : i32
        %dma_wait3A_135 = tpu.memref_slice %arg4[%add3A_21, %dma_wait3A_134] : memref<2560x128xi32, #tpu.memory_space<hbm>> -> memref<40x128xi32, #tpu.memory_space<hbm>>
        %dma_wait3A_136 = arith.constant 0 : i32
        %dma_wait3A_137 = arith.constant 0 : i32
        %dma_wait3A_138 = tpu.memref_slice %arg8[%dma_wait3A_136, %dma_wait3A_137] : memref<120x128xi32, #tpu.memory_space<vmem>> -> memref<40x128xi32, #tpu.memory_space<vmem>>
        %dma_wait3A_139 = arith.constant 0 : i32
        %dma_wait3A_140 = tpu.memref_slice %arg4[%add3A_21, %dma_wait3A_139] : memref<2560x128xi32, #tpu.memory_space<hbm>> -> memref<40x128xi32, #tpu.memory_space<hbm>>
        tpu.wait_dma2 semaphore(%run_scoped3A : memref<!tpu.dma_semaphore, #tpu.memory_space<semaphore_mem>>) src(%dma_wait3A_140 : memref<40x128xi32, #tpu.memory_space<hbm>>) dst(%dma_wait3A_138 : memref<40x128xi32, #tpu.memory_space<vmem>>)
        tpu.yield
      }) : () -> ()
      "tpu.region"() ({
        %run_scoped3A = tpu.sem_alloc : memref<!tpu.dma_semaphore, #tpu.memory_space<semaphore_mem>>
        %dma_start3A_122 = arith.constant 0 : i32
        %dma_start3A_123 = arith.constant 0 : i32
        %dma_start3A_124 = tpu.memref_slice %arg7[%dma_start3A_122, %dma_start3A_123] : memref<120x128xi32, #tpu.memory_space<vmem>> -> memref<40x128xi32, #tpu.memory_space<vmem>>
        %dma_start3A_125 = arith.constant 0 : i32
        %dma_start3A_126 = tpu.memref_slice %arg3[%add3A_21, %dma_start3A_125] : memref<2560x128xi32, #tpu.memory_space<hbm>> -> memref<40x128xi32, #tpu.memory_space<hbm>>
        %dma_start3A_127 = arith.constant 0 : i32
        %dma_start3A_128 = arith.constant 0 : i32
        %dma_start3A_129 = tpu.memref_slice %arg7[%dma_start3A_127, %dma_start3A_128] : memref<120x128xi32, #tpu.memory_space<vmem>> -> memref<40x128xi32, #tpu.memory_space<vmem>>
        %dma_start3A_130 = arith.constant 0 : i32
        %dma_start3A_131 = tpu.memref_slice %arg3[%add3A_21, %dma_start3A_130] : memref<2560x128xi32, #tpu.memory_space<hbm>> -> memref<40x128xi32, #tpu.memory_space<hbm>>
        tpu.enqueue_dma source(%dma_start3A_131 : memref<40x128xi32, #tpu.memory_space<hbm>>) target(%dma_start3A_129 : memref<40x128xi32, #tpu.memory_space<vmem>>) target_semaphore(%run_scoped3A : memref<!tpu.dma_semaphore, #tpu.memory_space<semaphore_mem>>)
        %dma_wait3A = arith.constant 0 : i32
        %dma_wait3A_132 = arith.constant 0 : i32
        %dma_wait3A_133 = tpu.memref_slice %arg7[%dma_wait3A, %dma_wait3A_132] : memref<120x128xi32, #tpu.memory_space<vmem>> -> memref<40x128xi32, #tpu.memory_space<vmem>>
        %dma_wait3A_134 = arith.constant 0 : i32
        %dma_wait3A_135 = tpu.memref_slice %arg3[%add3A_21, %dma_wait3A_134] : memref<2560x128xi32, #tpu.memory_space<hbm>> -> memref<40x128xi32, #tpu.memory_space<hbm>>
        %dma_wait3A_136 = arith.constant 0 : i32
        %dma_wait3A_137 = arith.constant 0 : i32
        %dma_wait3A_138 = tpu.memref_slice %arg7[%dma_wait3A_136, %dma_wait3A_137] : memref<120x128xi32, #tpu.memory_space<vmem>> -> memref<40x128xi32, #tpu.memory_space<vmem>>
        %dma_wait3A_139 = arith.constant 0 : i32
        %dma_wait3A_140 = tpu.memref_slice %arg3[%add3A_21, %dma_wait3A_139] : memref<2560x128xi32, #tpu.memory_space<hbm>> -> memref<40x128xi32, #tpu.memory_space<hbm>>
        tpu.wait_dma2 semaphore(%run_scoped3A : memref<!tpu.dma_semaphore, #tpu.memory_space<semaphore_mem>>) src(%dma_wait3A_140 : memref<40x128xi32, #tpu.memory_space<hbm>>) dst(%dma_wait3A_138 : memref<40x128xi32, #tpu.memory_space<vmem>>)
        tpu.yield
      }) : () -> ()
      %dma_start3A = arith.constant 0 : i32
      %dma_start3A_22 = arith.constant 0 : i32
      %dma_start3A_23 = arith.constant 0 : i32
      %dma_start3A_24 = arith.constant 0 : i32
      %dma_start3A_25 = tpu.memref_slice %arg9[%dma_start3A_22, %dma_start3A_23, %dma_start3A_24] : memref<8x128x16xf32, #tpu.memory_space<vmem>> -> memref<1x128x16xf32, #tpu.memory_space<vmem>>
      %dma_start3A_26 = tpu.memref_squeeze %dma_start3A_25 : memref<1x128x16xf32, #tpu.memory_space<vmem>> -> memref<128x16xf32, #tpu.memory_space<vmem>>
      %dma_start3A_27 = arith.constant 0 : i32
      %dma_start3A_28 = tpu.memref_slice %arg7[%dma_start3A, %dma_start3A_27] : memref<120x128xi32, #tpu.memory_space<vmem>> -> memref<1x128xi32, #tpu.memory_space<vmem>>
      %dma_start3A_29 = tpu.memref_squeeze %dma_start3A_28 : memref<1x128xi32, #tpu.memory_space<vmem>> -> memref<128xi32, #tpu.memory_space<vmem>>
      %dma_start3A_30 = arith.constant 0 : i32
      %dma_start3A_31 = arith.constant 0 : i32
      %dma_start3A_32 = tpu.memref_slice %arg2[%dma_start3A_30, %dma_start3A_31] : memref<10240x16xf32, #tpu.memory_space<hbm>> -> memref<10240x16xf32, #tpu.memory_space<hbm>>
      tpu.enqueue_indirect_dma source(%dma_start3A_32 : memref<10240x16xf32, #tpu.memory_space<hbm>>) target(%dma_start3A_26 : memref<128x16xf32, #tpu.memory_space<vmem>>) offsets(%dma_start3A_29 : memref<128xi32, #tpu.memory_space<vmem>>) semaphore(%arg12 : memref<!tpu.dma_semaphore, #tpu.memory_space<semaphore_mem>>)
      %dma_start3A_33 = arith.constant 1 : i32
      %dma_start3A_34 = arith.constant 1 : i32
      %dma_start3A_35 = arith.constant 0 : i32
      %dma_start3A_36 = arith.constant 0 : i32
      %dma_start3A_37 = tpu.memref_slice %arg9[%dma_start3A_34, %dma_start3A_35, %dma_start3A_36] : memref<8x128x16xf32, #tpu.memory_space<vmem>> -> memref<1x128x16xf32, #tpu.memory_space<vmem>>
      %dma_start3A_38 = tpu.memref_squeeze %dma_start3A_37 : memref<1x128x16xf32, #tpu.memory_space<vmem>> -> memref<128x16xf32, #tpu.memory_space<vmem>>
      %dma_start3A_39 = arith.constant 0 : i32
      %dma_start3A_40 = tpu.memref_slice %arg7[%dma_start3A_33, %dma_start3A_39] : memref<120x128xi32, #tpu.memory_space<vmem>> -> memref<1x128xi32, #tpu.memory_space<vmem>>
      %dma_start3A_41 = tpu.memref_squeeze %dma_start3A_40 : memref<1x128xi32, #tpu.memory_space<vmem>> -> memref<128xi32, #tpu.memory_space<vmem>>
      %dma_start3A_42 = arith.constant 0 : i32
      %dma_start3A_43 = arith.constant 0 : i32
      %dma_start3A_44 = tpu.memref_slice %arg2[%dma_start3A_42, %dma_start3A_43] : memref<10240x16xf32, #tpu.memory_space<hbm>> -> memref<10240x16xf32, #tpu.memory_space<hbm>>
      tpu.enqueue_indirect_dma source(%dma_start3A_44 : memref<10240x16xf32, #tpu.memory_space<hbm>>) target(%dma_start3A_38 : memref<128x16xf32, #tpu.memory_space<vmem>>) offsets(%dma_start3A_41 : memref<128xi32, #tpu.memory_space<vmem>>) semaphore(%arg13 : memref<!tpu.dma_semaphore, #tpu.memory_space<semaphore_mem>>)
      %dma_start3A_45 = arith.constant 2 : i32
      %dma_start3A_46 = arith.constant 2 : i32
      %dma_start3A_47 = arith.constant 0 : i32
      %dma_start3A_48 = arith.constant 0 : i32
      %dma_start3A_49 = tpu.memref_slice %arg9[%dma_start3A_46, %dma_start3A_47, %dma_start3A_48] : memref<8x128x16xf32, #tpu.memory_space<vmem>> -> memref<1x128x16xf32, #tpu.memory_space<vmem>>
      %dma_start3A_50 = tpu.memref_squeeze %dma_start3A_49 : memref<1x128x16xf32, #tpu.memory_space<vmem>> -> memref<128x16xf32, #tpu.memory_space<vmem>>
      %dma_start3A_51 = arith.constant 0 : i32
      %dma_start3A_52 = tpu.memref_slice %arg7[%dma_start3A_45, %dma_start3A_51] : memref<120x128xi32, #tpu.memory_space<vmem>> -> memref<1x128xi32, #tpu.memory_space<vmem>>
      %dma_start3A_53 = tpu.memref_squeeze %dma_start3A_52 : memref<1x128xi32, #tpu.memory_space<vmem>> -> memref<128xi32, #tpu.memory_space<vmem>>
      %dma_start3A_54 = arith.constant 0 : i32
      %dma_start3A_55 = arith.constant 0 : i32
      %dma_start3A_56 = tpu.memref_slice %arg2[%dma_start3A_54, %dma_start3A_55] : memref<10240x16xf32, #tpu.memory_space<hbm>> -> memref<10240x16xf32, #tpu.memory_space<hbm>>
      tpu.enqueue_indirect_dma source(%dma_start3A_56 : memref<10240x16xf32, #tpu.memory_space<hbm>>) target(%dma_start3A_50 : memref<128x16xf32, #tpu.memory_space<vmem>>) offsets(%dma_start3A_53 : memref<128xi32, #tpu.memory_space<vmem>>) semaphore(%arg14 : memref<!tpu.dma_semaphore, #tpu.memory_space<semaphore_mem>>)
      %dma_start3A_57 = arith.constant 3 : i32
      %dma_start3A_58 = arith.constant 3 : i32
      %dma_start3A_59 = arith.constant 0 : i32
      %dma_start3A_60 = arith.constant 0 : i32
      %dma_start3A_61 = tpu.memref_slice %arg9[%dma_start3A_58, %dma_start3A_59, %dma_start3A_60] : memref<8x128x16xf32, #tpu.memory_space<vmem>> -> memref<1x128x16xf32, #tpu.memory_space<vmem>>
      %dma_start3A_62 = tpu.memref_squeeze %dma_start3A_61 : memref<1x128x16xf32, #tpu.memory_space<vmem>> -> memref<128x16xf32, #tpu.memory_space<vmem>>
      %dma_start3A_63 = arith.constant 0 : i32
      %dma_start3A_64 = tpu.memref_slice %arg7[%dma_start3A_57, %dma_start3A_63] : memref<120x128xi32, #tpu.memory_space<vmem>> -> memref<1x128xi32, #tpu.memory_space<vmem>>
      %dma_start3A_65 = tpu.memref_squeeze %dma_start3A_64 : memref<1x128xi32, #tpu.memory_space<vmem>> -> memref<128xi32, #tpu.memory_space<vmem>>
      %dma_start3A_66 = arith.constant 0 : i32
      %dma_start3A_67 = arith.constant 0 : i32
      %dma_start3A_68 = tpu.memref_slice %arg2[%dma_start3A_66, %dma_start3A_67] : memref<10240x16xf32, #tpu.memory_space<hbm>> -> memref<10240x16xf32, #tpu.memory_space<hbm>>
      tpu.enqueue_indirect_dma source(%dma_start3A_68 : memref<10240x16xf32, #tpu.memory_space<hbm>>) target(%dma_start3A_62 : memref<128x16xf32, #tpu.memory_space<vmem>>) offsets(%dma_start3A_65 : memref<128xi32, #tpu.memory_space<vmem>>) semaphore(%arg15 : memref<!tpu.dma_semaphore, #tpu.memory_space<semaphore_mem>>)
      %dma_start3A_69 = arith.constant 4 : i32
      %dma_start3A_70 = arith.constant 4 : i32
      %dma_start3A_71 = arith.constant 0 : i32
      %dma_start3A_72 = arith.constant 0 : i32
      %dma_start3A_73 = tpu.memref_slice %arg9[%dma_start3A_70, %dma_start3A_71, %dma_start3A_72] : memref<8x128x16xf32, #tpu.memory_space<vmem>> -> memref<1x128x16xf32, #tpu.memory_space<vmem>>
      %dma_start3A_74 = tpu.memref_squeeze %dma_start3A_73 : memref<1x128x16xf32, #tpu.memory_space<vmem>> -> memref<128x16xf32, #tpu.memory_space<vmem>>
      %dma_start3A_75 = arith.constant 0 : i32
      %dma_start3A_76 = tpu.memref_slice %arg7[%dma_start3A_69, %dma_start3A_75] : memref<120x128xi32, #tpu.memory_space<vmem>> -> memref<1x128xi32, #tpu.memory_space<vmem>>
      %dma_start3A_77 = tpu.memref_squeeze %dma_start3A_76 : memref<1x128xi32, #tpu.memory_space<vmem>> -> memref<128xi32, #tpu.memory_space<vmem>>
      %dma_start3A_78 = arith.constant 0 : i32
      %dma_start3A_79 = arith.constant 0 : i32
      %dma_start3A_80 = tpu.memref_slice %arg2[%dma_start3A_78, %dma_start3A_79] : memref<10240x16xf32, #tpu.memory_space<hbm>> -> memref<10240x16xf32, #tpu.memory_space<hbm>>
      tpu.enqueue_indirect_dma source(%dma_start3A_80 : memref<10240x16xf32, #tpu.memory_space<hbm>>) target(%dma_start3A_74 : memref<128x16xf32, #tpu.memory_space<vmem>>) offsets(%dma_start3A_77 : memref<128xi32, #tpu.memory_space<vmem>>) semaphore(%arg16 : memref<!tpu.dma_semaphore, #tpu.memory_space<semaphore_mem>>)
      %dma_start3A_81 = arith.constant 5 : i32
      %dma_start3A_82 = arith.constant 5 : i32
      %dma_start3A_83 = arith.constant 0 : i32
      %dma_start3A_84 = arith.constant 0 : i32
      %dma_start3A_85 = tpu.memref_slice %arg9[%dma_start3A_82, %dma_start3A_83, %dma_start3A_84] : memref<8x128x16xf32, #tpu.memory_space<vmem>> -> memref<1x128x16xf32, #tpu.memory_space<vmem>>
      %dma_start3A_86 = tpu.memref_squeeze %dma_start3A_85 : memref<1x128x16xf32, #tpu.memory_space<vmem>> -> memref<128x16xf32, #tpu.memory_space<vmem>>
      %dma_start3A_87 = arith.constant 0 : i32
      %dma_start3A_88 = tpu.memref_slice %arg7[%dma_start3A_81, %dma_start3A_87] : memref<120x128xi32, #tpu.memory_space<vmem>> -> memref<1x128xi32, #tpu.memory_space<vmem>>
      %dma_start3A_89 = tpu.memref_squeeze %dma_start3A_88 : memref<1x128xi32, #tpu.memory_space<vmem>> -> memref<128xi32, #tpu.memory_space<vmem>>
      %dma_start3A_90 = arith.constant 0 : i32
      %dma_start3A_91 = arith.constant 0 : i32
      %dma_start3A_92 = tpu.memref_slice %arg2[%dma_start3A_90, %dma_start3A_91] : memref<10240x16xf32, #tpu.memory_space<hbm>> -> memref<10240x16xf32, #tpu.memory_space<hbm>>
      tpu.enqueue_indirect_dma source(%dma_start3A_92 : memref<10240x16xf32, #tpu.memory_space<hbm>>) target(%dma_start3A_86 : memref<128x16xf32, #tpu.memory_space<vmem>>) offsets(%dma_start3A_89 : memref<128xi32, #tpu.memory_space<vmem>>) semaphore(%arg17 : memref<!tpu.dma_semaphore, #tpu.memory_space<semaphore_mem>>)
      %dma_start3A_93 = arith.constant 6 : i32
      %dma_start3A_94 = arith.constant 6 : i32
      %dma_start3A_95 = arith.constant 0 : i32
      %dma_start3A_96 = arith.constant 0 : i32
      %dma_start3A_97 = tpu.memref_slice %arg9[%dma_start3A_94, %dma_start3A_95, %dma_start3A_96] : memref<8x128x16xf32, #tpu.memory_space<vmem>> -> memref<1x128x16xf32, #tpu.memory_space<vmem>>
      %dma_start3A_98 = tpu.memref_squeeze %dma_start3A_97 : memref<1x128x16xf32, #tpu.memory_space<vmem>> -> memref<128x16xf32, #tpu.memory_space<vmem>>
      %dma_start3A_99 = arith.constant 0 : i32
      %dma_start3A_100 = tpu.memref_slice %arg7[%dma_start3A_93, %dma_start3A_99] : memref<120x128xi32, #tpu.memory_space<vmem>> -> memref<1x128xi32, #tpu.memory_space<vmem>>
      %dma_start3A_101 = tpu.memref_squeeze %dma_start3A_100 : memref<1x128xi32, #tpu.memory_space<vmem>> -> memref<128xi32, #tpu.memory_space<vmem>>
      %dma_start3A_102 = arith.constant 0 : i32
      %dma_start3A_103 = arith.constant 0 : i32
      %dma_start3A_104 = tpu.memref_slice %arg2[%dma_start3A_102, %dma_start3A_103] : memref<10240x16xf32, #tpu.memory_space<hbm>> -> memref<10240x16xf32, #tpu.memory_space<hbm>>
      tpu.enqueue_indirect_dma source(%dma_start3A_104 : memref<10240x16xf32, #tpu.memory_space<hbm>>) target(%dma_start3A_98 : memref<128x16xf32, #tpu.memory_space<vmem>>) offsets(%dma_start3A_101 : memref<128xi32, #tpu.memory_space<vmem>>) semaphore(%arg18 : memref<!tpu.dma_semaphore, #tpu.memory_space<semaphore_mem>>)
      %dma_start3A_105 = arith.constant 7 : i32
      %dma_start3A_106 = arith.constant 7 : i32
      %dma_start3A_107 = arith.constant 0 : i32
      %dma_start3A_108 = arith.constant 0 : i32
      %dma_start3A_109 = tpu.memref_slice %arg9[%dma_start3A_106, %dma_start3A_107, %dma_start3A_108] : memref<8x128x16xf32, #tpu.memory_space<vmem>> -> memref<1x128x16xf32, #tpu.memory_space<vmem>>
      %dma_start3A_110 = tpu.memref_squeeze %dma_start3A_109 : memref<1x128x16xf32, #tpu.memory_space<vmem>> -> memref<128x16xf32, #tpu.memory_space<vmem>>
      %dma_start3A_111 = arith.constant 0 : i32
      %dma_start3A_112 = tpu.memref_slice %arg7[%dma_start3A_105, %dma_start3A_111] : memref<120x128xi32, #tpu.memory_space<vmem>> -> memref<1x128xi32, #tpu.memory_space<vmem>>
      %dma_start3A_113 = tpu.memref_squeeze %dma_start3A_112 : memref<1x128xi32, #tpu.memory_space<vmem>> -> memref<128xi32, #tpu.memory_space<vmem>>
      %dma_start3A_114 = arith.constant 0 : i32
      %dma_start3A_115 = arith.constant 0 : i32
      %dma_start3A_116 = tpu.memref_slice %arg2[%dma_start3A_114, %dma_start3A_115] : memref<10240x16xf32, #tpu.memory_space<hbm>> -> memref<10240x16xf32, #tpu.memory_space<hbm>>
      tpu.enqueue_indirect_dma source(%dma_start3A_116 : memref<10240x16xf32, #tpu.memory_space<hbm>>) target(%dma_start3A_110 : memref<128x16xf32, #tpu.memory_space<vmem>>) offsets(%dma_start3A_113 : memref<128xi32, #tpu.memory_space<vmem>>) semaphore(%arg19 : memref<!tpu.dma_semaphore, #tpu.memory_space<semaphore_mem>>)
      %scan3A = arith.constant 0 : i32
      %scan3A_117 = arith.constant 0 : i32
      %scan3A_118 = arith.constant 5 : i32
      %scan3A_119 = arith.addi %scan3A_117, %scan3A_118 : i32
      %scan3A_120 = arith.constant 1 : i32
      scf.for %scan3A_122 = %scan3A_117 to %scan3A_119 step %scan3A_120  : i32 {
        %mul3A_123 = arith.constant 8 : i32
        %mul3A_124 = arith.muli %scan3A_122, %mul3A_123 : i32
        %add3A_125 = arith.constant 0 : i32
        %add3A_126 = arith.addi %mul3A_124, %add3A_125 : i32
        %dma_wait3A = arith.constant 0 : i32
        %dma_wait3A_127 = arith.constant 0 : i32
        %dma_wait3A_128 = arith.constant 0 : i32
        %dma_wait3A_129 = tpu.memref_slice %arg9[%dma_wait3A, %dma_wait3A_127, %dma_wait3A_128] : memref<8x128x16xf32, #tpu.memory_space<vmem>> -> memref<1x128x16xf32, #tpu.memory_space<vmem>>
        %dma_wait3A_130 = tpu.memref_squeeze %dma_wait3A_129 : memref<1x128x16xf32, #tpu.memory_space<vmem>> -> memref<128x16xf32, #tpu.memory_space<vmem>>
        %dma_wait3A_131 = arith.constant 0 : i32
        %dma_wait3A_132 = tpu.memref_slice %arg7[%add3A_126, %dma_wait3A_131] : memref<120x128xi32, #tpu.memory_space<vmem>> -> memref<1x128xi32, #tpu.memory_space<vmem>>
        %dma_wait3A_133 = tpu.memref_squeeze %dma_wait3A_132 : memref<1x128xi32, #tpu.memory_space<vmem>> -> memref<128xi32, #tpu.memory_space<vmem>>
        %dma_wait3A_134 = arith.constant 0 : i32
        %dma_wait3A_135 = arith.constant 0 : i32
        %dma_wait3A_136 = tpu.memref_slice %arg2[%dma_wait3A_134, %dma_wait3A_135] : memref<10240x16xf32, #tpu.memory_space<hbm>> -> memref<10240x16xf32, #tpu.memory_space<hbm>>
        tpu.wait_indirect_dma semaphore(%arg12 : memref<!tpu.dma_semaphore, #tpu.memory_space<semaphore_mem>>) src(%dma_wait3A_136 : memref<10240x16xf32, #tpu.memory_space<hbm>>) dst(%dma_wait3A_130 : memref<128x16xf32, #tpu.memory_space<vmem>>)
        %run_scoped3A = arith.constant 0 : i32
        "tpu.region"() ({
          %run_scoped3A_304 = tpu.sem_alloc : memref<!tpu.dma_semaphore, #tpu.memory_space<semaphore_mem>>
          %dma_start3A_305 = arith.constant 0 : i32
          %dma_start3A_306 = arith.constant 0 : i32
          %dma_start3A_307 = tpu.memref_slice %arg9[%run_scoped3A, %dma_start3A_305, %dma_start3A_306] : memref<8x128x16xf32, #tpu.memory_space<vmem>> -> memref<1x128x16xf32, #tpu.memory_space<vmem>>
          %dma_start3A_308 = tpu.memref_squeeze %dma_start3A_307 : memref<1x128x16xf32, #tpu.memory_space<vmem>> -> memref<128x16xf32, #tpu.memory_space<vmem>>
          %dma_start3A_309 = arith.constant 0 : i32
          %dma_start3A_310 = tpu.memref_slice %arg8[%add3A_126, %dma_start3A_309] : memref<120x128xi32, #tpu.memory_space<vmem>> -> memref<1x128xi32, #tpu.memory_space<vmem>>
          %dma_start3A_311 = tpu.memref_squeeze %dma_start3A_310 : memref<1x128xi32, #tpu.memory_space<vmem>> -> memref<128xi32, #tpu.memory_space<vmem>>
          %dma_start3A_312 = arith.constant 0 : i32
          %dma_start3A_313 = arith.constant 0 : i32
          %dma_start3A_314 = tpu.memref_slice %arg11[%dma_start3A_312, %dma_start3A_313] : memref<10240x16xf32, #tpu.memory_space<vmem_shared>> -> memref<10240x16xf32, #tpu.memory_space<vmem_shared>>
          tpu.enqueue_indirect_dma source(%dma_start3A_308 : memref<128x16xf32, #tpu.memory_space<vmem>>) target(%dma_start3A_314 : memref<10240x16xf32, #tpu.memory_space<vmem_shared>>) offsets(%dma_start3A_311 : memref<128xi32, #tpu.memory_space<vmem>>) semaphore(%run_scoped3A_304 : memref<!tpu.dma_semaphore, #tpu.memory_space<semaphore_mem>>) {add = true}
          %dma_wait3A_315 = arith.constant 0 : i32
          %dma_wait3A_316 = arith.constant 0 : i32
          %dma_wait3A_317 = tpu.memref_slice %arg9[%run_scoped3A, %dma_wait3A_315, %dma_wait3A_316] : memref<8x128x16xf32, #tpu.memory_space<vmem>> -> memref<1x128x16xf32, #tpu.memory_space<vmem>>
          %dma_wait3A_318 = tpu.memref_squeeze %dma_wait3A_317 : memref<1x128x16xf32, #tpu.memory_space<vmem>> -> memref<128x16xf32, #tpu.memory_space<vmem>>
          %dma_wait3A_319 = arith.constant 0 : i32
          %dma_wait3A_320 = tpu.memref_slice %arg8[%add3A_126, %dma_wait3A_319] : memref<120x128xi32, #tpu.memory_space<vmem>> -> memref<1x128xi32, #tpu.memory_space<vmem>>
          %dma_wait3A_321 = tpu.memref_squeeze %dma_wait3A_320 : memref<1x128xi32, #tpu.memory_space<vmem>> -> memref<128xi32, #tpu.memory_space<vmem>>
          %dma_wait3A_322 = arith.constant 0 : i32
          %dma_wait3A_323 = arith.constant 0 : i32
          %dma_wait3A_324 = tpu.memref_slice %arg11[%dma_wait3A_322, %dma_wait3A_323] : memref<10240x16xf32, #tpu.memory_space<vmem_shared>> -> memref<10240x16xf32, #tpu.memory_space<vmem_shared>>
          tpu.wait_indirect_dma semaphore(%run_scoped3A_304 : memref<!tpu.dma_semaphore, #tpu.memory_space<semaphore_mem>>) src(%dma_wait3A_318 : memref<128x16xf32, #tpu.memory_space<vmem>>) dst(%dma_wait3A_324 : memref<10240x16xf32, #tpu.memory_space<vmem_shared>>)
          tpu.yield
        }) : () -> ()
        %add3A_137 = arith.constant 8 : i32
        %add3A_138 = arith.addi %add3A_126, %add3A_137 : i32
        %lt3A = arith.constant 40 : i32
        %lt3A_139 = arith.cmpi slt, %add3A_138, %lt3A : i32
        %convert_element_type3A_140 = arith.extui %lt3A_139 : i1 to i32
        %cond3A_141 = arith.constant 0 : i32
        %cond3A_142 = arith.cmpi ne, %convert_element_type3A_140, %cond3A_141 : i32
        scf.if %cond3A_142 {
          %add3A_304 = arith.constant 8 : i32
          %add3A_305 = arith.addi %add3A_126, %add3A_304 : i32
          %dma_start3A_306 = arith.constant 0 : i32
          %dma_start3A_307 = arith.constant 0 : i32
          %dma_start3A_308 = arith.constant 0 : i32
          %dma_start3A_309 = tpu.memref_slice %arg9[%dma_start3A_306, %dma_start3A_307, %dma_start3A_308] : memref<8x128x16xf32, #tpu.memory_space<vmem>> -> memref<1x128x16xf32, #tpu.memory_space<vmem>>
          %dma_start3A_310 = tpu.memref_squeeze %dma_start3A_309 : memref<1x128x16xf32, #tpu.memory_space<vmem>> -> memref<128x16xf32, #tpu.memory_space<vmem>>
          %dma_start3A_311 = arith.constant 0 : i32
          %dma_start3A_312 = tpu.memref_slice %arg7[%add3A_305, %dma_start3A_311] : memref<120x128xi32, #tpu.memory_space<vmem>> -> memref<1x128xi32, #tpu.memory_space<vmem>>
          %dma_start3A_313 = tpu.memref_squeeze %dma_start3A_312 : memref<1x128xi32, #tpu.memory_space<vmem>> -> memref<128xi32, #tpu.memory_space<vmem>>
          %dma_start3A_314 = arith.constant 0 : i32
          %dma_start3A_315 = arith.constant 0 : i32
          %dma_start3A_316 = tpu.memref_slice %arg2[%dma_start3A_314, %dma_start3A_315] : memref<10240x16xf32, #tpu.memory_space<hbm>> -> memref<10240x16xf32, #tpu.memory_space<hbm>>
          tpu.enqueue_indirect_dma source(%dma_start3A_316 : memref<10240x16xf32, #tpu.memory_space<hbm>>) target(%dma_start3A_310 : memref<128x16xf32, #tpu.memory_space<vmem>>) offsets(%dma_start3A_313 : memref<128xi32, #tpu.memory_space<vmem>>) semaphore(%arg12 : memref<!tpu.dma_semaphore, #tpu.memory_space<semaphore_mem>>)
        } else {
        }
        %mul3A_143 = arith.constant 8 : i32
        %mul3A_144 = arith.muli %scan3A_122, %mul3A_143 : i32
        %add3A_145 = arith.constant 1 : i32
        %add3A_146 = arith.addi %mul3A_144, %add3A_145 : i32
        %dma_wait3A_147 = arith.constant 1 : i32
        %dma_wait3A_148 = arith.constant 0 : i32
        %dma_wait3A_149 = arith.constant 0 : i32
        %dma_wait3A_150 = tpu.memref_slice %arg9[%dma_wait3A_147, %dma_wait3A_148, %dma_wait3A_149] : memref<8x128x16xf32, #tpu.memory_space<vmem>> -> memref<1x128x16xf32, #tpu.memory_space<vmem>>
        %dma_wait3A_151 = tpu.memref_squeeze %dma_wait3A_150 : memref<1x128x16xf32, #tpu.memory_space<vmem>> -> memref<128x16xf32, #tpu.memory_space<vmem>>
        %dma_wait3A_152 = arith.constant 0 : i32
        %dma_wait3A_153 = tpu.memref_slice %arg7[%add3A_146, %dma_wait3A_152] : memref<120x128xi32, #tpu.memory_space<vmem>> -> memref<1x128xi32, #tpu.memory_space<vmem>>
        %dma_wait3A_154 = tpu.memref_squeeze %dma_wait3A_153 : memref<1x128xi32, #tpu.memory_space<vmem>> -> memref<128xi32, #tpu.memory_space<vmem>>
        %dma_wait3A_155 = arith.constant 0 : i32
        %dma_wait3A_156 = arith.constant 0 : i32
        %dma_wait3A_157 = tpu.memref_slice %arg2[%dma_wait3A_155, %dma_wait3A_156] : memref<10240x16xf32, #tpu.memory_space<hbm>> -> memref<10240x16xf32, #tpu.memory_space<hbm>>
        tpu.wait_indirect_dma semaphore(%arg13 : memref<!tpu.dma_semaphore, #tpu.memory_space<semaphore_mem>>) src(%dma_wait3A_157 : memref<10240x16xf32, #tpu.memory_space<hbm>>) dst(%dma_wait3A_151 : memref<128x16xf32, #tpu.memory_space<vmem>>)
        %run_scoped3A_158 = arith.constant 1 : i32
        "tpu.region"() ({
          %run_scoped3A_304 = tpu.sem_alloc : memref<!tpu.dma_semaphore, #tpu.memory_space<semaphore_mem>>
          %dma_start3A_305 = arith.constant 0 : i32
          %dma_start3A_306 = arith.constant 0 : i32
          %dma_start3A_307 = tpu.memref_slice %arg9[%run_scoped3A_158, %dma_start3A_305, %dma_start3A_306] : memref<8x128x16xf32, #tpu.memory_space<vmem>> -> memref<1x128x16xf32, #tpu.memory_space<vmem>>
          %dma_start3A_308 = tpu.memref_squeeze %dma_start3A_307 : memref<1x128x16xf32, #tpu.memory_space<vmem>> -> memref<128x16xf32, #tpu.memory_space<vmem>>
          %dma_start3A_309 = arith.constant 0 : i32
          %dma_start3A_310 = tpu.memref_slice %arg8[%add3A_146, %dma_start3A_309] : memref<120x128xi32, #tpu.memory_space<vmem>> -> memref<1x128xi32, #tpu.memory_space<vmem>>
          %dma_start3A_311 = tpu.memref_squeeze %dma_start3A_310 : memref<1x128xi32, #tpu.memory_space<vmem>> -> memref<128xi32, #tpu.memory_space<vmem>>
          %dma_start3A_312 = arith.constant 0 : i32
          %dma_start3A_313 = arith.constant 0 : i32
          %dma_start3A_314 = tpu.memref_slice %arg11[%dma_start3A_312, %dma_start3A_313] : memref<10240x16xf32, #tpu.memory_space<vmem_shared>> -> memref<10240x16xf32, #tpu.memory_space<vmem_shared>>
          tpu.enqueue_indirect_dma source(%dma_start3A_308 : memref<128x16xf32, #tpu.memory_space<vmem>>) target(%dma_start3A_314 : memref<10240x16xf32, #tpu.memory_space<vmem_shared>>) offsets(%dma_start3A_311 : memref<128xi32, #tpu.memory_space<vmem>>) semaphore(%run_scoped3A_304 : memref<!tpu.dma_semaphore, #tpu.memory_space<semaphore_mem>>) {add = true}
          %dma_wait3A_315 = arith.constant 0 : i32
          %dma_wait3A_316 = arith.constant 0 : i32
          %dma_wait3A_317 = tpu.memref_slice %arg9[%run_scoped3A_158, %dma_wait3A_315, %dma_wait3A_316] : memref<8x128x16xf32, #tpu.memory_space<vmem>> -> memref<1x128x16xf32, #tpu.memory_space<vmem>>
          %dma_wait3A_318 = tpu.memref_squeeze %dma_wait3A_317 : memref<1x128x16xf32, #tpu.memory_space<vmem>> -> memref<128x16xf32, #tpu.memory_space<vmem>>
          %dma_wait3A_319 = arith.constant 0 : i32
          %dma_wait3A_320 = tpu.memref_slice %arg8[%add3A_146, %dma_wait3A_319] : memref<120x128xi32, #tpu.memory_space<vmem>> -> memref<1x128xi32, #tpu.memory_space<vmem>>
          %dma_wait3A_321 = tpu.memref_squeeze %dma_wait3A_320 : memref<1x128xi32, #tpu.memory_space<vmem>> -> memref<128xi32, #tpu.memory_space<vmem>>
          %dma_wait3A_322 = arith.constant 0 : i32
          %dma_wait3A_323 = arith.constant 0 : i32
          %dma_wait3A_324 = tpu.memref_slice %arg11[%dma_wait3A_322, %dma_wait3A_323] : memref<10240x16xf32, #tpu.memory_space<vmem_shared>> -> memref<10240x16xf32, #tpu.memory_space<vmem_shared>>
          tpu.wait_indirect_dma semaphore(%run_scoped3A_304 : memref<!tpu.dma_semaphore, #tpu.memory_space<semaphore_mem>>) src(%dma_wait3A_318 : memref<128x16xf32, #tpu.memory_space<vmem>>) dst(%dma_wait3A_324 : memref<10240x16xf32, #tpu.memory_space<vmem_shared>>)
          tpu.yield
        }) : () -> ()
        %add3A_159 = arith.constant 8 : i32
        %add3A_160 = arith.addi %add3A_146, %add3A_159 : i32
        %lt3A_161 = arith.constant 40 : i32
        %lt3A_162 = arith.cmpi slt, %add3A_160, %lt3A_161 : i32
        %convert_element_type3A_163 = arith.extui %lt3A_162 : i1 to i32
        %cond3A_164 = arith.constant 0 : i32
        %cond3A_165 = arith.cmpi ne, %convert_element_type3A_163, %cond3A_164 : i32
        scf.if %cond3A_165 {
          %add3A_304 = arith.constant 8 : i32
          %add3A_305 = arith.addi %add3A_146, %add3A_304 : i32
          %dma_start3A_306 = arith.constant 1 : i32
          %dma_start3A_307 = arith.constant 0 : i32
          %dma_start3A_308 = arith.constant 0 : i32
          %dma_start3A_309 = tpu.memref_slice %arg9[%dma_start3A_306, %dma_start3A_307, %dma_start3A_308] : memref<8x128x16xf32, #tpu.memory_space<vmem>> -> memref<1x128x16xf32, #tpu.memory_space<vmem>>
          %dma_start3A_310 = tpu.memref_squeeze %dma_start3A_309 : memref<1x128x16xf32, #tpu.memory_space<vmem>> -> memref<128x16xf32, #tpu.memory_space<vmem>>
          %dma_start3A_311 = arith.constant 0 : i32
          %dma_start3A_312 = tpu.memref_slice %arg7[%add3A_305, %dma_start3A_311] : memref<120x128xi32, #tpu.memory_space<vmem>> -> memref<1x128xi32, #tpu.memory_space<vmem>>
          %dma_start3A_313 = tpu.memref_squeeze %dma_start3A_312 : memref<1x128xi32, #tpu.memory_space<vmem>> -> memref<128xi32, #tpu.memory_space<vmem>>
          %dma_start3A_314 = arith.constant 0 : i32
          %dma_start3A_315 = arith.constant 0 : i32
          %dma_start3A_316 = tpu.memref_slice %arg2[%dma_start3A_314, %dma_start3A_315] : memref<10240x16xf32, #tpu.memory_space<hbm>> -> memref<10240x16xf32, #tpu.memory_space<hbm>>
          tpu.enqueue_indirect_dma source(%dma_start3A_316 : memref<10240x16xf32, #tpu.memory_space<hbm>>) target(%dma_start3A_310 : memref<128x16xf32, #tpu.memory_space<vmem>>) offsets(%dma_start3A_313 : memref<128xi32, #tpu.memory_space<vmem>>) semaphore(%arg13 : memref<!tpu.dma_semaphore, #tpu.memory_space<semaphore_mem>>)
        } else {
        }
        %mul3A_166 = arith.constant 8 : i32
        %mul3A_167 = arith.muli %scan3A_122, %mul3A_166 : i32
        %add3A_168 = arith.constant 2 : i32
        %add3A_169 = arith.addi %mul3A_167, %add3A_168 : i32
        %dma_wait3A_170 = arith.constant 2 : i32
        %dma_wait3A_171 = arith.constant 0 : i32
        %dma_wait3A_172 = arith.constant 0 : i32
        %dma_wait3A_173 = tpu.memref_slice %arg9[%dma_wait3A_170, %dma_wait3A_171, %dma_wait3A_172] : memref<8x128x16xf32, #tpu.memory_space<vmem>> -> memref<1x128x16xf32, #tpu.memory_space<vmem>>
        %dma_wait3A_174 = tpu.memref_squeeze %dma_wait3A_173 : memref<1x128x16xf32, #tpu.memory_space<vmem>> -> memref<128x16xf32, #tpu.memory_space<vmem>>
        %dma_wait3A_175 = arith.constant 0 : i32
        %dma_wait3A_176 = tpu.memref_slice %arg7[%add3A_169, %dma_wait3A_175] : memref<120x128xi32, #tpu.memory_space<vmem>> -> memref<1x128xi32, #tpu.memory_space<vmem>>
        %dma_wait3A_177 = tpu.memref_squeeze %dma_wait3A_176 : memref<1x128xi32, #tpu.memory_space<vmem>> -> memref<128xi32, #tpu.memory_space<vmem>>
        %dma_wait3A_178 = arith.constant 0 : i32
        %dma_wait3A_179 = arith.constant 0 : i32
        %dma_wait3A_180 = tpu.memref_slice %arg2[%dma_wait3A_178, %dma_wait3A_179] : memref<10240x16xf32, #tpu.memory_space<hbm>> -> memref<10240x16xf32, #tpu.memory_space<hbm>>
        tpu.wait_indirect_dma semaphore(%arg14 : memref<!tpu.dma_semaphore, #tpu.memory_space<semaphore_mem>>) src(%dma_wait3A_180 : memref<10240x16xf32, #tpu.memory_space<hbm>>) dst(%dma_wait3A_174 : memref<128x16xf32, #tpu.memory_space<vmem>>)
        %run_scoped3A_181 = arith.constant 2 : i32
        "tpu.region"() ({
          %run_scoped3A_304 = tpu.sem_alloc : memref<!tpu.dma_semaphore, #tpu.memory_space<semaphore_mem>>
          %dma_start3A_305 = arith.constant 0 : i32
          %dma_start3A_306 = arith.constant 0 : i32
          %dma_start3A_307 = tpu.memref_slice %arg9[%run_scoped3A_181, %dma_start3A_305, %dma_start3A_306] : memref<8x128x16xf32, #tpu.memory_space<vmem>> -> memref<1x128x16xf32, #tpu.memory_space<vmem>>
          %dma_start3A_308 = tpu.memref_squeeze %dma_start3A_307 : memref<1x128x16xf32, #tpu.memory_space<vmem>> -> memref<128x16xf32, #tpu.memory_space<vmem>>
          %dma_start3A_309 = arith.constant 0 : i32
          %dma_start3A_310 = tpu.memref_slice %arg8[%add3A_169, %dma_start3A_309] : memref<120x128xi32, #tpu.memory_space<vmem>> -> memref<1x128xi32, #tpu.memory_space<vmem>>
          %dma_start3A_311 = tpu.memref_squeeze %dma_start3A_310 : memref<1x128xi32, #tpu.memory_space<vmem>> -> memref<128xi32, #tpu.memory_space<vmem>>
          %dma_start3A_312 = arith.constant 0 : i32
          %dma_start3A_313 = arith.constant 0 : i32
          %dma_start3A_314 = tpu.memref_slice %arg11[%dma_start3A_312, %dma_start3A_313] : memref<10240x16xf32, #tpu.memory_space<vmem_shared>> -> memref<10240x16xf32, #tpu.memory_space<vmem_shared>>
          tpu.enqueue_indirect_dma source(%dma_start3A_308 : memref<128x16xf32, #tpu.memory_space<vmem>>) target(%dma_start3A_314 : memref<10240x16xf32, #tpu.memory_space<vmem_shared>>) offsets(%dma_start3A_311 : memref<128xi32, #tpu.memory_space<vmem>>) semaphore(%run_scoped3A_304 : memref<!tpu.dma_semaphore, #tpu.memory_space<semaphore_mem>>) {add = true}
          %dma_wait3A_315 = arith.constant 0 : i32
          %dma_wait3A_316 = arith.constant 0 : i32
          %dma_wait3A_317 = tpu.memref_slice %arg9[%run_scoped3A_181, %dma_wait3A_315, %dma_wait3A_316] : memref<8x128x16xf32, #tpu.memory_space<vmem>> -> memref<1x128x16xf32, #tpu.memory_space<vmem>>
          %dma_wait3A_318 = tpu.memref_squeeze %dma_wait3A_317 : memref<1x128x16xf32, #tpu.memory_space<vmem>> -> memref<128x16xf32, #tpu.memory_space<vmem>>
          %dma_wait3A_319 = arith.constant 0 : i32
          %dma_wait3A_320 = tpu.memref_slice %arg8[%add3A_169, %dma_wait3A_319] : memref<120x128xi32, #tpu.memory_space<vmem>> -> memref<1x128xi32, #tpu.memory_space<vmem>>
          %dma_wait3A_321 = tpu.memref_squeeze %dma_wait3A_320 : memref<1x128xi32, #tpu.memory_space<vmem>> -> memref<128xi32, #tpu.memory_space<vmem>>
          %dma_wait3A_322 = arith.constant 0 : i32
          %dma_wait3A_323 = arith.constant 0 : i32
          %dma_wait3A_324 = tpu.memref_slice %arg11[%dma_wait3A_322, %dma_wait3A_323] : memref<10240x16xf32, #tpu.memory_space<vmem_shared>> -> memref<10240x16xf32, #tpu.memory_space<vmem_shared>>
          tpu.wait_indirect_dma semaphore(%run_scoped3A_304 : memref<!tpu.dma_semaphore, #tpu.memory_space<semaphore_mem>>) src(%dma_wait3A_318 : memref<128x16xf32, #tpu.memory_space<vmem>>) dst(%dma_wait3A_324 : memref<10240x16xf32, #tpu.memory_space<vmem_shared>>)
          tpu.yield
        }) : () -> ()
        %add3A_182 = arith.constant 8 : i32
        %add3A_183 = arith.addi %add3A_169, %add3A_182 : i32
        %lt3A_184 = arith.constant 40 : i32
        %lt3A_185 = arith.cmpi slt, %add3A_183, %lt3A_184 : i32
        %convert_element_type3A_186 = arith.extui %lt3A_185 : i1 to i32
        %cond3A_187 = arith.constant 0 : i32
        %cond3A_188 = arith.cmpi ne, %convert_element_type3A_186, %cond3A_187 : i32
        scf.if %cond3A_188 {
          %add3A_304 = arith.constant 8 : i32
          %add3A_305 = arith.addi %add3A_169, %add3A_304 : i32
          %dma_start3A_306 = arith.constant 2 : i32
          %dma_start3A_307 = arith.constant 0 : i32
          %dma_start3A_308 = arith.constant 0 : i32
          %dma_start3A_309 = tpu.memref_slice %arg9[%dma_start3A_306, %dma_start3A_307, %dma_start3A_308] : memref<8x128x16xf32, #tpu.memory_space<vmem>> -> memref<1x128x16xf32, #tpu.memory_space<vmem>>
          %dma_start3A_310 = tpu.memref_squeeze %dma_start3A_309 : memref<1x128x16xf32, #tpu.memory_space<vmem>> -> memref<128x16xf32, #tpu.memory_space<vmem>>
          %dma_start3A_311 = arith.constant 0 : i32
          %dma_start3A_312 = tpu.memref_slice %arg7[%add3A_305, %dma_start3A_311] : memref<120x128xi32, #tpu.memory_space<vmem>> -> memref<1x128xi32, #tpu.memory_space<vmem>>
          %dma_start3A_313 = tpu.memref_squeeze %dma_start3A_312 : memref<1x128xi32, #tpu.memory_space<vmem>> -> memref<128xi32, #tpu.memory_space<vmem>>
          %dma_start3A_314 = arith.constant 0 : i32
          %dma_start3A_315 = arith.constant 0 : i32
          %dma_start3A_316 = tpu.memref_slice %arg2[%dma_start3A_314, %dma_start3A_315] : memref<10240x16xf32, #tpu.memory_space<hbm>> -> memref<10240x16xf32, #tpu.memory_space<hbm>>
          tpu.enqueue_indirect_dma source(%dma_start3A_316 : memref<10240x16xf32, #tpu.memory_space<hbm>>) target(%dma_start3A_310 : memref<128x16xf32, #tpu.memory_space<vmem>>) offsets(%dma_start3A_313 : memref<128xi32, #tpu.memory_space<vmem>>) semaphore(%arg14 : memref<!tpu.dma_semaphore, #tpu.memory_space<semaphore_mem>>)
        } else {
        }
        %mul3A_189 = arith.constant 8 : i32
        %mul3A_190 = arith.muli %scan3A_122, %mul3A_189 : i32
        %add3A_191 = arith.constant 3 : i32
        %add3A_192 = arith.addi %mul3A_190, %add3A_191 : i32
        %dma_wait3A_193 = arith.constant 3 : i32
        %dma_wait3A_194 = arith.constant 0 : i32
        %dma_wait3A_195 = arith.constant 0 : i32
        %dma_wait3A_196 = tpu.memref_slice %arg9[%dma_wait3A_193, %dma_wait3A_194, %dma_wait3A_195] : memref<8x128x16xf32, #tpu.memory_space<vmem>> -> memref<1x128x16xf32, #tpu.memory_space<vmem>>
        %dma_wait3A_197 = tpu.memref_squeeze %dma_wait3A_196 : memref<1x128x16xf32, #tpu.memory_space<vmem>> -> memref<128x16xf32, #tpu.memory_space<vmem>>
        %dma_wait3A_198 = arith.constant 0 : i32
        %dma_wait3A_199 = tpu.memref_slice %arg7[%add3A_192, %dma_wait3A_198] : memref<120x128xi32, #tpu.memory_space<vmem>> -> memref<1x128xi32, #tpu.memory_space<vmem>>
        %dma_wait3A_200 = tpu.memref_squeeze %dma_wait3A_199 : memref<1x128xi32, #tpu.memory_space<vmem>> -> memref<128xi32, #tpu.memory_space<vmem>>
        %dma_wait3A_201 = arith.constant 0 : i32
        %dma_wait3A_202 = arith.constant 0 : i32
        %dma_wait3A_203 = tpu.memref_slice %arg2[%dma_wait3A_201, %dma_wait3A_202] : memref<10240x16xf32, #tpu.memory_space<hbm>> -> memref<10240x16xf32, #tpu.memory_space<hbm>>
        tpu.wait_indirect_dma semaphore(%arg15 : memref<!tpu.dma_semaphore, #tpu.memory_space<semaphore_mem>>) src(%dma_wait3A_203 : memref<10240x16xf32, #tpu.memory_space<hbm>>) dst(%dma_wait3A_197 : memref<128x16xf32, #tpu.memory_space<vmem>>)
        %run_scoped3A_204 = arith.constant 3 : i32
        "tpu.region"() ({
          %run_scoped3A_304 = tpu.sem_alloc : memref<!tpu.dma_semaphore, #tpu.memory_space<semaphore_mem>>
          %dma_start3A_305 = arith.constant 0 : i32
          %dma_start3A_306 = arith.constant 0 : i32
          %dma_start3A_307 = tpu.memref_slice %arg9[%run_scoped3A_204, %dma_start3A_305, %dma_start3A_306] : memref<8x128x16xf32, #tpu.memory_space<vmem>> -> memref<1x128x16xf32, #tpu.memory_space<vmem>>
          %dma_start3A_308 = tpu.memref_squeeze %dma_start3A_307 : memref<1x128x16xf32, #tpu.memory_space<vmem>> -> memref<128x16xf32, #tpu.memory_space<vmem>>
          %dma_start3A_309 = arith.constant 0 : i32
          %dma_start3A_310 = tpu.memref_slice %arg8[%add3A_192, %dma_start3A_309] : memref<120x128xi32, #tpu.memory_space<vmem>> -> memref<1x128xi32, #tpu.memory_space<vmem>>
          %dma_start3A_311 = tpu.memref_squeeze %dma_start3A_310 : memref<1x128xi32, #tpu.memory_space<vmem>> -> memref<128xi32, #tpu.memory_space<vmem>>
          %dma_start3A_312 = arith.constant 0 : i32
          %dma_start3A_313 = arith.constant 0 : i32
          %dma_start3A_314 = tpu.memref_slice %arg11[%dma_start3A_312, %dma_start3A_313] : memref<10240x16xf32, #tpu.memory_space<vmem_shared>> -> memref<10240x16xf32, #tpu.memory_space<vmem_shared>>
          tpu.enqueue_indirect_dma source(%dma_start3A_308 : memref<128x16xf32, #tpu.memory_space<vmem>>) target(%dma_start3A_314 : memref<10240x16xf32, #tpu.memory_space<vmem_shared>>) offsets(%dma_start3A_311 : memref<128xi32, #tpu.memory_space<vmem>>) semaphore(%run_scoped3A_304 : memref<!tpu.dma_semaphore, #tpu.memory_space<semaphore_mem>>) {add = true}
          %dma_wait3A_315 = arith.constant 0 : i32
          %dma_wait3A_316 = arith.constant 0 : i32
          %dma_wait3A_317 = tpu.memref_slice %arg9[%run_scoped3A_204, %dma_wait3A_315, %dma_wait3A_316] : memref<8x128x16xf32, #tpu.memory_space<vmem>> -> memref<1x128x16xf32, #tpu.memory_space<vmem>>
          %dma_wait3A_318 = tpu.memref_squeeze %dma_wait3A_317 : memref<1x128x16xf32, #tpu.memory_space<vmem>> -> memref<128x16xf32, #tpu.memory_space<vmem>>
          %dma_wait3A_319 = arith.constant 0 : i32
          %dma_wait3A_320 = tpu.memref_slice %arg8[%add3A_192, %dma_wait3A_319] : memref<120x128xi32, #tpu.memory_space<vmem>> -> memref<1x128xi32, #tpu.memory_space<vmem>>
          %dma_wait3A_321 = tpu.memref_squeeze %dma_wait3A_320 : memref<1x128xi32, #tpu.memory_space<vmem>> -> memref<128xi32, #tpu.memory_space<vmem>>
          %dma_wait3A_322 = arith.constant 0 : i32
          %dma_wait3A_323 = arith.constant 0 : i32
          %dma_wait3A_324 = tpu.memref_slice %arg11[%dma_wait3A_322, %dma_wait3A_323] : memref<10240x16xf32, #tpu.memory_space<vmem_shared>> -> memref<10240x16xf32, #tpu.memory_space<vmem_shared>>
          tpu.wait_indirect_dma semaphore(%run_scoped3A_304 : memref<!tpu.dma_semaphore, #tpu.memory_space<semaphore_mem>>) src(%dma_wait3A_318 : memref<128x16xf32, #tpu.memory_space<vmem>>) dst(%dma_wait3A_324 : memref<10240x16xf32, #tpu.memory_space<vmem_shared>>)
          tpu.yield
        }) : () -> ()
        %add3A_205 = arith.constant 8 : i32
        %add3A_206 = arith.addi %add3A_192, %add3A_205 : i32
        %lt3A_207 = arith.constant 40 : i32
        %lt3A_208 = arith.cmpi slt, %add3A_206, %lt3A_207 : i32
        %convert_element_type3A_209 = arith.extui %lt3A_208 : i1 to i32
        %cond3A_210 = arith.constant 0 : i32
        %cond3A_211 = arith.cmpi ne, %convert_element_type3A_209, %cond3A_210 : i32
        scf.if %cond3A_211 {
          %add3A_304 = arith.constant 8 : i32
          %add3A_305 = arith.addi %add3A_192, %add3A_304 : i32
          %dma_start3A_306 = arith.constant 3 : i32
          %dma_start3A_307 = arith.constant 0 : i32
          %dma_start3A_308 = arith.constant 0 : i32
          %dma_start3A_309 = tpu.memref_slice %arg9[%dma_start3A_306, %dma_start3A_307, %dma_start3A_308] : memref<8x128x16xf32, #tpu.memory_space<vmem>> -> memref<1x128x16xf32, #tpu.memory_space<vmem>>
          %dma_start3A_310 = tpu.memref_squeeze %dma_start3A_309 : memref<1x128x16xf32, #tpu.memory_space<vmem>> -> memref<128x16xf32, #tpu.memory_space<vmem>>
          %dma_start3A_311 = arith.constant 0 : i32
          %dma_start3A_312 = tpu.memref_slice %arg7[%add3A_305, %dma_start3A_311] : memref<120x128xi32, #tpu.memory_space<vmem>> -> memref<1x128xi32, #tpu.memory_space<vmem>>
          %dma_start3A_313 = tpu.memref_squeeze %dma_start3A_312 : memref<1x128xi32, #tpu.memory_space<vmem>> -> memref<128xi32, #tpu.memory_space<vmem>>
          %dma_start3A_314 = arith.constant 0 : i32
          %dma_start3A_315 = arith.constant 0 : i32
          %dma_start3A_316 = tpu.memref_slice %arg2[%dma_start3A_314, %dma_start3A_315] : memref<10240x16xf32, #tpu.memory_space<hbm>> -> memref<10240x16xf32, #tpu.memory_space<hbm>>
          tpu.enqueue_indirect_dma source(%dma_start3A_316 : memref<10240x16xf32, #tpu.memory_space<hbm>>) target(%dma_start3A_310 : memref<128x16xf32, #tpu.memory_space<vmem>>) offsets(%dma_start3A_313 : memref<128xi32, #tpu.memory_space<vmem>>) semaphore(%arg15 : memref<!tpu.dma_semaphore, #tpu.memory_space<semaphore_mem>>)
        } else {
        }
        %mul3A_212 = arith.constant 8 : i32
        %mul3A_213 = arith.muli %scan3A_122, %mul3A_212 : i32
        %add3A_214 = arith.constant 4 : i32
        %add3A_215 = arith.addi %mul3A_213, %add3A_214 : i32
        %dma_wait3A_216 = arith.constant 4 : i32
        %dma_wait3A_217 = arith.constant 0 : i32
        %dma_wait3A_218 = arith.constant 0 : i32
        %dma_wait3A_219 = tpu.memref_slice %arg9[%dma_wait3A_216, %dma_wait3A_217, %dma_wait3A_218] : memref<8x128x16xf32, #tpu.memory_space<vmem>> -> memref<1x128x16xf32, #tpu.memory_space<vmem>>
        %dma_wait3A_220 = tpu.memref_squeeze %dma_wait3A_219 : memref<1x128x16xf32, #tpu.memory_space<vmem>> -> memref<128x16xf32, #tpu.memory_space<vmem>>
        %dma_wait3A_221 = arith.constant 0 : i32
        %dma_wait3A_222 = tpu.memref_slice %arg7[%add3A_215, %dma_wait3A_221] : memref<120x128xi32, #tpu.memory_space<vmem>> -> memref<1x128xi32, #tpu.memory_space<vmem>>
        %dma_wait3A_223 = tpu.memref_squeeze %dma_wait3A_222 : memref<1x128xi32, #tpu.memory_space<vmem>> -> memref<128xi32, #tpu.memory_space<vmem>>
        %dma_wait3A_224 = arith.constant 0 : i32
        %dma_wait3A_225 = arith.constant 0 : i32
        %dma_wait3A_226 = tpu.memref_slice %arg2[%dma_wait3A_224, %dma_wait3A_225] : memref<10240x16xf32, #tpu.memory_space<hbm>> -> memref<10240x16xf32, #tpu.memory_space<hbm>>
        tpu.wait_indirect_dma semaphore(%arg16 : memref<!tpu.dma_semaphore, #tpu.memory_space<semaphore_mem>>) src(%dma_wait3A_226 : memref<10240x16xf32, #tpu.memory_space<hbm>>) dst(%dma_wait3A_220 : memref<128x16xf32, #tpu.memory_space<vmem>>)
        %run_scoped3A_227 = arith.constant 4 : i32
        "tpu.region"() ({
          %run_scoped3A_304 = tpu.sem_alloc : memref<!tpu.dma_semaphore, #tpu.memory_space<semaphore_mem>>
          %dma_start3A_305 = arith.constant 0 : i32
          %dma_start3A_306 = arith.constant 0 : i32
          %dma_start3A_307 = tpu.memref_slice %arg9[%run_scoped3A_227, %dma_start3A_305, %dma_start3A_306] : memref<8x128x16xf32, #tpu.memory_space<vmem>> -> memref<1x128x16xf32, #tpu.memory_space<vmem>>
          %dma_start3A_308 = tpu.memref_squeeze %dma_start3A_307 : memref<1x128x16xf32, #tpu.memory_space<vmem>> -> memref<128x16xf32, #tpu.memory_space<vmem>>
          %dma_start3A_309 = arith.constant 0 : i32
          %dma_start3A_310 = tpu.memref_slice %arg8[%add3A_215, %dma_start3A_309] : memref<120x128xi32, #tpu.memory_space<vmem>> -> memref<1x128xi32, #tpu.memory_space<vmem>>
          %dma_start3A_311 = tpu.memref_squeeze %dma_start3A_310 : memref<1x128xi32, #tpu.memory_space<vmem>> -> memref<128xi32, #tpu.memory_space<vmem>>
          %dma_start3A_312 = arith.constant 0 : i32
          %dma_start3A_313 = arith.constant 0 : i32
          %dma_start3A_314 = tpu.memref_slice %arg11[%dma_start3A_312, %dma_start3A_313] : memref<10240x16xf32, #tpu.memory_space<vmem_shared>> -> memref<10240x16xf32, #tpu.memory_space<vmem_shared>>
          tpu.enqueue_indirect_dma source(%dma_start3A_308 : memref<128x16xf32, #tpu.memory_space<vmem>>) target(%dma_start3A_314 : memref<10240x16xf32, #tpu.memory_space<vmem_shared>>) offsets(%dma_start3A_311 : memref<128xi32, #tpu.memory_space<vmem>>) semaphore(%run_scoped3A_304 : memref<!tpu.dma_semaphore, #tpu.memory_space<semaphore_mem>>) {add = true}
          %dma_wait3A_315 = arith.constant 0 : i32
          %dma_wait3A_316 = arith.constant 0 : i32
          %dma_wait3A_317 = tpu.memref_slice %arg9[%run_scoped3A_227, %dma_wait3A_315, %dma_wait3A_316] : memref<8x128x16xf32, #tpu.memory_space<vmem>> -> memref<1x128x16xf32, #tpu.memory_space<vmem>>
          %dma_wait3A_318 = tpu.memref_squeeze %dma_wait3A_317 : memref<1x128x16xf32, #tpu.memory_space<vmem>> -> memref<128x16xf32, #tpu.memory_space<vmem>>
          %dma_wait3A_319 = arith.constant 0 : i32
          %dma_wait3A_320 = tpu.memref_slice %arg8[%add3A_215, %dma_wait3A_319] : memref<120x128xi32, #tpu.memory_space<vmem>> -> memref<1x128xi32, #tpu.memory_space<vmem>>
          %dma_wait3A_321 = tpu.memref_squeeze %dma_wait3A_320 : memref<1x128xi32, #tpu.memory_space<vmem>> -> memref<128xi32, #tpu.memory_space<vmem>>
          %dma_wait3A_322 = arith.constant 0 : i32
          %dma_wait3A_323 = arith.constant 0 : i32
          %dma_wait3A_324 = tpu.memref_slice %arg11[%dma_wait3A_322, %dma_wait3A_323] : memref<10240x16xf32, #tpu.memory_space<vmem_shared>> -> memref<10240x16xf32, #tpu.memory_space<vmem_shared>>
          tpu.wait_indirect_dma semaphore(%run_scoped3A_304 : memref<!tpu.dma_semaphore, #tpu.memory_space<semaphore_mem>>) src(%dma_wait3A_318 : memref<128x16xf32, #tpu.memory_space<vmem>>) dst(%dma_wait3A_324 : memref<10240x16xf32, #tpu.memory_space<vmem_shared>>)
          tpu.yield
        }) : () -> ()
        %add3A_228 = arith.constant 8 : i32
        %add3A_229 = arith.addi %add3A_215, %add3A_228 : i32
        %lt3A_230 = arith.constant 40 : i32
        %lt3A_231 = arith.cmpi slt, %add3A_229, %lt3A_230 : i32
        %convert_element_type3A_232 = arith.extui %lt3A_231 : i1 to i32
        %cond3A_233 = arith.constant 0 : i32
        %cond3A_234 = arith.cmpi ne, %convert_element_type3A_232, %cond3A_233 : i32
        scf.if %cond3A_234 {
          %add3A_304 = arith.constant 8 : i32
          %add3A_305 = arith.addi %add3A_215, %add3A_304 : i32
          %dma_start3A_306 = arith.constant 4 : i32
          %dma_start3A_307 = arith.constant 0 : i32
          %dma_start3A_308 = arith.constant 0 : i32
          %dma_start3A_309 = tpu.memref_slice %arg9[%dma_start3A_306, %dma_start3A_307, %dma_start3A_308] : memref<8x128x16xf32, #tpu.memory_space<vmem>> -> memref<1x128x16xf32, #tpu.memory_space<vmem>>
          %dma_start3A_310 = tpu.memref_squeeze %dma_start3A_309 : memref<1x128x16xf32, #tpu.memory_space<vmem>> -> memref<128x16xf32, #tpu.memory_space<vmem>>
          %dma_start3A_311 = arith.constant 0 : i32
          %dma_start3A_312 = tpu.memref_slice %arg7[%add3A_305, %dma_start3A_311] : memref<120x128xi32, #tpu.memory_space<vmem>> -> memref<1x128xi32, #tpu.memory_space<vmem>>
          %dma_start3A_313 = tpu.memref_squeeze %dma_start3A_312 : memref<1x128xi32, #tpu.memory_space<vmem>> -> memref<128xi32, #tpu.memory_space<vmem>>
          %dma_start3A_314 = arith.constant 0 : i32
          %dma_start3A_315 = arith.constant 0 : i32
          %dma_start3A_316 = tpu.memref_slice %arg2[%dma_start3A_314, %dma_start3A_315] : memref<10240x16xf32, #tpu.memory_space<hbm>> -> memref<10240x16xf32, #tpu.memory_space<hbm>>
          tpu.enqueue_indirect_dma source(%dma_start3A_316 : memref<10240x16xf32, #tpu.memory_space<hbm>>) target(%dma_start3A_310 : memref<128x16xf32, #tpu.memory_space<vmem>>) offsets(%dma_start3A_313 : memref<128xi32, #tpu.memory_space<vmem>>) semaphore(%arg16 : memref<!tpu.dma_semaphore, #tpu.memory_space<semaphore_mem>>)
        } else {
        }
        %mul3A_235 = arith.constant 8 : i32
        %mul3A_236 = arith.muli %scan3A_122, %mul3A_235 : i32
        %add3A_237 = arith.constant 5 : i32
        %add3A_238 = arith.addi %mul3A_236, %add3A_237 : i32
        %dma_wait3A_239 = arith.constant 5 : i32
        %dma_wait3A_240 = arith.constant 0 : i32
        %dma_wait3A_241 = arith.constant 0 : i32
        %dma_wait3A_242 = tpu.memref_slice %arg9[%dma_wait3A_239, %dma_wait3A_240, %dma_wait3A_241] : memref<8x128x16xf32, #tpu.memory_space<vmem>> -> memref<1x128x16xf32, #tpu.memory_space<vmem>>
        %dma_wait3A_243 = tpu.memref_squeeze %dma_wait3A_242 : memref<1x128x16xf32, #tpu.memory_space<vmem>> -> memref<128x16xf32, #tpu.memory_space<vmem>>
        %dma_wait3A_244 = arith.constant 0 : i32
        %dma_wait3A_245 = tpu.memref_slice %arg7[%add3A_238, %dma_wait3A_244] : memref<120x128xi32, #tpu.memory_space<vmem>> -> memref<1x128xi32, #tpu.memory_space<vmem>>
        %dma_wait3A_246 = tpu.memref_squeeze %dma_wait3A_245 : memref<1x128xi32, #tpu.memory_space<vmem>> -> memref<128xi32, #tpu.memory_space<vmem>>
        %dma_wait3A_247 = arith.constant 0 : i32
        %dma_wait3A_248 = arith.constant 0 : i32
        %dma_wait3A_249 = tpu.memref_slice %arg2[%dma_wait3A_247, %dma_wait3A_248] : memref<10240x16xf32, #tpu.memory_space<hbm>> -> memref<10240x16xf32, #tpu.memory_space<hbm>>
        tpu.wait_indirect_dma semaphore(%arg17 : memref<!tpu.dma_semaphore, #tpu.memory_space<semaphore_mem>>) src(%dma_wait3A_249 : memref<10240x16xf32, #tpu.memory_space<hbm>>) dst(%dma_wait3A_243 : memref<128x16xf32, #tpu.memory_space<vmem>>)
        %run_scoped3A_250 = arith.constant 5 : i32
        "tpu.region"() ({
          %run_scoped3A_304 = tpu.sem_alloc : memref<!tpu.dma_semaphore, #tpu.memory_space<semaphore_mem>>
          %dma_start3A_305 = arith.constant 0 : i32
          %dma_start3A_306 = arith.constant 0 : i32
          %dma_start3A_307 = tpu.memref_slice %arg9[%run_scoped3A_250, %dma_start3A_305, %dma_start3A_306] : memref<8x128x16xf32, #tpu.memory_space<vmem>> -> memref<1x128x16xf32, #tpu.memory_space<vmem>>
          %dma_start3A_308 = tpu.memref_squeeze %dma_start3A_307 : memref<1x128x16xf32, #tpu.memory_space<vmem>> -> memref<128x16xf32, #tpu.memory_space<vmem>>
          %dma_start3A_309 = arith.constant 0 : i32
          %dma_start3A_310 = tpu.memref_slice %arg8[%add3A_238, %dma_start3A_309] : memref<120x128xi32, #tpu.memory_space<vmem>> -> memref<1x128xi32, #tpu.memory_space<vmem>>
          %dma_start3A_311 = tpu.memref_squeeze %dma_start3A_310 : memref<1x128xi32, #tpu.memory_space<vmem>> -> memref<128xi32, #tpu.memory_space<vmem>>
          %dma_start3A_312 = arith.constant 0 : i32
          %dma_start3A_313 = arith.constant 0 : i32
          %dma_start3A_314 = tpu.memref_slice %arg11[%dma_start3A_312, %dma_start3A_313] : memref<10240x16xf32, #tpu.memory_space<vmem_shared>> -> memref<10240x16xf32, #tpu.memory_space<vmem_shared>>
          tpu.enqueue_indirect_dma source(%dma_start3A_308 : memref<128x16xf32, #tpu.memory_space<vmem>>) target(%dma_start3A_314 : memref<10240x16xf32, #tpu.memory_space<vmem_shared>>) offsets(%dma_start3A_311 : memref<128xi32, #tpu.memory_space<vmem>>) semaphore(%run_scoped3A_304 : memref<!tpu.dma_semaphore, #tpu.memory_space<semaphore_mem>>) {add = true}
          %dma_wait3A_315 = arith.constant 0 : i32
          %dma_wait3A_316 = arith.constant 0 : i32
          %dma_wait3A_317 = tpu.memref_slice %arg9[%run_scoped3A_250, %dma_wait3A_315, %dma_wait3A_316] : memref<8x128x16xf32, #tpu.memory_space<vmem>> -> memref<1x128x16xf32, #tpu.memory_space<vmem>>
          %dma_wait3A_318 = tpu.memref_squeeze %dma_wait3A_317 : memref<1x128x16xf32, #tpu.memory_space<vmem>> -> memref<128x16xf32, #tpu.memory_space<vmem>>
          %dma_wait3A_319 = arith.constant 0 : i32
          %dma_wait3A_320 = tpu.memref_slice %arg8[%add3A_238, %dma_wait3A_319] : memref<120x128xi32, #tpu.memory_space<vmem>> -> memref<1x128xi32, #tpu.memory_space<vmem>>
          %dma_wait3A_321 = tpu.memref_squeeze %dma_wait3A_320 : memref<1x128xi32, #tpu.memory_space<vmem>> -> memref<128xi32, #tpu.memory_space<vmem>>
          %dma_wait3A_322 = arith.constant 0 : i32
          %dma_wait3A_323 = arith.constant 0 : i32
          %dma_wait3A_324 = tpu.memref_slice %arg11[%dma_wait3A_322, %dma_wait3A_323] : memref<10240x16xf32, #tpu.memory_space<vmem_shared>> -> memref<10240x16xf32, #tpu.memory_space<vmem_shared>>
          tpu.wait_indirect_dma semaphore(%run_scoped3A_304 : memref<!tpu.dma_semaphore, #tpu.memory_space<semaphore_mem>>) src(%dma_wait3A_318 : memref<128x16xf32, #tpu.memory_space<vmem>>) dst(%dma_wait3A_324 : memref<10240x16xf32, #tpu.memory_space<vmem_shared>>)
          tpu.yield
        }) : () -> ()
        %add3A_251 = arith.constant 8 : i32
        %add3A_252 = arith.addi %add3A_238, %add3A_251 : i32
        %lt3A_253 = arith.constant 40 : i32
        %lt3A_254 = arith.cmpi slt, %add3A_252, %lt3A_253 : i32
        %convert_element_type3A_255 = arith.extui %lt3A_254 : i1 to i32
        %cond3A_256 = arith.constant 0 : i32
        %cond3A_257 = arith.cmpi ne, %convert_element_type3A_255, %cond3A_256 : i32
        scf.if %cond3A_257 {
          %add3A_304 = arith.constant 8 : i32
          %add3A_305 = arith.addi %add3A_238, %add3A_304 : i32
          %dma_start3A_306 = arith.constant 5 : i32
          %dma_start3A_307 = arith.constant 0 : i32
          %dma_start3A_308 = arith.constant 0 : i32
          %dma_start3A_309 = tpu.memref_slice %arg9[%dma_start3A_306, %dma_start3A_307, %dma_start3A_308] : memref<8x128x16xf32, #tpu.memory_space<vmem>> -> memref<1x128x16xf32, #tpu.memory_space<vmem>>
          %dma_start3A_310 = tpu.memref_squeeze %dma_start3A_309 : memref<1x128x16xf32, #tpu.memory_space<vmem>> -> memref<128x16xf32, #tpu.memory_space<vmem>>
          %dma_start3A_311 = arith.constant 0 : i32
          %dma_start3A_312 = tpu.memref_slice %arg7[%add3A_305, %dma_start3A_311] : memref<120x128xi32, #tpu.memory_space<vmem>> -> memref<1x128xi32, #tpu.memory_space<vmem>>
          %dma_start3A_313 = tpu.memref_squeeze %dma_start3A_312 : memref<1x128xi32, #tpu.memory_space<vmem>> -> memref<128xi32, #tpu.memory_space<vmem>>
          %dma_start3A_314 = arith.constant 0 : i32
          %dma_start3A_315 = arith.constant 0 : i32
          %dma_start3A_316 = tpu.memref_slice %arg2[%dma_start3A_314, %dma_start3A_315] : memref<10240x16xf32, #tpu.memory_space<hbm>> -> memref<10240x16xf32, #tpu.memory_space<hbm>>
          tpu.enqueue_indirect_dma source(%dma_start3A_316 : memref<10240x16xf32, #tpu.memory_space<hbm>>) target(%dma_start3A_310 : memref<128x16xf32, #tpu.memory_space<vmem>>) offsets(%dma_start3A_313 : memref<128xi32, #tpu.memory_space<vmem>>) semaphore(%arg17 : memref<!tpu.dma_semaphore, #tpu.memory_space<semaphore_mem>>)
        } else {
        }
        %mul3A_258 = arith.constant 8 : i32
        %mul3A_259 = arith.muli %scan3A_122, %mul3A_258 : i32
        %add3A_260 = arith.constant 6 : i32
        %add3A_261 = arith.addi %mul3A_259, %add3A_260 : i32
        %dma_wait3A_262 = arith.constant 6 : i32
        %dma_wait3A_263 = arith.constant 0 : i32
        %dma_wait3A_264 = arith.constant 0 : i32
        %dma_wait3A_265 = tpu.memref_slice %arg9[%dma_wait3A_262, %dma_wait3A_263, %dma_wait3A_264] : memref<8x128x16xf32, #tpu.memory_space<vmem>> -> memref<1x128x16xf32, #tpu.memory_space<vmem>>
        %dma_wait3A_266 = tpu.memref_squeeze %dma_wait3A_265 : memref<1x128x16xf32, #tpu.memory_space<vmem>> -> memref<128x16xf32, #tpu.memory_space<vmem>>
        %dma_wait3A_267 = arith.constant 0 : i32
        %dma_wait3A_268 = tpu.memref_slice %arg7[%add3A_261, %dma_wait3A_267] : memref<120x128xi32, #tpu.memory_space<vmem>> -> memref<1x128xi32, #tpu.memory_space<vmem>>
        %dma_wait3A_269 = tpu.memref_squeeze %dma_wait3A_268 : memref<1x128xi32, #tpu.memory_space<vmem>> -> memref<128xi32, #tpu.memory_space<vmem>>
        %dma_wait3A_270 = arith.constant 0 : i32
        %dma_wait3A_271 = arith.constant 0 : i32
        %dma_wait3A_272 = tpu.memref_slice %arg2[%dma_wait3A_270, %dma_wait3A_271] : memref<10240x16xf32, #tpu.memory_space<hbm>> -> memref<10240x16xf32, #tpu.memory_space<hbm>>
        tpu.wait_indirect_dma semaphore(%arg18 : memref<!tpu.dma_semaphore, #tpu.memory_space<semaphore_mem>>) src(%dma_wait3A_272 : memref<10240x16xf32, #tpu.memory_space<hbm>>) dst(%dma_wait3A_266 : memref<128x16xf32, #tpu.memory_space<vmem>>)
        %run_scoped3A_273 = arith.constant 6 : i32
        "tpu.region"() ({
          %run_scoped3A_304 = tpu.sem_alloc : memref<!tpu.dma_semaphore, #tpu.memory_space<semaphore_mem>>
          %dma_start3A_305 = arith.constant 0 : i32
          %dma_start3A_306 = arith.constant 0 : i32
          %dma_start3A_307 = tpu.memref_slice %arg9[%run_scoped3A_273, %dma_start3A_305, %dma_start3A_306] : memref<8x128x16xf32, #tpu.memory_space<vmem>> -> memref<1x128x16xf32, #tpu.memory_space<vmem>>
          %dma_start3A_308 = tpu.memref_squeeze %dma_start3A_307 : memref<1x128x16xf32, #tpu.memory_space<vmem>> -> memref<128x16xf32, #tpu.memory_space<vmem>>
          %dma_start3A_309 = arith.constant 0 : i32
          %dma_start3A_310 = tpu.memref_slice %arg8[%add3A_261, %dma_start3A_309] : memref<120x128xi32, #tpu.memory_space<vmem>> -> memref<1x128xi32, #tpu.memory_space<vmem>>
          %dma_start3A_311 = tpu.memref_squeeze %dma_start3A_310 : memref<1x128xi32, #tpu.memory_space<vmem>> -> memref<128xi32, #tpu.memory_space<vmem>>
          %dma_start3A_312 = arith.constant 0 : i32
          %dma_start3A_313 = arith.constant 0 : i32
          %dma_start3A_314 = tpu.memref_slice %arg11[%dma_start3A_312, %dma_start3A_313] : memref<10240x16xf32, #tpu.memory_space<vmem_shared>> -> memref<10240x16xf32, #tpu.memory_space<vmem_shared>>
          tpu.enqueue_indirect_dma source(%dma_start3A_308 : memref<128x16xf32, #tpu.memory_space<vmem>>) target(%dma_start3A_314 : memref<10240x16xf32, #tpu.memory_space<vmem_shared>>) offsets(%dma_start3A_311 : memref<128xi32, #tpu.memory_space<vmem>>) semaphore(%run_scoped3A_304 : memref<!tpu.dma_semaphore, #tpu.memory_space<semaphore_mem>>) {add = true}
          %dma_wait3A_315 = arith.constant 0 : i32
          %dma_wait3A_316 = arith.constant 0 : i32
          %dma_wait3A_317 = tpu.memref_slice %arg9[%run_scoped3A_273, %dma_wait3A_315, %dma_wait3A_316] : memref<8x128x16xf32, #tpu.memory_space<vmem>> -> memref<1x128x16xf32, #tpu.memory_space<vmem>>
          %dma_wait3A_318 = tpu.memref_squeeze %dma_wait3A_317 : memref<1x128x16xf32, #tpu.memory_space<vmem>> -> memref<128x16xf32, #tpu.memory_space<vmem>>
          %dma_wait3A_319 = arith.constant 0 : i32
          %dma_wait3A_320 = tpu.memref_slice %arg8[%add3A_261, %dma_wait3A_319] : memref<120x128xi32, #tpu.memory_space<vmem>> -> memref<1x128xi32, #tpu.memory_space<vmem>>
          %dma_wait3A_321 = tpu.memref_squeeze %dma_wait3A_320 : memref<1x128xi32, #tpu.memory_space<vmem>> -> memref<128xi32, #tpu.memory_space<vmem>>
          %dma_wait3A_322 = arith.constant 0 : i32
          %dma_wait3A_323 = arith.constant 0 : i32
          %dma_wait3A_324 = tpu.memref_slice %arg11[%dma_wait3A_322, %dma_wait3A_323] : memref<10240x16xf32, #tpu.memory_space<vmem_shared>> -> memref<10240x16xf32, #tpu.memory_space<vmem_shared>>
          tpu.wait_indirect_dma semaphore(%run_scoped3A_304 : memref<!tpu.dma_semaphore, #tpu.memory_space<semaphore_mem>>) src(%dma_wait3A_318 : memref<128x16xf32, #tpu.memory_space<vmem>>) dst(%dma_wait3A_324 : memref<10240x16xf32, #tpu.memory_space<vmem_shared>>)
          tpu.yield
        }) : () -> ()
        %add3A_274 = arith.constant 8 : i32
        %add3A_275 = arith.addi %add3A_261, %add3A_274 : i32
        %lt3A_276 = arith.constant 40 : i32
        %lt3A_277 = arith.cmpi slt, %add3A_275, %lt3A_276 : i32
        %convert_element_type3A_278 = arith.extui %lt3A_277 : i1 to i32
        %cond3A_279 = arith.constant 0 : i32
        %cond3A_280 = arith.cmpi ne, %convert_element_type3A_278, %cond3A_279 : i32
        scf.if %cond3A_280 {
          %add3A_304 = arith.constant 8 : i32
          %add3A_305 = arith.addi %add3A_261, %add3A_304 : i32
          %dma_start3A_306 = arith.constant 6 : i32
          %dma_start3A_307 = arith.constant 0 : i32
          %dma_start3A_308 = arith.constant 0 : i32
          %dma_start3A_309 = tpu.memref_slice %arg9[%dma_start3A_306, %dma_start3A_307, %dma_start3A_308] : memref<8x128x16xf32, #tpu.memory_space<vmem>> -> memref<1x128x16xf32, #tpu.memory_space<vmem>>
          %dma_start3A_310 = tpu.memref_squeeze %dma_start3A_309 : memref<1x128x16xf32, #tpu.memory_space<vmem>> -> memref<128x16xf32, #tpu.memory_space<vmem>>
          %dma_start3A_311 = arith.constant 0 : i32
          %dma_start3A_312 = tpu.memref_slice %arg7[%add3A_305, %dma_start3A_311] : memref<120x128xi32, #tpu.memory_space<vmem>> -> memref<1x128xi32, #tpu.memory_space<vmem>>
          %dma_start3A_313 = tpu.memref_squeeze %dma_start3A_312 : memref<1x128xi32, #tpu.memory_space<vmem>> -> memref<128xi32, #tpu.memory_space<vmem>>
          %dma_start3A_314 = arith.constant 0 : i32
          %dma_start3A_315 = arith.constant 0 : i32
          %dma_start3A_316 = tpu.memref_slice %arg2[%dma_start3A_314, %dma_start3A_315] : memref<10240x16xf32, #tpu.memory_space<hbm>> -> memref<10240x16xf32, #tpu.memory_space<hbm>>
          tpu.enqueue_indirect_dma source(%dma_start3A_316 : memref<10240x16xf32, #tpu.memory_space<hbm>>) target(%dma_start3A_310 : memref<128x16xf32, #tpu.memory_space<vmem>>) offsets(%dma_start3A_313 : memref<128xi32, #tpu.memory_space<vmem>>) semaphore(%arg18 : memref<!tpu.dma_semaphore, #tpu.memory_space<semaphore_mem>>)
        } else {
        }
        %mul3A_281 = arith.constant 8 : i32
        %mul3A_282 = arith.muli %scan3A_122, %mul3A_281 : i32
        %add3A_283 = arith.constant 7 : i32
        %add3A_284 = arith.addi %mul3A_282, %add3A_283 : i32
        %dma_wait3A_285 = arith.constant 7 : i32
        %dma_wait3A_286 = arith.constant 0 : i32
        %dma_wait3A_287 = arith.constant 0 : i32
        %dma_wait3A_288 = tpu.memref_slice %arg9[%dma_wait3A_285, %dma_wait3A_286, %dma_wait3A_287] : memref<8x128x16xf32, #tpu.memory_space<vmem>> -> memref<1x128x16xf32, #tpu.memory_space<vmem>>
        %dma_wait3A_289 = tpu.memref_squeeze %dma_wait3A_288 : memref<1x128x16xf32, #tpu.memory_space<vmem>> -> memref<128x16xf32, #tpu.memory_space<vmem>>
        %dma_wait3A_290 = arith.constant 0 : i32
        %dma_wait3A_291 = tpu.memref_slice %arg7[%add3A_284, %dma_wait3A_290] : memref<120x128xi32, #tpu.memory_space<vmem>> -> memref<1x128xi32, #tpu.memory_space<vmem>>
        %dma_wait3A_292 = tpu.memref_squeeze %dma_wait3A_291 : memref<1x128xi32, #tpu.memory_space<vmem>> -> memref<128xi32, #tpu.memory_space<vmem>>
        %dma_wait3A_293 = arith.constant 0 : i32
        %dma_wait3A_294 = arith.constant 0 : i32
        %dma_wait3A_295 = tpu.memref_slice %arg2[%dma_wait3A_293, %dma_wait3A_294] : memref<10240x16xf32, #tpu.memory_space<hbm>> -> memref<10240x16xf32, #tpu.memory_space<hbm>>
        tpu.wait_indirect_dma semaphore(%arg19 : memref<!tpu.dma_semaphore, #tpu.memory_space<semaphore_mem>>) src(%dma_wait3A_295 : memref<10240x16xf32, #tpu.memory_space<hbm>>) dst(%dma_wait3A_289 : memref<128x16xf32, #tpu.memory_space<vmem>>)
        %run_scoped3A_296 = arith.constant 7 : i32
        "tpu.region"() ({
          %run_scoped3A_304 = tpu.sem_alloc : memref<!tpu.dma_semaphore, #tpu.memory_space<semaphore_mem>>
          %dma_start3A_305 = arith.constant 0 : i32
          %dma_start3A_306 = arith.constant 0 : i32
          %dma_start3A_307 = tpu.memref_slice %arg9[%run_scoped3A_296, %dma_start3A_305, %dma_start3A_306] : memref<8x128x16xf32, #tpu.memory_space<vmem>> -> memref<1x128x16xf32, #tpu.memory_space<vmem>>
          %dma_start3A_308 = tpu.memref_squeeze %dma_start3A_307 : memref<1x128x16xf32, #tpu.memory_space<vmem>> -> memref<128x16xf32, #tpu.memory_space<vmem>>
          %dma_start3A_309 = arith.constant 0 : i32
          %dma_start3A_310 = tpu.memref_slice %arg8[%add3A_284, %dma_start3A_309] : memref<120x128xi32, #tpu.memory_space<vmem>> -> memref<1x128xi32, #tpu.memory_space<vmem>>
          %dma_start3A_311 = tpu.memref_squeeze %dma_start3A_310 : memref<1x128xi32, #tpu.memory_space<vmem>> -> memref<128xi32, #tpu.memory_space<vmem>>
          %dma_start3A_312 = arith.constant 0 : i32
          %dma_start3A_313 = arith.constant 0 : i32
          %dma_start3A_314 = tpu.memref_slice %arg11[%dma_start3A_312, %dma_start3A_313] : memref<10240x16xf32, #tpu.memory_space<vmem_shared>> -> memref<10240x16xf32, #tpu.memory_space<vmem_shared>>
          tpu.enqueue_indirect_dma source(%dma_start3A_308 : memref<128x16xf32, #tpu.memory_space<vmem>>) target(%dma_start3A_314 : memref<10240x16xf32, #tpu.memory_space<vmem_shared>>) offsets(%dma_start3A_311 : memref<128xi32, #tpu.memory_space<vmem>>) semaphore(%run_scoped3A_304 : memref<!tpu.dma_semaphore, #tpu.memory_space<semaphore_mem>>) {add = true}
          %dma_wait3A_315 = arith.constant 0 : i32
          %dma_wait3A_316 = arith.constant 0 : i32
          %dma_wait3A_317 = tpu.memref_slice %arg9[%run_scoped3A_296, %dma_wait3A_315, %dma_wait3A_316] : memref<8x128x16xf32, #tpu.memory_space<vmem>> -> memref<1x128x16xf32, #tpu.memory_space<vmem>>
          %dma_wait3A_318 = tpu.memref_squeeze %dma_wait3A_317 : memref<1x128x16xf32, #tpu.memory_space<vmem>> -> memref<128x16xf32, #tpu.memory_space<vmem>>
          %dma_wait3A_319 = arith.constant 0 : i32
          %dma_wait3A_320 = tpu.memref_slice %arg8[%add3A_284, %dma_wait3A_319] : memref<120x128xi32, #tpu.memory_space<vmem>> -> memref<1x128xi32, #tpu.memory_space<vmem>>
          %dma_wait3A_321 = tpu.memref_squeeze %dma_wait3A_320 : memref<1x128xi32, #tpu.memory_space<vmem>> -> memref<128xi32, #tpu.memory_space<vmem>>
          %dma_wait3A_322 = arith.constant 0 : i32
          %dma_wait3A_323 = arith.constant 0 : i32
          %dma_wait3A_324 = tpu.memref_slice %arg11[%dma_wait3A_322, %dma_wait3A_323] : memref<10240x16xf32, #tpu.memory_space<vmem_shared>> -> memref<10240x16xf32, #tpu.memory_space<vmem_shared>>
          tpu.wait_indirect_dma semaphore(%run_scoped3A_304 : memref<!tpu.dma_semaphore, #tpu.memory_space<semaphore_mem>>) src(%dma_wait3A_318 : memref<128x16xf32, #tpu.memory_space<vmem>>) dst(%dma_wait3A_324 : memref<10240x16xf32, #tpu.memory_space<vmem_shared>>)
          tpu.yield
        }) : () -> ()
        %add3A_297 = arith.constant 8 : i32
        %add3A_298 = arith.addi %add3A_284, %add3A_297 : i32
        %lt3A_299 = arith.constant 40 : i32
        %lt3A_300 = arith.cmpi slt, %add3A_298, %lt3A_299 : i32
        %convert_element_type3A_301 = arith.extui %lt3A_300 : i1 to i32
        %cond3A_302 = arith.constant 0 : i32
        %cond3A_303 = arith.cmpi ne, %convert_element_type3A_301, %cond3A_302 : i32
        scf.if %cond3A_303 {
          %add3A_304 = arith.constant 8 : i32
          %add3A_305 = arith.addi %add3A_284, %add3A_304 : i32
          %dma_start3A_306 = arith.constant 7 : i32
          %dma_start3A_307 = arith.constant 0 : i32
          %dma_start3A_308 = arith.constant 0 : i32
          %dma_start3A_309 = tpu.memref_slice %arg9[%dma_start3A_306, %dma_start3A_307, %dma_start3A_308] : memref<8x128x16xf32, #tpu.memory_space<vmem>> -> memref<1x128x16xf32, #tpu.memory_space<vmem>>
          %dma_start3A_310 = tpu.memref_squeeze %dma_start3A_309 : memref<1x128x16xf32, #tpu.memory_space<vmem>> -> memref<128x16xf32, #tpu.memory_space<vmem>>
          %dma_start3A_311 = arith.constant 0 : i32
          %dma_start3A_312 = tpu.memref_slice %arg7[%add3A_305, %dma_start3A_311] : memref<120x128xi32, #tpu.memory_space<vmem>> -> memref<1x128xi32, #tpu.memory_space<vmem>>
          %dma_start3A_313 = tpu.memref_squeeze %dma_start3A_312 : memref<1x128xi32, #tpu.memory_space<vmem>> -> memref<128xi32, #tpu.memory_space<vmem>>
          %dma_start3A_314 = arith.constant 0 : i32
          %dma_start3A_315 = arith.constant 0 : i32
          %dma_start3A_316 = tpu.memref_slice %arg2[%dma_start3A_314, %dma_start3A_315] : memref<10240x16xf32, #tpu.memory_space<hbm>> -> memref<10240x16xf32, #tpu.memory_space<hbm>>
          tpu.enqueue_indirect_dma source(%dma_start3A_316 : memref<10240x16xf32, #tpu.memory_space<hbm>>) target(%dma_start3A_310 : memref<128x16xf32, #tpu.memory_space<vmem>>) offsets(%dma_start3A_313 : memref<128xi32, #tpu.memory_space<vmem>>) semaphore(%arg19 : memref<!tpu.dma_semaphore, #tpu.memory_space<semaphore_mem>>)
        } else {
        }
      }
      %scan3A_121 = arith.constant 5 : i32
    } else {
    }
    %barrier3A_10 = arith.constant 0 : index
    tpu.barrier barrier_id(%barrier3A_10)
    %mul3A_11 = arith.constant 640 : i32
    %mul3A_12 = arith.muli %arg1, %mul3A_11 : i32
    "tpu.region"() ({
      %run_scoped3A = tpu.sem_alloc : memref<!tpu.dma_semaphore, #tpu.memory_space<semaphore_mem>>
      %dma_start3A = arith.constant 0 : i32
      %dma_start3A_18 = tpu.memref_slice %arg11[%mul3A_12, %dma_start3A] : memref<10240x16xf32, #tpu.memory_space<vmem_shared>> -> memref<640x16xf32, #tpu.memory_space<vmem_shared>>
      %dma_start3A_19 = arith.constant 0 : i32
      %dma_start3A_20 = tpu.memref_slice %arg11[%mul3A_12, %dma_start3A_19] : memref<10240x16xf32, #tpu.memory_space<vmem_shared>> -> memref<640x16xf32, #tpu.memory_space<vmem_shared>>
      tpu.enqueue_dma source(%dma_start3A_20 : memref<640x16xf32, #tpu.memory_space<vmem_shared>>) target(%arg10 : memref<640x16xf32, #tpu.memory_space<vmem>>) target_semaphore(%run_scoped3A : memref<!tpu.dma_semaphore, #tpu.memory_space<semaphore_mem>>)
      %dma_wait3A = arith.constant 0 : i32
      %dma_wait3A_21 = tpu.memref_slice %arg11[%mul3A_12, %dma_wait3A] : memref<10240x16xf32, #tpu.memory_space<vmem_shared>> -> memref<640x16xf32, #tpu.memory_space<vmem_shared>>
      %dma_wait3A_22 = arith.constant 0 : i32
      %dma_wait3A_23 = tpu.memref_slice %arg11[%mul3A_12, %dma_wait3A_22] : memref<10240x16xf32, #tpu.memory_space<vmem_shared>> -> memref<640x16xf32, #tpu.memory_space<vmem_shared>>
      tpu.wait_dma2 semaphore(%run_scoped3A : memref<!tpu.dma_semaphore, #tpu.memory_space<semaphore_mem>>) src(%dma_wait3A_23 : memref<640x16xf32, #tpu.memory_space<vmem_shared>>) dst(%arg10 : memref<640x16xf32, #tpu.memory_space<vmem>>)
      tpu.yield
    }) : () -> ()
    %mul3A_13 = arith.constant 10240 : i32
    %mul3A_14 = arith.muli %arg0, %mul3A_13 : i32
    %mul3A_15 = arith.constant 640 : i32
    %mul3A_16 = arith.muli %arg1, %mul3A_15 : i32
    %add3A_17 = arith.addi %mul3A_14, %mul3A_16 : i32
    "tpu.region"() ({
      %run_scoped3A = tpu.sem_alloc : memref<!tpu.dma_semaphore, #tpu.memory_space<semaphore_mem>>
      %dma_start3A = arith.constant 0 : i32
      %dma_start3A_18 = tpu.memref_slice %arg6[%add3A_17, %dma_start3A] : memref<20480x16xf32, #tpu.memory_space<hbm>> -> memref<640x16xf32, #tpu.memory_space<hbm>>
      %dma_start3A_19 = arith.constant 0 : i32
      %dma_start3A_20 = tpu.memref_slice %arg6[%add3A_17, %dma_start3A_19] : memref<20480x16xf32, #tpu.memory_space<hbm>> -> memref<640x16xf32, #tpu.memory_space<hbm>>
      tpu.enqueue_dma source(%arg10 : memref<640x16xf32, #tpu.memory_space<vmem>>) target(%dma_start3A_20 : memref<640x16xf32, #tpu.memory_space<hbm>>) target_semaphore(%run_scoped3A : memref<!tpu.dma_semaphore, #tpu.memory_space<semaphore_mem>>)
      %dma_wait3A = arith.constant 0 : i32
      %dma_wait3A_21 = tpu.memref_slice %arg6[%add3A_17, %dma_wait3A] : memref<20480x16xf32, #tpu.memory_space<hbm>> -> memref<640x16xf32, #tpu.memory_space<hbm>>
      %dma_wait3A_22 = arith.constant 0 : i32
      %dma_wait3A_23 = tpu.memref_slice %arg6[%add3A_17, %dma_wait3A_22] : memref<20480x16xf32, #tpu.memory_space<hbm>> -> memref<640x16xf32, #tpu.memory_space<hbm>>
      tpu.wait_dma2 semaphore(%run_scoped3A : memref<!tpu.dma_semaphore, #tpu.memory_space<semaphore_mem>>) src(%arg10 : memref<640x16xf32, #tpu.memory_space<vmem>>) dst(%dma_wait3A_23 : memref<640x16xf32, #tpu.memory_space<hbm>>)
      tpu.yield
    }) : () -> ()
    return
  }
}

module attributes {stable_mosaic.version = 14 : i64} {
  func.func @_prologue_body(%arg0: memref<10240x8xf32, #tpu.memory_space<vmem>>, %arg1: memref<20480x16xf32, #tpu.memory_space<vmem>>, %arg2: memref<10240x16xf32, #tpu.memory_space<vmem>>, %arg3: memref<10240x8xf32, #tpu.memory_space<vmem>>) attributes {dimension_semantics = [], scalar_prefetch = 0 : i64, scratch_operands = 0 : i64, tpu.core_type = #tpu.core_type<tc>} {
    %get3A = arith.constant 0 : index
    %get3A_0 = arith.constant 0 : index
    %get3A_1 = vector.load %arg1[%get3A, %get3A_0] : memref<20480x16xf32, #tpu.memory_space<vmem>>, vector<10240x1xf32>
    %get3A_2 = arith.constant 10240 : index
    %get3A_3 = arith.constant 0 : index
    %get3A_4 = vector.load %arg1[%get3A_2, %get3A_3] : memref<20480x16xf32, #tpu.memory_space<vmem>>, vector<10240x1xf32>
    %add3A = arith.addf %get3A_1, %get3A_4 : vector<10240x1xf32>
    %add3A_5 = arith.constant 1.000000e+00 : f32
    %add3A_6 = vector.broadcast %add3A_5 : f32 to vector<10240x1xf32>
    %add3A_7 = arith.addf %add3A, %add3A_6 : vector<10240x1xf32>
    %rsqrt3A = math.rsqrt %add3A_7 : vector<10240x1xf32>
    %mul3A = arith.constant 5.000000e-01 : f32
    %mul3A_8 = vector.broadcast %mul3A : f32 to vector<10240x1xf32>
    %mul3A_9 = arith.mulf %mul3A_8, %add3A_7 : vector<10240x1xf32>
    %mul3A_10 = arith.mulf %mul3A_9, %rsqrt3A : vector<10240x1xf32>
    %mul3A_11 = arith.mulf %mul3A_10, %rsqrt3A : vector<10240x1xf32>
    %sub3A = arith.constant 1.500000e+00 : f32
    %sub3A_12 = vector.broadcast %sub3A : f32 to vector<10240x1xf32>
    %sub3A_13 = arith.subf %sub3A_12, %mul3A_11 : vector<10240x1xf32>
    %mul3A_14 = arith.mulf %rsqrt3A, %sub3A_13 : vector<10240x1xf32>
    %get3A_15 = arith.constant 0 : index
    %get3A_16 = arith.constant 0 : index
    %get3A_17 = vector.load %arg0[%get3A_15, %get3A_16] : memref<10240x8xf32, #tpu.memory_space<vmem>>, vector<10240x8xf32>
    %mul3A_18 = vector.broadcast %mul3A_14 : vector<10240x1xf32> to vector<10240x8xf32>
    %mul3A_19 = arith.mulf %get3A_17, %mul3A_18 : vector<10240x8xf32>
    %broadcast_in_dim3A = arith.constant 1.000000e+00 : f32
    %broadcast_in_dim3A_20 = vector.broadcast %broadcast_in_dim3A : f32 to vector<10240x1xf32>
    %broadcast_in_dim3A_21 = arith.constant 0.000000e+00 : f32
    %broadcast_in_dim3A_22 = vector.broadcast %broadcast_in_dim3A_21 : f32 to vector<10240x7xf32>
    %concatenate3A = tpu.concatenate %mul3A_19, %broadcast_in_dim3A_20, %broadcast_in_dim3A_22 in 1 : vector<10240x8xf32>, vector<10240x1xf32>, vector<10240x7xf32> -> vector<10240x16xf32>
    %swap3A = arith.constant 0 : index
    %swap3A_23 = arith.constant 0 : index
    %swap3A_24 = vector.load %arg2[%swap3A, %swap3A_23] : memref<10240x16xf32, #tpu.memory_space<vmem>>, vector<10240x16xf32>
    tpu.vector_store %arg2[%swap3A, %swap3A_23], %concatenate3A {strides = array<i32>} : memref<10240x16xf32, #tpu.memory_space<vmem>>, vector<10240x16xf32>,
    %broadcast_in_dim3A_25 = vector.shape_cast %mul3A_14 : vector<10240x1xf32> to vector<10240x1xf32>
    %broadcast_in_dim3A_26 = vector.broadcast %broadcast_in_dim3A_25 : vector<10240x1xf32> to vector<10240x8xf32>
    %swap3A_27 = arith.constant 0 : index
    %swap3A_28 = arith.constant 0 : index
    %swap3A_29 = vector.load %arg3[%swap3A_27, %swap3A_28] : memref<10240x8xf32, #tpu.memory_space<vmem>>, vector<10240x8xf32>
    tpu.vector_store %arg3[%swap3A_27, %swap3A_28], %broadcast_in_dim3A_26 {strides = array<i32>} : memref<10240x8xf32, #tpu.memory_space<vmem>>, vector<10240x8xf32>,
    return
  }
}

module attributes {stable_mosaic.version = 14 : i64} {
  func.func @_build_t_body(%arg0: memref<2x8xf32, #tpu.memory_space<smem>>, %arg1: memref<2x8xf32, #tpu.memory_space<smem>>, %arg2: memref<256x256xf32, #tpu.memory_space<vmem>>, %arg3: memref<256x256xf32, #tpu.memory_space<vmem>>, %arg4: memref<256x256xf32, #tpu.memory_space<vmem>>) attributes {dimension_semantics = [], scalar_prefetch = 0 : i64, scratch_operands = 0 : i64, tpu.core_type = #tpu.core_type<tc>} {
    %iota3A = tpu.iota {dimensions = array<i32: 0>} : vector<256x256xi32>
    %iota3A_0 = tpu.iota {dimensions = array<i32: 1>} : vector<256x256xi32>
    %get3A = arith.constant 0 : index
    %get3A_1 = arith.constant 0 : index
    %get3A_2 = vector.load %arg2[%get3A, %get3A_1] : memref<256x256xf32, #tpu.memory_space<vmem>>, vector<256x256xf32>
    %broadcast_in_dim3A = arith.constant 1.000000e+00 : f32
    %broadcast_in_dim3A_3 = vector.broadcast %broadcast_in_dim3A : f32 to vector<256x256xf32>
    %get3A_4 = arith.constant 0 : index
    %get3A_5 = arith.constant 0 : index
    %get3A_6 = memref.load %arg0[%get3A_4, %get3A_5] : memref<2x8xf32, #tpu.memory_space<smem>>
    %mul3A = arith.constant 5.000000e-01 : f32
    %mul3A_7 = arith.mulf %get3A_6, %mul3A : f32
    %cos3A = math.cos %mul3A_7 : f32
    %sin3A = math.sin %mul3A_7 : f32
    %shift_right_arithmetic3A = arith.constant 7 : i32
    %shift_right_arithmetic3A_8 = vector.broadcast %shift_right_arithmetic3A : i32 to vector<256x256xi32>
    %shift_right_arithmetic3A_9 = arith.shrsi %iota3A, %shift_right_arithmetic3A_8 : vector<256x256xi32>
    %and3A = arith.constant 1 : i32
    %and3A_10 = vector.broadcast %and3A : i32 to vector<256x256xi32>
    %and3A_11 = arith.andi %shift_right_arithmetic3A_9, %and3A_10 : vector<256x256xi32>
    %shift_right_arithmetic3A_12 = arith.constant 7 : i32
    %shift_right_arithmetic3A_13 = vector.broadcast %shift_right_arithmetic3A_12 : i32 to vector<256x256xi32>
    %shift_right_arithmetic3A_14 = arith.shrsi %iota3A_0, %shift_right_arithmetic3A_13 : vector<256x256xi32>
    %and3A_15 = arith.constant 1 : i32
    %and3A_16 = vector.broadcast %and3A_15 : i32 to vector<256x256xi32>
    %and3A_17 = arith.andi %shift_right_arithmetic3A_14, %and3A_16 : vector<256x256xi32>
    %eq3A = arith.cmpi eq, %and3A_11, %and3A_17 : vector<256x256xi32>
    %gt3A = arith.cmpi sgt, %and3A_11, %and3A_17 : vector<256x256xi32>
    %neg3A = arith.constant 0.000000e+00 : f32
    %neg3A_18 = arith.subf %neg3A, %sin3A : f32
    %broadcast_in_dim3A_19 = vector.broadcast %neg3A_18 : f32 to vector<256x256xf32>
    %broadcast_in_dim3A_20 = vector.broadcast %sin3A : f32 to vector<256x256xf32>
    %select_n3A = arith.select %gt3A, %broadcast_in_dim3A_19, %broadcast_in_dim3A_20 : vector<256x256xi1>, vector<256x256xf32>
    %broadcast_in_dim3A_21 = vector.broadcast %cos3A : f32 to vector<256x256xf32>
    %select_n3A_22 = arith.select %eq3A, %broadcast_in_dim3A_21, %select_n3A : vector<256x256xi1>, vector<256x256xf32>
    %mul3A_23 = arith.mulf %broadcast_in_dim3A_3, %select_n3A_22 : vector<256x256xf32>
    %get3A_24 = arith.constant 0 : index
    %get3A_25 = arith.constant 1 : index
    %get3A_26 = memref.load %arg0[%get3A_24, %get3A_25] : memref<2x8xf32, #tpu.memory_space<smem>>
    %mul3A_27 = arith.constant 5.000000e-01 : f32
    %mul3A_28 = arith.mulf %get3A_26, %mul3A_27 : f32
    %cos3A_29 = math.cos %mul3A_28 : f32
    %sin3A_30 = math.sin %mul3A_28 : f32
    %shift_right_arithmetic3A_31 = arith.constant 6 : i32
    %shift_right_arithmetic3A_32 = vector.broadcast %shift_right_arithmetic3A_31 : i32 to vector<256x256xi32>
    %shift_right_arithmetic3A_33 = arith.shrsi %iota3A, %shift_right_arithmetic3A_32 : vector<256x256xi32>
    %and3A_34 = arith.constant 1 : i32
    %and3A_35 = vector.broadcast %and3A_34 : i32 to vector<256x256xi32>
    %and3A_36 = arith.andi %shift_right_arithmetic3A_33, %and3A_35 : vector<256x256xi32>
    %shift_right_arithmetic3A_37 = arith.constant 6 : i32
    %shift_right_arithmetic3A_38 = vector.broadcast %shift_right_arithmetic3A_37 : i32 to vector<256x256xi32>
    %shift_right_arithmetic3A_39 = arith.shrsi %iota3A_0, %shift_right_arithmetic3A_38 : vector<256x256xi32>
    %and3A_40 = arith.constant 1 : i32
    %and3A_41 = vector.broadcast %and3A_40 : i32 to vector<256x256xi32>
    %and3A_42 = arith.andi %shift_right_arithmetic3A_39, %and3A_41 : vector<256x256xi32>
    %eq3A_43 = arith.cmpi eq, %and3A_36, %and3A_42 : vector<256x256xi32>
    %gt3A_44 = arith.cmpi sgt, %and3A_36, %and3A_42 : vector<256x256xi32>
    %neg3A_45 = arith.constant 0.000000e+00 : f32
    %neg3A_46 = arith.subf %neg3A_45, %sin3A_30 : f32
    %broadcast_in_dim3A_47 = vector.broadcast %neg3A_46 : f32 to vector<256x256xf32>
    %broadcast_in_dim3A_48 = vector.broadcast %sin3A_30 : f32 to vector<256x256xf32>
    %select_n3A_49 = arith.select %gt3A_44, %broadcast_in_dim3A_47, %broadcast_in_dim3A_48 : vector<256x256xi1>, vector<256x256xf32>
    %broadcast_in_dim3A_50 = vector.broadcast %cos3A_29 : f32 to vector<256x256xf32>
    %select_n3A_51 = arith.select %eq3A_43, %broadcast_in_dim3A_50, %select_n3A_49 : vector<256x256xi1>, vector<256x256xf32>
    %mul3A_52 = arith.mulf %mul3A_23, %select_n3A_51 : vector<256x256xf32>
    %get3A_53 = arith.constant 0 : index
    %get3A_54 = arith.constant 2 : index
    %get3A_55 = memref.load %arg0[%get3A_53, %get3A_54] : memref<2x8xf32, #tpu.memory_space<smem>>
    %mul3A_56 = arith.constant 5.000000e-01 : f32
    %mul3A_57 = arith.mulf %get3A_55, %mul3A_56 : f32
    %cos3A_58 = math.cos %mul3A_57 : f32
    %sin3A_59 = math.sin %mul3A_57 : f32
    %shift_right_arithmetic3A_60 = arith.constant 5 : i32
    %shift_right_arithmetic3A_61 = vector.broadcast %shift_right_arithmetic3A_60 : i32 to vector<256x256xi32>
    %shift_right_arithmetic3A_62 = arith.shrsi %iota3A, %shift_right_arithmetic3A_61 : vector<256x256xi32>
    %and3A_63 = arith.constant 1 : i32
    %and3A_64 = vector.broadcast %and3A_63 : i32 to vector<256x256xi32>
    %and3A_65 = arith.andi %shift_right_arithmetic3A_62, %and3A_64 : vector<256x256xi32>
    %shift_right_arithmetic3A_66 = arith.constant 5 : i32
    %shift_right_arithmetic3A_67 = vector.broadcast %shift_right_arithmetic3A_66 : i32 to vector<256x256xi32>
    %shift_right_arithmetic3A_68 = arith.shrsi %iota3A_0, %shift_right_arithmetic3A_67 : vector<256x256xi32>
    %and3A_69 = arith.constant 1 : i32
    %and3A_70 = vector.broadcast %and3A_69 : i32 to vector<256x256xi32>
    %and3A_71 = arith.andi %shift_right_arithmetic3A_68, %and3A_70 : vector<256x256xi32>
    %eq3A_72 = arith.cmpi eq, %and3A_65, %and3A_71 : vector<256x256xi32>
    %gt3A_73 = arith.cmpi sgt, %and3A_65, %and3A_71 : vector<256x256xi32>
    %neg3A_74 = arith.constant 0.000000e+00 : f32
    %neg3A_75 = arith.subf %neg3A_74, %sin3A_59 : f32
    %broadcast_in_dim3A_76 = vector.broadcast %neg3A_75 : f32 to vector<256x256xf32>
    %broadcast_in_dim3A_77 = vector.broadcast %sin3A_59 : f32 to vector<256x256xf32>
    %select_n3A_78 = arith.select %gt3A_73, %broadcast_in_dim3A_76, %broadcast_in_dim3A_77 : vector<256x256xi1>, vector<256x256xf32>
    %broadcast_in_dim3A_79 = vector.broadcast %cos3A_58 : f32 to vector<256x256xf32>
    %select_n3A_80 = arith.select %eq3A_72, %broadcast_in_dim3A_79, %select_n3A_78 : vector<256x256xi1>, vector<256x256xf32>
    %mul3A_81 = arith.mulf %mul3A_52, %select_n3A_80 : vector<256x256xf32>
    %get3A_82 = arith.constant 0 : index
    %get3A_83 = arith.constant 3 : index
    %get3A_84 = memref.load %arg0[%get3A_82, %get3A_83] : memref<2x8xf32, #tpu.memory_space<smem>>
    %mul3A_85 = arith.constant 5.000000e-01 : f32
    %mul3A_86 = arith.mulf %get3A_84, %mul3A_85 : f32
    %cos3A_87 = math.cos %mul3A_86 : f32
    %sin3A_88 = math.sin %mul3A_86 : f32
    %shift_right_arithmetic3A_89 = arith.constant 4 : i32
    %shift_right_arithmetic3A_90 = vector.broadcast %shift_right_arithmetic3A_89 : i32 to vector<256x256xi32>
    %shift_right_arithmetic3A_91 = arith.shrsi %iota3A, %shift_right_arithmetic3A_90 : vector<256x256xi32>
    %and3A_92 = arith.constant 1 : i32
    %and3A_93 = vector.broadcast %and3A_92 : i32 to vector<256x256xi32>
    %and3A_94 = arith.andi %shift_right_arithmetic3A_91, %and3A_93 : vector<256x256xi32>
    %shift_right_arithmetic3A_95 = arith.constant 4 : i32
    %shift_right_arithmetic3A_96 = vector.broadcast %shift_right_arithmetic3A_95 : i32 to vector<256x256xi32>
    %shift_right_arithmetic3A_97 = arith.shrsi %iota3A_0, %shift_right_arithmetic3A_96 : vector<256x256xi32>
    %and3A_98 = arith.constant 1 : i32
    %and3A_99 = vector.broadcast %and3A_98 : i32 to vector<256x256xi32>
    %and3A_100 = arith.andi %shift_right_arithmetic3A_97, %and3A_99 : vector<256x256xi32>
    %eq3A_101 = arith.cmpi eq, %and3A_94, %and3A_100 : vector<256x256xi32>
    %gt3A_102 = arith.cmpi sgt, %and3A_94, %and3A_100 : vector<256x256xi32>
    %neg3A_103 = arith.constant 0.000000e+00 : f32
    %neg3A_104 = arith.subf %neg3A_103, %sin3A_88 : f32
    %broadcast_in_dim3A_105 = vector.broadcast %neg3A_104 : f32 to vector<256x256xf32>
    %broadcast_in_dim3A_106 = vector.broadcast %sin3A_88 : f32 to vector<256x256xf32>
    %select_n3A_107 = arith.select %gt3A_102, %broadcast_in_dim3A_105, %broadcast_in_dim3A_106 : vector<256x256xi1>, vector<256x256xf32>
    %broadcast_in_dim3A_108 = vector.broadcast %cos3A_87 : f32 to vector<256x256xf32>
    %select_n3A_109 = arith.select %eq3A_101, %broadcast_in_dim3A_108, %select_n3A_107 : vector<256x256xi1>, vector<256x256xf32>
    %mul3A_110 = arith.mulf %mul3A_81, %select_n3A_109 : vector<256x256xf32>
    %get3A_111 = arith.constant 0 : index
    %get3A_112 = arith.constant 4 : index
    %get3A_113 = memref.load %arg0[%get3A_111, %get3A_112] : memref<2x8xf32, #tpu.memory_space<smem>>
    %mul3A_114 = arith.constant 5.000000e-01 : f32
    %mul3A_115 = arith.mulf %get3A_113, %mul3A_114 : f32
    %cos3A_116 = math.cos %mul3A_115 : f32
    %sin3A_117 = math.sin %mul3A_115 : f32
    %shift_right_arithmetic3A_118 = arith.constant 3 : i32
    %shift_right_arithmetic3A_119 = vector.broadcast %shift_right_arithmetic3A_118 : i32 to vector<256x256xi32>
    %shift_right_arithmetic3A_120 = arith.shrsi %iota3A, %shift_right_arithmetic3A_119 : vector<256x256xi32>
    %and3A_121 = arith.constant 1 : i32
    %and3A_122 = vector.broadcast %and3A_121 : i32 to vector<256x256xi32>
    %and3A_123 = arith.andi %shift_right_arithmetic3A_120, %and3A_122 : vector<256x256xi32>
    %shift_right_arithmetic3A_124 = arith.constant 3 : i32
    %shift_right_arithmetic3A_125 = vector.broadcast %shift_right_arithmetic3A_124 : i32 to vector<256x256xi32>
    %shift_right_arithmetic3A_126 = arith.shrsi %iota3A_0, %shift_right_arithmetic3A_125 : vector<256x256xi32>
    %and3A_127 = arith.constant 1 : i32
    %and3A_128 = vector.broadcast %and3A_127 : i32 to vector<256x256xi32>
    %and3A_129 = arith.andi %shift_right_arithmetic3A_126, %and3A_128 : vector<256x256xi32>
    %eq3A_130 = arith.cmpi eq, %and3A_123, %and3A_129 : vector<256x256xi32>
    %gt3A_131 = arith.cmpi sgt, %and3A_123, %and3A_129 : vector<256x256xi32>
    %neg3A_132 = arith.constant 0.000000e+00 : f32
    %neg3A_133 = arith.subf %neg3A_132, %sin3A_117 : f32
    %broadcast_in_dim3A_134 = vector.broadcast %neg3A_133 : f32 to vector<256x256xf32>
    %broadcast_in_dim3A_135 = vector.broadcast %sin3A_117 : f32 to vector<256x256xf32>
    %select_n3A_136 = arith.select %gt3A_131, %broadcast_in_dim3A_134, %broadcast_in_dim3A_135 : vector<256x256xi1>, vector<256x256xf32>
    %broadcast_in_dim3A_137 = vector.broadcast %cos3A_116 : f32 to vector<256x256xf32>
    %select_n3A_138 = arith.select %eq3A_130, %broadcast_in_dim3A_137, %select_n3A_136 : vector<256x256xi1>, vector<256x256xf32>
    %mul3A_139 = arith.mulf %mul3A_110, %select_n3A_138 : vector<256x256xf32>
    %get3A_140 = arith.constant 0 : index
    %get3A_141 = arith.constant 5 : index
    %get3A_142 = memref.load %arg0[%get3A_140, %get3A_141] : memref<2x8xf32, #tpu.memory_space<smem>>
    %mul3A_143 = arith.constant 5.000000e-01 : f32
    %mul3A_144 = arith.mulf %get3A_142, %mul3A_143 : f32
    %cos3A_145 = math.cos %mul3A_144 : f32
    %sin3A_146 = math.sin %mul3A_144 : f32
    %shift_right_arithmetic3A_147 = arith.constant 2 : i32
    %shift_right_arithmetic3A_148 = vector.broadcast %shift_right_arithmetic3A_147 : i32 to vector<256x256xi32>
    %shift_right_arithmetic3A_149 = arith.shrsi %iota3A, %shift_right_arithmetic3A_148 : vector<256x256xi32>
    %and3A_150 = arith.constant 1 : i32
    %and3A_151 = vector.broadcast %and3A_150 : i32 to vector<256x256xi32>
    %and3A_152 = arith.andi %shift_right_arithmetic3A_149, %and3A_151 : vector<256x256xi32>
    %shift_right_arithmetic3A_153 = arith.constant 2 : i32
    %shift_right_arithmetic3A_154 = vector.broadcast %shift_right_arithmetic3A_153 : i32 to vector<256x256xi32>
    %shift_right_arithmetic3A_155 = arith.shrsi %iota3A_0, %shift_right_arithmetic3A_154 : vector<256x256xi32>
    %and3A_156 = arith.constant 1 : i32
    %and3A_157 = vector.broadcast %and3A_156 : i32 to vector<256x256xi32>
    %and3A_158 = arith.andi %shift_right_arithmetic3A_155, %and3A_157 : vector<256x256xi32>
    %eq3A_159 = arith.cmpi eq, %and3A_152, %and3A_158 : vector<256x256xi32>
    %gt3A_160 = arith.cmpi sgt, %and3A_152, %and3A_158 : vector<256x256xi32>
    %neg3A_161 = arith.constant 0.000000e+00 : f32
    %neg3A_162 = arith.subf %neg3A_161, %sin3A_146 : f32
    %broadcast_in_dim3A_163 = vector.broadcast %neg3A_162 : f32 to vector<256x256xf32>
    %broadcast_in_dim3A_164 = vector.broadcast %sin3A_146 : f32 to vector<256x256xf32>
    %select_n3A_165 = arith.select %gt3A_160, %broadcast_in_dim3A_163, %broadcast_in_dim3A_164 : vector<256x256xi1>, vector<256x256xf32>
    %broadcast_in_dim3A_166 = vector.broadcast %cos3A_145 : f32 to vector<256x256xf32>
    %select_n3A_167 = arith.select %eq3A_159, %broadcast_in_dim3A_166, %select_n3A_165 : vector<256x256xi1>, vector<256x256xf32>
    %mul3A_168 = arith.mulf %mul3A_139, %select_n3A_167 : vector<256x256xf32>
    %get3A_169 = arith.constant 0 : index
    %get3A_170 = arith.constant 6 : index
    %get3A_171 = memref.load %arg0[%get3A_169, %get3A_170] : memref<2x8xf32, #tpu.memory_space<smem>>
    %mul3A_172 = arith.constant 5.000000e-01 : f32
    %mul3A_173 = arith.mulf %get3A_171, %mul3A_172 : f32
    %cos3A_174 = math.cos %mul3A_173 : f32
    %sin3A_175 = math.sin %mul3A_173 : f32
    %shift_right_arithmetic3A_176 = arith.constant 1 : i32
    %shift_right_arithmetic3A_177 = vector.broadcast %shift_right_arithmetic3A_176 : i32 to vector<256x256xi32>
    %shift_right_arithmetic3A_178 = arith.shrsi %iota3A, %shift_right_arithmetic3A_177 : vector<256x256xi32>
    %and3A_179 = arith.constant 1 : i32
    %and3A_180 = vector.broadcast %and3A_179 : i32 to vector<256x256xi32>
    %and3A_181 = arith.andi %shift_right_arithmetic3A_178, %and3A_180 : vector<256x256xi32>
    %shift_right_arithmetic3A_182 = arith.constant 1 : i32
    %shift_right_arithmetic3A_183 = vector.broadcast %shift_right_arithmetic3A_182 : i32 to vector<256x256xi32>
    %shift_right_arithmetic3A_184 = arith.shrsi %iota3A_0, %shift_right_arithmetic3A_183 : vector<256x256xi32>
    %and3A_185 = arith.constant 1 : i32
    %and3A_186 = vector.broadcast %and3A_185 : i32 to vector<256x256xi32>
    %and3A_187 = arith.andi %shift_right_arithmetic3A_184, %and3A_186 : vector<256x256xi32>
    %eq3A_188 = arith.cmpi eq, %and3A_181, %and3A_187 : vector<256x256xi32>
    %gt3A_189 = arith.cmpi sgt, %and3A_181, %and3A_187 : vector<256x256xi32>
    %neg3A_190 = arith.constant 0.000000e+00 : f32
    %neg3A_191 = arith.subf %neg3A_190, %sin3A_175 : f32
    %broadcast_in_dim3A_192 = vector.broadcast %neg3A_191 : f32 to vector<256x256xf32>
    %broadcast_in_dim3A_193 = vector.broadcast %sin3A_175 : f32 to vector<256x256xf32>
    %select_n3A_194 = arith.select %gt3A_189, %broadcast_in_dim3A_192, %broadcast_in_dim3A_193 : vector<256x256xi1>, vector<256x256xf32>
    %broadcast_in_dim3A_195 = vector.broadcast %cos3A_174 : f32 to vector<256x256xf32>
    %select_n3A_196 = arith.select %eq3A_188, %broadcast_in_dim3A_195, %select_n3A_194 : vector<256x256xi1>, vector<256x256xf32>
    %mul3A_197 = arith.mulf %mul3A_168, %select_n3A_196 : vector<256x256xf32>
    %get3A_198 = arith.constant 0 : index
    %get3A_199 = arith.constant 7 : index
    %get3A_200 = memref.load %arg0[%get3A_198, %get3A_199] : memref<2x8xf32, #tpu.memory_space<smem>>
    %mul3A_201 = arith.constant 5.000000e-01 : f32
    %mul3A_202 = arith.mulf %get3A_200, %mul3A_201 : f32
    %cos3A_203 = math.cos %mul3A_202 : f32
    %sin3A_204 = math.sin %mul3A_202 : f32
    %shift_right_arithmetic3A_205 = arith.constant 0 : i32
    %shift_right_arithmetic3A_206 = vector.broadcast %shift_right_arithmetic3A_205 : i32 to vector<256x256xi32>
    %shift_right_arithmetic3A_207 = arith.shrsi %iota3A, %shift_right_arithmetic3A_206 : vector<256x256xi32>
    %and3A_208 = arith.constant 1 : i32
    %and3A_209 = vector.broadcast %and3A_208 : i32 to vector<256x256xi32>
    %and3A_210 = arith.andi %shift_right_arithmetic3A_207, %and3A_209 : vector<256x256xi32>
    %shift_right_arithmetic3A_211 = arith.constant 0 : i32
    %shift_right_arithmetic3A_212 = vector.broadcast %shift_right_arithmetic3A_211 : i32 to vector<256x256xi32>
    %shift_right_arithmetic3A_213 = arith.shrsi %iota3A_0, %shift_right_arithmetic3A_212 : vector<256x256xi32>
    %and3A_214 = arith.constant 1 : i32
    %and3A_215 = vector.broadcast %and3A_214 : i32 to vector<256x256xi32>
    %and3A_216 = arith.andi %shift_right_arithmetic3A_213, %and3A_215 : vector<256x256xi32>
    %eq3A_217 = arith.cmpi eq, %and3A_210, %and3A_216 : vector<256x256xi32>
    %gt3A_218 = arith.cmpi sgt, %and3A_210, %and3A_216 : vector<256x256xi32>
    %neg3A_219 = arith.constant 0.000000e+00 : f32
    %neg3A_220 = arith.subf %neg3A_219, %sin3A_204 : f32
    %broadcast_in_dim3A_221 = vector.broadcast %neg3A_220 : f32 to vector<256x256xf32>
    %broadcast_in_dim3A_222 = vector.broadcast %sin3A_204 : f32 to vector<256x256xf32>
    %select_n3A_223 = arith.select %gt3A_218, %broadcast_in_dim3A_221, %broadcast_in_dim3A_222 : vector<256x256xi1>, vector<256x256xf32>
    %broadcast_in_dim3A_224 = vector.broadcast %cos3A_203 : f32 to vector<256x256xf32>
    %select_n3A_225 = arith.select %eq3A_217, %broadcast_in_dim3A_224, %select_n3A_223 : vector<256x256xi1>, vector<256x256xf32>
    %mul3A_226 = arith.mulf %mul3A_197, %select_n3A_225 : vector<256x256xf32>
    %dot_general3A = arith.constant dense<0.000000e+00> : vector<256x256xf32>
    %dot_general3A_227 = tpu.matmul %get3A_2, %mul3A_226, %dot_general3A {dimension_numbers = #tpu.dot_dimension_numbers<[1], [0], [0], [1], [0, 0, 1, 1], [], []>, precision = #tpu.contract_precision<fp32>, transpose_lhs_hint = false} : vector<256x256xf32>, vector<256x256xf32>, vector<256x256xf32> -> vector<256x256xf32>
    %get3A_228 = arith.constant 0 : index
    %get3A_229 = arith.constant 0 : index
    %get3A_230 = vector.load %arg2[%get3A_228, %get3A_229] : memref<256x256xf32, #tpu.memory_space<vmem>>, vector<256x256xf32>
    %dot_general3A_231 = arith.constant dense<0.000000e+00> : vector<256x256xf32>
    %dot_general3A_232 = tpu.matmul %dot_general3A_227, %get3A_230, %dot_general3A_231 {dimension_numbers = #tpu.dot_dimension_numbers<[1], [0], [0], [1], [0, 0, 1, 1], [], []>, precision = #tpu.contract_precision<fp32>, transpose_lhs_hint = false} : vector<256x256xf32>, vector<256x256xf32>, vector<256x256xf32> -> vector<256x256xf32>
    %broadcast_in_dim3A_233 = arith.constant 1.000000e+00 : f32
    %broadcast_in_dim3A_234 = vector.broadcast %broadcast_in_dim3A_233 : f32 to vector<256x256xf32>
    %get3A_235 = arith.constant 1 : index
    %get3A_236 = arith.constant 0 : index
    %get3A_237 = memref.load %arg0[%get3A_235, %get3A_236] : memref<2x8xf32, #tpu.memory_space<smem>>
    %mul3A_238 = arith.constant 5.000000e-01 : f32
    %mul3A_239 = arith.mulf %get3A_237, %mul3A_238 : f32
    %cos3A_240 = math.cos %mul3A_239 : f32
    %sin3A_241 = math.sin %mul3A_239 : f32
    %shift_right_arithmetic3A_242 = arith.constant 7 : i32
    %shift_right_arithmetic3A_243 = vector.broadcast %shift_right_arithmetic3A_242 : i32 to vector<256x256xi32>
    %shift_right_arithmetic3A_244 = arith.shrsi %iota3A, %shift_right_arithmetic3A_243 : vector<256x256xi32>
    %and3A_245 = arith.constant 1 : i32
    %and3A_246 = vector.broadcast %and3A_245 : i32 to vector<256x256xi32>
    %and3A_247 = arith.andi %shift_right_arithmetic3A_244, %and3A_246 : vector<256x256xi32>
    %shift_right_arithmetic3A_248 = arith.constant 7 : i32
    %shift_right_arithmetic3A_249 = vector.broadcast %shift_right_arithmetic3A_248 : i32 to vector<256x256xi32>
    %shift_right_arithmetic3A_250 = arith.shrsi %iota3A_0, %shift_right_arithmetic3A_249 : vector<256x256xi32>
    %and3A_251 = arith.constant 1 : i32
    %and3A_252 = vector.broadcast %and3A_251 : i32 to vector<256x256xi32>
    %and3A_253 = arith.andi %shift_right_arithmetic3A_250, %and3A_252 : vector<256x256xi32>
    %eq3A_254 = arith.cmpi eq, %and3A_247, %and3A_253 : vector<256x256xi32>
    %gt3A_255 = arith.cmpi sgt, %and3A_247, %and3A_253 : vector<256x256xi32>
    %neg3A_256 = arith.constant 0.000000e+00 : f32
    %neg3A_257 = arith.subf %neg3A_256, %sin3A_241 : f32
    %broadcast_in_dim3A_258 = vector.broadcast %neg3A_257 : f32 to vector<256x256xf32>
    %broadcast_in_dim3A_259 = vector.broadcast %sin3A_241 : f32 to vector<256x256xf32>
    %select_n3A_260 = arith.select %gt3A_255, %broadcast_in_dim3A_258, %broadcast_in_dim3A_259 : vector<256x256xi1>, vector<256x256xf32>
    %broadcast_in_dim3A_261 = vector.broadcast %cos3A_240 : f32 to vector<256x256xf32>
    %select_n3A_262 = arith.select %eq3A_254, %broadcast_in_dim3A_261, %select_n3A_260 : vector<256x256xi1>, vector<256x256xf32>
    %mul3A_263 = arith.mulf %broadcast_in_dim3A_234, %select_n3A_262 : vector<256x256xf32>
    %get3A_264 = arith.constant 1 : index
    %get3A_265 = arith.constant 1 : index
    %get3A_266 = memref.load %arg0[%get3A_264, %get3A_265] : memref<2x8xf32, #tpu.memory_space<smem>>
    %mul3A_267 = arith.constant 5.000000e-01 : f32
    %mul3A_268 = arith.mulf %get3A_266, %mul3A_267 : f32
    %cos3A_269 = math.cos %mul3A_268 : f32
    %sin3A_270 = math.sin %mul3A_268 : f32
    %shift_right_arithmetic3A_271 = arith.constant 6 : i32
    %shift_right_arithmetic3A_272 = vector.broadcast %shift_right_arithmetic3A_271 : i32 to vector<256x256xi32>
    %shift_right_arithmetic3A_273 = arith.shrsi %iota3A, %shift_right_arithmetic3A_272 : vector<256x256xi32>
    %and3A_274 = arith.constant 1 : i32
    %and3A_275 = vector.broadcast %and3A_274 : i32 to vector<256x256xi32>
    %and3A_276 = arith.andi %shift_right_arithmetic3A_273, %and3A_275 : vector<256x256xi32>
    %shift_right_arithmetic3A_277 = arith.constant 6 : i32
    %shift_right_arithmetic3A_278 = vector.broadcast %shift_right_arithmetic3A_277 : i32 to vector<256x256xi32>
    %shift_right_arithmetic3A_279 = arith.shrsi %iota3A_0, %shift_right_arithmetic3A_278 : vector<256x256xi32>
    %and3A_280 = arith.constant 1 : i32
    %and3A_281 = vector.broadcast %and3A_280 : i32 to vector<256x256xi32>
    %and3A_282 = arith.andi %shift_right_arithmetic3A_279, %and3A_281 : vector<256x256xi32>
    %eq3A_283 = arith.cmpi eq, %and3A_276, %and3A_282 : vector<256x256xi32>
    %gt3A_284 = arith.cmpi sgt, %and3A_276, %and3A_282 : vector<256x256xi32>
    %neg3A_285 = arith.constant 0.000000e+00 : f32
    %neg3A_286 = arith.subf %neg3A_285, %sin3A_270 : f32
    %broadcast_in_dim3A_287 = vector.broadcast %neg3A_286 : f32 to vector<256x256xf32>
    %broadcast_in_dim3A_288 = vector.broadcast %sin3A_270 : f32 to vector<256x256xf32>
    %select_n3A_289 = arith.select %gt3A_284, %broadcast_in_dim3A_287, %broadcast_in_dim3A_288 : vector<256x256xi1>, vector<256x256xf32>
    %broadcast_in_dim3A_290 = vector.broadcast %cos3A_269 : f32 to vector<256x256xf32>
    %select_n3A_291 = arith.select %eq3A_283, %broadcast_in_dim3A_290, %select_n3A_289 : vector<256x256xi1>, vector<256x256xf32>
    %mul3A_292 = arith.mulf %mul3A_263, %select_n3A_291 : vector<256x256xf32>
    %get3A_293 = arith.constant 1 : index
    %get3A_294 = arith.constant 2 : index
    %get3A_295 = memref.load %arg0[%get3A_293, %get3A_294] : memref<2x8xf32, #tpu.memory_space<smem>>
    %mul3A_296 = arith.constant 5.000000e-01 : f32
    %mul3A_297 = arith.mulf %get3A_295, %mul3A_296 : f32
    %cos3A_298 = math.cos %mul3A_297 : f32
    %sin3A_299 = math.sin %mul3A_297 : f32
    %shift_right_arithmetic3A_300 = arith.constant 5 : i32
    %shift_right_arithmetic3A_301 = vector.broadcast %shift_right_arithmetic3A_300 : i32 to vector<256x256xi32>
    %shift_right_arithmetic3A_302 = arith.shrsi %iota3A, %shift_right_arithmetic3A_301 : vector<256x256xi32>
    %and3A_303 = arith.constant 1 : i32
    %and3A_304 = vector.broadcast %and3A_303 : i32 to vector<256x256xi32>
    %and3A_305 = arith.andi %shift_right_arithmetic3A_302, %and3A_304 : vector<256x256xi32>
    %shift_right_arithmetic3A_306 = arith.constant 5 : i32
    %shift_right_arithmetic3A_307 = vector.broadcast %shift_right_arithmetic3A_306 : i32 to vector<256x256xi32>
    %shift_right_arithmetic3A_308 = arith.shrsi %iota3A_0, %shift_right_arithmetic3A_307 : vector<256x256xi32>
    %and3A_309 = arith.constant 1 : i32
    %and3A_310 = vector.broadcast %and3A_309 : i32 to vector<256x256xi32>
    %and3A_311 = arith.andi %shift_right_arithmetic3A_308, %and3A_310 : vector<256x256xi32>
    %eq3A_312 = arith.cmpi eq, %and3A_305, %and3A_311 : vector<256x256xi32>
    %gt3A_313 = arith.cmpi sgt, %and3A_305, %and3A_311 : vector<256x256xi32>
    %neg3A_314 = arith.constant 0.000000e+00 : f32
    %neg3A_315 = arith.subf %neg3A_314, %sin3A_299 : f32
    %broadcast_in_dim3A_316 = vector.broadcast %neg3A_315 : f32 to vector<256x256xf32>
    %broadcast_in_dim3A_317 = vector.broadcast %sin3A_299 : f32 to vector<256x256xf32>
    %select_n3A_318 = arith.select %gt3A_313, %broadcast_in_dim3A_316, %broadcast_in_dim3A_317 : vector<256x256xi1>, vector<256x256xf32>
    %broadcast_in_dim3A_319 = vector.broadcast %cos3A_298 : f32 to vector<256x256xf32>
    %select_n3A_320 = arith.select %eq3A_312, %broadcast_in_dim3A_319, %select_n3A_318 : vector<256x256xi1>, vector<256x256xf32>
    %mul3A_321 = arith.mulf %mul3A_292, %select_n3A_320 : vector<256x256xf32>
    %get3A_322 = arith.constant 1 : index
    %get3A_323 = arith.constant 3 : index
    %get3A_324 = memref.load %arg0[%get3A_322, %get3A_323] : memref<2x8xf32, #tpu.memory_space<smem>>
    %mul3A_325 = arith.constant 5.000000e-01 : f32
    %mul3A_326 = arith.mulf %get3A_324, %mul3A_325 : f32
    %cos3A_327 = math.cos %mul3A_326 : f32
    %sin3A_328 = math.sin %mul3A_326 : f32
    %shift_right_arithmetic3A_329 = arith.constant 4 : i32
    %shift_right_arithmetic3A_330 = vector.broadcast %shift_right_arithmetic3A_329 : i32 to vector<256x256xi32>
    %shift_right_arithmetic3A_331 = arith.shrsi %iota3A, %shift_right_arithmetic3A_330 : vector<256x256xi32>
    %and3A_332 = arith.constant 1 : i32
    %and3A_333 = vector.broadcast %and3A_332 : i32 to vector<256x256xi32>
    %and3A_334 = arith.andi %shift_right_arithmetic3A_331, %and3A_333 : vector<256x256xi32>
    %shift_right_arithmetic3A_335 = arith.constant 4 : i32
    %shift_right_arithmetic3A_336 = vector.broadcast %shift_right_arithmetic3A_335 : i32 to vector<256x256xi32>
    %shift_right_arithmetic3A_337 = arith.shrsi %iota3A_0, %shift_right_arithmetic3A_336 : vector<256x256xi32>
    %and3A_338 = arith.constant 1 : i32
    %and3A_339 = vector.broadcast %and3A_338 : i32 to vector<256x256xi32>
    %and3A_340 = arith.andi %shift_right_arithmetic3A_337, %and3A_339 : vector<256x256xi32>
    %eq3A_341 = arith.cmpi eq, %and3A_334, %and3A_340 : vector<256x256xi32>
    %gt3A_342 = arith.cmpi sgt, %and3A_334, %and3A_340 : vector<256x256xi32>
    %neg3A_343 = arith.constant 0.000000e+00 : f32
    %neg3A_344 = arith.subf %neg3A_343, %sin3A_328 : f32
    %broadcast_in_dim3A_345 = vector.broadcast %neg3A_344 : f32 to vector<256x256xf32>
    %broadcast_in_dim3A_346 = vector.broadcast %sin3A_328 : f32 to vector<256x256xf32>
    %select_n3A_347 = arith.select %gt3A_342, %broadcast_in_dim3A_345, %broadcast_in_dim3A_346 : vector<256x256xi1>, vector<256x256xf32>
    %broadcast_in_dim3A_348 = vector.broadcast %cos3A_327 : f32 to vector<256x256xf32>
    %select_n3A_349 = arith.select %eq3A_341, %broadcast_in_dim3A_348, %select_n3A_347 : vector<256x256xi1>, vector<256x256xf32>
    %mul3A_350 = arith.mulf %mul3A_321, %select_n3A_349 : vector<256x256xf32>
    %get3A_351 = arith.constant 1 : index
    %get3A_352 = arith.constant 4 : index
    %get3A_353 = memref.load %arg0[%get3A_351, %get3A_352] : memref<2x8xf32, #tpu.memory_space<smem>>
    %mul3A_354 = arith.constant 5.000000e-01 : f32
    %mul3A_355 = arith.mulf %get3A_353, %mul3A_354 : f32
    %cos3A_356 = math.cos %mul3A_355 : f32
    %sin3A_357 = math.sin %mul3A_355 : f32
    %shift_right_arithmetic3A_358 = arith.constant 3 : i32
    %shift_right_arithmetic3A_359 = vector.broadcast %shift_right_arithmetic3A_358 : i32 to vector<256x256xi32>
    %shift_right_arithmetic3A_360 = arith.shrsi %iota3A, %shift_right_arithmetic3A_359 : vector<256x256xi32>
    %and3A_361 = arith.constant 1 : i32
    %and3A_362 = vector.broadcast %and3A_361 : i32 to vector<256x256xi32>
    %and3A_363 = arith.andi %shift_right_arithmetic3A_360, %and3A_362 : vector<256x256xi32>
    %shift_right_arithmetic3A_364 = arith.constant 3 : i32
    %shift_right_arithmetic3A_365 = vector.broadcast %shift_right_arithmetic3A_364 : i32 to vector<256x256xi32>
    %shift_right_arithmetic3A_366 = arith.shrsi %iota3A_0, %shift_right_arithmetic3A_365 : vector<256x256xi32>
    %and3A_367 = arith.constant 1 : i32
    %and3A_368 = vector.broadcast %and3A_367 : i32 to vector<256x256xi32>
    %and3A_369 = arith.andi %shift_right_arithmetic3A_366, %and3A_368 : vector<256x256xi32>
    %eq3A_370 = arith.cmpi eq, %and3A_363, %and3A_369 : vector<256x256xi32>
    %gt3A_371 = arith.cmpi sgt, %and3A_363, %and3A_369 : vector<256x256xi32>
    %neg3A_372 = arith.constant 0.000000e+00 : f32
    %neg3A_373 = arith.subf %neg3A_372, %sin3A_357 : f32
    %broadcast_in_dim3A_374 = vector.broadcast %neg3A_373 : f32 to vector<256x256xf32>
    %broadcast_in_dim3A_375 = vector.broadcast %sin3A_357 : f32 to vector<256x256xf32>
    %select_n3A_376 = arith.select %gt3A_371, %broadcast_in_dim3A_374, %broadcast_in_dim3A_375 : vector<256x256xi1>, vector<256x256xf32>
    %broadcast_in_dim3A_377 = vector.broadcast %cos3A_356 : f32 to vector<256x256xf32>
    %select_n3A_378 = arith.select %eq3A_370, %broadcast_in_dim3A_377, %select_n3A_376 : vector<256x256xi1>, vector<256x256xf32>
    %mul3A_379 = arith.mulf %mul3A_350, %select_n3A_378 : vector<256x256xf32>
    %get3A_380 = arith.constant 1 : index
    %get3A_381 = arith.constant 5 : index
    %get3A_382 = memref.load %arg0[%get3A_380, %get3A_381] : memref<2x8xf32, #tpu.memory_space<smem>>
    %mul3A_383 = arith.constant 5.000000e-01 : f32
    %mul3A_384 = arith.mulf %get3A_382, %mul3A_383 : f32
    %cos3A_385 = math.cos %mul3A_384 : f32
    %sin3A_386 = math.sin %mul3A_384 : f32
    %shift_right_arithmetic3A_387 = arith.constant 2 : i32
    %shift_right_arithmetic3A_388 = vector.broadcast %shift_right_arithmetic3A_387 : i32 to vector<256x256xi32>
    %shift_right_arithmetic3A_389 = arith.shrsi %iota3A, %shift_right_arithmetic3A_388 : vector<256x256xi32>
    %and3A_390 = arith.constant 1 : i32
    %and3A_391 = vector.broadcast %and3A_390 : i32 to vector<256x256xi32>
    %and3A_392 = arith.andi %shift_right_arithmetic3A_389, %and3A_391 : vector<256x256xi32>
    %shift_right_arithmetic3A_393 = arith.constant 2 : i32
    %shift_right_arithmetic3A_394 = vector.broadcast %shift_right_arithmetic3A_393 : i32 to vector<256x256xi32>
    %shift_right_arithmetic3A_395 = arith.shrsi %iota3A_0, %shift_right_arithmetic3A_394 : vector<256x256xi32>
    %and3A_396 = arith.constant 1 : i32
    %and3A_397 = vector.broadcast %and3A_396 : i32 to vector<256x256xi32>
    %and3A_398 = arith.andi %shift_right_arithmetic3A_395, %and3A_397 : vector<256x256xi32>
    %eq3A_399 = arith.cmpi eq, %and3A_392, %and3A_398 : vector<256x256xi32>
    %gt3A_400 = arith.cmpi sgt, %and3A_392, %and3A_398 : vector<256x256xi32>
    %neg3A_401 = arith.constant 0.000000e+00 : f32
    %neg3A_402 = arith.subf %neg3A_401, %sin3A_386 : f32
    %broadcast_in_dim3A_403 = vector.broadcast %neg3A_402 : f32 to vector<256x256xf32>
    %broadcast_in_dim3A_404 = vector.broadcast %sin3A_386 : f32 to vector<256x256xf32>
    %select_n3A_405 = arith.select %gt3A_400, %broadcast_in_dim3A_403, %broadcast_in_dim3A_404 : vector<256x256xi1>, vector<256x256xf32>
    %broadcast_in_dim3A_406 = vector.broadcast %cos3A_385 : f32 to vector<256x256xf32>
    %select_n3A_407 = arith.select %eq3A_399, %broadcast_in_dim3A_406, %select_n3A_405 : vector<256x256xi1>, vector<256x256xf32>
    %mul3A_408 = arith.mulf %mul3A_379, %select_n3A_407 : vector<256x256xf32>
    %get3A_409 = arith.constant 1 : index
    %get3A_410 = arith.constant 6 : index
    %get3A_411 = memref.load %arg0[%get3A_409, %get3A_410] : memref<2x8xf32, #tpu.memory_space<smem>>
    %mul3A_412 = arith.constant 5.000000e-01 : f32
    %mul3A_413 = arith.mulf %get3A_411, %mul3A_412 : f32
    %cos3A_414 = math.cos %mul3A_413 : f32
    %sin3A_415 = math.sin %mul3A_413 : f32
    %shift_right_arithmetic3A_416 = arith.constant 1 : i32
    %shift_right_arithmetic3A_417 = vector.broadcast %shift_right_arithmetic3A_416 : i32 to vector<256x256xi32>
    %shift_right_arithmetic3A_418 = arith.shrsi %iota3A, %shift_right_arithmetic3A_417 : vector<256x256xi32>
    %and3A_419 = arith.constant 1 : i32
    %and3A_420 = vector.broadcast %and3A_419 : i32 to vector<256x256xi32>
    %and3A_421 = arith.andi %shift_right_arithmetic3A_418, %and3A_420 : vector<256x256xi32>
    %shift_right_arithmetic3A_422 = arith.constant 1 : i32
    %shift_right_arithmetic3A_423 = vector.broadcast %shift_right_arithmetic3A_422 : i32 to vector<256x256xi32>
    %shift_right_arithmetic3A_424 = arith.shrsi %iota3A_0, %shift_right_arithmetic3A_423 : vector<256x256xi32>
    %and3A_425 = arith.constant 1 : i32
    %and3A_426 = vector.broadcast %and3A_425 : i32 to vector<256x256xi32>
    %and3A_427 = arith.andi %shift_right_arithmetic3A_424, %and3A_426 : vector<256x256xi32>
    %eq3A_428 = arith.cmpi eq, %and3A_421, %and3A_427 : vector<256x256xi32>
    %gt3A_429 = arith.cmpi sgt, %and3A_421, %and3A_427 : vector<256x256xi32>
    %neg3A_430 = arith.constant 0.000000e+00 : f32
    %neg3A_431 = arith.subf %neg3A_430, %sin3A_415 : f32
    %broadcast_in_dim3A_432 = vector.broadcast %neg3A_431 : f32 to vector<256x256xf32>
    %broadcast_in_dim3A_433 = vector.broadcast %sin3A_415 : f32 to vector<256x256xf32>
    %select_n3A_434 = arith.select %gt3A_429, %broadcast_in_dim3A_432, %broadcast_in_dim3A_433 : vector<256x256xi1>, vector<256x256xf32>
    %broadcast_in_dim3A_435 = vector.broadcast %cos3A_414 : f32 to vector<256x256xf32>
    %select_n3A_436 = arith.select %eq3A_428, %broadcast_in_dim3A_435, %select_n3A_434 : vector<256x256xi1>, vector<256x256xf32>
    %mul3A_437 = arith.mulf %mul3A_408, %select_n3A_436 : vector<256x256xf32>
    %get3A_438 = arith.constant 1 : index
    %get3A_439 = arith.constant 7 : index
    %get3A_440 = memref.load %arg0[%get3A_438, %get3A_439] : memref<2x8xf32, #tpu.memory_space<smem>>
    %mul3A_441 = arith.constant 5.000000e-01 : f32
    %mul3A_442 = arith.mulf %get3A_440, %mul3A_441 : f32
    %cos3A_443 = math.cos %mul3A_442 : f32
    %sin3A_444 = math.sin %mul3A_442 : f32
    %shift_right_arithmetic3A_445 = arith.constant 0 : i32
    %shift_right_arithmetic3A_446 = vector.broadcast %shift_right_arithmetic3A_445 : i32 to vector<256x256xi32>
    %shift_right_arithmetic3A_447 = arith.shrsi %iota3A, %shift_right_arithmetic3A_446 : vector<256x256xi32>
    %and3A_448 = arith.constant 1 : i32
    %and3A_449 = vector.broadcast %and3A_448 : i32 to vector<256x256xi32>
    %and3A_450 = arith.andi %shift_right_arithmetic3A_447, %and3A_449 : vector<256x256xi32>
    %shift_right_arithmetic3A_451 = arith.constant 0 : i32
    %shift_right_arithmetic3A_452 = vector.broadcast %shift_right_arithmetic3A_451 : i32 to vector<256x256xi32>
    %shift_right_arithmetic3A_453 = arith.shrsi %iota3A_0, %shift_right_arithmetic3A_452 : vector<256x256xi32>
    %and3A_454 = arith.constant 1 : i32
    %and3A_455 = vector.broadcast %and3A_454 : i32 to vector<256x256xi32>
    %and3A_456 = arith.andi %shift_right_arithmetic3A_453, %and3A_455 : vector<256x256xi32>
    %eq3A_457 = arith.cmpi eq, %and3A_450, %and3A_456 : vector<256x256xi32>
    %gt3A_458 = arith.cmpi sgt, %and3A_450, %and3A_456 : vector<256x256xi32>
    %neg3A_459 = arith.constant 0.000000e+00 : f32
    %neg3A_460 = arith.subf %neg3A_459, %sin3A_444 : f32
    %broadcast_in_dim3A_461 = vector.broadcast %neg3A_460 : f32 to vector<256x256xf32>
    %broadcast_in_dim3A_462 = vector.broadcast %sin3A_444 : f32 to vector<256x256xf32>
    %select_n3A_463 = arith.select %gt3A_458, %broadcast_in_dim3A_461, %broadcast_in_dim3A_462 : vector<256x256xi1>, vector<256x256xf32>
    %broadcast_in_dim3A_464 = vector.broadcast %cos3A_443 : f32 to vector<256x256xf32>
    %select_n3A_465 = arith.select %eq3A_457, %broadcast_in_dim3A_464, %select_n3A_463 : vector<256x256xi1>, vector<256x256xf32>
    %mul3A_466 = arith.mulf %mul3A_437, %select_n3A_465 : vector<256x256xf32>
    %dot_general3A_467 = arith.constant dense<0.000000e+00> : vector<256x256xf32>
    %dot_general3A_468 = tpu.matmul %dot_general3A_232, %mul3A_466, %dot_general3A_467 {dimension_numbers = #tpu.dot_dimension_numbers<[1], [0], [0], [1], [0, 0, 1, 1], [], []>, precision = #tpu.contract_precision<fp32>, transpose_lhs_hint = false} : vector<256x256xf32>, vector<256x256xf32>, vector<256x256xf32> -> vector<256x256xf32>
    %swap3A = arith.constant 0 : index
    %swap3A_469 = arith.constant 0 : index
    %swap3A_470 = vector.load %arg3[%swap3A, %swap3A_469] : memref<256x256xf32, #tpu.memory_space<vmem>>, vector<256x256xf32>
    tpu.vector_store %arg3[%swap3A, %swap3A_469], %dot_general3A_468 {strides = array<i32>} : memref<256x256xf32, #tpu.memory_space<vmem>>, vector<256x256xf32>,
    %get3A_471 = arith.constant 0 : index
    %get3A_472 = arith.constant 0 : index
    %get3A_473 = vector.load %arg2[%get3A_471, %get3A_472] : memref<256x256xf32, #tpu.memory_space<vmem>>, vector<256x256xf32>
    %broadcast_in_dim3A_474 = arith.constant 1.000000e+00 : f32
    %broadcast_in_dim3A_475 = vector.broadcast %broadcast_in_dim3A_474 : f32 to vector<256x256xf32>
    %get3A_476 = arith.constant 0 : index
    %get3A_477 = arith.constant 0 : index
    %get3A_478 = memref.load %arg1[%get3A_476, %get3A_477] : memref<2x8xf32, #tpu.memory_space<smem>>
    %mul3A_479 = arith.constant 5.000000e-01 : f32
    %mul3A_480 = arith.mulf %get3A_478, %mul3A_479 : f32
    %cos3A_481 = math.cos %mul3A_480 : f32
    %sin3A_482 = math.sin %mul3A_480 : f32
    %shift_right_arithmetic3A_483 = arith.constant 7 : i32
    %shift_right_arithmetic3A_484 = vector.broadcast %shift_right_arithmetic3A_483 : i32 to vector<256x256xi32>
    %shift_right_arithmetic3A_485 = arith.shrsi %iota3A, %shift_right_arithmetic3A_484 : vector<256x256xi32>
    %and3A_486 = arith.constant 1 : i32
    %and3A_487 = vector.broadcast %and3A_486 : i32 to vector<256x256xi32>
    %and3A_488 = arith.andi %shift_right_arithmetic3A_485, %and3A_487 : vector<256x256xi32>
    %shift_right_arithmetic3A_489 = arith.constant 7 : i32
    %shift_right_arithmetic3A_490 = vector.broadcast %shift_right_arithmetic3A_489 : i32 to vector<256x256xi32>
    %shift_right_arithmetic3A_491 = arith.shrsi %iota3A_0, %shift_right_arithmetic3A_490 : vector<256x256xi32>
    %and3A_492 = arith.constant 1 : i32
    %and3A_493 = vector.broadcast %and3A_492 : i32 to vector<256x256xi32>
    %and3A_494 = arith.andi %shift_right_arithmetic3A_491, %and3A_493 : vector<256x256xi32>
    %eq3A_495 = arith.cmpi eq, %and3A_488, %and3A_494 : vector<256x256xi32>
    %gt3A_496 = arith.cmpi sgt, %and3A_488, %and3A_494 : vector<256x256xi32>
    %neg3A_497 = arith.constant 0.000000e+00 : f32
    %neg3A_498 = arith.subf %neg3A_497, %sin3A_482 : f32
    %broadcast_in_dim3A_499 = vector.broadcast %neg3A_498 : f32 to vector<256x256xf32>
    %broadcast_in_dim3A_500 = vector.broadcast %sin3A_482 : f32 to vector<256x256xf32>
    %select_n3A_501 = arith.select %gt3A_496, %broadcast_in_dim3A_499, %broadcast_in_dim3A_500 : vector<256x256xi1>, vector<256x256xf32>
    %broadcast_in_dim3A_502 = vector.broadcast %cos3A_481 : f32 to vector<256x256xf32>
    %select_n3A_503 = arith.select %eq3A_495, %broadcast_in_dim3A_502, %select_n3A_501 : vector<256x256xi1>, vector<256x256xf32>
    %mul3A_504 = arith.mulf %broadcast_in_dim3A_475, %select_n3A_503 : vector<256x256xf32>
    %get3A_505 = arith.constant 0 : index
    %get3A_506 = arith.constant 1 : index
    %get3A_507 = memref.load %arg1[%get3A_505, %get3A_506] : memref<2x8xf32, #tpu.memory_space<smem>>
    %mul3A_508 = arith.constant 5.000000e-01 : f32
    %mul3A_509 = arith.mulf %get3A_507, %mul3A_508 : f32
    %cos3A_510 = math.cos %mul3A_509 : f32
    %sin3A_511 = math.sin %mul3A_509 : f32
    %shift_right_arithmetic3A_512 = arith.constant 6 : i32
    %shift_right_arithmetic3A_513 = vector.broadcast %shift_right_arithmetic3A_512 : i32 to vector<256x256xi32>
    %shift_right_arithmetic3A_514 = arith.shrsi %iota3A, %shift_right_arithmetic3A_513 : vector<256x256xi32>
    %and3A_515 = arith.constant 1 : i32
    %and3A_516 = vector.broadcast %and3A_515 : i32 to vector<256x256xi32>
    %and3A_517 = arith.andi %shift_right_arithmetic3A_514, %and3A_516 : vector<256x256xi32>
    %shift_right_arithmetic3A_518 = arith.constant 6 : i32
    %shift_right_arithmetic3A_519 = vector.broadcast %shift_right_arithmetic3A_518 : i32 to vector<256x256xi32>
    %shift_right_arithmetic3A_520 = arith.shrsi %iota3A_0, %shift_right_arithmetic3A_519 : vector<256x256xi32>
    %and3A_521 = arith.constant 1 : i32
    %and3A_522 = vector.broadcast %and3A_521 : i32 to vector<256x256xi32>
    %and3A_523 = arith.andi %shift_right_arithmetic3A_520, %and3A_522 : vector<256x256xi32>
    %eq3A_524 = arith.cmpi eq, %and3A_517, %and3A_523 : vector<256x256xi32>
    %gt3A_525 = arith.cmpi sgt, %and3A_517, %and3A_523 : vector<256x256xi32>
    %neg3A_526 = arith.constant 0.000000e+00 : f32
    %neg3A_527 = arith.subf %neg3A_526, %sin3A_511 : f32
    %broadcast_in_dim3A_528 = vector.broadcast %neg3A_527 : f32 to vector<256x256xf32>
    %broadcast_in_dim3A_529 = vector.broadcast %sin3A_511 : f32 to vector<256x256xf32>
    %select_n3A_530 = arith.select %gt3A_525, %broadcast_in_dim3A_528, %broadcast_in_dim3A_529 : vector<256x256xi1>, vector<256x256xf32>
    %broadcast_in_dim3A_531 = vector.broadcast %cos3A_510 : f32 to vector<256x256xf32>
    %select_n3A_532 = arith.select %eq3A_524, %broadcast_in_dim3A_531, %select_n3A_530 : vector<256x256xi1>, vector<256x256xf32>
    %mul3A_533 = arith.mulf %mul3A_504, %select_n3A_532 : vector<256x256xf32>
    %get3A_534 = arith.constant 0 : index
    %get3A_535 = arith.constant 2 : index
    %get3A_536 = memref.load %arg1[%get3A_534, %get3A_535] : memref<2x8xf32, #tpu.memory_space<smem>>
    %mul3A_537 = arith.constant 5.000000e-01 : f32
    %mul3A_538 = arith.mulf %get3A_536, %mul3A_537 : f32
    %cos3A_539 = math.cos %mul3A_538 : f32
    %sin3A_540 = math.sin %mul3A_538 : f32
    %shift_right_arithmetic3A_541 = arith.constant 5 : i32
    %shift_right_arithmetic3A_542 = vector.broadcast %shift_right_arithmetic3A_541 : i32 to vector<256x256xi32>
    %shift_right_arithmetic3A_543 = arith.shrsi %iota3A, %shift_right_arithmetic3A_542 : vector<256x256xi32>
    %and3A_544 = arith.constant 1 : i32
    %and3A_545 = vector.broadcast %and3A_544 : i32 to vector<256x256xi32>
    %and3A_546 = arith.andi %shift_right_arithmetic3A_543, %and3A_545 : vector<256x256xi32>
    %shift_right_arithmetic3A_547 = arith.constant 5 : i32
    %shift_right_arithmetic3A_548 = vector.broadcast %shift_right_arithmetic3A_547 : i32 to vector<256x256xi32>
    %shift_right_arithmetic3A_549 = arith.shrsi %iota3A_0, %shift_right_arithmetic3A_548 : vector<256x256xi32>
    %and3A_550 = arith.constant 1 : i32
    %and3A_551 = vector.broadcast %and3A_550 : i32 to vector<256x256xi32>
    %and3A_552 = arith.andi %shift_right_arithmetic3A_549, %and3A_551 : vector<256x256xi32>
    %eq3A_553 = arith.cmpi eq, %and3A_546, %and3A_552 : vector<256x256xi32>
    %gt3A_554 = arith.cmpi sgt, %and3A_546, %and3A_552 : vector<256x256xi32>
    %neg3A_555 = arith.constant 0.000000e+00 : f32
    %neg3A_556 = arith.subf %neg3A_555, %sin3A_540 : f32
    %broadcast_in_dim3A_557 = vector.broadcast %neg3A_556 : f32 to vector<256x256xf32>
    %broadcast_in_dim3A_558 = vector.broadcast %sin3A_540 : f32 to vector<256x256xf32>
    %select_n3A_559 = arith.select %gt3A_554, %broadcast_in_dim3A_557, %broadcast_in_dim3A_558 : vector<256x256xi1>, vector<256x256xf32>
    %broadcast_in_dim3A_560 = vector.broadcast %cos3A_539 : f32 to vector<256x256xf32>
    %select_n3A_561 = arith.select %eq3A_553, %broadcast_in_dim3A_560, %select_n3A_559 : vector<256x256xi1>, vector<256x256xf32>
    %mul3A_562 = arith.mulf %mul3A_533, %select_n3A_561 : vector<256x256xf32>
    %get3A_563 = arith.constant 0 : index
    %get3A_564 = arith.constant 3 : index
    %get3A_565 = memref.load %arg1[%get3A_563, %get3A_564] : memref<2x8xf32, #tpu.memory_space<smem>>
    %mul3A_566 = arith.constant 5.000000e-01 : f32
    %mul3A_567 = arith.mulf %get3A_565, %mul3A_566 : f32
    %cos3A_568 = math.cos %mul3A_567 : f32
    %sin3A_569 = math.sin %mul3A_567 : f32
    %shift_right_arithmetic3A_570 = arith.constant 4 : i32
    %shift_right_arithmetic3A_571 = vector.broadcast %shift_right_arithmetic3A_570 : i32 to vector<256x256xi32>
    %shift_right_arithmetic3A_572 = arith.shrsi %iota3A, %shift_right_arithmetic3A_571 : vector<256x256xi32>
    %and3A_573 = arith.constant 1 : i32
    %and3A_574 = vector.broadcast %and3A_573 : i32 to vector<256x256xi32>
    %and3A_575 = arith.andi %shift_right_arithmetic3A_572, %and3A_574 : vector<256x256xi32>
    %shift_right_arithmetic3A_576 = arith.constant 4 : i32
    %shift_right_arithmetic3A_577 = vector.broadcast %shift_right_arithmetic3A_576 : i32 to vector<256x256xi32>
    %shift_right_arithmetic3A_578 = arith.shrsi %iota3A_0, %shift_right_arithmetic3A_577 : vector<256x256xi32>
    %and3A_579 = arith.constant 1 : i32
    %and3A_580 = vector.broadcast %and3A_579 : i32 to vector<256x256xi32>
    %and3A_581 = arith.andi %shift_right_arithmetic3A_578, %and3A_580 : vector<256x256xi32>
    %eq3A_582 = arith.cmpi eq, %and3A_575, %and3A_581 : vector<256x256xi32>
    %gt3A_583 = arith.cmpi sgt, %and3A_575, %and3A_581 : vector<256x256xi32>
    %neg3A_584 = arith.constant 0.000000e+00 : f32
    %neg3A_585 = arith.subf %neg3A_584, %sin3A_569 : f32
    %broadcast_in_dim3A_586 = vector.broadcast %neg3A_585 : f32 to vector<256x256xf32>
    %broadcast_in_dim3A_587 = vector.broadcast %sin3A_569 : f32 to vector<256x256xf32>
    %select_n3A_588 = arith.select %gt3A_583, %broadcast_in_dim3A_586, %broadcast_in_dim3A_587 : vector<256x256xi1>, vector<256x256xf32>
    %broadcast_in_dim3A_589 = vector.broadcast %cos3A_568 : f32 to vector<256x256xf32>
    %select_n3A_590 = arith.select %eq3A_582, %broadcast_in_dim3A_589, %select_n3A_588 : vector<256x256xi1>, vector<256x256xf32>
    %mul3A_591 = arith.mulf %mul3A_562, %select_n3A_590 : vector<256x256xf32>
    %get3A_592 = arith.constant 0 : index
    %get3A_593 = arith.constant 4 : index
    %get3A_594 = memref.load %arg1[%get3A_592, %get3A_593] : memref<2x8xf32, #tpu.memory_space<smem>>
    %mul3A_595 = arith.constant 5.000000e-01 : f32
    %mul3A_596 = arith.mulf %get3A_594, %mul3A_595 : f32
    %cos3A_597 = math.cos %mul3A_596 : f32
    %sin3A_598 = math.sin %mul3A_596 : f32
    %shift_right_arithmetic3A_599 = arith.constant 3 : i32
    %shift_right_arithmetic3A_600 = vector.broadcast %shift_right_arithmetic3A_599 : i32 to vector<256x256xi32>
    %shift_right_arithmetic3A_601 = arith.shrsi %iota3A, %shift_right_arithmetic3A_600 : vector<256x256xi32>
    %and3A_602 = arith.constant 1 : i32
    %and3A_603 = vector.broadcast %and3A_602 : i32 to vector<256x256xi32>
    %and3A_604 = arith.andi %shift_right_arithmetic3A_601, %and3A_603 : vector<256x256xi32>
    %shift_right_arithmetic3A_605 = arith.constant 3 : i32
    %shift_right_arithmetic3A_606 = vector.broadcast %shift_right_arithmetic3A_605 : i32 to vector<256x256xi32>
    %shift_right_arithmetic3A_607 = arith.shrsi %iota3A_0, %shift_right_arithmetic3A_606 : vector<256x256xi32>
    %and3A_608 = arith.constant 1 : i32
    %and3A_609 = vector.broadcast %and3A_608 : i32 to vector<256x256xi32>
    %and3A_610 = arith.andi %shift_right_arithmetic3A_607, %and3A_609 : vector<256x256xi32>
    %eq3A_611 = arith.cmpi eq, %and3A_604, %and3A_610 : vector<256x256xi32>
    %gt3A_612 = arith.cmpi sgt, %and3A_604, %and3A_610 : vector<256x256xi32>
    %neg3A_613 = arith.constant 0.000000e+00 : f32
    %neg3A_614 = arith.subf %neg3A_613, %sin3A_598 : f32
    %broadcast_in_dim3A_615 = vector.broadcast %neg3A_614 : f32 to vector<256x256xf32>
    %broadcast_in_dim3A_616 = vector.broadcast %sin3A_598 : f32 to vector<256x256xf32>
    %select_n3A_617 = arith.select %gt3A_612, %broadcast_in_dim3A_615, %broadcast_in_dim3A_616 : vector<256x256xi1>, vector<256x256xf32>
    %broadcast_in_dim3A_618 = vector.broadcast %cos3A_597 : f32 to vector<256x256xf32>
    %select_n3A_619 = arith.select %eq3A_611, %broadcast_in_dim3A_618, %select_n3A_617 : vector<256x256xi1>, vector<256x256xf32>
    %mul3A_620 = arith.mulf %mul3A_591, %select_n3A_619 : vector<256x256xf32>
    %get3A_621 = arith.constant 0 : index
    %get3A_622 = arith.constant 5 : index
    %get3A_623 = memref.load %arg1[%get3A_621, %get3A_622] : memref<2x8xf32, #tpu.memory_space<smem>>
    %mul3A_624 = arith.constant 5.000000e-01 : f32
    %mul3A_625 = arith.mulf %get3A_623, %mul3A_624 : f32
    %cos3A_626 = math.cos %mul3A_625 : f32
    %sin3A_627 = math.sin %mul3A_625 : f32
    %shift_right_arithmetic3A_628 = arith.constant 2 : i32
    %shift_right_arithmetic3A_629 = vector.broadcast %shift_right_arithmetic3A_628 : i32 to vector<256x256xi32>
    %shift_right_arithmetic3A_630 = arith.shrsi %iota3A, %shift_right_arithmetic3A_629 : vector<256x256xi32>
    %and3A_631 = arith.constant 1 : i32
    %and3A_632 = vector.broadcast %and3A_631 : i32 to vector<256x256xi32>
    %and3A_633 = arith.andi %shift_right_arithmetic3A_630, %and3A_632 : vector<256x256xi32>
    %shift_right_arithmetic3A_634 = arith.constant 2 : i32
    %shift_right_arithmetic3A_635 = vector.broadcast %shift_right_arithmetic3A_634 : i32 to vector<256x256xi32>
    %shift_right_arithmetic3A_636 = arith.shrsi %iota3A_0, %shift_right_arithmetic3A_635 : vector<256x256xi32>
    %and3A_637 = arith.constant 1 : i32
    %and3A_638 = vector.broadcast %and3A_637 : i32 to vector<256x256xi32>
    %and3A_639 = arith.andi %shift_right_arithmetic3A_636, %and3A_638 : vector<256x256xi32>
    %eq3A_640 = arith.cmpi eq, %and3A_633, %and3A_639 : vector<256x256xi32>
    %gt3A_641 = arith.cmpi sgt, %and3A_633, %and3A_639 : vector<256x256xi32>
    %neg3A_642 = arith.constant 0.000000e+00 : f32
    %neg3A_643 = arith.subf %neg3A_642, %sin3A_627 : f32
    %broadcast_in_dim3A_644 = vector.broadcast %neg3A_643 : f32 to vector<256x256xf32>
    %broadcast_in_dim3A_645 = vector.broadcast %sin3A_627 : f32 to vector<256x256xf32>
    %select_n3A_646 = arith.select %gt3A_641, %broadcast_in_dim3A_644, %broadcast_in_dim3A_645 : vector<256x256xi1>, vector<256x256xf32>
    %broadcast_in_dim3A_647 = vector.broadcast %cos3A_626 : f32 to vector<256x256xf32>
    %select_n3A_648 = arith.select %eq3A_640, %broadcast_in_dim3A_647, %select_n3A_646 : vector<256x256xi1>, vector<256x256xf32>
    %mul3A_649 = arith.mulf %mul3A_620, %select_n3A_648 : vector<256x256xf32>
    %get3A_650 = arith.constant 0 : index
    %get3A_651 = arith.constant 6 : index
    %get3A_652 = memref.load %arg1[%get3A_650, %get3A_651] : memref<2x8xf32, #tpu.memory_space<smem>>
    %mul3A_653 = arith.constant 5.000000e-01 : f32
    %mul3A_654 = arith.mulf %get3A_652, %mul3A_653 : f32
    %cos3A_655 = math.cos %mul3A_654 : f32
    %sin3A_656 = math.sin %mul3A_654 : f32
    %shift_right_arithmetic3A_657 = arith.constant 1 : i32
    %shift_right_arithmetic3A_658 = vector.broadcast %shift_right_arithmetic3A_657 : i32 to vector<256x256xi32>
    %shift_right_arithmetic3A_659 = arith.shrsi %iota3A, %shift_right_arithmetic3A_658 : vector<256x256xi32>
    %and3A_660 = arith.constant 1 : i32
    %and3A_661 = vector.broadcast %and3A_660 : i32 to vector<256x256xi32>
    %and3A_662 = arith.andi %shift_right_arithmetic3A_659, %and3A_661 : vector<256x256xi32>
    %shift_right_arithmetic3A_663 = arith.constant 1 : i32
    %shift_right_arithmetic3A_664 = vector.broadcast %shift_right_arithmetic3A_663 : i32 to vector<256x256xi32>
    %shift_right_arithmetic3A_665 = arith.shrsi %iota3A_0, %shift_right_arithmetic3A_664 : vector<256x256xi32>
    %and3A_666 = arith.constant 1 : i32
    %and3A_667 = vector.broadcast %and3A_666 : i32 to vector<256x256xi32>
    %and3A_668 = arith.andi %shift_right_arithmetic3A_665, %and3A_667 : vector<256x256xi32>
    %eq3A_669 = arith.cmpi eq, %and3A_662, %and3A_668 : vector<256x256xi32>
    %gt3A_670 = arith.cmpi sgt, %and3A_662, %and3A_668 : vector<256x256xi32>
    %neg3A_671 = arith.constant 0.000000e+00 : f32
    %neg3A_672 = arith.subf %neg3A_671, %sin3A_656 : f32
    %broadcast_in_dim3A_673 = vector.broadcast %neg3A_672 : f32 to vector<256x256xf32>
    %broadcast_in_dim3A_674 = vector.broadcast %sin3A_656 : f32 to vector<256x256xf32>
    %select_n3A_675 = arith.select %gt3A_670, %broadcast_in_dim3A_673, %broadcast_in_dim3A_674 : vector<256x256xi1>, vector<256x256xf32>
    %broadcast_in_dim3A_676 = vector.broadcast %cos3A_655 : f32 to vector<256x256xf32>
    %select_n3A_677 = arith.select %eq3A_669, %broadcast_in_dim3A_676, %select_n3A_675 : vector<256x256xi1>, vector<256x256xf32>
    %mul3A_678 = arith.mulf %mul3A_649, %select_n3A_677 : vector<256x256xf32>
    %get3A_679 = arith.constant 0 : index
    %get3A_680 = arith.constant 7 : index
    %get3A_681 = memref.load %arg1[%get3A_679, %get3A_680] : memref<2x8xf32, #tpu.memory_space<smem>>
    %mul3A_682 = arith.constant 5.000000e-01 : f32
    %mul3A_683 = arith.mulf %get3A_681, %mul3A_682 : f32
    %cos3A_684 = math.cos %mul3A_683 : f32
    %sin3A_685 = math.sin %mul3A_683 : f32
    %shift_right_arithmetic3A_686 = arith.constant 0 : i32
    %shift_right_arithmetic3A_687 = vector.broadcast %shift_right_arithmetic3A_686 : i32 to vector<256x256xi32>
    %shift_right_arithmetic3A_688 = arith.shrsi %iota3A, %shift_right_arithmetic3A_687 : vector<256x256xi32>
    %and3A_689 = arith.constant 1 : i32
    %and3A_690 = vector.broadcast %and3A_689 : i32 to vector<256x256xi32>
    %and3A_691 = arith.andi %shift_right_arithmetic3A_688, %and3A_690 : vector<256x256xi32>
    %shift_right_arithmetic3A_692 = arith.constant 0 : i32
    %shift_right_arithmetic3A_693 = vector.broadcast %shift_right_arithmetic3A_692 : i32 to vector<256x256xi32>
    %shift_right_arithmetic3A_694 = arith.shrsi %iota3A_0, %shift_right_arithmetic3A_693 : vector<256x256xi32>
    %and3A_695 = arith.constant 1 : i32
    %and3A_696 = vector.broadcast %and3A_695 : i32 to vector<256x256xi32>
    %and3A_697 = arith.andi %shift_right_arithmetic3A_694, %and3A_696 : vector<256x256xi32>
    %eq3A_698 = arith.cmpi eq, %and3A_691, %and3A_697 : vector<256x256xi32>
    %gt3A_699 = arith.cmpi sgt, %and3A_691, %and3A_697 : vector<256x256xi32>
    %neg3A_700 = arith.constant 0.000000e+00 : f32
    %neg3A_701 = arith.subf %neg3A_700, %sin3A_685 : f32
    %broadcast_in_dim3A_702 = vector.broadcast %neg3A_701 : f32 to vector<256x256xf32>
    %broadcast_in_dim3A_703 = vector.broadcast %sin3A_685 : f32 to vector<256x256xf32>
    %select_n3A_704 = arith.select %gt3A_699, %broadcast_in_dim3A_702, %broadcast_in_dim3A_703 : vector<256x256xi1>, vector<256x256xf32>
    %broadcast_in_dim3A_705 = vector.broadcast %cos3A_684 : f32 to vector<256x256xf32>
    %select_n3A_706 = arith.select %eq3A_698, %broadcast_in_dim3A_705, %select_n3A_704 : vector<256x256xi1>, vector<256x256xf32>
    %mul3A_707 = arith.mulf %mul3A_678, %select_n3A_706 : vector<256x256xf32>
    %dot_general3A_708 = arith.constant dense<0.000000e+00> : vector<256x256xf32>
    %dot_general3A_709 = tpu.matmul %get3A_473, %mul3A_707, %dot_general3A_708 {dimension_numbers = #tpu.dot_dimension_numbers<[1], [0], [0], [1], [0, 0, 1, 1], [], []>, precision = #tpu.contract_precision<fp32>, transpose_lhs_hint = false} : vector<256x256xf32>, vector<256x256xf32>, vector<256x256xf32> -> vector<256x256xf32>
    %get3A_710 = arith.constant 0 : index
    %get3A_711 = arith.constant 0 : index
    %get3A_712 = vector.load %arg2[%get3A_710, %get3A_711] : memref<256x256xf32, #tpu.memory_space<vmem>>, vector<256x256xf32>
    %dot_general3A_713 = arith.constant dense<0.000000e+00> : vector<256x256xf32>
    %dot_general3A_714 = tpu.matmul %dot_general3A_709, %get3A_712, %dot_general3A_713 {dimension_numbers = #tpu.dot_dimension_numbers<[1], [0], [0], [1], [0, 0, 1, 1], [], []>, precision = #tpu.contract_precision<fp32>, transpose_lhs_hint = false} : vector<256x256xf32>, vector<256x256xf32>, vector<256x256xf32> -> vector<256x256xf32>
    %broadcast_in_dim3A_715 = arith.constant 1.000000e+00 : f32
    %broadcast_in_dim3A_716 = vector.broadcast %broadcast_in_dim3A_715 : f32 to vector<256x256xf32>
    %get3A_717 = arith.constant 1 : index
    %get3A_718 = arith.constant 0 : index
    %get3A_719 = memref.load %arg1[%get3A_717, %get3A_718] : memref<2x8xf32, #tpu.memory_space<smem>>
    %mul3A_720 = arith.constant 5.000000e-01 : f32
    %mul3A_721 = arith.mulf %get3A_719, %mul3A_720 : f32
    %cos3A_722 = math.cos %mul3A_721 : f32
    %sin3A_723 = math.sin %mul3A_721 : f32
    %shift_right_arithmetic3A_724 = arith.constant 7 : i32
    %shift_right_arithmetic3A_725 = vector.broadcast %shift_right_arithmetic3A_724 : i32 to vector<256x256xi32>
    %shift_right_arithmetic3A_726 = arith.shrsi %iota3A, %shift_right_arithmetic3A_725 : vector<256x256xi32>
    %and3A_727 = arith.constant 1 : i32
    %and3A_728 = vector.broadcast %and3A_727 : i32 to vector<256x256xi32>
    %and3A_729 = arith.andi %shift_right_arithmetic3A_726, %and3A_728 : vector<256x256xi32>
    %shift_right_arithmetic3A_730 = arith.constant 7 : i32
    %shift_right_arithmetic3A_731 = vector.broadcast %shift_right_arithmetic3A_730 : i32 to vector<256x256xi32>
    %shift_right_arithmetic3A_732 = arith.shrsi %iota3A_0, %shift_right_arithmetic3A_731 : vector<256x256xi32>
    %and3A_733 = arith.constant 1 : i32
    %and3A_734 = vector.broadcast %and3A_733 : i32 to vector<256x256xi32>
    %and3A_735 = arith.andi %shift_right_arithmetic3A_732, %and3A_734 : vector<256x256xi32>
    %eq3A_736 = arith.cmpi eq, %and3A_729, %and3A_735 : vector<256x256xi32>
    %gt3A_737 = arith.cmpi sgt, %and3A_729, %and3A_735 : vector<256x256xi32>
    %neg3A_738 = arith.constant 0.000000e+00 : f32
    %neg3A_739 = arith.subf %neg3A_738, %sin3A_723 : f32
    %broadcast_in_dim3A_740 = vector.broadcast %neg3A_739 : f32 to vector<256x256xf32>
    %broadcast_in_dim3A_741 = vector.broadcast %sin3A_723 : f32 to vector<256x256xf32>
    %select_n3A_742 = arith.select %gt3A_737, %broadcast_in_dim3A_740, %broadcast_in_dim3A_741 : vector<256x256xi1>, vector<256x256xf32>
    %broadcast_in_dim3A_743 = vector.broadcast %cos3A_722 : f32 to vector<256x256xf32>
    %select_n3A_744 = arith.select %eq3A_736, %broadcast_in_dim3A_743, %select_n3A_742 : vector<256x256xi1>, vector<256x256xf32>
    %mul3A_745 = arith.mulf %broadcast_in_dim3A_716, %select_n3A_744 : vector<256x256xf32>
    %get3A_746 = arith.constant 1 : index
    %get3A_747 = arith.constant 1 : index
    %get3A_748 = memref.load %arg1[%get3A_746, %get3A_747] : memref<2x8xf32, #tpu.memory_space<smem>>
    %mul3A_749 = arith.constant 5.000000e-01 : f32
    %mul3A_750 = arith.mulf %get3A_748, %mul3A_749 : f32
    %cos3A_751 = math.cos %mul3A_750 : f32
    %sin3A_752 = math.sin %mul3A_750 : f32
    %shift_right_arithmetic3A_753 = arith.constant 6 : i32
    %shift_right_arithmetic3A_754 = vector.broadcast %shift_right_arithmetic3A_753 : i32 to vector<256x256xi32>
    %shift_right_arithmetic3A_755 = arith.shrsi %iota3A, %shift_right_arithmetic3A_754 : vector<256x256xi32>
    %and3A_756 = arith.constant 1 : i32
    %and3A_757 = vector.broadcast %and3A_756 : i32 to vector<256x256xi32>
    %and3A_758 = arith.andi %shift_right_arithmetic3A_755, %and3A_757 : vector<256x256xi32>
    %shift_right_arithmetic3A_759 = arith.constant 6 : i32
    %shift_right_arithmetic3A_760 = vector.broadcast %shift_right_arithmetic3A_759 : i32 to vector<256x256xi32>
    %shift_right_arithmetic3A_761 = arith.shrsi %iota3A_0, %shift_right_arithmetic3A_760 : vector<256x256xi32>
    %and3A_762 = arith.constant 1 : i32
    %and3A_763 = vector.broadcast %and3A_762 : i32 to vector<256x256xi32>
    %and3A_764 = arith.andi %shift_right_arithmetic3A_761, %and3A_763 : vector<256x256xi32>
    %eq3A_765 = arith.cmpi eq, %and3A_758, %and3A_764 : vector<256x256xi32>
    %gt3A_766 = arith.cmpi sgt, %and3A_758, %and3A_764 : vector<256x256xi32>
    %neg3A_767 = arith.constant 0.000000e+00 : f32
    %neg3A_768 = arith.subf %neg3A_767, %sin3A_752 : f32
    %broadcast_in_dim3A_769 = vector.broadcast %neg3A_768 : f32 to vector<256x256xf32>
    %broadcast_in_dim3A_770 = vector.broadcast %sin3A_752 : f32 to vector<256x256xf32>
    %select_n3A_771 = arith.select %gt3A_766, %broadcast_in_dim3A_769, %broadcast_in_dim3A_770 : vector<256x256xi1>, vector<256x256xf32>
    %broadcast_in_dim3A_772 = vector.broadcast %cos3A_751 : f32 to vector<256x256xf32>
    %select_n3A_773 = arith.select %eq3A_765, %broadcast_in_dim3A_772, %select_n3A_771 : vector<256x256xi1>, vector<256x256xf32>
    %mul3A_774 = arith.mulf %mul3A_745, %select_n3A_773 : vector<256x256xf32>
    %get3A_775 = arith.constant 1 : index
    %get3A_776 = arith.constant 2 : index
    %get3A_777 = memref.load %arg1[%get3A_775, %get3A_776] : memref<2x8xf32, #tpu.memory_space<smem>>
    %mul3A_778 = arith.constant 5.000000e-01 : f32
    %mul3A_779 = arith.mulf %get3A_777, %mul3A_778 : f32
    %cos3A_780 = math.cos %mul3A_779 : f32
    %sin3A_781 = math.sin %mul3A_779 : f32
    %shift_right_arithmetic3A_782 = arith.constant 5 : i32
    %shift_right_arithmetic3A_783 = vector.broadcast %shift_right_arithmetic3A_782 : i32 to vector<256x256xi32>
    %shift_right_arithmetic3A_784 = arith.shrsi %iota3A, %shift_right_arithmetic3A_783 : vector<256x256xi32>
    %and3A_785 = arith.constant 1 : i32
    %and3A_786 = vector.broadcast %and3A_785 : i32 to vector<256x256xi32>
    %and3A_787 = arith.andi %shift_right_arithmetic3A_784, %and3A_786 : vector<256x256xi32>
    %shift_right_arithmetic3A_788 = arith.constant 5 : i32
    %shift_right_arithmetic3A_789 = vector.broadcast %shift_right_arithmetic3A_788 : i32 to vector<256x256xi32>
    %shift_right_arithmetic3A_790 = arith.shrsi %iota3A_0, %shift_right_arithmetic3A_789 : vector<256x256xi32>
    %and3A_791 = arith.constant 1 : i32
    %and3A_792 = vector.broadcast %and3A_791 : i32 to vector<256x256xi32>
    %and3A_793 = arith.andi %shift_right_arithmetic3A_790, %and3A_792 : vector<256x256xi32>
    %eq3A_794 = arith.cmpi eq, %and3A_787, %and3A_793 : vector<256x256xi32>
    %gt3A_795 = arith.cmpi sgt, %and3A_787, %and3A_793 : vector<256x256xi32>
    %neg3A_796 = arith.constant 0.000000e+00 : f32
    %neg3A_797 = arith.subf %neg3A_796, %sin3A_781 : f32
    %broadcast_in_dim3A_798 = vector.broadcast %neg3A_797 : f32 to vector<256x256xf32>
    %broadcast_in_dim3A_799 = vector.broadcast %sin3A_781 : f32 to vector<256x256xf32>
    %select_n3A_800 = arith.select %gt3A_795, %broadcast_in_dim3A_798, %broadcast_in_dim3A_799 : vector<256x256xi1>, vector<256x256xf32>
    %broadcast_in_dim3A_801 = vector.broadcast %cos3A_780 : f32 to vector<256x256xf32>
    %select_n3A_802 = arith.select %eq3A_794, %broadcast_in_dim3A_801, %select_n3A_800 : vector<256x256xi1>, vector<256x256xf32>
    %mul3A_803 = arith.mulf %mul3A_774, %select_n3A_802 : vector<256x256xf32>
    %get3A_804 = arith.constant 1 : index
    %get3A_805 = arith.constant 3 : index
    %get3A_806 = memref.load %arg1[%get3A_804, %get3A_805] : memref<2x8xf32, #tpu.memory_space<smem>>
    %mul3A_807 = arith.constant 5.000000e-01 : f32
    %mul3A_808 = arith.mulf %get3A_806, %mul3A_807 : f32
    %cos3A_809 = math.cos %mul3A_808 : f32
    %sin3A_810 = math.sin %mul3A_808 : f32
    %shift_right_arithmetic3A_811 = arith.constant 4 : i32
    %shift_right_arithmetic3A_812 = vector.broadcast %shift_right_arithmetic3A_811 : i32 to vector<256x256xi32>
    %shift_right_arithmetic3A_813 = arith.shrsi %iota3A, %shift_right_arithmetic3A_812 : vector<256x256xi32>
    %and3A_814 = arith.constant 1 : i32
    %and3A_815 = vector.broadcast %and3A_814 : i32 to vector<256x256xi32>
    %and3A_816 = arith.andi %shift_right_arithmetic3A_813, %and3A_815 : vector<256x256xi32>
    %shift_right_arithmetic3A_817 = arith.constant 4 : i32
    %shift_right_arithmetic3A_818 = vector.broadcast %shift_right_arithmetic3A_817 : i32 to vector<256x256xi32>
    %shift_right_arithmetic3A_819 = arith.shrsi %iota3A_0, %shift_right_arithmetic3A_818 : vector<256x256xi32>
    %and3A_820 = arith.constant 1 : i32
    %and3A_821 = vector.broadcast %and3A_820 : i32 to vector<256x256xi32>
    %and3A_822 = arith.andi %shift_right_arithmetic3A_819, %and3A_821 : vector<256x256xi32>
    %eq3A_823 = arith.cmpi eq, %and3A_816, %and3A_822 : vector<256x256xi32>
    %gt3A_824 = arith.cmpi sgt, %and3A_816, %and3A_822 : vector<256x256xi32>
    %neg3A_825 = arith.constant 0.000000e+00 : f32
    %neg3A_826 = arith.subf %neg3A_825, %sin3A_810 : f32
    %broadcast_in_dim3A_827 = vector.broadcast %neg3A_826 : f32 to vector<256x256xf32>
    %broadcast_in_dim3A_828 = vector.broadcast %sin3A_810 : f32 to vector<256x256xf32>
    %select_n3A_829 = arith.select %gt3A_824, %broadcast_in_dim3A_827, %broadcast_in_dim3A_828 : vector<256x256xi1>, vector<256x256xf32>
    %broadcast_in_dim3A_830 = vector.broadcast %cos3A_809 : f32 to vector<256x256xf32>
    %select_n3A_831 = arith.select %eq3A_823, %broadcast_in_dim3A_830, %select_n3A_829 : vector<256x256xi1>, vector<256x256xf32>
    %mul3A_832 = arith.mulf %mul3A_803, %select_n3A_831 : vector<256x256xf32>
    %get3A_833 = arith.constant 1 : index
    %get3A_834 = arith.constant 4 : index
    %get3A_835 = memref.load %arg1[%get3A_833, %get3A_834] : memref<2x8xf32, #tpu.memory_space<smem>>
    %mul3A_836 = arith.constant 5.000000e-01 : f32
    %mul3A_837 = arith.mulf %get3A_835, %mul3A_836 : f32
    %cos3A_838 = math.cos %mul3A_837 : f32
    %sin3A_839 = math.sin %mul3A_837 : f32
    %shift_right_arithmetic3A_840 = arith.constant 3 : i32
    %shift_right_arithmetic3A_841 = vector.broadcast %shift_right_arithmetic3A_840 : i32 to vector<256x256xi32>
    %shift_right_arithmetic3A_842 = arith.shrsi %iota3A, %shift_right_arithmetic3A_841 : vector<256x256xi32>
    %and3A_843 = arith.constant 1 : i32
    %and3A_844 = vector.broadcast %and3A_843 : i32 to vector<256x256xi32>
    %and3A_845 = arith.andi %shift_right_arithmetic3A_842, %and3A_844 : vector<256x256xi32>
    %shift_right_arithmetic3A_846 = arith.constant 3 : i32
    %shift_right_arithmetic3A_847 = vector.broadcast %shift_right_arithmetic3A_846 : i32 to vector<256x256xi32>
    %shift_right_arithmetic3A_848 = arith.shrsi %iota3A_0, %shift_right_arithmetic3A_847 : vector<256x256xi32>
    %and3A_849 = arith.constant 1 : i32
    %and3A_850 = vector.broadcast %and3A_849 : i32 to vector<256x256xi32>
    %and3A_851 = arith.andi %shift_right_arithmetic3A_848, %and3A_850 : vector<256x256xi32>
    %eq3A_852 = arith.cmpi eq, %and3A_845, %and3A_851 : vector<256x256xi32>
    %gt3A_853 = arith.cmpi sgt, %and3A_845, %and3A_851 : vector<256x256xi32>
    %neg3A_854 = arith.constant 0.000000e+00 : f32
    %neg3A_855 = arith.subf %neg3A_854, %sin3A_839 : f32
    %broadcast_in_dim3A_856 = vector.broadcast %neg3A_855 : f32 to vector<256x256xf32>
    %broadcast_in_dim3A_857 = vector.broadcast %sin3A_839 : f32 to vector<256x256xf32>
    %select_n3A_858 = arith.select %gt3A_853, %broadcast_in_dim3A_856, %broadcast_in_dim3A_857 : vector<256x256xi1>, vector<256x256xf32>
    %broadcast_in_dim3A_859 = vector.broadcast %cos3A_838 : f32 to vector<256x256xf32>
    %select_n3A_860 = arith.select %eq3A_852, %broadcast_in_dim3A_859, %select_n3A_858 : vector<256x256xi1>, vector<256x256xf32>
    %mul3A_861 = arith.mulf %mul3A_832, %select_n3A_860 : vector<256x256xf32>
    %get3A_862 = arith.constant 1 : index
    %get3A_863 = arith.constant 5 : index
    %get3A_864 = memref.load %arg1[%get3A_862, %get3A_863] : memref<2x8xf32, #tpu.memory_space<smem>>
    %mul3A_865 = arith.constant 5.000000e-01 : f32
    %mul3A_866 = arith.mulf %get3A_864, %mul3A_865 : f32
    %cos3A_867 = math.cos %mul3A_866 : f32
    %sin3A_868 = math.sin %mul3A_866 : f32
    %shift_right_arithmetic3A_869 = arith.constant 2 : i32
    %shift_right_arithmetic3A_870 = vector.broadcast %shift_right_arithmetic3A_869 : i32 to vector<256x256xi32>
    %shift_right_arithmetic3A_871 = arith.shrsi %iota3A, %shift_right_arithmetic3A_870 : vector<256x256xi32>
    %and3A_872 = arith.constant 1 : i32
    %and3A_873 = vector.broadcast %and3A_872 : i32 to vector<256x256xi32>
    %and3A_874 = arith.andi %shift_right_arithmetic3A_871, %and3A_873 : vector<256x256xi32>
    %shift_right_arithmetic3A_875 = arith.constant 2 : i32
    %shift_right_arithmetic3A_876 = vector.broadcast %shift_right_arithmetic3A_875 : i32 to vector<256x256xi32>
    %shift_right_arithmetic3A_877 = arith.shrsi %iota3A_0, %shift_right_arithmetic3A_876 : vector<256x256xi32>
    %and3A_878 = arith.constant 1 : i32
    %and3A_879 = vector.broadcast %and3A_878 : i32 to vector<256x256xi32>
    %and3A_880 = arith.andi %shift_right_arithmetic3A_877, %and3A_879 : vector<256x256xi32>
    %eq3A_881 = arith.cmpi eq, %and3A_874, %and3A_880 : vector<256x256xi32>
    %gt3A_882 = arith.cmpi sgt, %and3A_874, %and3A_880 : vector<256x256xi32>
    %neg3A_883 = arith.constant 0.000000e+00 : f32
    %neg3A_884 = arith.subf %neg3A_883, %sin3A_868 : f32
    %broadcast_in_dim3A_885 = vector.broadcast %neg3A_884 : f32 to vector<256x256xf32>
    %broadcast_in_dim3A_886 = vector.broadcast %sin3A_868 : f32 to vector<256x256xf32>
    %select_n3A_887 = arith.select %gt3A_882, %broadcast_in_dim3A_885, %broadcast_in_dim3A_886 : vector<256x256xi1>, vector<256x256xf32>
    %broadcast_in_dim3A_888 = vector.broadcast %cos3A_867 : f32 to vector<256x256xf32>
    %select_n3A_889 = arith.select %eq3A_881, %broadcast_in_dim3A_888, %select_n3A_887 : vector<256x256xi1>, vector<256x256xf32>
    %mul3A_890 = arith.mulf %mul3A_861, %select_n3A_889 : vector<256x256xf32>
    %get3A_891 = arith.constant 1 : index
    %get3A_892 = arith.constant 6 : index
    %get3A_893 = memref.load %arg1[%get3A_891, %get3A_892] : memref<2x8xf32, #tpu.memory_space<smem>>
    %mul3A_894 = arith.constant 5.000000e-01 : f32
    %mul3A_895 = arith.mulf %get3A_893, %mul3A_894 : f32
    %cos3A_896 = math.cos %mul3A_895 : f32
    %sin3A_897 = math.sin %mul3A_895 : f32
    %shift_right_arithmetic3A_898 = arith.constant 1 : i32
    %shift_right_arithmetic3A_899 = vector.broadcast %shift_right_arithmetic3A_898 : i32 to vector<256x256xi32>
    %shift_right_arithmetic3A_900 = arith.shrsi %iota3A, %shift_right_arithmetic3A_899 : vector<256x256xi32>
    %and3A_901 = arith.constant 1 : i32
    %and3A_902 = vector.broadcast %and3A_901 : i32 to vector<256x256xi32>
    %and3A_903 = arith.andi %shift_right_arithmetic3A_900, %and3A_902 : vector<256x256xi32>
    %shift_right_arithmetic3A_904 = arith.constant 1 : i32
    %shift_right_arithmetic3A_905 = vector.broadcast %shift_right_arithmetic3A_904 : i32 to vector<256x256xi32>
    %shift_right_arithmetic3A_906 = arith.shrsi %iota3A_0, %shift_right_arithmetic3A_905 : vector<256x256xi32>
    %and3A_907 = arith.constant 1 : i32
    %and3A_908 = vector.broadcast %and3A_907 : i32 to vector<256x256xi32>
    %and3A_909 = arith.andi %shift_right_arithmetic3A_906, %and3A_908 : vector<256x256xi32>
    %eq3A_910 = arith.cmpi eq, %and3A_903, %and3A_909 : vector<256x256xi32>
    %gt3A_911 = arith.cmpi sgt, %and3A_903, %and3A_909 : vector<256x256xi32>
    %neg3A_912 = arith.constant 0.000000e+00 : f32
    %neg3A_913 = arith.subf %neg3A_912, %sin3A_897 : f32
    %broadcast_in_dim3A_914 = vector.broadcast %neg3A_913 : f32 to vector<256x256xf32>
    %broadcast_in_dim3A_915 = vector.broadcast %sin3A_897 : f32 to vector<256x256xf32>
    %select_n3A_916 = arith.select %gt3A_911, %broadcast_in_dim3A_914, %broadcast_in_dim3A_915 : vector<256x256xi1>, vector<256x256xf32>
    %broadcast_in_dim3A_917 = vector.broadcast %cos3A_896 : f32 to vector<256x256xf32>
    %select_n3A_918 = arith.select %eq3A_910, %broadcast_in_dim3A_917, %select_n3A_916 : vector<256x256xi1>, vector<256x256xf32>
    %mul3A_919 = arith.mulf %mul3A_890, %select_n3A_918 : vector<256x256xf32>
    %get3A_920 = arith.constant 1 : index
    %get3A_921 = arith.constant 7 : index
    %get3A_922 = memref.load %arg1[%get3A_920, %get3A_921] : memref<2x8xf32, #tpu.memory_space<smem>>
    %mul3A_923 = arith.constant 5.000000e-01 : f32
    %mul3A_924 = arith.mulf %get3A_922, %mul3A_923 : f32
    %cos3A_925 = math.cos %mul3A_924 : f32
    %sin3A_926 = math.sin %mul3A_924 : f32
    %shift_right_arithmetic3A_927 = arith.constant 0 : i32
    %shift_right_arithmetic3A_928 = vector.broadcast %shift_right_arithmetic3A_927 : i32 to vector<256x256xi32>
    %shift_right_arithmetic3A_929 = arith.shrsi %iota3A, %shift_right_arithmetic3A_928 : vector<256x256xi32>
    %and3A_930 = arith.constant 1 : i32
    %and3A_931 = vector.broadcast %and3A_930 : i32 to vector<256x256xi32>
    %and3A_932 = arith.andi %shift_right_arithmetic3A_929, %and3A_931 : vector<256x256xi32>
    %shift_right_arithmetic3A_933 = arith.constant 0 : i32
    %shift_right_arithmetic3A_934 = vector.broadcast %shift_right_arithmetic3A_933 : i32 to vector<256x256xi32>
    %shift_right_arithmetic3A_935 = arith.shrsi %iota3A_0, %shift_right_arithmetic3A_934 : vector<256x256xi32>
    %and3A_936 = arith.constant 1 : i32
    %and3A_937 = vector.broadcast %and3A_936 : i32 to vector<256x256xi32>
    %and3A_938 = arith.andi %shift_right_arithmetic3A_935, %and3A_937 : vector<256x256xi32>
    %eq3A_939 = arith.cmpi eq, %and3A_932, %and3A_938 : vector<256x256xi32>
    %gt3A_940 = arith.cmpi sgt, %and3A_932, %and3A_938 : vector<256x256xi32>
    %neg3A_941 = arith.constant 0.000000e+00 : f32
    %neg3A_942 = arith.subf %neg3A_941, %sin3A_926 : f32
    %broadcast_in_dim3A_943 = vector.broadcast %neg3A_942 : f32 to vector<256x256xf32>
    %broadcast_in_dim3A_944 = vector.broadcast %sin3A_926 : f32 to vector<256x256xf32>
    %select_n3A_945 = arith.select %gt3A_940, %broadcast_in_dim3A_943, %broadcast_in_dim3A_944 : vector<256x256xi1>, vector<256x256xf32>
    %broadcast_in_dim3A_946 = vector.broadcast %cos3A_925 : f32 to vector<256x256xf32>
    %select_n3A_947 = arith.select %eq3A_939, %broadcast_in_dim3A_946, %select_n3A_945 : vector<256x256xi1>, vector<256x256xf32>
    %mul3A_948 = arith.mulf %mul3A_919, %select_n3A_947 : vector<256x256xf32>
    %dot_general3A_949 = arith.constant dense<0.000000e+00> : vector<256x256xf32>
    %dot_general3A_950 = tpu.matmul %dot_general3A_714, %mul3A_948, %dot_general3A_949 {dimension_numbers = #tpu.dot_dimension_numbers<[1], [0], [0], [1], [0, 0, 1, 1], [], []>, precision = #tpu.contract_precision<fp32>, transpose_lhs_hint = false} : vector<256x256xf32>, vector<256x256xf32>, vector<256x256xf32> -> vector<256x256xf32>
    %swap3A_951 = arith.constant 0 : index
    %swap3A_952 = arith.constant 0 : index
    %swap3A_953 = vector.load %arg4[%swap3A_951, %swap3A_952] : memref<256x256xf32, #tpu.memory_space<vmem>>, vector<256x256xf32>
    tpu.vector_store %arg4[%swap3A_951, %swap3A_952], %dot_general3A_950 {strides = array<i32>} : memref<256x256xf32, #tpu.memory_space<vmem>>, vector<256x256xf32>,
    return
  }
}

module attributes {stable_mosaic.version = 14 : i64} {
  func.func @_dense_body(%arg0: i32, %arg1: memref<1024x16xf32, #tpu.memory_space<vmem>>, %arg2: memref<1024x16xf32, #tpu.memory_space<vmem>>, %arg3: memref<1024x16xf32, #tpu.memory_space<vmem>>, %arg4: memref<1024x8xf32, #tpu.memory_space<vmem>>, %arg5: memref<256x256xf32, #tpu.memory_space<vmem>>, %arg6: memref<256x8xf32, #tpu.memory_space<vmem>>, %arg7: memref<1024x16xf32, #tpu.memory_space<vmem>>) attributes {dimension_semantics = [#tpu.dimension_semantics<arbitrary>], iteration_bounds = array<i64: 10>, scalar_prefetch = 0 : i64, scratch_operands = 0 : i64, tpu.core_type = #tpu.core_type<tc>, window_params = [{transform_indices = @transform_0, window_bounds = array<i64: 1024, 16>}, {transform_indices = @transform_1, window_bounds = array<i64: 1024, 16>}, {transform_indices = @transform_2, window_bounds = array<i64: 1024, 16>}, {transform_indices = @transform_3, window_bounds = array<i64: 1024, 8>}, {pipeline_mode = #tpu.pipeline_mode<synchronous>, transform_indices = @transform_4, window_bounds = array<i64: 256, 256>}, {pipeline_mode = #tpu.pipeline_mode<synchronous>, transform_indices = @transform_5, window_bounds = array<i64: 256, 8>}, {transform_indices = @transform_6, window_bounds = array<i64: 1024, 16>}]} {
    %get3A = arith.constant 0 : index
    %get3A_0 = arith.constant 0 : index
    %get3A_1 = vector.load %arg4[%get3A, %get3A_0] : memref<1024x8xf32, #tpu.memory_space<vmem>>, vector<1024x8xf32>
    %get3A_2 = arith.constant 0 : index
    %get3A_3 = arith.constant 0 : index
    %get3A_4 = vector.load %arg1[%get3A_2, %get3A_3] : memref<1024x16xf32, #tpu.memory_space<vmem>>, vector<1024x8xf32>
    %get3A_5 = arith.constant 0 : index
    %get3A_6 = arith.constant 0 : index
    %get3A_7 = vector.load %arg2[%get3A_5, %get3A_6] : memref<1024x16xf32, #tpu.memory_space<vmem>>, vector<1024x8xf32>
    %add3A = arith.addf %get3A_4, %get3A_7 : vector<1024x8xf32>
    %get3A_8 = arith.constant 0 : index
    %get3A_9 = arith.constant 0 : index
    %get3A_10 = vector.load %arg3[%get3A_8, %get3A_9] : memref<1024x16xf32, #tpu.memory_space<vmem>>, vector<1024x8xf32>
    %add3A_11 = arith.addf %add3A, %get3A_10 : vector<1024x8xf32>
    %mul3A = arith.mulf %get3A_1, %add3A_11 : vector<1024x8xf32>
    %mul3A_12 = arith.constant 5.000000e-01 : f32
    %mul3A_13 = vector.broadcast %mul3A_12 : f32 to vector<1024x8xf32>
    %mul3A_14 = arith.mulf %mul3A, %mul3A_13 : vector<1024x8xf32>
    %add3A_15 = arith.constant 0.785398185 : f32
    %add3A_16 = vector.broadcast %add3A_15 : f32 to vector<1024x8xf32>
    %add3A_17 = arith.addf %mul3A_14, %add3A_16 : vector<1024x8xf32>
    %cos3A = math.cos %add3A_17 : vector<1024x8xf32>
    %sin3A = math.sin %add3A_17 : vector<1024x8xf32>
    %iota3A = tpu.iota {dimensions = array<i32: 1>} : vector<1x256xi32>
    %broadcast_in_dim3A = arith.constant 1.000000e+00 : f32
    %broadcast_in_dim3A_18 = vector.broadcast %broadcast_in_dim3A : f32 to vector<1024x256xf32>
    %shift_right_arithmetic3A = arith.constant 7 : i32
    %shift_right_arithmetic3A_19 = vector.broadcast %shift_right_arithmetic3A : i32 to vector<1x256xi32>
    %shift_right_arithmetic3A_20 = arith.shrsi %iota3A, %shift_right_arithmetic3A_19 : vector<1x256xi32>
    %and3A = arith.constant 1 : i32
    %and3A_21 = vector.broadcast %and3A : i32 to vector<1x256xi32>
    %and3A_22 = arith.andi %shift_right_arithmetic3A_20, %and3A_21 : vector<1x256xi32>
    %eq3A = arith.constant 1 : i32
    %eq3A_23 = vector.broadcast %eq3A : i32 to vector<1x256xi32>
    %eq3A_24 = arith.cmpi eq, %and3A_22, %eq3A_23 : vector<1x256xi32>
    %slice3A = vector.extract_strided_slice %sin3A {offsets = [0, 0], sizes = [1024, 1], strides = [1, 1]} : vector<1024x8xf32> to vector<1024x1xf32>
    %slice3A_25 = vector.extract_strided_slice %cos3A {offsets = [0, 0], sizes = [1024, 1], strides = [1, 1]} : vector<1024x8xf32> to vector<1024x1xf32>
    %broadcast_in_dim3A_26 = vector.shape_cast %eq3A_24 : vector<1x256xi1> to vector<1x256xi1>
    %broadcast_in_dim3A_27 = vector.broadcast %broadcast_in_dim3A_26 : vector<1x256xi1> to vector<1024x256xi1>
    %broadcast_in_dim3A_28 = vector.shape_cast %slice3A : vector<1024x1xf32> to vector<1024x1xf32>
    %broadcast_in_dim3A_29 = vector.broadcast %broadcast_in_dim3A_28 : vector<1024x1xf32> to vector<1024x256xf32>
    %broadcast_in_dim3A_30 = vector.shape_cast %slice3A_25 : vector<1024x1xf32> to vector<1024x1xf32>
    %broadcast_in_dim3A_31 = vector.broadcast %broadcast_in_dim3A_30 : vector<1024x1xf32> to vector<1024x256xf32>
    %select_n3A = arith.select %broadcast_in_dim3A_27, %broadcast_in_dim3A_29, %broadcast_in_dim3A_31 : vector<1024x256xi1>, vector<1024x256xf32>
    %mul3A_32 = arith.mulf %broadcast_in_dim3A_18, %select_n3A : vector<1024x256xf32>
    %shift_right_arithmetic3A_33 = arith.constant 6 : i32
    %shift_right_arithmetic3A_34 = vector.broadcast %shift_right_arithmetic3A_33 : i32 to vector<1x256xi32>
    %shift_right_arithmetic3A_35 = arith.shrsi %iota3A, %shift_right_arithmetic3A_34 : vector<1x256xi32>
    %and3A_36 = arith.constant 1 : i32
    %and3A_37 = vector.broadcast %and3A_36 : i32 to vector<1x256xi32>
    %and3A_38 = arith.andi %shift_right_arithmetic3A_35, %and3A_37 : vector<1x256xi32>
    %eq3A_39 = arith.constant 1 : i32
    %eq3A_40 = vector.broadcast %eq3A_39 : i32 to vector<1x256xi32>
    %eq3A_41 = arith.cmpi eq, %and3A_38, %eq3A_40 : vector<1x256xi32>
    %slice3A_42 = vector.extract_strided_slice %sin3A {offsets = [0, 1], sizes = [1024, 1], strides = [1, 1]} : vector<1024x8xf32> to vector<1024x1xf32>
    %slice3A_43 = vector.extract_strided_slice %cos3A {offsets = [0, 1], sizes = [1024, 1], strides = [1, 1]} : vector<1024x8xf32> to vector<1024x1xf32>
    %broadcast_in_dim3A_44 = vector.shape_cast %eq3A_41 : vector<1x256xi1> to vector<1x256xi1>
    %broadcast_in_dim3A_45 = vector.broadcast %broadcast_in_dim3A_44 : vector<1x256xi1> to vector<1024x256xi1>
    %broadcast_in_dim3A_46 = vector.shape_cast %slice3A_42 : vector<1024x1xf32> to vector<1024x1xf32>
    %broadcast_in_dim3A_47 = vector.broadcast %broadcast_in_dim3A_46 : vector<1024x1xf32> to vector<1024x256xf32>
    %broadcast_in_dim3A_48 = vector.shape_cast %slice3A_43 : vector<1024x1xf32> to vector<1024x1xf32>
    %broadcast_in_dim3A_49 = vector.broadcast %broadcast_in_dim3A_48 : vector<1024x1xf32> to vector<1024x256xf32>
    %select_n3A_50 = arith.select %broadcast_in_dim3A_45, %broadcast_in_dim3A_47, %broadcast_in_dim3A_49 : vector<1024x256xi1>, vector<1024x256xf32>
    %mul3A_51 = arith.mulf %mul3A_32, %select_n3A_50 : vector<1024x256xf32>
    %shift_right_arithmetic3A_52 = arith.constant 5 : i32
    %shift_right_arithmetic3A_53 = vector.broadcast %shift_right_arithmetic3A_52 : i32 to vector<1x256xi32>
    %shift_right_arithmetic3A_54 = arith.shrsi %iota3A, %shift_right_arithmetic3A_53 : vector<1x256xi32>
    %and3A_55 = arith.constant 1 : i32
    %and3A_56 = vector.broadcast %and3A_55 : i32 to vector<1x256xi32>
    %and3A_57 = arith.andi %shift_right_arithmetic3A_54, %and3A_56 : vector<1x256xi32>
    %eq3A_58 = arith.constant 1 : i32
    %eq3A_59 = vector.broadcast %eq3A_58 : i32 to vector<1x256xi32>
    %eq3A_60 = arith.cmpi eq, %and3A_57, %eq3A_59 : vector<1x256xi32>
    %slice3A_61 = vector.extract_strided_slice %sin3A {offsets = [0, 2], sizes = [1024, 1], strides = [1, 1]} : vector<1024x8xf32> to vector<1024x1xf32>
    %slice3A_62 = vector.extract_strided_slice %cos3A {offsets = [0, 2], sizes = [1024, 1], strides = [1, 1]} : vector<1024x8xf32> to vector<1024x1xf32>
    %broadcast_in_dim3A_63 = vector.shape_cast %eq3A_60 : vector<1x256xi1> to vector<1x256xi1>
    %broadcast_in_dim3A_64 = vector.broadcast %broadcast_in_dim3A_63 : vector<1x256xi1> to vector<1024x256xi1>
    %broadcast_in_dim3A_65 = vector.shape_cast %slice3A_61 : vector<1024x1xf32> to vector<1024x1xf32>
    %broadcast_in_dim3A_66 = vector.broadcast %broadcast_in_dim3A_65 : vector<1024x1xf32> to vector<1024x256xf32>
    %broadcast_in_dim3A_67 = vector.shape_cast %slice3A_62 : vector<1024x1xf32> to vector<1024x1xf32>
    %broadcast_in_dim3A_68 = vector.broadcast %broadcast_in_dim3A_67 : vector<1024x1xf32> to vector<1024x256xf32>
    %select_n3A_69 = arith.select %broadcast_in_dim3A_64, %broadcast_in_dim3A_66, %broadcast_in_dim3A_68 : vector<1024x256xi1>, vector<1024x256xf32>
    %mul3A_70 = arith.mulf %mul3A_51, %select_n3A_69 : vector<1024x256xf32>
    %shift_right_arithmetic3A_71 = arith.constant 4 : i32
    %shift_right_arithmetic3A_72 = vector.broadcast %shift_right_arithmetic3A_71 : i32 to vector<1x256xi32>
    %shift_right_arithmetic3A_73 = arith.shrsi %iota3A, %shift_right_arithmetic3A_72 : vector<1x256xi32>
    %and3A_74 = arith.constant 1 : i32
    %and3A_75 = vector.broadcast %and3A_74 : i32 to vector<1x256xi32>
    %and3A_76 = arith.andi %shift_right_arithmetic3A_73, %and3A_75 : vector<1x256xi32>
    %eq3A_77 = arith.constant 1 : i32
    %eq3A_78 = vector.broadcast %eq3A_77 : i32 to vector<1x256xi32>
    %eq3A_79 = arith.cmpi eq, %and3A_76, %eq3A_78 : vector<1x256xi32>
    %slice3A_80 = vector.extract_strided_slice %sin3A {offsets = [0, 3], sizes = [1024, 1], strides = [1, 1]} : vector<1024x8xf32> to vector<1024x1xf32>
    %slice3A_81 = vector.extract_strided_slice %cos3A {offsets = [0, 3], sizes = [1024, 1], strides = [1, 1]} : vector<1024x8xf32> to vector<1024x1xf32>
    %broadcast_in_dim3A_82 = vector.shape_cast %eq3A_79 : vector<1x256xi1> to vector<1x256xi1>
    %broadcast_in_dim3A_83 = vector.broadcast %broadcast_in_dim3A_82 : vector<1x256xi1> to vector<1024x256xi1>
    %broadcast_in_dim3A_84 = vector.shape_cast %slice3A_80 : vector<1024x1xf32> to vector<1024x1xf32>
    %broadcast_in_dim3A_85 = vector.broadcast %broadcast_in_dim3A_84 : vector<1024x1xf32> to vector<1024x256xf32>
    %broadcast_in_dim3A_86 = vector.shape_cast %slice3A_81 : vector<1024x1xf32> to vector<1024x1xf32>
    %broadcast_in_dim3A_87 = vector.broadcast %broadcast_in_dim3A_86 : vector<1024x1xf32> to vector<1024x256xf32>
    %select_n3A_88 = arith.select %broadcast_in_dim3A_83, %broadcast_in_dim3A_85, %broadcast_in_dim3A_87 : vector<1024x256xi1>, vector<1024x256xf32>
    %mul3A_89 = arith.mulf %mul3A_70, %select_n3A_88 : vector<1024x256xf32>
    %shift_right_arithmetic3A_90 = arith.constant 3 : i32
    %shift_right_arithmetic3A_91 = vector.broadcast %shift_right_arithmetic3A_90 : i32 to vector<1x256xi32>
    %shift_right_arithmetic3A_92 = arith.shrsi %iota3A, %shift_right_arithmetic3A_91 : vector<1x256xi32>
    %and3A_93 = arith.constant 1 : i32
    %and3A_94 = vector.broadcast %and3A_93 : i32 to vector<1x256xi32>
    %and3A_95 = arith.andi %shift_right_arithmetic3A_92, %and3A_94 : vector<1x256xi32>
    %eq3A_96 = arith.constant 1 : i32
    %eq3A_97 = vector.broadcast %eq3A_96 : i32 to vector<1x256xi32>
    %eq3A_98 = arith.cmpi eq, %and3A_95, %eq3A_97 : vector<1x256xi32>
    %slice3A_99 = vector.extract_strided_slice %sin3A {offsets = [0, 4], sizes = [1024, 1], strides = [1, 1]} : vector<1024x8xf32> to vector<1024x1xf32>
    %slice3A_100 = vector.extract_strided_slice %cos3A {offsets = [0, 4], sizes = [1024, 1], strides = [1, 1]} : vector<1024x8xf32> to vector<1024x1xf32>
    %broadcast_in_dim3A_101 = vector.shape_cast %eq3A_98 : vector<1x256xi1> to vector<1x256xi1>
    %broadcast_in_dim3A_102 = vector.broadcast %broadcast_in_dim3A_101 : vector<1x256xi1> to vector<1024x256xi1>
    %broadcast_in_dim3A_103 = vector.shape_cast %slice3A_99 : vector<1024x1xf32> to vector<1024x1xf32>
    %broadcast_in_dim3A_104 = vector.broadcast %broadcast_in_dim3A_103 : vector<1024x1xf32> to vector<1024x256xf32>
    %broadcast_in_dim3A_105 = vector.shape_cast %slice3A_100 : vector<1024x1xf32> to vector<1024x1xf32>
    %broadcast_in_dim3A_106 = vector.broadcast %broadcast_in_dim3A_105 : vector<1024x1xf32> to vector<1024x256xf32>
    %select_n3A_107 = arith.select %broadcast_in_dim3A_102, %broadcast_in_dim3A_104, %broadcast_in_dim3A_106 : vector<1024x256xi1>, vector<1024x256xf32>
    %mul3A_108 = arith.mulf %mul3A_89, %select_n3A_107 : vector<1024x256xf32>
    %shift_right_arithmetic3A_109 = arith.constant 2 : i32
    %shift_right_arithmetic3A_110 = vector.broadcast %shift_right_arithmetic3A_109 : i32 to vector<1x256xi32>
    %shift_right_arithmetic3A_111 = arith.shrsi %iota3A, %shift_right_arithmetic3A_110 : vector<1x256xi32>
    %and3A_112 = arith.constant 1 : i32
    %and3A_113 = vector.broadcast %and3A_112 : i32 to vector<1x256xi32>
    %and3A_114 = arith.andi %shift_right_arithmetic3A_111, %and3A_113 : vector<1x256xi32>
    %eq3A_115 = arith.constant 1 : i32
    %eq3A_116 = vector.broadcast %eq3A_115 : i32 to vector<1x256xi32>
    %eq3A_117 = arith.cmpi eq, %and3A_114, %eq3A_116 : vector<1x256xi32>
    %slice3A_118 = vector.extract_strided_slice %sin3A {offsets = [0, 5], sizes = [1024, 1], strides = [1, 1]} : vector<1024x8xf32> to vector<1024x1xf32>
    %slice3A_119 = vector.extract_strided_slice %cos3A {offsets = [0, 5], sizes = [1024, 1], strides = [1, 1]} : vector<1024x8xf32> to vector<1024x1xf32>
    %broadcast_in_dim3A_120 = vector.shape_cast %eq3A_117 : vector<1x256xi1> to vector<1x256xi1>
    %broadcast_in_dim3A_121 = vector.broadcast %broadcast_in_dim3A_120 : vector<1x256xi1> to vector<1024x256xi1>
    %broadcast_in_dim3A_122 = vector.shape_cast %slice3A_118 : vector<1024x1xf32> to vector<1024x1xf32>
    %broadcast_in_dim3A_123 = vector.broadcast %broadcast_in_dim3A_122 : vector<1024x1xf32> to vector<1024x256xf32>
    %broadcast_in_dim3A_124 = vector.shape_cast %slice3A_119 : vector<1024x1xf32> to vector<1024x1xf32>
    %broadcast_in_dim3A_125 = vector.broadcast %broadcast_in_dim3A_124 : vector<1024x1xf32> to vector<1024x256xf32>
    %select_n3A_126 = arith.select %broadcast_in_dim3A_121, %broadcast_in_dim3A_123, %broadcast_in_dim3A_125 : vector<1024x256xi1>, vector<1024x256xf32>
    %mul3A_127 = arith.mulf %mul3A_108, %select_n3A_126 : vector<1024x256xf32>
    %shift_right_arithmetic3A_128 = arith.constant 1 : i32
    %shift_right_arithmetic3A_129 = vector.broadcast %shift_right_arithmetic3A_128 : i32 to vector<1x256xi32>
    %shift_right_arithmetic3A_130 = arith.shrsi %iota3A, %shift_right_arithmetic3A_129 : vector<1x256xi32>
    %and3A_131 = arith.constant 1 : i32
    %and3A_132 = vector.broadcast %and3A_131 : i32 to vector<1x256xi32>
    %and3A_133 = arith.andi %shift_right_arithmetic3A_130, %and3A_132 : vector<1x256xi32>
    %eq3A_134 = arith.constant 1 : i32
    %eq3A_135 = vector.broadcast %eq3A_134 : i32 to vector<1x256xi32>
    %eq3A_136 = arith.cmpi eq, %and3A_133, %eq3A_135 : vector<1x256xi32>
    %slice3A_137 = vector.extract_strided_slice %sin3A {offsets = [0, 6], sizes = [1024, 1], strides = [1, 1]} : vector<1024x8xf32> to vector<1024x1xf32>
    %slice3A_138 = vector.extract_strided_slice %cos3A {offsets = [0, 6], sizes = [1024, 1], strides = [1, 1]} : vector<1024x8xf32> to vector<1024x1xf32>
    %broadcast_in_dim3A_139 = vector.shape_cast %eq3A_136 : vector<1x256xi1> to vector<1x256xi1>
    %broadcast_in_dim3A_140 = vector.broadcast %broadcast_in_dim3A_139 : vector<1x256xi1> to vector<1024x256xi1>
    %broadcast_in_dim3A_141 = vector.shape_cast %slice3A_137 : vector<1024x1xf32> to vector<1024x1xf32>
    %broadcast_in_dim3A_142 = vector.broadcast %broadcast_in_dim3A_141 : vector<1024x1xf32> to vector<1024x256xf32>
    %broadcast_in_dim3A_143 = vector.shape_cast %slice3A_138 : vector<1024x1xf32> to vector<1024x1xf32>
    %broadcast_in_dim3A_144 = vector.broadcast %broadcast_in_dim3A_143 : vector<1024x1xf32> to vector<1024x256xf32>
    %select_n3A_145 = arith.select %broadcast_in_dim3A_140, %broadcast_in_dim3A_142, %broadcast_in_dim3A_144 : vector<1024x256xi1>, vector<1024x256xf32>
    %mul3A_146 = arith.mulf %mul3A_127, %select_n3A_145 : vector<1024x256xf32>
    %shift_right_arithmetic3A_147 = arith.constant 0 : i32
    %shift_right_arithmetic3A_148 = vector.broadcast %shift_right_arithmetic3A_147 : i32 to vector<1x256xi32>
    %shift_right_arithmetic3A_149 = arith.shrsi %iota3A, %shift_right_arithmetic3A_148 : vector<1x256xi32>
    %and3A_150 = arith.constant 1 : i32
    %and3A_151 = vector.broadcast %and3A_150 : i32 to vector<1x256xi32>
    %and3A_152 = arith.andi %shift_right_arithmetic3A_149, %and3A_151 : vector<1x256xi32>
    %eq3A_153 = arith.constant 1 : i32
    %eq3A_154 = vector.broadcast %eq3A_153 : i32 to vector<1x256xi32>
    %eq3A_155 = arith.cmpi eq, %and3A_152, %eq3A_154 : vector<1x256xi32>
    %slice3A_156 = vector.extract_strided_slice %sin3A {offsets = [0, 7], sizes = [1024, 1], strides = [1, 1]} : vector<1024x8xf32> to vector<1024x1xf32>
    %slice3A_157 = vector.extract_strided_slice %cos3A {offsets = [0, 7], sizes = [1024, 1], strides = [1, 1]} : vector<1024x8xf32> to vector<1024x1xf32>
    %broadcast_in_dim3A_158 = vector.shape_cast %eq3A_155 : vector<1x256xi1> to vector<1x256xi1>
    %broadcast_in_dim3A_159 = vector.broadcast %broadcast_in_dim3A_158 : vector<1x256xi1> to vector<1024x256xi1>
    %broadcast_in_dim3A_160 = vector.shape_cast %slice3A_156 : vector<1024x1xf32> to vector<1024x1xf32>
    %broadcast_in_dim3A_161 = vector.broadcast %broadcast_in_dim3A_160 : vector<1024x1xf32> to vector<1024x256xf32>
    %broadcast_in_dim3A_162 = vector.shape_cast %slice3A_157 : vector<1024x1xf32> to vector<1024x1xf32>
    %broadcast_in_dim3A_163 = vector.broadcast %broadcast_in_dim3A_162 : vector<1024x1xf32> to vector<1024x256xf32>
    %select_n3A_164 = arith.select %broadcast_in_dim3A_159, %broadcast_in_dim3A_161, %broadcast_in_dim3A_163 : vector<1024x256xi1>, vector<1024x256xf32>
    %mul3A_165 = arith.mulf %mul3A_146, %select_n3A_164 : vector<1024x256xf32>
    %get3A_166 = arith.constant 0 : index
    %get3A_167 = arith.constant 0 : index
    %get3A_168 = vector.load %arg5[%get3A_166, %get3A_167] : memref<256x256xf32, #tpu.memory_space<vmem>>, vector<256x256xf32>
    %convert_element_type3A = arith.truncf %mul3A_165 : vector<1024x256xf32> to vector<1024x256xbf16>
    %convert_element_type3A_169 = arith.extf %convert_element_type3A : vector<1024x256xbf16> to vector<1024x256xf32>
    %sub3A = arith.subf %mul3A_165, %convert_element_type3A_169 : vector<1024x256xf32>
    %convert_element_type3A_170 = arith.truncf %sub3A : vector<1024x256xf32> to vector<1024x256xbf16>
    %convert_element_type3A_171 = arith.truncf %get3A_168 : vector<256x256xf32> to vector<256x256xbf16>
    %convert_element_type3A_172 = arith.extf %convert_element_type3A_171 : vector<256x256xbf16> to vector<256x256xf32>
    %sub3A_173 = arith.subf %get3A_168, %convert_element_type3A_172 : vector<256x256xf32>
    %convert_element_type3A_174 = arith.truncf %sub3A_173 : vector<256x256xf32> to vector<256x256xbf16>
    %dot_general3A = arith.constant dense<0.000000e+00> : vector<1024x256xf32>
    %dot_general3A_175 = tpu.matmul %convert_element_type3A, %convert_element_type3A_171, %dot_general3A {dimension_numbers = #tpu.dot_dimension_numbers<[1], [0], [0], [1], [0, 0, 1, 1], [], []>, transpose_lhs_hint = false} : vector<1024x256xbf16>, vector<256x256xbf16>, vector<1024x256xf32> -> vector<1024x256xf32>
    %dot_general3A_176 = arith.constant dense<0.000000e+00> : vector<1024x256xf32>
    %dot_general3A_177 = tpu.matmul %convert_element_type3A_170, %convert_element_type3A_171, %dot_general3A_176 {dimension_numbers = #tpu.dot_dimension_numbers<[1], [0], [0], [1], [0, 0, 1, 1], [], []>, transpose_lhs_hint = false} : vector<1024x256xbf16>, vector<256x256xbf16>, vector<1024x256xf32> -> vector<1024x256xf32>
    %dot_general3A_178 = arith.constant dense<0.000000e+00> : vector<1024x256xf32>
    %dot_general3A_179 = tpu.matmul %convert_element_type3A, %convert_element_type3A_174, %dot_general3A_178 {dimension_numbers = #tpu.dot_dimension_numbers<[1], [0], [0], [1], [0, 0, 1, 1], [], []>, transpose_lhs_hint = false} : vector<1024x256xbf16>, vector<256x256xbf16>, vector<1024x256xf32> -> vector<1024x256xf32>
    %add3A_180 = arith.addf %dot_general3A_177, %dot_general3A_179 : vector<1024x256xf32>
    %add3A_181 = arith.addf %dot_general3A_175, %add3A_180 : vector<1024x256xf32>
    %mul3A_182 = arith.mulf %add3A_181, %add3A_181 : vector<1024x256xf32>
    %get3A_183 = arith.constant 0 : index
    %get3A_184 = arith.constant 0 : index
    %get3A_185 = vector.load %arg6[%get3A_183, %get3A_184] : memref<256x8xf32, #tpu.memory_space<vmem>>, vector<256x8xf32>
    %convert_element_type3A_186 = arith.truncf %mul3A_182 : vector<1024x256xf32> to vector<1024x256xbf16>
    %convert_element_type3A_187 = arith.extf %convert_element_type3A_186 : vector<1024x256xbf16> to vector<1024x256xf32>
    %sub3A_188 = arith.subf %mul3A_182, %convert_element_type3A_187 : vector<1024x256xf32>
    %convert_element_type3A_189 = arith.truncf %sub3A_188 : vector<1024x256xf32> to vector<1024x256xbf16>
    %convert_element_type3A_190 = arith.truncf %get3A_185 : vector<256x8xf32> to vector<256x8xbf16>
    %dot_general3A_191 = arith.constant dense<0.000000e+00> : vector<1024x8xf32>
    %dot_general3A_192 = tpu.matmul %convert_element_type3A_186, %convert_element_type3A_190, %dot_general3A_191 {dimension_numbers = #tpu.dot_dimension_numbers<[1], [0], [0], [1], [0, 0, 1, 1], [], []>, transpose_lhs_hint = false} : vector<1024x256xbf16>, vector<256x8xbf16>, vector<1024x8xf32> -> vector<1024x8xf32>
    %dot_general3A_193 = arith.constant dense<0.000000e+00> : vector<1024x8xf32>
    %dot_general3A_194 = tpu.matmul %convert_element_type3A_189, %convert_element_type3A_190, %dot_general3A_193 {dimension_numbers = #tpu.dot_dimension_numbers<[1], [0], [0], [1], [0, 0, 1, 1], [], []>, transpose_lhs_hint = false} : vector<1024x256xbf16>, vector<256x8xbf16>, vector<1024x8xf32> -> vector<1024x8xf32>
    %add3A_195 = arith.addf %dot_general3A_192, %dot_general3A_194 : vector<1024x8xf32>
    %ge3A = arith.constant 0.000000e+00 : f32
    %ge3A_196 = vector.broadcast %ge3A : f32 to vector<1024x8xf32>
    %ge3A_197 = arith.cmpf oge, %add3A_195, %ge3A_196 : vector<1024x8xf32>
    %mul3A_198 = arith.constant 2.000000e-01 : f32
    %mul3A_199 = vector.broadcast %mul3A_198 : f32 to vector<1024x8xf32>
    %mul3A_200 = arith.mulf %mul3A_199, %add3A_195 : vector<1024x8xf32>
    %select_n3A_201 = arith.select %ge3A_197, %add3A_195, %mul3A_200 : vector<1024x8xi1>, vector<1024x8xf32>
    %broadcast_in_dim3A_202 = arith.constant 1.000000e+00 : f32
    %broadcast_in_dim3A_203 = vector.broadcast %broadcast_in_dim3A_202 : f32 to vector<1024x1xf32>
    %broadcast_in_dim3A_204 = arith.constant 0.000000e+00 : f32
    %broadcast_in_dim3A_205 = vector.broadcast %broadcast_in_dim3A_204 : f32 to vector<1024x7xf32>
    %mul3A_206 = arith.mulf %get3A_1, %select_n3A_201 : vector<1024x8xf32>
    %concatenate3A = tpu.concatenate %mul3A_206, %broadcast_in_dim3A_203, %broadcast_in_dim3A_205 in 1 : vector<1024x8xf32>, vector<1024x1xf32>, vector<1024x7xf32> -> vector<1024x16xf32>
    %swap3A = arith.constant 0 : index
    %swap3A_207 = arith.constant 0 : index
    %swap3A_208 = vector.load %arg7[%swap3A, %swap3A_207] : memref<1024x16xf32, #tpu.memory_space<vmem>>, vector<1024x16xf32>
    tpu.vector_store %arg7[%swap3A, %swap3A_207], %concatenate3A {strides = array<i32>} : memref<1024x16xf32, #tpu.memory_space<vmem>>, vector<1024x16xf32>,
    return
  }
  func.func @transform_0(%arg0: i32) -> (i32, i32) {
    %c0_i32 = arith.constant 0 : i32
    %c0_i32_0 = arith.constant 0 : i32
    return %arg0, %c0_i32 : i32, i32
  }
  func.func @transform_1(%arg0: i32) -> (i32, i32) {
    %add3A = arith.constant 10 : i32
    %add3A_0 = arith.addi %arg0, %add3A : i32
    %c0_i32 = arith.constant 0 : i32
    %c0_i32_1 = arith.constant 0 : i32
    return %add3A_0, %c0_i32 : i32, i32
  }
  func.func @transform_2(%arg0: i32) -> (i32, i32) {
    %c0_i32 = arith.constant 0 : i32
    %c0_i32_0 = arith.constant 0 : i32
    return %arg0, %c0_i32 : i32, i32
  }
  func.func @transform_3(%arg0: i32) -> (i32, i32) {
    %c0_i32 = arith.constant 0 : i32
    %c0_i32_0 = arith.constant 0 : i32
    return %arg0, %c0_i32 : i32, i32
  }
  func.func @transform_4(%arg0: i32) -> (i32, i32) {
    %c0_i32 = arith.constant 0 : i32
    %c0_i32_0 = arith.constant 0 : i32
    %c0_i32_1 = arith.constant 0 : i32
    return %c0_i32, %c0_i32_0 : i32, i32
  }
  func.func @transform_5(%arg0: i32) -> (i32, i32) {
    %c0_i32 = arith.constant 0 : i32
    %c0_i32_0 = arith.constant 0 : i32
    %c0_i32_1 = arith.constant 0 : i32
    return %c0_i32, %c0_i32_0 : i32, i32
  }
  func.func @transform_6(%arg0: i32) -> (i32, i32) {
    %c0_i32 = arith.constant 0 : i32
    %c0_i32_0 = arith.constant 0 : i32
    return %arg0, %c0_i32 : i32, i32
  }
}

module attributes {stable_mosaic.version = 14 : i64} {
  func.func @_dense_body(%arg0: i32, %arg1: memref<1024x16xf32, #tpu.memory_space<vmem>>, %arg2: memref<1024x16xf32, #tpu.memory_space<vmem>>, %arg3: memref<1024x16xf32, #tpu.memory_space<vmem>>, %arg4: memref<1024x8xf32, #tpu.memory_space<vmem>>, %arg5: memref<256x256xf32, #tpu.memory_space<vmem>>, %arg6: memref<256x8xf32, #tpu.memory_space<vmem>>, %arg7: memref<1024x8xf32, #tpu.memory_space<vmem>>) attributes {dimension_semantics = [#tpu.dimension_semantics<arbitrary>], iteration_bounds = array<i64: 10>, scalar_prefetch = 0 : i64, scratch_operands = 0 : i64, tpu.core_type = #tpu.core_type<tc>, window_params = [{transform_indices = @transform_0, window_bounds = array<i64: 1024, 16>}, {transform_indices = @transform_1, window_bounds = array<i64: 1024, 16>}, {transform_indices = @transform_2, window_bounds = array<i64: 1024, 16>}, {transform_indices = @transform_3, window_bounds = array<i64: 1024, 8>}, {pipeline_mode = #tpu.pipeline_mode<synchronous>, transform_indices = @transform_4, window_bounds = array<i64: 256, 256>}, {pipeline_mode = #tpu.pipeline_mode<synchronous>, transform_indices = @transform_5, window_bounds = array<i64: 256, 8>}, {transform_indices = @transform_6, window_bounds = array<i64: 1024, 8>}]} {
    %get3A = arith.constant 0 : index
    %get3A_0 = arith.constant 0 : index
    %get3A_1 = vector.load %arg4[%get3A, %get3A_0] : memref<1024x8xf32, #tpu.memory_space<vmem>>, vector<1024x8xf32>
    %get3A_2 = arith.constant 0 : index
    %get3A_3 = arith.constant 0 : index
    %get3A_4 = vector.load %arg1[%get3A_2, %get3A_3] : memref<1024x16xf32, #tpu.memory_space<vmem>>, vector<1024x8xf32>
    %get3A_5 = arith.constant 0 : index
    %get3A_6 = arith.constant 0 : index
    %get3A_7 = vector.load %arg2[%get3A_5, %get3A_6] : memref<1024x16xf32, #tpu.memory_space<vmem>>, vector<1024x8xf32>
    %add3A = arith.addf %get3A_4, %get3A_7 : vector<1024x8xf32>
    %get3A_8 = arith.constant 0 : index
    %get3A_9 = arith.constant 0 : index
    %get3A_10 = vector.load %arg3[%get3A_8, %get3A_9] : memref<1024x16xf32, #tpu.memory_space<vmem>>, vector<1024x8xf32>
    %add3A_11 = arith.addf %add3A, %get3A_10 : vector<1024x8xf32>
    %mul3A = arith.mulf %get3A_1, %add3A_11 : vector<1024x8xf32>
    %mul3A_12 = arith.constant 5.000000e-01 : f32
    %mul3A_13 = vector.broadcast %mul3A_12 : f32 to vector<1024x8xf32>
    %mul3A_14 = arith.mulf %mul3A, %mul3A_13 : vector<1024x8xf32>
    %add3A_15 = arith.constant 0.785398185 : f32
    %add3A_16 = vector.broadcast %add3A_15 : f32 to vector<1024x8xf32>
    %add3A_17 = arith.addf %mul3A_14, %add3A_16 : vector<1024x8xf32>
    %cos3A = math.cos %add3A_17 : vector<1024x8xf32>
    %sin3A = math.sin %add3A_17 : vector<1024x8xf32>
    %iota3A = tpu.iota {dimensions = array<i32: 1>} : vector<1x256xi32>
    %broadcast_in_dim3A = arith.constant 1.000000e+00 : f32
    %broadcast_in_dim3A_18 = vector.broadcast %broadcast_in_dim3A : f32 to vector<1024x256xf32>
    %shift_right_arithmetic3A = arith.constant 7 : i32
    %shift_right_arithmetic3A_19 = vector.broadcast %shift_right_arithmetic3A : i32 to vector<1x256xi32>
    %shift_right_arithmetic3A_20 = arith.shrsi %iota3A, %shift_right_arithmetic3A_19 : vector<1x256xi32>
    %and3A = arith.constant 1 : i32
    %and3A_21 = vector.broadcast %and3A : i32 to vector<1x256xi32>
    %and3A_22 = arith.andi %shift_right_arithmetic3A_20, %and3A_21 : vector<1x256xi32>
    %eq3A = arith.constant 1 : i32
    %eq3A_23 = vector.broadcast %eq3A : i32 to vector<1x256xi32>
    %eq3A_24 = arith.cmpi eq, %and3A_22, %eq3A_23 : vector<1x256xi32>
    %slice3A = vector.extract_strided_slice %sin3A {offsets = [0, 0], sizes = [1024, 1], strides = [1, 1]} : vector<1024x8xf32> to vector<1024x1xf32>
    %slice3A_25 = vector.extract_strided_slice %cos3A {offsets = [0, 0], sizes = [1024, 1], strides = [1, 1]} : vector<1024x8xf32> to vector<1024x1xf32>
    %broadcast_in_dim3A_26 = vector.shape_cast %eq3A_24 : vector<1x256xi1> to vector<1x256xi1>
    %broadcast_in_dim3A_27 = vector.broadcast %broadcast_in_dim3A_26 : vector<1x256xi1> to vector<1024x256xi1>
    %broadcast_in_dim3A_28 = vector.shape_cast %slice3A : vector<1024x1xf32> to vector<1024x1xf32>
    %broadcast_in_dim3A_29 = vector.broadcast %broadcast_in_dim3A_28 : vector<1024x1xf32> to vector<1024x256xf32>
    %broadcast_in_dim3A_30 = vector.shape_cast %slice3A_25 : vector<1024x1xf32> to vector<1024x1xf32>
    %broadcast_in_dim3A_31 = vector.broadcast %broadcast_in_dim3A_30 : vector<1024x1xf32> to vector<1024x256xf32>
    %select_n3A = arith.select %broadcast_in_dim3A_27, %broadcast_in_dim3A_29, %broadcast_in_dim3A_31 : vector<1024x256xi1>, vector<1024x256xf32>
    %mul3A_32 = arith.mulf %broadcast_in_dim3A_18, %select_n3A : vector<1024x256xf32>
    %shift_right_arithmetic3A_33 = arith.constant 6 : i32
    %shift_right_arithmetic3A_34 = vector.broadcast %shift_right_arithmetic3A_33 : i32 to vector<1x256xi32>
    %shift_right_arithmetic3A_35 = arith.shrsi %iota3A, %shift_right_arithmetic3A_34 : vector<1x256xi32>
    %and3A_36 = arith.constant 1 : i32
    %and3A_37 = vector.broadcast %and3A_36 : i32 to vector<1x256xi32>
    %and3A_38 = arith.andi %shift_right_arithmetic3A_35, %and3A_37 : vector<1x256xi32>
    %eq3A_39 = arith.constant 1 : i32
    %eq3A_40 = vector.broadcast %eq3A_39 : i32 to vector<1x256xi32>
    %eq3A_41 = arith.cmpi eq, %and3A_38, %eq3A_40 : vector<1x256xi32>
    %slice3A_42 = vector.extract_strided_slice %sin3A {offsets = [0, 1], sizes = [1024, 1], strides = [1, 1]} : vector<1024x8xf32> to vector<1024x1xf32>
    %slice3A_43 = vector.extract_strided_slice %cos3A {offsets = [0, 1], sizes = [1024, 1], strides = [1, 1]} : vector<1024x8xf32> to vector<1024x1xf32>
    %broadcast_in_dim3A_44 = vector.shape_cast %eq3A_41 : vector<1x256xi1> to vector<1x256xi1>
    %broadcast_in_dim3A_45 = vector.broadcast %broadcast_in_dim3A_44 : vector<1x256xi1> to vector<1024x256xi1>
    %broadcast_in_dim3A_46 = vector.shape_cast %slice3A_42 : vector<1024x1xf32> to vector<1024x1xf32>
    %broadcast_in_dim3A_47 = vector.broadcast %broadcast_in_dim3A_46 : vector<1024x1xf32> to vector<1024x256xf32>
    %broadcast_in_dim3A_48 = vector.shape_cast %slice3A_43 : vector<1024x1xf32> to vector<1024x1xf32>
    %broadcast_in_dim3A_49 = vector.broadcast %broadcast_in_dim3A_48 : vector<1024x1xf32> to vector<1024x256xf32>
    %select_n3A_50 = arith.select %broadcast_in_dim3A_45, %broadcast_in_dim3A_47, %broadcast_in_dim3A_49 : vector<1024x256xi1>, vector<1024x256xf32>
    %mul3A_51 = arith.mulf %mul3A_32, %select_n3A_50 : vector<1024x256xf32>
    %shift_right_arithmetic3A_52 = arith.constant 5 : i32
    %shift_right_arithmetic3A_53 = vector.broadcast %shift_right_arithmetic3A_52 : i32 to vector<1x256xi32>
    %shift_right_arithmetic3A_54 = arith.shrsi %iota3A, %shift_right_arithmetic3A_53 : vector<1x256xi32>
    %and3A_55 = arith.constant 1 : i32
    %and3A_56 = vector.broadcast %and3A_55 : i32 to vector<1x256xi32>
    %and3A_57 = arith.andi %shift_right_arithmetic3A_54, %and3A_56 : vector<1x256xi32>
    %eq3A_58 = arith.constant 1 : i32
    %eq3A_59 = vector.broadcast %eq3A_58 : i32 to vector<1x256xi32>
    %eq3A_60 = arith.cmpi eq, %and3A_57, %eq3A_59 : vector<1x256xi32>
    %slice3A_61 = vector.extract_strided_slice %sin3A {offsets = [0, 2], sizes = [1024, 1], strides = [1, 1]} : vector<1024x8xf32> to vector<1024x1xf32>
    %slice3A_62 = vector.extract_strided_slice %cos3A {offsets = [0, 2], sizes = [1024, 1], strides = [1, 1]} : vector<1024x8xf32> to vector<1024x1xf32>
    %broadcast_in_dim3A_63 = vector.shape_cast %eq3A_60 : vector<1x256xi1> to vector<1x256xi1>
    %broadcast_in_dim3A_64 = vector.broadcast %broadcast_in_dim3A_63 : vector<1x256xi1> to vector<1024x256xi1>
    %broadcast_in_dim3A_65 = vector.shape_cast %slice3A_61 : vector<1024x1xf32> to vector<1024x1xf32>
    %broadcast_in_dim3A_66 = vector.broadcast %broadcast_in_dim3A_65 : vector<1024x1xf32> to vector<1024x256xf32>
    %broadcast_in_dim3A_67 = vector.shape_cast %slice3A_62 : vector<1024x1xf32> to vector<1024x1xf32>
    %broadcast_in_dim3A_68 = vector.broadcast %broadcast_in_dim3A_67 : vector<1024x1xf32> to vector<1024x256xf32>
    %select_n3A_69 = arith.select %broadcast_in_dim3A_64, %broadcast_in_dim3A_66, %broadcast_in_dim3A_68 : vector<1024x256xi1>, vector<1024x256xf32>
    %mul3A_70 = arith.mulf %mul3A_51, %select_n3A_69 : vector<1024x256xf32>
    %shift_right_arithmetic3A_71 = arith.constant 4 : i32
    %shift_right_arithmetic3A_72 = vector.broadcast %shift_right_arithmetic3A_71 : i32 to vector<1x256xi32>
    %shift_right_arithmetic3A_73 = arith.shrsi %iota3A, %shift_right_arithmetic3A_72 : vector<1x256xi32>
    %and3A_74 = arith.constant 1 : i32
    %and3A_75 = vector.broadcast %and3A_74 : i32 to vector<1x256xi32>
    %and3A_76 = arith.andi %shift_right_arithmetic3A_73, %and3A_75 : vector<1x256xi32>
    %eq3A_77 = arith.constant 1 : i32
    %eq3A_78 = vector.broadcast %eq3A_77 : i32 to vector<1x256xi32>
    %eq3A_79 = arith.cmpi eq, %and3A_76, %eq3A_78 : vector<1x256xi32>
    %slice3A_80 = vector.extract_strided_slice %sin3A {offsets = [0, 3], sizes = [1024, 1], strides = [1, 1]} : vector<1024x8xf32> to vector<1024x1xf32>
    %slice3A_81 = vector.extract_strided_slice %cos3A {offsets = [0, 3], sizes = [1024, 1], strides = [1, 1]} : vector<1024x8xf32> to vector<1024x1xf32>
    %broadcast_in_dim3A_82 = vector.shape_cast %eq3A_79 : vector<1x256xi1> to vector<1x256xi1>
    %broadcast_in_dim3A_83 = vector.broadcast %broadcast_in_dim3A_82 : vector<1x256xi1> to vector<1024x256xi1>
    %broadcast_in_dim3A_84 = vector.shape_cast %slice3A_80 : vector<1024x1xf32> to vector<1024x1xf32>
    %broadcast_in_dim3A_85 = vector.broadcast %broadcast_in_dim3A_84 : vector<1024x1xf32> to vector<1024x256xf32>
    %broadcast_in_dim3A_86 = vector.shape_cast %slice3A_81 : vector<1024x1xf32> to vector<1024x1xf32>
    %broadcast_in_dim3A_87 = vector.broadcast %broadcast_in_dim3A_86 : vector<1024x1xf32> to vector<1024x256xf32>
    %select_n3A_88 = arith.select %broadcast_in_dim3A_83, %broadcast_in_dim3A_85, %broadcast_in_dim3A_87 : vector<1024x256xi1>, vector<1024x256xf32>
    %mul3A_89 = arith.mulf %mul3A_70, %select_n3A_88 : vector<1024x256xf32>
    %shift_right_arithmetic3A_90 = arith.constant 3 : i32
    %shift_right_arithmetic3A_91 = vector.broadcast %shift_right_arithmetic3A_90 : i32 to vector<1x256xi32>
    %shift_right_arithmetic3A_92 = arith.shrsi %iota3A, %shift_right_arithmetic3A_91 : vector<1x256xi32>
    %and3A_93 = arith.constant 1 : i32
    %and3A_94 = vector.broadcast %and3A_93 : i32 to vector<1x256xi32>
    %and3A_95 = arith.andi %shift_right_arithmetic3A_92, %and3A_94 : vector<1x256xi32>
    %eq3A_96 = arith.constant 1 : i32
    %eq3A_97 = vector.broadcast %eq3A_96 : i32 to vector<1x256xi32>
    %eq3A_98 = arith.cmpi eq, %and3A_95, %eq3A_97 : vector<1x256xi32>
    %slice3A_99 = vector.extract_strided_slice %sin3A {offsets = [0, 4], sizes = [1024, 1], strides = [1, 1]} : vector<1024x8xf32> to vector<1024x1xf32>
    %slice3A_100 = vector.extract_strided_slice %cos3A {offsets = [0, 4], sizes = [1024, 1], strides = [1, 1]} : vector<1024x8xf32> to vector<1024x1xf32>
    %broadcast_in_dim3A_101 = vector.shape_cast %eq3A_98 : vector<1x256xi1> to vector<1x256xi1>
    %broadcast_in_dim3A_102 = vector.broadcast %broadcast_in_dim3A_101 : vector<1x256xi1> to vector<1024x256xi1>
    %broadcast_in_dim3A_103 = vector.shape_cast %slice3A_99 : vector<1024x1xf32> to vector<1024x1xf32>
    %broadcast_in_dim3A_104 = vector.broadcast %broadcast_in_dim3A_103 : vector<1024x1xf32> to vector<1024x256xf32>
    %broadcast_in_dim3A_105 = vector.shape_cast %slice3A_100 : vector<1024x1xf32> to vector<1024x1xf32>
    %broadcast_in_dim3A_106 = vector.broadcast %broadcast_in_dim3A_105 : vector<1024x1xf32> to vector<1024x256xf32>
    %select_n3A_107 = arith.select %broadcast_in_dim3A_102, %broadcast_in_dim3A_104, %broadcast_in_dim3A_106 : vector<1024x256xi1>, vector<1024x256xf32>
    %mul3A_108 = arith.mulf %mul3A_89, %select_n3A_107 : vector<1024x256xf32>
    %shift_right_arithmetic3A_109 = arith.constant 2 : i32
    %shift_right_arithmetic3A_110 = vector.broadcast %shift_right_arithmetic3A_109 : i32 to vector<1x256xi32>
    %shift_right_arithmetic3A_111 = arith.shrsi %iota3A, %shift_right_arithmetic3A_110 : vector<1x256xi32>
    %and3A_112 = arith.constant 1 : i32
    %and3A_113 = vector.broadcast %and3A_112 : i32 to vector<1x256xi32>
    %and3A_114 = arith.andi %shift_right_arithmetic3A_111, %and3A_113 : vector<1x256xi32>
    %eq3A_115 = arith.constant 1 : i32
    %eq3A_116 = vector.broadcast %eq3A_115 : i32 to vector<1x256xi32>
    %eq3A_117 = arith.cmpi eq, %and3A_114, %eq3A_116 : vector<1x256xi32>
    %slice3A_118 = vector.extract_strided_slice %sin3A {offsets = [0, 5], sizes = [1024, 1], strides = [1, 1]} : vector<1024x8xf32> to vector<1024x1xf32>
    %slice3A_119 = vector.extract_strided_slice %cos3A {offsets = [0, 5], sizes = [1024, 1], strides = [1, 1]} : vector<1024x8xf32> to vector<1024x1xf32>
    %broadcast_in_dim3A_120 = vector.shape_cast %eq3A_117 : vector<1x256xi1> to vector<1x256xi1>
    %broadcast_in_dim3A_121 = vector.broadcast %broadcast_in_dim3A_120 : vector<1x256xi1> to vector<1024x256xi1>
    %broadcast_in_dim3A_122 = vector.shape_cast %slice3A_118 : vector<1024x1xf32> to vector<1024x1xf32>
    %broadcast_in_dim3A_123 = vector.broadcast %broadcast_in_dim3A_122 : vector<1024x1xf32> to vector<1024x256xf32>
    %broadcast_in_dim3A_124 = vector.shape_cast %slice3A_119 : vector<1024x1xf32> to vector<1024x1xf32>
    %broadcast_in_dim3A_125 = vector.broadcast %broadcast_in_dim3A_124 : vector<1024x1xf32> to vector<1024x256xf32>
    %select_n3A_126 = arith.select %broadcast_in_dim3A_121, %broadcast_in_dim3A_123, %broadcast_in_dim3A_125 : vector<1024x256xi1>, vector<1024x256xf32>
    %mul3A_127 = arith.mulf %mul3A_108, %select_n3A_126 : vector<1024x256xf32>
    %shift_right_arithmetic3A_128 = arith.constant 1 : i32
    %shift_right_arithmetic3A_129 = vector.broadcast %shift_right_arithmetic3A_128 : i32 to vector<1x256xi32>
    %shift_right_arithmetic3A_130 = arith.shrsi %iota3A, %shift_right_arithmetic3A_129 : vector<1x256xi32>
    %and3A_131 = arith.constant 1 : i32
    %and3A_132 = vector.broadcast %and3A_131 : i32 to vector<1x256xi32>
    %and3A_133 = arith.andi %shift_right_arithmetic3A_130, %and3A_132 : vector<1x256xi32>
    %eq3A_134 = arith.constant 1 : i32
    %eq3A_135 = vector.broadcast %eq3A_134 : i32 to vector<1x256xi32>
    %eq3A_136 = arith.cmpi eq, %and3A_133, %eq3A_135 : vector<1x256xi32>
    %slice3A_137 = vector.extract_strided_slice %sin3A {offsets = [0, 6], sizes = [1024, 1], strides = [1, 1]} : vector<1024x8xf32> to vector<1024x1xf32>
    %slice3A_138 = vector.extract_strided_slice %cos3A {offsets = [0, 6], sizes = [1024, 1], strides = [1, 1]} : vector<1024x8xf32> to vector<1024x1xf32>
    %broadcast_in_dim3A_139 = vector.shape_cast %eq3A_136 : vector<1x256xi1> to vector<1x256xi1>
    %broadcast_in_dim3A_140 = vector.broadcast %broadcast_in_dim3A_139 : vector<1x256xi1> to vector<1024x256xi1>
    %broadcast_in_dim3A_141 = vector.shape_cast %slice3A_137 : vector<1024x1xf32> to vector<1024x1xf32>
    %broadcast_in_dim3A_142 = vector.broadcast %broadcast_in_dim3A_141 : vector<1024x1xf32> to vector<1024x256xf32>
    %broadcast_in_dim3A_143 = vector.shape_cast %slice3A_138 : vector<1024x1xf32> to vector<1024x1xf32>
    %broadcast_in_dim3A_144 = vector.broadcast %broadcast_in_dim3A_143 : vector<1024x1xf32> to vector<1024x256xf32>
    %select_n3A_145 = arith.select %broadcast_in_dim3A_140, %broadcast_in_dim3A_142, %broadcast_in_dim3A_144 : vector<1024x256xi1>, vector<1024x256xf32>
    %mul3A_146 = arith.mulf %mul3A_127, %select_n3A_145 : vector<1024x256xf32>
    %shift_right_arithmetic3A_147 = arith.constant 0 : i32
    %shift_right_arithmetic3A_148 = vector.broadcast %shift_right_arithmetic3A_147 : i32 to vector<1x256xi32>
    %shift_right_arithmetic3A_149 = arith.shrsi %iota3A, %shift_right_arithmetic3A_148 : vector<1x256xi32>
    %and3A_150 = arith.constant 1 : i32
    %and3A_151 = vector.broadcast %and3A_150 : i32 to vector<1x256xi32>
    %and3A_152 = arith.andi %shift_right_arithmetic3A_149, %and3A_151 : vector<1x256xi32>
    %eq3A_153 = arith.constant 1 : i32
    %eq3A_154 = vector.broadcast %eq3A_153 : i32 to vector<1x256xi32>
    %eq3A_155 = arith.cmpi eq, %and3A_152, %eq3A_154 : vector<1x256xi32>
    %slice3A_156 = vector.extract_strided_slice %sin3A {offsets = [0, 7], sizes = [1024, 1], strides = [1, 1]} : vector<1024x8xf32> to vector<1024x1xf32>
    %slice3A_157 = vector.extract_strided_slice %cos3A {offsets = [0, 7], sizes = [1024, 1], strides = [1, 1]} : vector<1024x8xf32> to vector<1024x1xf32>
    %broadcast_in_dim3A_158 = vector.shape_cast %eq3A_155 : vector<1x256xi1> to vector<1x256xi1>
    %broadcast_in_dim3A_159 = vector.broadcast %broadcast_in_dim3A_158 : vector<1x256xi1> to vector<1024x256xi1>
    %broadcast_in_dim3A_160 = vector.shape_cast %slice3A_156 : vector<1024x1xf32> to vector<1024x1xf32>
    %broadcast_in_dim3A_161 = vector.broadcast %broadcast_in_dim3A_160 : vector<1024x1xf32> to vector<1024x256xf32>
    %broadcast_in_dim3A_162 = vector.shape_cast %slice3A_157 : vector<1024x1xf32> to vector<1024x1xf32>
    %broadcast_in_dim3A_163 = vector.broadcast %broadcast_in_dim3A_162 : vector<1024x1xf32> to vector<1024x256xf32>
    %select_n3A_164 = arith.select %broadcast_in_dim3A_159, %broadcast_in_dim3A_161, %broadcast_in_dim3A_163 : vector<1024x256xi1>, vector<1024x256xf32>
    %mul3A_165 = arith.mulf %mul3A_146, %select_n3A_164 : vector<1024x256xf32>
    %get3A_166 = arith.constant 0 : index
    %get3A_167 = arith.constant 0 : index
    %get3A_168 = vector.load %arg5[%get3A_166, %get3A_167] : memref<256x256xf32, #tpu.memory_space<vmem>>, vector<256x256xf32>
    %convert_element_type3A = arith.truncf %mul3A_165 : vector<1024x256xf32> to vector<1024x256xbf16>
    %convert_element_type3A_169 = arith.extf %convert_element_type3A : vector<1024x256xbf16> to vector<1024x256xf32>
    %sub3A = arith.subf %mul3A_165, %convert_element_type3A_169 : vector<1024x256xf32>
    %convert_element_type3A_170 = arith.truncf %sub3A : vector<1024x256xf32> to vector<1024x256xbf16>
    %convert_element_type3A_171 = arith.truncf %get3A_168 : vector<256x256xf32> to vector<256x256xbf16>
    %convert_element_type3A_172 = arith.extf %convert_element_type3A_171 : vector<256x256xbf16> to vector<256x256xf32>
    %sub3A_173 = arith.subf %get3A_168, %convert_element_type3A_172 : vector<256x256xf32>
    %convert_element_type3A_174 = arith.truncf %sub3A_173 : vector<256x256xf32> to vector<256x256xbf16>
    %dot_general3A = arith.constant dense<0.000000e+00> : vector<1024x256xf32>
    %dot_general3A_175 = tpu.matmul %convert_element_type3A, %convert_element_type3A_171, %dot_general3A {dimension_numbers = #tpu.dot_dimension_numbers<[1], [0], [0], [1], [0, 0, 1, 1], [], []>, transpose_lhs_hint = false} : vector<1024x256xbf16>, vector<256x256xbf16>, vector<1024x256xf32> -> vector<1024x256xf32>
    %dot_general3A_176 = arith.constant dense<0.000000e+00> : vector<1024x256xf32>
    %dot_general3A_177 = tpu.matmul %convert_element_type3A_170, %convert_element_type3A_171, %dot_general3A_176 {dimension_numbers = #tpu.dot_dimension_numbers<[1], [0], [0], [1], [0, 0, 1, 1], [], []>, transpose_lhs_hint = false} : vector<1024x256xbf16>, vector<256x256xbf16>, vector<1024x256xf32> -> vector<1024x256xf32>
    %dot_general3A_178 = arith.constant dense<0.000000e+00> : vector<1024x256xf32>
    %dot_general3A_179 = tpu.matmul %convert_element_type3A, %convert_element_type3A_174, %dot_general3A_178 {dimension_numbers = #tpu.dot_dimension_numbers<[1], [0], [0], [1], [0, 0, 1, 1], [], []>, transpose_lhs_hint = false} : vector<1024x256xbf16>, vector<256x256xbf16>, vector<1024x256xf32> -> vector<1024x256xf32>
    %add3A_180 = arith.addf %dot_general3A_177, %dot_general3A_179 : vector<1024x256xf32>
    %add3A_181 = arith.addf %dot_general3A_175, %add3A_180 : vector<1024x256xf32>
    %mul3A_182 = arith.mulf %add3A_181, %add3A_181 : vector<1024x256xf32>
    %get3A_183 = arith.constant 0 : index
    %get3A_184 = arith.constant 0 : index
    %get3A_185 = vector.load %arg6[%get3A_183, %get3A_184] : memref<256x8xf32, #tpu.memory_space<vmem>>, vector<256x8xf32>
    %convert_element_type3A_186 = arith.truncf %mul3A_182 : vector<1024x256xf32> to vector<1024x256xbf16>
    %convert_element_type3A_187 = arith.extf %convert_element_type3A_186 : vector<1024x256xbf16> to vector<1024x256xf32>
    %sub3A_188 = arith.subf %mul3A_182, %convert_element_type3A_187 : vector<1024x256xf32>
    %convert_element_type3A_189 = arith.truncf %sub3A_188 : vector<1024x256xf32> to vector<1024x256xbf16>
    %convert_element_type3A_190 = arith.truncf %get3A_185 : vector<256x8xf32> to vector<256x8xbf16>
    %dot_general3A_191 = arith.constant dense<0.000000e+00> : vector<1024x8xf32>
    %dot_general3A_192 = tpu.matmul %convert_element_type3A_186, %convert_element_type3A_190, %dot_general3A_191 {dimension_numbers = #tpu.dot_dimension_numbers<[1], [0], [0], [1], [0, 0, 1, 1], [], []>, transpose_lhs_hint = false} : vector<1024x256xbf16>, vector<256x8xbf16>, vector<1024x8xf32> -> vector<1024x8xf32>
    %dot_general3A_193 = arith.constant dense<0.000000e+00> : vector<1024x8xf32>
    %dot_general3A_194 = tpu.matmul %convert_element_type3A_189, %convert_element_type3A_190, %dot_general3A_193 {dimension_numbers = #tpu.dot_dimension_numbers<[1], [0], [0], [1], [0, 0, 1, 1], [], []>, transpose_lhs_hint = false} : vector<1024x256xbf16>, vector<256x8xbf16>, vector<1024x8xf32> -> vector<1024x8xf32>
    %add3A_195 = arith.addf %dot_general3A_192, %dot_general3A_194 : vector<1024x8xf32>
    %ge3A = arith.constant 0.000000e+00 : f32
    %ge3A_196 = vector.broadcast %ge3A : f32 to vector<1024x8xf32>
    %ge3A_197 = arith.cmpf oge, %add3A_195, %ge3A_196 : vector<1024x8xf32>
    %mul3A_198 = arith.constant 2.000000e-01 : f32
    %mul3A_199 = vector.broadcast %mul3A_198 : f32 to vector<1024x8xf32>
    %mul3A_200 = arith.mulf %mul3A_199, %add3A_195 : vector<1024x8xf32>
    %select_n3A_201 = arith.select %ge3A_197, %add3A_195, %mul3A_200 : vector<1024x8xi1>, vector<1024x8xf32>
    %swap3A = arith.constant 0 : index
    %swap3A_202 = arith.constant 0 : index
    %swap3A_203 = vector.load %arg7[%swap3A, %swap3A_202] : memref<1024x8xf32, #tpu.memory_space<vmem>>, vector<1024x8xf32>
    tpu.vector_store %arg7[%swap3A, %swap3A_202], %select_n3A_201 {strides = array<i32>} : memref<1024x8xf32, #tpu.memory_space<vmem>>, vector<1024x8xf32>,
    return
  }
  func.func @transform_0(%arg0: i32) -> (i32, i32) {
    %c0_i32 = arith.constant 0 : i32
    %c0_i32_0 = arith.constant 0 : i32
    return %arg0, %c0_i32 : i32, i32
  }
  func.func @transform_1(%arg0: i32) -> (i32, i32) {
    %add3A = arith.constant 10 : i32
    %add3A_0 = arith.addi %arg0, %add3A : i32
    %c0_i32 = arith.constant 0 : i32
    %c0_i32_1 = arith.constant 0 : i32
    return %add3A_0, %c0_i32 : i32, i32
  }
  func.func @transform_2(%arg0: i32) -> (i32, i32) {
    %c0_i32 = arith.constant 0 : i32
    %c0_i32_0 = arith.constant 0 : i32
    return %arg0, %c0_i32 : i32, i32
  }
  func.func @transform_3(%arg0: i32) -> (i32, i32) {
    %c0_i32 = arith.constant 0 : i32
    %c0_i32_0 = arith.constant 0 : i32
    return %arg0, %c0_i32 : i32, i32
  }
  func.func @transform_4(%arg0: i32) -> (i32, i32) {
    %c0_i32 = arith.constant 0 : i32
    %c0_i32_0 = arith.constant 0 : i32
    %c0_i32_1 = arith.constant 0 : i32
    return %c0_i32, %c0_i32_0 : i32, i32
  }
  func.func @transform_5(%arg0: i32) -> (i32, i32) {
    %c0_i32 = arith.constant 0 : i32
    %c0_i32_0 = arith.constant 0 : i32
    %c0_i32_1 = arith.constant 0 : i32
    return %c0_i32, %c0_i32_0 : i32, i32
  }
  func.func @transform_6(%arg0: i32) -> (i32, i32) {
    %c0_i32 = arith.constant 0 : i32
    %c0_i32_0 = arith.constant 0 : i32
    return %arg0, %c0_i32 : i32, i32
  }
}

module attributes {stable_mosaic.version = 14 : i64} {
  func.func @_pool_body(%arg0: i32, %arg1: memref<1024x8xf32, #tpu.memory_space<vmem>>, %arg2: memref<1024x1xi32, #tpu.memory_space<vmem>>, %arg3: memref<2x8xf32, #tpu.memory_space<vmem>>, %arg4: memref<1x2xf32, #tpu.memory_space<vmem>>, %arg5: memref<128x2xf32, #tpu.memory_space<vmem>>, %arg6: memref<128x8xf32, #tpu.memory_space<vmem>>, %arg7: memref<128x1xf32, #tpu.memory_space<vmem>>) attributes {dimension_semantics = [#tpu.dimension_semantics<arbitrary>], iteration_bounds = array<i64: 10>, scalar_prefetch = 0 : i64, scratch_operands = 2 : i64, tpu.core_type = #tpu.core_type<tc>, window_params = [{transform_indices = @transform_0, window_bounds = array<i64: 1024, 8>}, {transform_indices = @transform_1, window_bounds = array<i64: 1024, 1>}, {pipeline_mode = #tpu.pipeline_mode<synchronous>, transform_indices = @transform_2, window_bounds = array<i64: 2, 8>}, {pipeline_mode = #tpu.pipeline_mode<synchronous>, transform_indices = @transform_3, window_bounds = array<i64: 1, 2>}, {pipeline_mode = #tpu.pipeline_mode<synchronous>, transform_indices = @transform_4, window_bounds = array<i64: 128, 2>}]} {
    %eq3A = arith.constant 0 : i32
    %eq3A_0 = arith.cmpi eq, %arg0, %eq3A : i32
    %convert_element_type3A = arith.extui %eq3A_0 : i1 to i32
    %cond3A = arith.constant 0 : i32
    %cond3A_1 = arith.cmpi ne, %convert_element_type3A, %cond3A : i32
    scf.if %cond3A_1 {
      %broadcast_in_dim3A_40 = arith.constant 0.000000e+00 : f32
      %broadcast_in_dim3A_41 = vector.broadcast %broadcast_in_dim3A_40 : f32 to vector<128x8xf32>
      %swap3A_42 = arith.constant 0 : index
      %swap3A_43 = arith.constant 0 : index
      %swap3A_44 = vector.load %arg6[%swap3A_42, %swap3A_43] : memref<128x8xf32, #tpu.memory_space<vmem>>, vector<128x8xf32>
      tpu.vector_store %arg6[%swap3A_42, %swap3A_43], %broadcast_in_dim3A_41 {strides = array<i32>} : memref<128x8xf32, #tpu.memory_space<vmem>>, vector<128x8xf32>,
      %broadcast_in_dim3A_45 = arith.constant 0.000000e+00 : f32
      %broadcast_in_dim3A_46 = vector.broadcast %broadcast_in_dim3A_45 : f32 to vector<128x1xf32>
      %swap3A_47 = arith.constant 0 : index
      %swap3A_48 = arith.constant 0 : index
      %swap3A_49 = vector.load %arg7[%swap3A_47, %swap3A_48] : memref<128x1xf32, #tpu.memory_space<vmem>>, vector<128x1xf32>
      tpu.vector_store %arg7[%swap3A_47, %swap3A_48], %broadcast_in_dim3A_46 {strides = array<i32>} : memref<128x1xf32, #tpu.memory_space<vmem>>, vector<128x1xf32>,
    } else {
    }
    %get3A = arith.constant 0 : index
    %get3A_2 = arith.constant 0 : index
    %get3A_3 = vector.load %arg2[%get3A, %get3A_2] : memref<1024x1xi32, #tpu.memory_space<vmem>>, vector<1024x1xi32>
    %iota3A = tpu.iota {dimensions = array<i32: 1>} : vector<1x128xi32>
    %eq3A_4 = vector.broadcast %get3A_3 : vector<1024x1xi32> to vector<1024x128xi32>
    %eq3A_5 = vector.broadcast %iota3A : vector<1x128xi32> to vector<1024x128xi32>
    %eq3A_6 = arith.cmpi eq, %eq3A_4, %eq3A_5 : vector<1024x128xi32>
    %convert_element_type3A_7 = arith.extui %eq3A_6 : vector<1024x128xi1> to vector<1024x128xi32>
    %convert_element_type3A_8 = arith.sitofp %convert_element_type3A_7 : vector<1024x128xi32> to vector<1024x128xf32>
    %convert_element_type3A_9 = arith.truncf %convert_element_type3A_8 : vector<1024x128xf32> to vector<1024x128xbf16>
    %get3A_10 = arith.constant 0 : index
    %get3A_11 = arith.constant 0 : index
    %get3A_12 = vector.load %arg1[%get3A_10, %get3A_11] : memref<1024x8xf32, #tpu.memory_space<vmem>>, vector<1024x8xf32>
    %convert_element_type3A_13 = arith.truncf %get3A_12 : vector<1024x8xf32> to vector<1024x8xbf16>
    %convert_element_type3A_14 = arith.extf %convert_element_type3A_13 : vector<1024x8xbf16> to vector<1024x8xf32>
    %sub3A = arith.subf %get3A_12, %convert_element_type3A_14 : vector<1024x8xf32>
    %convert_element_type3A_15 = arith.truncf %sub3A : vector<1024x8xf32> to vector<1024x8xbf16>
    %get3A_16 = arith.constant 0 : index
    %get3A_17 = arith.constant 0 : index
    %get3A_18 = vector.load %arg6[%get3A_16, %get3A_17] : memref<128x8xf32, #tpu.memory_space<vmem>>, vector<128x8xf32>
    %dot_general3A = arith.constant dense<0.000000e+00> : vector<128x8xf32>
    %dot_general3A_19 = tpu.matmul %convert_element_type3A_9, %convert_element_type3A_13, %dot_general3A {dimension_numbers = #tpu.dot_dimension_numbers<[0], [0], [1], [1], [0, 1, 1, 1], [], []>, transpose_lhs_hint = false} : vector<1024x128xbf16>, vector<1024x8xbf16>, vector<128x8xf32> -> vector<128x8xf32>
    %dot_general3A_20 = arith.constant dense<0.000000e+00> : vector<128x8xf32>
    %dot_general3A_21 = tpu.matmul %convert_element_type3A_9, %convert_element_type3A_15, %dot_general3A_20 {dimension_numbers = #tpu.dot_dimension_numbers<[0], [0], [1], [1], [0, 1, 1, 1], [], []>, transpose_lhs_hint = false} : vector<1024x128xbf16>, vector<1024x8xbf16>, vector<128x8xf32> -> vector<128x8xf32>
    %add3A = arith.addf %dot_general3A_19, %dot_general3A_21 : vector<128x8xf32>
    %add3A_22 = arith.addf %get3A_18, %add3A : vector<128x8xf32>
    %swap3A = arith.constant 0 : index
    %swap3A_23 = arith.constant 0 : index
    %swap3A_24 = vector.load %arg6[%swap3A, %swap3A_23] : memref<128x8xf32, #tpu.memory_space<vmem>>, vector<128x8xf32>
    tpu.vector_store %arg6[%swap3A, %swap3A_23], %add3A_22 {strides = array<i32>} : memref<128x8xf32, #tpu.memory_space<vmem>>, vector<128x8xf32>,
    %get3A_25 = arith.constant 0 : index
    %get3A_26 = arith.constant 0 : index
    %get3A_27 = vector.load %arg7[%get3A_25, %get3A_26] : memref<128x1xf32, #tpu.memory_space<vmem>>, vector<128x1xf32>
    %broadcast_in_dim3A = arith.constant 1.000000e+00 : bf16
    %broadcast_in_dim3A_28 = vector.broadcast %broadcast_in_dim3A : bf16 to vector<1024x1xbf16>
    %dot_general3A_29 = arith.constant dense<0.000000e+00> : vector<128x1xf32>
    %dot_general3A_30 = tpu.matmul %convert_element_type3A_9, %broadcast_in_dim3A_28, %dot_general3A_29 {dimension_numbers = #tpu.dot_dimension_numbers<[0], [0], [1], [1], [0, 1, 1, 1], [], []>, transpose_lhs_hint = false} : vector<1024x128xbf16>, vector<1024x1xbf16>, vector<128x1xf32> -> vector<128x1xf32>
    %add3A_31 = arith.addf %get3A_27, %dot_general3A_30 : vector<128x1xf32>
    %swap3A_32 = arith.constant 0 : index
    %swap3A_33 = arith.constant 0 : index
    %swap3A_34 = vector.load %arg7[%swap3A_32, %swap3A_33] : memref<128x1xf32, #tpu.memory_space<vmem>>, vector<128x1xf32>
    tpu.vector_store %arg7[%swap3A_32, %swap3A_33], %add3A_31 {strides = array<i32>} : memref<128x1xf32, #tpu.memory_space<vmem>>, vector<128x1xf32>,
    %eq3A_35 = arith.constant 9 : i32
    %eq3A_36 = arith.cmpi eq, %arg0, %eq3A_35 : i32
    %convert_element_type3A_37 = arith.extui %eq3A_36 : i1 to i32
    %cond3A_38 = arith.constant 0 : i32
    %cond3A_39 = arith.cmpi ne, %convert_element_type3A_37, %cond3A_38 : i32
    scf.if %cond3A_39 {
      %get3A_40 = arith.constant 0 : index
      %get3A_41 = arith.constant 0 : index
      %get3A_42 = vector.load %arg6[%get3A_40, %get3A_41] : memref<128x8xf32, #tpu.memory_space<vmem>>, vector<128x8xf32>
      %get3A_43 = arith.constant 0 : index
      %get3A_44 = arith.constant 0 : index
      %get3A_45 = vector.load %arg7[%get3A_43, %get3A_44] : memref<128x1xf32, #tpu.memory_space<vmem>>, vector<128x1xf32>
      %max3A = arith.constant 1.000000e+00 : f32
      %max3A_46 = vector.broadcast %max3A : f32 to vector<128x1xf32>
      %max3A_47 = arith.maximumf %get3A_45, %max3A_46 : vector<128x1xf32>
      %div3A = vector.broadcast %max3A_47 : vector<128x1xf32> to vector<128x8xf32>
      %div3A_48 = arith.divf %get3A_42, %div3A : vector<128x8xf32>
      %convert_element_type3A_49 = arith.truncf %div3A_48 : vector<128x8xf32> to vector<128x8xbf16>
      %get3A_50 = arith.constant 0 : index
      %get3A_51 = arith.constant 0 : index
      %get3A_52 = vector.load %arg3[%get3A_50, %get3A_51] : memref<2x8xf32, #tpu.memory_space<vmem>>, vector<2x8xf32>
      %convert_element_type3A_53 = arith.truncf %get3A_52 : vector<2x8xf32> to vector<2x8xbf16>
      %dot_general3A_54 = arith.constant dense<0.000000e+00> : vector<128x2xf32>
      %dot_general3A_55 = tpu.matmul %convert_element_type3A_49, %convert_element_type3A_53, %dot_general3A_54 {dimension_numbers = #tpu.dot_dimension_numbers<[1], [1], [0], [0], [0, 0, 1, 0], [], []>, transpose_lhs_hint = false} : vector<128x8xbf16>, vector<2x8xbf16>, vector<128x2xf32> -> vector<128x2xf32>
      %get3A_56 = arith.constant 0 : index
      %get3A_57 = arith.constant 0 : index
      %get3A_58 = vector.load %arg4[%get3A_56, %get3A_57] : memref<1x2xf32, #tpu.memory_space<vmem>>, vector<1x2xf32>
      %add3A_59 = vector.broadcast %get3A_58 : vector<1x2xf32> to vector<128x2xf32>
      %add3A_60 = arith.addf %dot_general3A_55, %add3A_59 : vector<128x2xf32>
      %swap3A_61 = arith.constant 0 : index
      %swap3A_62 = arith.constant 0 : index
      %swap3A_63 = vector.load %arg5[%swap3A_61, %swap3A_62] : memref<128x2xf32, #tpu.memory_space<vmem>>, vector<128x2xf32>
      tpu.vector_store %arg5[%swap3A_61, %swap3A_62], %add3A_60 {strides = array<i32>} : memref<128x2xf32, #tpu.memory_space<vmem>>, vector<128x2xf32>,
    } else {
    }
    return
  }
  func.func @transform_0(%arg0: i32) -> (i32, i32) {
    %c0_i32 = arith.constant 0 : i32
    %c0_i32_0 = arith.constant 0 : i32
    return %arg0, %c0_i32 : i32, i32
  }
  func.func @transform_1(%arg0: i32) -> (i32, i32) {
    %c0_i32 = arith.constant 0 : i32
    %c0_i32_0 = arith.constant 0 : i32
    return %arg0, %c0_i32 : i32, i32
  }
  func.func @transform_2(%arg0: i32) -> (i32, i32) {
    %c0_i32 = arith.constant 0 : i32
    %c0_i32_0 = arith.constant 0 : i32
    %c0_i32_1 = arith.constant 0 : i32
    return %c0_i32, %c0_i32_0 : i32, i32
  }
  func.func @transform_3(%arg0: i32) -> (i32, i32) {
    %c0_i32 = arith.constant 0 : i32
    %c0_i32_0 = arith.constant 0 : i32
    %c0_i32_1 = arith.constant 0 : i32
    return %c0_i32, %c0_i32_0 : i32, i32
  }
  func.func @transform_4(%arg0: i32) -> (i32, i32) {
    %c0_i32 = arith.constant 0 : i32
    %c0_i32_0 = arith.constant 0 : i32
    %c0_i32_1 = arith.constant 0 : i32
    return %c0_i32, %c0_i32_0 : i32, i32
  }
}

</mosaic_0001>

<sc_bundles>
// kernel: sc_degree.3.cloned.1.call-start
scs
__scs_entry_jumppad:
0x0: {  	(pc) =	sbr.rel $0x88, $3  }
0x1: {  	(tag) =	ssettag $0x0;
	lr =	simm.s32 $0x1  }
0x2: {  	[smem:$0x3F9A] =	sst lr;
	_ =	strace $0xD0000000  }
0x3: {  	_ = 	snop  }
0x4: {  	_ = 	snop  }
0x5: {  	_ = 	snop  }
0x6: {  	_ = 	snop  }
0x7: {  	_ = 	snop  }
__scs_overlays_trampoline_lowered:
0x8: {  	[smem:$0x3FA9] =	sst s0  }
0x9: {  	[smem:$0x3FAA] =	sst s1  }
0xa: {  	[smem:$0x3FAB] =	sst s2  }
0xb: {  	[smem:$0x3FAC] =	sst s3  }
0xc: {  	[smem:$0x3FAD] =	sst s4  }
0xd: {  	[smem:$0x3FAE] =	sst s5  }
0xe: {  	[smem:$0x3FAF] =	sst s6  }
0xf: {  	[smem:$0x3FB0] =	sst s7  }
0x10: {  	[smem:$0x3FB1] =	sst s8  }
0x11: {  	[smem:$0x3FB2] =	sst s9;
	s0 =	simm.s32 @!p0 $0x0  }
0x12: {  	s1 =	sld [smem:$0x3F98];
	s0 =	simm.s32 @p0 $0x1  }
0x13: {  	[smem:$0x3FB3] =	sst s0;
	s0 =	simm.s32 @!p1 $0x0  }
0x14: {  	s2 =	sld [smem:$0x3F97];
	s0 =	simm.s32 @p1 $0x1  }
0x15: {  	[smem:$0x3FB4] =	sst s0;
	s0 =	simm.s32 @!p2 $0x0  }
0x16: {  	s3 =	sld [smem:$0x3FDB];
	s0 =	simm.s32 @p2 $0x1  }
0x17: {  	s4 =	simm.s32 $0x1BF5;
	[smem:$0x3FB6] =	sst s0  }
0x18: {  	s0 =	sld [smem:$0x3F99];
	_ =	swait.ge [sflag:s4], $0x0  }
0x19: {  	s7 =	sld [smem:$0x3F9A]  }
0x1a: {  	s8 =	sadd.s32 $0xFFFFE003, lr  }
0x1b: {  	s9 =	sadd.s32 $0xFFFFFEF7, lr;
	s5 =	simm.s32 $0xFFFFFFFF;
	p2 =	slt.u32 s8, $0xFFFFF086  }
0x1c: {  	p1 =	slt.u32 s9, $0xF7A;
	s5 =	simm.s32 @!p2 $0x0  }
0x1d: {  	s5 =	simm.s32 @p1 $0x1;
	p0 =	seq.s32 s7, s2  }
0x1e: {  	s7 =	smul.u32 @!p0 $0xF7A, s2;
	p2 =	seq.s32 @!p0 s5, $0x0  }
0x1f: {  	s9 =	smul.u32 $0xF7A, s1;
	s8 =	simm.s32 @!p0 $0x1BF5;
	p2 =	por !p2, p0  }
0x20: {  	[sflag:s8] =	ssyncset.s32 @!p0 $0xFFFFF086;
	s6 =	sadd.s32 @!p0 s3, s7;
	s7 =	simm.s32 @!p0 $0x108  }
0x21: {  	s3 =	sadd.s32 s3, s9;
	s6 =	sadd.s32 @!p0 $0x88, s6;
	s7 =	simm.s32 @p2 $0x1082  }
0x22: {  	[simem:s7], [sflag:s8] =	dma.local @!p0 [hbm:s6], $0xF7A  }
0x23: {  	s9 =	sor.u32 $0xD0000000, s2;
	s6 =	simm.s32 $0x108;
	_ =	swait.ge @!p0 [sflag:s8], $0x0  }
0x24: {  	s3 =	sadd.s32 $0x88, s3;
	s6 =	simm.s32 @!p1 $0x1082;
	[sflag:s4] =	ssyncset.s32 $0xFFFFF086  }
0x25: {  	[simem:s6], [sflag:s4] =	dma.local [hbm:s3], $0xF7A  }
0x26: {  	[smem:$0x3F9A] =	sst s1;
	(tag) =	ssettag s2;
	_ =	strace s9  }
0x27: {  	s1 =	sld [smem:$0x3FAA]  }
0x28: {  	s2 =	sld [smem:$0x3FAB]  }
0x29: {  	s4 =	sld [smem:$0x3FAD]  }
0x2a: {  	p0 =	seq.s32 s5, $0x0;
	s5 =	sld [smem:$0x3FAE]  }
0x2b: {  	s6 =	sld [smem:$0x3FAF]  }
0x2c: {  	s7 =	sld [smem:$0x3FB0]  }
0x2d: {  	s3 =	simm.s32 $0x108;
	s8 =	sld [smem:$0x3FB1]  }
0x2e: {  	s3 =	simm.s32 @!p0 $0x1082;
	s9 =	sld [smem:$0x3FB2]  }
0x2f: {  	lr =	sadd.s32 s0, s3;
	s0 =	sld [smem:$0x3FA9]  }
0x30: {  	s3 =	sld [smem:$0x3FAC]  }
0x31: {  	[smem:$0x3FB5] =	sst s10  }
0x32: {  	s10 =	sld [smem:$0x3FB3];
	_ =	sdelay $0x3  }
0x33: {  	p0 =	seq.s32 s10, $0x1;
	s10 =	sld [smem:$0x3FB5];
	_ =	sdelay $0x3  }
0x34: {  	[smem:$0x3FB5] =	sst s10  }
0x35: {  	s10 =	sld [smem:$0x3FB4];
	_ =	sdelay $0x3  }
0x36: {  	p1 =	seq.s32 s10, $0x1;
	s10 =	sld [smem:$0x3FB5];
	_ =	sdelay $0x3  }
0x37: {  	[smem:$0x3FB5] =	sst s10  }
0x38: {  	s10 =	sld [smem:$0x3FB6]  }
0x39: {  	_ = 	snop;
	(pc) =	sbr.ind lr, $3  }
0x3a: {  	_ = 	snop  }
0x3b: {  	_ = 	snop  }
0x3c: {  	p2 =	seq.s32 s10, $0x1;
	s10 =	sld [smem:$0x3FB5]  }
0x3d: {  	_ =	shalt  }
0x3e: {  	_ =	shalt  }
0x3f: {  	_ =	shalt  }
0x40: {  	_ =	shalt  }
0x41: {  	_ =	shalt  }
0x42: {  	_ =	shalt  }
0x43: {  	_ =	shalt  }
0x44: {  	_ =	shalt  }
0x45: {  	_ =	shalt  }
0x46: {  	_ =	shalt  }
0x47: {  	_ =	shalt  }
0x48: {  	_ =	shalt  }
0x49: {  	_ =	shalt  }
0x4a: {  	_ =	shalt  }
0x4b: {  	_ =	shalt  }
0x4c: {  	_ =	shalt  }
0x4d: {  	_ =	shalt  }
0x4e: {  	_ =	shalt  }
0x4f: {  	_ =	shalt  }
0x50: {  	_ =	shalt  }
0x51: {  	_ =	shalt  }
0x52: {  	_ =	shalt  }
0x53: {  	_ =	shalt  }
0x54: {  	_ =	shalt  }
0x55: {  	_ =	shalt  }
0x56: {  	_ =	shalt  }
0x57: {  	_ =	shalt  }
0x58: {  	_ =	shalt  }
0x59: {  	_ =	shalt  }
0x5a: {  	_ =	shalt  }
0x5b: {  	_ =	shalt  }
0x5c: {  	_ =	shalt  }
0x5d: {  	_ =	shalt  }
0x5e: {  	_ =	shalt  }
0x5f: {  	_ =	shalt  }
0x60: {  	_ =	shalt  }
0x61: {  	_ =	shalt  }
0x62: {  	_ =	shalt  }
0x63: {  	_ =	shalt  }
0x64: {  	_ =	shalt  }
0x65: {  	_ =	shalt  }
0x66: {  	_ =	shalt  }
0x67: {  	_ =	shalt  }
0x68: {  	_ =	shalt  }
0x69: {  	_ =	shalt  }
0x6a: {  	_ =	shalt  }
0x6b: {  	_ =	shalt  }
0x6c: {  	_ =	shalt  }
0x6d: {  	_ =	shalt  }
0x6e: {  	_ =	shalt  }
0x6f: {  	_ =	shalt  }
0x70: {  	_ =	shalt  }
0x71: {  	_ =	shalt  }
0x72: {  	_ =	shalt  }
0x73: {  	_ =	shalt  }
0x74: {  	_ =	shalt  }
0x75: {  	_ =	shalt  }
0x76: {  	_ =	shalt  }
0x77: {  	_ =	shalt  }
0x78: {  	_ =	shalt  }
0x79: {  	_ =	shalt  }
0x7a: {  	_ =	shalt  }
0x7b: {  	_ =	shalt  }
0x7c: {  	_ =	shalt  }
0x7d: {  	_ =	shalt  }
0x7e: {  	_ =	shalt  }
0x7f: {  	_ =	shalt  }
0x80: {  	_ =	shalt  }
0x81: {  	_ =	shalt  }
0x82: {  	_ =	shalt  }
0x83: {  	_ =	shalt  }
0x84: {  	_ =	shalt  }
0x85: {  	_ =	shalt  }
0x86: {  	_ =	shalt  }
0x87: {  	_ =	shalt  }
.Lfunc_end0:
.L_simem_size_0:
called_computation_lowered:
.L_overlay_start_0:
0x88: {  	s2 =	sld [smem:$0x3FD9]  }
0x89: {  	s3 =	sld [smem:$0x3FFE];
	_ =	sdelay $0x1  }
0x8a: {  	s1 =	srdreg.scid  }
0x8b: {  	s0 =	sand.u32 $0x1, s1  }
0x8c: {  	s16 =	sshll.u32 s0, $0xA;
	s2 =	sadd.s32 s3, s2  }
0x8d: {  	s2 =	sadd.s32 s2, s16  }
0x8e: {  	[smem:$0x3FC1] =	sst s2  }
0x8f: {  	_ = 	snop  }
0x90: {  	(tm) =	ssettm $0x1  }
0x91: {  	s17 =	sld [smem:$0x3FFB];
	_ =	sdelay $0x3  }
0x92: {  	_ =	strace s17  }
0x93: {  	s2 =	sld [smem:$0x3FFC];
	_ =	sdelay $0x3  }
0x94: {  	_ =	strace s2  }
0x95: {  	s2 =	sld [smem:$0x3FFD];
	_ =	sdelay $0x3  }
0x96: {  	_ =	strace s2  }
0x97: {  	_ =	strace $0x8FFFFFFF  }
0x98: {  	s18 =	sld [smem:$0x3FDB];
	_ =	sdelay $0x1  }
0x99: {  	s19 =	simm.s32 $_scs_section_size  }
0x9a: {  	s4 =	simm.s32 $_size__tile_overlayer_lowered;
	s5 =	simm.s32 $_tile_overlayer_lowered  }
0x9b: {  	s22 =	simm.s32 $0x1BFF;
	s21 =	sshll.u32 s5, $0x1;
	s2 =	sadd.s32 s19, s18  }
0x9c: {  	s6 =	simm.s32 $0x0;
	s20 =	sshll.u32 s4, $0x1;
	s4 =	sadd.s32 s21, s2  }
0x9d: {  	[timem:s6], [sflag:s22] =	dma.local [hbm:s4], s20  }
0x9e: {  	_ =	swait.ge [sflag:s22], s20  }
0x9f: {  	s3 =	ssub.s32 $0x0, s20;
	[sflag:s22] =	ssyncset.done $0x0  }
0xa0: {  	[sflag:s22] =	ssyncadd.s32 s3;
	_ =	sdelay $0x1  }
0xa1: {  	s23 =	simm.s32 $0x1B8B  }
0xa2: {  	_ =	swait.ge [sflag:s23], $0x1  }
0xa3: {  	[sflag:s23] =	ssyncset.done $0x0  }
0xa4: {  	s25 =	simm.s32 $0x1B8E;
	s24 =	sld [smem:$0x3FFE];
	[sflag:s23] =	ssyncadd.s32 $0xFFFFFFFF  }
0xa5: {  	s26 =	simm.s32 $execute0_lowered;
	[smem:$0x3FD2] =	sst s25  }
0xa6: {  	s4 =	sshll.u32 s26, $0x1;
	_ =	strace $0x80000046;
	[dreg:$0x1] =	wrdreg $0xFFFFFFFF  }
0xa7: {  	s28 =	simm.s32 $_size_execute0_lowered;
	s2 =	sadd.s32 s2, s4;
	[dreg:$0x0] =	wrdreg $0x0  }
0xa8: {  	s4 =	sshll.u32 s28, $0x1;
	[dreg:$0x2] =	wrdreg s2  }
0xa9: {  	[dreg:$0x3] =	wrdreg s4  }
0xaa: {  	[dreg:$0x4] =	wrdreg $0xC0  }
0xab: {  	_ =	task [dreg:s6], $0x5FFFF  }
0xac: {  	[dreg:$0x1] =	wrdreg $0xFFFFFFFF  }
0xad: {  	[dreg:$0x0] =	wrdreg $0x60  }
0xae: {  	[dreg:$0x2] =	wrdreg s24  }
0xaf: {  	[dreg:$0x3] =	wrdreg $0x90000  }
0xb0: {  	[dreg:$0x4] =	wrdreg $0x9  }
0xb1: {  	_ =	task.clear_ibuf [dreg:s6], $0x5FFFF;
	_ =	strace $0x90000046  }
0xb2: {  	s29 =	simm.s32 $0x9;
	_ =	strace $0x80000048  }
0xb3: {  	_ =	swait.ge [sflag:s29], $0x1  }
0xb4: {  	[sflag:s29] =	ssyncadd.s32 $0xFFFFFFFF  }
0xb5: {  	_ =	strace $0x90000048  }
0xb6: {  	_ =	sfence  }
0xb7: {  	s30 =	sld [smem:$0x0];
	_ =	sdelay $0x2  }
0xb8: {  	s31 =	sshll.u32 s1, $0xD;
	s1 =	sshrl.u32 s1, $0x2  }
0xb9: {  	s3 =	sand.u32 $0x4000, s31;
	s1 =	sadd.s32 s1, s30  }
0xba: {  	s0 =	sor.u32 s3, s0;
	s1 =	sshll.u32 s1, $0x11  }
0xbb: {  	s0 =	sor.u32 s1, s0  }
0xbc: {  	s0 =	sadd.s32 $0x8F2B, s0  }
0xbd: {  	[sflag:s0] =	ssyncadd.remote.s32 $0x1  }
0xbe: {  	_ =	sfence.sel $0xFFFF  }
0xbf: {  	[dreg:$0x0] =	wrdreg $0xFFFFFFFF;
	(pc) =	sbr.abs _section_cstart, $3  }
0xc0: {  	[dreg:$0x1] =	wrdreg $0xFFFFFFFF  }
0xc1: {  	_ =	task.clear_ibuf [dreg:s6], $0x2FFFF;
	_ =	strace $0x9FFFFFFF  }
0xc2: {  	(tm) =	ssettm $0x7FFFFFFF  }
0xc3: {  	_ =	shalt  }
tec
execute0_lowered:
.L_overlay_start_1:
0x0: {  	(tag) =	ssettag $0x1  }
0x1: {  	s1 =	srdreg.scid  }
0x2: {  	s0 =	stileid.u32;
	s7 =	rddreg [dreg:$0x0]  }
0x3: {  	s2 =	rddreg [dreg:$0x1];
	s3 =	simm.s32 $0x0;
	s13 =	simm.s32 $0x2800  }
0x4: {  	s14 =	simm.s32 $0x80;
	s15 =	simm.s32 $0x6800;
	s16 =	simm.s32 $0x0  }
0x5: {  	s6 =	sand.u32 $0x1, s1;
	s26 =	sshll.u32 s0, $0x1;
	s8 =	smul.u32 $0x500, s0  }
0x6: {  	[smem:$0x7FF] =	sst s3;
	s4 =	sadd.s32 $0x15E00, s7;
	s28 =	smul.u32 $0xA000, s0  }
0x7: {  	s31 =	sshll.u32 s0, $0x6;
	s1 =	sor.u32 s6, s26;
	s9 =	smul.u32 $0x5000, s6  }
0x8: {  	s6 =	ssub.s32 $0x2, s6;
	s5 =	smul.u32 $0x500, s1;
	s1 =	rddreg [dreg:$0x2]  }
0x9: {  	_ =	strace $0x80000047;
	s29 =	sshrl.u32 s6, $0x1;
	s30 =	sshrl.u32 s28, $0x2  }
0xa: {  	s8 =	sadd.s32 s8, s9;
	s12 =	ssub.s32 s6, s29;
	s6 =	sadd.s32 s30, s2  }
0xb: {  	s10 =	sadd.s32 s5, s7;
	s5 =	sadd.s32 $0x15800, s7;
	s11 =	sadd.s32 s8, s7  }
0xc: {  	s7 =	sor.u32 $0x1C01, s31;
	s8 =	sadd.s32 $0x1800, s10;
	s9 =	sadd.s32 $0x16000, s11  }
0xd: {  	s10 =	smax.u32 s12, $0x1;
	s11 =	sshrl.u32 s6, $0x3;
	s12 =	simm.s32 $0x1  }
.LBB2_1:
0xe: {  	[spmem:s11], [sflag:s7] =	dma.local [hbm:s5], $0x500  }
0xf: {  	_ =	swait.ge [sflag:s12], $0x500  }
0x10: {  	[sflag:s12] =	ssyncset.done $0x0  }
0x11: {  	[sflag:s12] =	ssyncadd.s32 $0xFFFFFB00  }
0x12: {  	[bflag:$0x0] =	sbarrier.arrive $0xFFFF  }
0x13: {  	[tilespmem:s3], [sflag:$0x1] =	stream.linear.gather [hbm4b:s8+s3], $0x2800, $0x38;
	[tilespmem:$0xB800] =	vst v63  }
0x14: {  	_ =	swait.ge [sflag:s12], $0x2800  }
0x15: {  	[sflag:s12] =	ssyncset.done $0x0  }
0x16: {  	[sflag:s12] =	ssyncadd.s32 $0xFFFFD800  }
0x17: {  	[tilespmem:s13], [sflag:$0x1] =	stream.linear.gather [hbm4b:s4+s3], $0x800, $0x38;
	[tilespmem:$0xB800] =	vst v63  }
0x18: {  	_ =	swait.ge [sflag:s12], $0x800  }
0x19: {  	[sflag:s12] =	ssyncset.done $0x0  }
0x1a: {  	s17 =	simm.s32 $0x0;
	[sflag:s12] =	ssyncadd.s32 $0xFFFFF800  }
0x1b: {  	[spmem:s2] =	stream.indirect.scatter.add.f32 [tilespmem:s13], [sflag:$0x1], $0x10, s17, s14, $0xb8;
	[tilespmem:$0xB800] =	vst v63  }
0x1c: {  	_ =	swait.ge [sflag:s12], $0x800  }
0x1d: {  	s17 =	simm.s32 $0x200;
	[sflag:s12] =	ssyncset.done $0x0  }
.LBB2_2:
0x1e: {  	s18 =	sshra.s32 s17, $0x2;
	[sflag:s12] =	ssyncadd.s32 $0xFFFFF800;
	p0 =	sne.s32 s17, $0x9E00  }
0x1f: {  	[spmem:s2] =	stream.indirect.scatter.add.f32 [tilespmem:s13], [sflag:$0x1], $0x10, s18, s14, $0xb8;
	[tilespmem:$0xB800] =	vst v63  }
.Ltmp0:
0x20: {  	_ = 	snop;
	(pc) =	sbr.rel @p0 .LBB2_2-.Ltmp0, $4  }
0x21: {  	_ = 	snop  }
0x22: {  	s17 =	sadd.s32 $0x200, s17  }
0x23: {  	_ =	swait.ge [sflag:s12], $0x800  }
0x24: {  	[sflag:s12] =	ssyncset.done $0x0  }
0x25: {  	[sflag:s12] =	ssyncadd.s32 $0xFFFFF800  }
0x26: {  	[bflag:$0x0] =	sbarrier.arrive $0xFFFF  }
0x27: {  	[tilespmem:s15], [sflag:$0x1] =	stream.linear.gather [spmem:s6], $0x2800, $0x38;
	[tilespmem:$0xB800] =	vst v63  }
0x28: {  	s16 =	sadd.s32 $0x1, s16;
	_ =	swait.ge [sflag:s12], $0x2800  }
0x29: {  	p0 =	sne.s32 s16, s10;
	[sflag:s12] =	ssyncset.done $0x0  }
.Ltmp1:
0x2a: {  	[sflag:s12] =	ssyncadd.s32 $0xFFFFD800;
	(pc) =	sbr.rel @p0 .LBB2_1-.Ltmp1, $4  }
0x2b: {  	[hbm4b:s9+s3] =	stream.linear.scatter [tilespmem:s15], [sflag:$0x1], $0x2800, $0x38;
	[tilespmem:$0xB800] =	vst v63  }
0x2c: {  	_ =	swait.ge [sflag:s12], $0x2800  }
0x2d: {  	[sflag:s12] =	ssyncset.done $0x0  }
0x2e: {  	[sflag:s12] =	ssyncadd.s32 $0xFFFFD800  }
0x2f: {  	_ =	sfence.sel $0x180000  }
0x30: {  	[bflag:$0x0] =	sbarrier.arrive $0xFFFF  }
0x31: {  	p0 =	sne.s32 s0, $0x0;
	_ =	strace $0x90000047  }
0x32: {  	s0 =	sadd.s32 @!p0 $0x100000, s1;
	[bflag:$0x2] =	sbarrier.arrive $0xFFFF  }
0x33: {  	[sflag:s0] =	ssyncadd.tile.s32 @!p0 $0x1;
	_ =	shalt  }
.Lfunc_end2:
_tile_overlayer_lowered:
.L_overlay_start_2:
0x34: {  	(tag) =	ssettag $0x2  }
0x35: {  	s0 =	rddreg [dreg:$0x0];
	s2 =	stileid.u32  }
0x36: {  	s1 =	rddreg [dreg:$0x1];
	p0 =	sne.s32 s2, $0x0  }
0x37: {  	s3 =	rddreg [dreg:$0x2];
	[bflag:$0x3] =	sbarrier.arrive $0xFFFF;
	s2 =	simm.s32 @!p0 $0x1C01  }
0x38: {  	[timem:s3], [sflag:s2] =	dma.local @!p0 [hbm:s0], s1  }
0x39: {  	s0 =	simm.s32 @!p0 $0x1  }
0x3a: {  	_ =	swait.ge @!p0 [sflag:s0], s1  }
0x3b: {  	s1 =	ssub.s32 @!p0 $0x0, s1;
	[sflag:s0] =	ssyncset.done @!p0 $0x0  }
0x3c: {  	[sflag:s0] =	ssyncadd.s32 @!p0 s1  }
0x3d: {  	[bflag:$0x3] =	sbarrier.arrive $0xFFFF  }
0x3e: {  	_ =	shalt  }

// kernel: sc_edge_scatter.4.cloned.1.call-start
scs
__scs_entry_jumppad:
0x0: {  	(pc) =	sbr.rel $0x88, $3  }
0x1: {  	(tag) =	ssettag $0x0;
	lr =	simm.s32 $0x1  }
0x2: {  	[smem:$0x3F9A] =	sst lr;
	_ =	strace $0xD0000000  }
0x3: {  	_ = 	snop  }
0x4: {  	_ = 	snop  }
0x5: {  	_ = 	snop  }
0x6: {  	_ = 	snop  }
0x7: {  	_ = 	snop  }
__scs_overlays_trampoline_lowered:
0x8: {  	[smem:$0x3FA9] =	sst s0  }
0x9: {  	[smem:$0x3FAA] =	sst s1  }
0xa: {  	[smem:$0x3FAB] =	sst s2  }
0xb: {  	[smem:$0x3FAC] =	sst s3  }
0xc: {  	[smem:$0x3FAD] =	sst s4  }
0xd: {  	[smem:$0x3FAE] =	sst s5  }
0xe: {  	[smem:$0x3FAF] =	sst s6  }
0xf: {  	[smem:$0x3FB0] =	sst s7  }
0x10: {  	[smem:$0x3FB1] =	sst s8  }
0x11: {  	[smem:$0x3FB2] =	sst s9;
	s0 =	simm.s32 @!p0 $0x0  }
0x12: {  	s1 =	sld [smem:$0x3F98];
	s0 =	simm.s32 @p0 $0x1  }
0x13: {  	[smem:$0x3FB3] =	sst s0;
	s0 =	simm.s32 @!p1 $0x0  }
0x14: {  	s2 =	sld [smem:$0x3F97];
	s0 =	simm.s32 @p1 $0x1  }
0x15: {  	[smem:$0x3FB4] =	sst s0;
	s0 =	simm.s32 @!p2 $0x0  }
0x16: {  	s3 =	sld [smem:$0x3FDB];
	s0 =	simm.s32 @p2 $0x1  }
0x17: {  	s4 =	simm.s32 $0x1BF5;
	[smem:$0x3FB6] =	sst s0  }
0x18: {  	s0 =	sld [smem:$0x3F99];
	_ =	swait.ge [sflag:s4], $0x0  }
0x19: {  	s7 =	sld [smem:$0x3F9A]  }
0x1a: {  	s8 =	sadd.s32 $0xFFFFE003, lr  }
0x1b: {  	s9 =	sadd.s32 $0xFFFFFEF7, lr;
	s5 =	simm.s32 $0xFFFFFFFF;
	p2 =	slt.u32 s8, $0xFFFFF086  }
0x1c: {  	p1 =	slt.u32 s9, $0xF7A;
	s5 =	simm.s32 @!p2 $0x0  }
0x1d: {  	s5 =	simm.s32 @p1 $0x1;
	p0 =	seq.s32 s7, s2  }
0x1e: {  	s7 =	smul.u32 @!p0 $0xF7A, s2;
	p2 =	seq.s32 @!p0 s5, $0x0  }
0x1f: {  	s9 =	smul.u32 $0xF7A, s1;
	s8 =	simm.s32 @!p0 $0x1BF5;
	p2 =	por !p2, p0  }
0x20: {  	[sflag:s8] =	ssyncset.s32 @!p0 $0xFFFFF086;
	s6 =	sadd.s32 @!p0 s3, s7;
	s7 =	simm.s32 @!p0 $0x108  }
0x21: {  	s3 =	sadd.s32 s3, s9;
	s6 =	sadd.s32 @!p0 $0x88, s6;
	s7 =	simm.s32 @p2 $0x1082  }
0x22: {  	[simem:s7], [sflag:s8] =	dma.local @!p0 [hbm:s6], $0xF7A  }
0x23: {  	s9 =	sor.u32 $0xD0000000, s2;
	s6 =	simm.s32 $0x108;
	_ =	swait.ge @!p0 [sflag:s8], $0x0  }
0x24: {  	s3 =	sadd.s32 $0x88, s3;
	s6 =	simm.s32 @!p1 $0x1082;
	[sflag:s4] =	ssyncset.s32 $0xFFFFF086  }
0x25: {  	[simem:s6], [sflag:s4] =	dma.local [hbm:s3], $0xF7A  }
0x26: {  	[smem:$0x3F9A] =	sst s1;
	(tag) =	ssettag s2;
	_ =	strace s9  }
0x27: {  	s1 =	sld [smem:$0x3FAA]  }
0x28: {  	s2 =	sld [smem:$0x3FAB]  }
0x29: {  	s4 =	sld [smem:$0x3FAD]  }
0x2a: {  	p0 =	seq.s32 s5, $0x0;
	s5 =	sld [smem:$0x3FAE]  }
0x2b: {  	s6 =	sld [smem:$0x3FAF]  }
0x2c: {  	s7 =	sld [smem:$0x3FB0]  }
0x2d: {  	s3 =	simm.s32 $0x108;
	s8 =	sld [smem:$0x3FB1]  }
0x2e: {  	s3 =	simm.s32 @!p0 $0x1082;
	s9 =	sld [smem:$0x3FB2]  }
0x2f: {  	lr =	sadd.s32 s0, s3;
	s0 =	sld [smem:$0x3FA9]  }
0x30: {  	s3 =	sld [smem:$0x3FAC]  }
0x31: {  	[smem:$0x3FB5] =	sst s10  }
0x32: {  	s10 =	sld [smem:$0x3FB3];
	_ =	sdelay $0x3  }
0x33: {  	p0 =	seq.s32 s10, $0x1;
	s10 =	sld [smem:$0x3FB5];
	_ =	sdelay $0x3  }
0x34: {  	[smem:$0x3FB5] =	sst s10  }
0x35: {  	s10 =	sld [smem:$0x3FB4];
	_ =	sdelay $0x3  }
0x36: {  	p1 =	seq.s32 s10, $0x1;
	s10 =	sld [smem:$0x3FB5];
	_ =	sdelay $0x3  }
0x37: {  	[smem:$0x3FB5] =	sst s10  }
0x38: {  	s10 =	sld [smem:$0x3FB6]  }
0x39: {  	_ = 	snop;
	(pc) =	sbr.ind lr, $3  }
0x3a: {  	_ = 	snop  }
0x3b: {  	_ = 	snop  }
0x3c: {  	p2 =	seq.s32 s10, $0x1;
	s10 =	sld [smem:$0x3FB5]  }
0x3d: {  	_ =	shalt  }
0x3e: {  	_ =	shalt  }
0x3f: {  	_ =	shalt  }
0x40: {  	_ =	shalt  }
0x41: {  	_ =	shalt  }
0x42: {  	_ =	shalt  }
0x43: {  	_ =	shalt  }
0x44: {  	_ =	shalt  }
0x45: {  	_ =	shalt  }
0x46: {  	_ =	shalt  }
0x47: {  	_ =	shalt  }
0x48: {  	_ =	shalt  }
0x49: {  	_ =	shalt  }
0x4a: {  	_ =	shalt  }
0x4b: {  	_ =	shalt  }
0x4c: {  	_ =	shalt  }
0x4d: {  	_ =	shalt  }
0x4e: {  	_ =	shalt  }
0x4f: {  	_ =	shalt  }
0x50: {  	_ =	shalt  }
0x51: {  	_ =	shalt  }
0x52: {  	_ =	shalt  }
0x53: {  	_ =	shalt  }
0x54: {  	_ =	shalt  }
0x55: {  	_ =	shalt  }
0x56: {  	_ =	shalt  }
0x57: {  	_ =	shalt  }
0x58: {  	_ =	shalt  }
0x59: {  	_ =	shalt  }
0x5a: {  	_ =	shalt  }
0x5b: {  	_ =	shalt  }
0x5c: {  	_ =	shalt  }
0x5d: {  	_ =	shalt  }
0x5e: {  	_ =	shalt  }
0x5f: {  	_ =	shalt  }
0x60: {  	_ =	shalt  }
0x61: {  	_ =	shalt  }
0x62: {  	_ =	shalt  }
0x63: {  	_ =	shalt  }
0x64: {  	_ =	shalt  }
0x65: {  	_ =	shalt  }
0x66: {  	_ =	shalt  }
0x67: {  	_ =	shalt  }
0x68: {  	_ =	shalt  }
0x69: {  	_ =	shalt  }
0x6a: {  	_ =	shalt  }
0x6b: {  	_ =	shalt  }
0x6c: {  	_ =	shalt  }
0x6d: {  	_ =	shalt  }
0x6e: {  	_ =	shalt  }
0x6f: {  	_ =	shalt  }
0x70: {  	_ =	shalt  }
0x71: {  	_ =	shalt  }
0x72: {  	_ =	shalt  }
0x73: {  	_ =	shalt  }
0x74: {  	_ =	shalt  }
0x75: {  	_ =	shalt  }
0x76: {  	_ =	shalt  }
0x77: {  	_ =	shalt  }
0x78: {  	_ =	shalt  }
0x79: {  	_ =	shalt  }
0x7a: {  	_ =	shalt  }
0x7b: {  	_ =	shalt  }
0x7c: {  	_ =	shalt  }
0x7d: {  	_ =	shalt  }
0x7e: {  	_ =	shalt  }
0x7f: {  	_ =	shalt  }
0x80: {  	_ =	shalt  }
0x81: {  	_ =	shalt  }
0x82: {  	_ =	shalt  }
0x83: {  	_ =	shalt  }
0x84: {  	_ =	shalt  }
0x85: {  	_ =	shalt  }
0x86: {  	_ =	shalt  }
0x87: {  	_ =	shalt  }
.Lfunc_end0:
.L_simem_size_0:
called_computation.1_lowered:
.L_overlay_start_0:
0x88: {  	s2 =	sld [smem:$0x3FD9]  }
0x89: {  	s3 =	sld [smem:$0x3FFE];
	_ =	sdelay $0x1  }
0x8a: {  	s1 =	srdreg.scid  }
0x8b: {  	s0 =	sand.u32 $0x1, s1  }
0x8c: {  	s16 =	sshll.u32 s0, $0xA;
	s2 =	sadd.s32 s3, s2  }
0x8d: {  	s2 =	sadd.s32 s2, s16  }
0x8e: {  	[smem:$0x3FC1] =	sst s2  }
0x8f: {  	_ = 	snop  }
0x90: {  	(tm) =	ssettm $0x1  }
0x91: {  	s17 =	sld [smem:$0x3FFB];
	_ =	sdelay $0x3  }
0x92: {  	_ =	strace s17  }
0x93: {  	s2 =	sld [smem:$0x3FFC];
	_ =	sdelay $0x3  }
0x94: {  	_ =	strace s2  }
0x95: {  	s2 =	sld [smem:$0x3FFD];
	_ =	sdelay $0x3  }
0x96: {  	_ =	strace s2  }
0x97: {  	_ =	strace $0x8FFFFFFF  }
0x98: {  	s18 =	sld [smem:$0x3FDB];
	_ =	sdelay $0x1  }
0x99: {  	s19 =	simm.s32 $_scs_section_size  }
0x9a: {  	s4 =	simm.s32 $_size__tile_overlayer_lowered;
	s5 =	simm.s32 $_tile_overlayer_lowered  }
0x9b: {  	s22 =	simm.s32 $0x1BFF;
	s21 =	sshll.u32 s5, $0x1;
	s2 =	sadd.s32 s19, s18  }
0x9c: {  	s6 =	simm.s32 $0x0;
	s20 =	sshll.u32 s4, $0x1;
	s4 =	sadd.s32 s21, s2  }
0x9d: {  	[timem:s6], [sflag:s22] =	dma.local [hbm:s4], s20  }
0x9e: {  	_ =	swait.ge [sflag:s22], s20  }
0x9f: {  	s3 =	ssub.s32 $0x0, s20;
	[sflag:s22] =	ssyncset.done $0x0  }
0xa0: {  	[sflag:s22] =	ssyncadd.s32 s3;
	_ =	sdelay $0x1  }
0xa1: {  	s23 =	simm.s32 $0x1B8B  }
0xa2: {  	_ =	swait.ge [sflag:s23], $0x1  }
0xa3: {  	[sflag:s23] =	ssyncset.done $0x0  }
0xa4: {  	s25 =	simm.s32 $0x1B8E;
	s24 =	sld [smem:$0x3FFE];
	[sflag:s23] =	ssyncadd.s32 $0xFFFFFFFF  }
0xa5: {  	s26 =	simm.s32 $execute0_lowered;
	[smem:$0x3FD2] =	sst s25  }
0xa6: {  	s4 =	sshll.u32 s26, $0x1;
	_ =	strace $0x80000049;
	[dreg:$0x1] =	wrdreg $0xFFFFFFFF  }
0xa7: {  	s28 =	simm.s32 $_size_execute0_lowered;
	s2 =	sadd.s32 s2, s4;
	[dreg:$0x0] =	wrdreg $0x0  }
0xa8: {  	s4 =	sshll.u32 s28, $0x1;
	[dreg:$0x2] =	wrdreg s2  }
0xa9: {  	[dreg:$0x3] =	wrdreg s4  }
0xaa: {  	[dreg:$0x4] =	wrdreg $0xC0  }
0xab: {  	_ =	task [dreg:s6], $0x5FFFF  }
0xac: {  	[dreg:$0x1] =	wrdreg $0xFFFFFFFF  }
0xad: {  	[dreg:$0x0] =	wrdreg $0x60  }
0xae: {  	[dreg:$0x2] =	wrdreg s24  }
0xaf: {  	[dreg:$0x3] =	wrdreg $0xE0000  }
0xb0: {  	[dreg:$0x4] =	wrdreg $0x9  }
0xb1: {  	_ =	task.clear_ibuf [dreg:s6], $0x5FFFF;
	_ =	strace $0x90000049  }
0xb2: {  	s29 =	simm.s32 $0x9;
	_ =	strace $0x8000004B  }
0xb3: {  	_ =	swait.ge [sflag:s29], $0x1  }
0xb4: {  	[sflag:s29] =	ssyncadd.s32 $0xFFFFFFFF  }
0xb5: {  	_ =	strace $0x9000004B  }
0xb6: {  	_ =	sfence  }
0xb7: {  	s30 =	sld [smem:$0x0];
	_ =	sdelay $0x2  }
0xb8: {  	s31 =	sshll.u32 s1, $0xD;
	s1 =	sshrl.u32 s1, $0x2  }
0xb9: {  	s3 =	sand.u32 $0x4000, s31;
	s1 =	sadd.s32 s1, s30  }
0xba: {  	s0 =	sor.u32 s3, s0;
	s1 =	sshll.u32 s1, $0x11  }
0xbb: {  	s0 =	sor.u32 s1, s0  }
0xbc: {  	s0 =	sadd.s32 $0x8F2B, s0  }
0xbd: {  	[sflag:s0] =	ssyncadd.remote.s32 $0x1  }
0xbe: {  	_ =	sfence.sel $0xFFFF  }
0xbf: {  	[dreg:$0x0] =	wrdreg $0xFFFFFFFF;
	(pc) =	sbr.abs _section_cstart, $3  }
0xc0: {  	[dreg:$0x1] =	wrdreg $0xFFFFFFFF  }
0xc1: {  	_ =	task.clear_ibuf [dreg:s6], $0x2FFFF;
	_ =	strace $0x9FFFFFFF  }
0xc2: {  	(tm) =	ssettm $0x7FFFFFFF  }
0xc3: {  	_ =	shalt  }
tec
execute0_lowered:
.L_overlay_start_1:
0x0: {  	(tag) =	ssettag $0x1  }
0x1: {  	s0 =	rddreg [dreg:$0x0]  }
0x2: {  	s1 =	rddreg [dreg:$0x1]  }
0x3: {  	s2 =	simm.s32 $0x0;
	s20 =	srdreg.scid;
	s5 =	stileid.u32  }
0x4: {  	s15 =	simm.s32 $0x9;
	s17 =	simm.s32 $0x80;
	s18 =	simm.s32 $0x7800  }
0x5: {  	s30 =	simm.s32 $0xA800;
	s16 =	simm.s32 $0x5;
	s19 =	simm.s32 $0x8  }
0x6: {  	[smem:$0x7FF] =	sst s2;
	s2 =	sand.u32 $0x1, s20;
	s3 =	smul.u32 $0x500, s5  }
0x7: {  	s4 =	sadd.s32 $0x15E00, s0;
	s8 =	sadd.s32 $0xB800, s0;
	s10 =	smul.u32 $0xA000, s5  }
0x8: {  	s9 =	sadd.s32 $0x1800, s0;
	s7 =	sadd.s32 $0x15800, s0;
	s11 =	smul.u32 $0x1400, s5  }
0x9: {  	s25 =	sshll.u32 s5, $0x6;
	s26 =	smul.u32 $0x780, s5;
	s20 =	simm.s32 $0xB800  }
0xa: {  	_ =	strace $0x8000004A;
	s6 =	smul.u32 $0x5000, s2;
	[dreg:$0x3] =	wrdreg s7  }
0xb: {  	s21 =	ssub.s32 $0x2, s2;
	s7 =	sor.u32 $0x1C09, s25;
	p0 =	seq.s32 s2, $0x1  }
0xc: {  	s25 =	simm.s32 $0x9800;
	s22 =	sshrl.u32 s21, $0x1;
	s24 =	sshrl.u32 s10, $0x2  }
0xd: {  	s11 =	sshrl.u32 s11, $0x3;
	s28 =	sadd.s32 s9, s26;
	s5 =	sadd.s32 s8, s26  }
0xe: {  	s3 =	sadd.s32 s3, s6;
	s23 =	ssub.s32 s21, s22;
	[dreg:$0x4] =	wrdreg s28  }
0xf: {  	s6 =	sadd.s32 s24, s1;
	s29 =	sadd.s32 $0x7800, s11;
	[dreg:$0x5] =	wrdreg s5  }
.Ltmp0:
0x10: {  	s21 =	simm.s32 $0x8800;
	s0 =	sadd.s32 s3, s0;
	(pc) =	sbr.rel .LBB2_1-.Ltmp0, $4  }
0x11: {  	s31 =	sadd.s32 s9, s29;
	s2 =	sadd.s32 s8, s29;
	s13 =	smax.u32 s23, $0x1  }
0x12: {  	s14 =	sshrl.u32 s6, $0x3;
	s3 =	simm.s32 $0x3;
	[dreg:$0x6] =	wrdreg s31  }
0x13: {  	s8 =	simm.s32 $0x7;
	s9 =	simm.s32 $0x0;
	[dreg:$0x7] =	wrdreg s2  }
0x14: {  	s12 =	sadd.s32 $0x1AE00, s0;
	s0 =	simm.s32 $0xB000;
	s2 =	simm.s32 $0x1  }
.LBB2_8:
0x15: {  	_ =	swait.ge [sflag:s19], $0x800  }
0x16: {  	s5 =	sshra.s32 s10, $0x2;
	[sflag:s19] =	ssyncset.done $0x0  }
0x17: {  	s5 =	sadd.s32 $0x3F80, s5;
	[sflag:s19] =	ssyncadd.s32 $0xFFFFF800  }
0x18: {  	[spmem:s1] =	stream.indirect.scatter.add.f32 [tilespmem:s0], [sflag:$0x9], $0x10, s5, s17, $0xb8;
	[tilespmem:$0x10800] =	vst v63  }
0x19: {  	_ =	swait.ge [sflag:s15], $0x800  }
0x1a: {  	[sflag:s15] =	ssyncset.done $0x0  }
0x1b: {  	[sflag:s15] =	ssyncadd.s32 $0xFFFFF800  }
0x1c: {  	[bflag:$0x0] =	sbarrier.arrive $0xFFFF  }
0x1d: {  	[tilespmem:s20], [sflag:$0x9] =	stream.linear.gather [spmem:s6], $0x2800, $0x38;
	[tilespmem:$0x10800] =	vst v63  }
0x1e: {  	s9 =	sadd.s32 $0x1, s9;
	_ =	swait.ge [sflag:s15], $0x2800  }
0x1f: {  	p1 =	sne.s32 s9, s13;
	[sflag:s15] =	ssyncset.done $0x0  }
.Ltmp1:
0x20: {  	s31 =	simm.s32 $0x0;
	[sflag:s15] =	ssyncadd.s32 $0xFFFFD800;
	(pc) =	sbr.rel @!p1 .LBB2_9-.Ltmp1, $4  }
0x21: {  	[hbm4b:s12+s31] =	stream.linear.scatter [tilespmem:s20], [sflag:$0x9], $0x2800, $0x38;
	[tilespmem:$0x10800] =	vst v63  }
0x22: {  	_ =	swait.ge [sflag:s15], $0x2800  }
0x23: {  	[sflag:s15] =	ssyncset.done $0x0  }
0x24: {  	[sflag:s15] =	ssyncadd.s32 $0xFFFFD800  }
.LBB2_1:
0x25: {  	s5 =	rddreg [dreg:$0x3]  }
0x26: {  	[spmem:s14], [sflag:s7] =	dma.local [hbm:s5], $0x500  }
.Ltmp2:
0x27: {  	_ =	swait.ge [sflag:s15], $0x500;
	(pc) =	sbr.rel @!p0 .LBB2_2-.Ltmp2, $4  }
0x28: {  	[sflag:s15] =	ssyncset.done $0x0  }
0x29: {  	[sflag:s15] =	ssyncadd.s32 $0xFFFFFB00  }
0x2a: {  	[bflag:$0x0] =	sbarrier.arrive $0xFFFF  }
0x2b: {  	s10 =	simm.s32 $0x0  }
0x2c: {  	s5 =	rddreg [dreg:$0x6];
	s11 =	simm.s32 $0x3C00  }
0x2d: {  	[tilespmem:s11], [sflag:$0x9] =	stream.linear.gather [hbm4b:s5+s10], $0x1400, $0x38;
	[tilespmem:$0x10800] =	vst v63  }
0x2e: {  	_ =	swait.ge [sflag:s15], $0x1400  }
0x2f: {  	[sflag:s15] =	ssyncset.done $0x0  }
0x30: {  	s29 =	rddreg [dreg:$0x7];
	[sflag:s15] =	ssyncadd.s32 $0xFFFFEC00  }
0x31: {  	[tilespmem:s10], [sflag:$0x9] =	stream.linear.gather [hbm4b:s29+s10], $0x1400, $0x38;
	[tilespmem:$0x10800] =	vst v63  }
0x32: {  	_ =	swait.ge [sflag:s15], $0x1400  }
0x33: {  	[sflag:s15] =	ssyncset.done $0x0  }
0x34: {  	[sflag:s15] =	ssyncadd.s32 $0xFFFFEC00  }
0x35: {  	[tilespmem:s18], [sflag:$0x1] =	stream.indirect.gather [hbm4b:s4+s17], $0x10, s10, s17, $0xb8;
	[tilespmem:$0x10800] =	vst v63  }
0x36: {  	s31 =	simm.s32 $0x8000  }
0x37: {  	[tilespmem:s31], [sflag:$0x2] =	stream.indirect.gather [hbm4b:s4+s17], $0x10, s17, s17, $0xb8;
	[tilespmem:$0x10800] =	vst v63  }
0x38: {  	s11 =	simm.s32 $0x100  }
0x39: {  	[tilespmem:s21], [sflag:$0x3] =	stream.indirect.gather [hbm4b:s4+s17], $0x10, s11, s17, $0xb8;
	[tilespmem:$0x10800] =	vst v63  }
0x3a: {  	s22 =	simm.s32 $0x180;
	s23 =	simm.s32 $0x9000  }
0x3b: {  	[tilespmem:s23], [sflag:$0x4] =	stream.indirect.gather [hbm4b:s4+s17], $0x10, s22, s17, $0xb8;
	[tilespmem:$0x10800] =	vst v63  }
0x3c: {  	s24 =	simm.s32 $0x200  }
0x3d: {  	[tilespmem:s25], [sflag:$0x5] =	stream.indirect.gather [hbm4b:s4+s17], $0x10, s24, s17, $0xb8;
	[tilespmem:$0x10800] =	vst v63  }
0x3e: {  	s26 =	simm.s32 $0x280;
	s28 =	simm.s32 $0xA000  }
0x3f: {  	[tilespmem:s28], [sflag:$0x6] =	stream.indirect.gather [hbm4b:s4+s17], $0x10, s26, s17, $0xb8;
	[tilespmem:$0x10800] =	vst v63  }
0x40: {  	s29 =	simm.s32 $0x300  }
0x41: {  	[tilespmem:s30], [sflag:$0x7] =	stream.indirect.gather [hbm4b:s4+s17], $0x10, s29, s17, $0xb8;
	[tilespmem:$0x10800] =	vst v63  }
0x42: {  	s31 =	simm.s32 $0x380  }
0x43: {  	[tilespmem:s0], [sflag:$0x8] =	stream.indirect.gather [hbm4b:s4+s17], $0x10, s31, s17, $0xb8;
	[tilespmem:$0x10800] =	vst v63  }
.LBB2_6:
0x44: {  	_ =	swait.ge [sflag:s2], $0x800  }
0x45: {  	s22 =	sshra.s32 s10, $0x2;
	[sflag:s2] =	ssyncset.done $0x0  }
0x46: {  	s5 =	sadd.s32 $0x3C00, s22;
	[sflag:s2] =	ssyncadd.s32 $0xFFFFF800  }
0x47: {  	[spmem:s1] =	stream.indirect.scatter.add.f32 [tilespmem:s18], [sflag:$0x9], $0x10, s5, s17, $0xb8;
	[tilespmem:$0x10800] =	vst v63  }
0x48: {  	_ =	swait.ge [sflag:s15], $0x800  }
0x49: {  	p1 =	seq.s32 s10, $0x4000;
	[sflag:s15] =	ssyncset.done $0x0  }
0x4a: {  	s5 =	simm.s32 @p1 $0x2;
	[sflag:s15] =	ssyncadd.s32 $0xFFFFF800  }
0x4b: {  	s24 =	sshra.s32 @p1 s10, $0x2;
	_ =	swait.ge @p1 [sflag:s5], $0x800  }
0x4c: {  	s26 =	simm.s32 @p1 $0x80;
	s11 =	simm.s32 @p1 $0x8000;
	[sflag:s5] =	ssyncset.done @p1 $0x0  }
0x4d: {  	s28 =	simm.s32 @p1 $0x9;
	[sflag:s5] =	ssyncadd.s32 @p1 $0xFFFFF800;
	s5 =	sadd.s32 @p1 $0x3C80, s24  }
0x4e: {  	[spmem:s1] =	stream.indirect.scatter.add.f32 @p1 [tilespmem:s11], [sflag:$0x9], $0x10, s5, s26, $0xb8;
	[tilespmem:$0x10800] =	vst v63  }
0x4f: {  	_ =	swait.ge @p1 [sflag:s28], $0x800  }
0x50: {  	s23 =	simm.s32 @!p1 $0x80;
	s11 =	sshra.s32 @!p1 s10, $0x2;
	[sflag:s28] =	ssyncset.done @p1 $0x0  }
0x51: {  	s29 =	simm.s32 @!p1 $0x7800;
	s5 =	sadd.s32 @!p1 $0x400, s11;
	[sflag:s28] =	ssyncadd.s32 @p1 $0xFFFFF800  }
0x52: {  	[tilespmem:s29], [sflag:$0x1] =	stream.indirect.gather @!p1 [hbm4b:s4+s23], $0x10, s5, s23, $0xb8;
	[tilespmem:$0x10800] =	vst v63  }
0x53: {  	s5 =	simm.s32 @!p1 $0x2  }
0x54: {  	_ =	swait.ge @!p1 [sflag:s5], $0x800  }
0x55: {  	s31 =	simm.s32 @!p1 $0x8000;
	[sflag:s5] =	ssyncset.done @!p1 $0x0  }
0x56: {  	s29 =	simm.s32 @!p1 $0x9;
	[sflag:s5] =	ssyncadd.s32 @!p1 $0xFFFFF800;
	s5 =	sadd.s32 @!p1 $0x3C80, s11  }
0x57: {  	[spmem:s1] =	stream.indirect.scatter.add.f32 @!p1 [tilespmem:s31], [sflag:$0x9], $0x10, s5, s23, $0xb8;
	[tilespmem:$0x10800] =	vst v63  }
0x58: {  	_ =	swait.ge @!p1 [sflag:s29], $0x800  }
0x59: {  	[sflag:s29] =	ssyncset.done @!p1 $0x0  }
0x5a: {  	s5 =	sadd.s32 @!p1 $0x480, s11;
	[sflag:s29] =	ssyncadd.s32 @!p1 $0xFFFFF800  }
0x5b: {  	[tilespmem:s31], [sflag:$0x2] =	stream.indirect.gather @!p1 [hbm4b:s4+s23], $0x10, s5, s23, $0xb8;
	[tilespmem:$0x10800] =	vst v63  }
0x5c: {  	_ =	swait.ge [sflag:s3], $0x800  }
0x5d: {  	[sflag:s3] =	ssyncset.done $0x0  }
0x5e: {  	s31 =	sadd.s32 $0x3D00, s22;
	[sflag:s3] =	ssyncadd.s32 $0xFFFFF800  }
0x5f: {  	[spmem:s1] =	stream.indirect.scatter.add.f32 [tilespmem:s21], [sflag:$0x9], $0x10, s31, s17, $0xb8;
	[tilespmem:$0x10800] =	vst v63  }
0x60: {  	_ =	swait.ge [sflag:s15], $0x800  }
0x61: {  	[sflag:s15] =	ssyncset.done $0x0  }
0x62: {  	s5 =	simm.s32 @p1 $0x4;
	[sflag:s15] =	ssyncadd.s32 $0xFFFFF800  }
0x63: {  	_ =	swait.ge @p1 [sflag:s5], $0x800  }
0x64: {  	[sflag:s5] =	ssyncset.done @p1 $0x0  }
0x65: {  	s31 =	simm.s32 @p1 $0x9000;
	[sflag:s5] =	ssyncadd.s32 @p1 $0xFFFFF800;
	s5 =	sadd.s32 @p1 $0x3D80, s24  }
0x66: {  	[spmem:s1] =	stream.indirect.scatter.add.f32 @p1 [tilespmem:s31], [sflag:$0x9], $0x10, s5, s26, $0xb8;
	[tilespmem:$0x10800] =	vst v63  }
0x67: {  	_ =	swait.ge @p1 [sflag:s28], $0x800  }
0x68: {  	[sflag:s28] =	ssyncset.done @p1 $0x0  }
0x69: {  	s5 =	sadd.s32 @!p1 $0x500, s11;
	s31 =	simm.s32 @!p1 $0x8800;
	[sflag:s28] =	ssyncadd.s32 @p1 $0xFFFFF800  }
0x6a: {  	[tilespmem:s31], [sflag:$0x3] =	stream.indirect.gather @!p1 [hbm4b:s4+s23], $0x10, s5, s23, $0xb8;
	[tilespmem:$0x10800] =	vst v63  }
0x6b: {  	s5 =	simm.s32 @!p1 $0x4  }
0x6c: {  	_ =	swait.ge @!p1 [sflag:s5], $0x800  }
0x6d: {  	[sflag:s5] =	ssyncset.done @!p1 $0x0  }
0x6e: {  	s31 =	simm.s32 @!p1 $0x9000;
	[sflag:s5] =	ssyncadd.s32 @!p1 $0xFFFFF800;
	s5 =	sadd.s32 @!p1 $0x3D80, s11  }
0x6f: {  	[spmem:s1] =	stream.indirect.scatter.add.f32 @!p1 [tilespmem:s31], [sflag:$0x9], $0x10, s5, s23, $0xb8;
	[tilespmem:$0x10800] =	vst v63  }
0x70: {  	_ =	swait.ge @!p1 [sflag:s29], $0x800  }
0x71: {  	[sflag:s29] =	ssyncset.done @!p1 $0x0  }
0x72: {  	s5 =	sadd.s32 @!p1 $0x580, s11;
	[sflag:s29] =	ssyncadd.s32 @!p1 $0xFFFFF800  }
0x73: {  	[tilespmem:s31], [sflag:$0x4] =	stream.indirect.gather @!p1 [hbm4b:s4+s23], $0x10, s5, s23, $0xb8;
	[tilespmem:$0x10800] =	vst v63  }
0x74: {  	_ =	swait.ge [sflag:s16], $0x800  }
0x75: {  	[sflag:s16] =	ssyncset.done $0x0  }
0x76: {  	s31 =	sadd.s32 $0x3E00, s22;
	[sflag:s16] =	ssyncadd.s32 $0xFFFFF800  }
0x77: {  	[spmem:s1] =	stream.indirect.scatter.add.f32 [tilespmem:s25], [sflag:$0x9], $0x10, s31, s17, $0xb8;
	[tilespmem:$0x10800] =	vst v63  }
0x78: {  	_ =	swait.ge [sflag:s15], $0x800  }
0x79: {  	[sflag:s15] =	ssyncset.done $0x0  }
0x7a: {  	s5 =	simm.s32 @p1 $0x6;
	[sflag:s15] =	ssyncadd.s32 $0xFFFFF800  }
0x7b: {  	_ =	swait.ge @p1 [sflag:s5], $0x800  }
0x7c: {  	[sflag:s5] =	ssyncset.done @p1 $0x0  }
0x7d: {  	[sflag:s5] =	ssyncadd.s32 @p1 $0xFFFFF800;
	s5 =	sadd.s32 @p1 $0x3E80, s24;
	s24 =	simm.s32 @p1 $0xA000  }
0x7e: {  	[spmem:s1] =	stream.indirect.scatter.add.f32 @p1 [tilespmem:s24], [sflag:$0x9], $0x10, s5, s26, $0xb8;
	[tilespmem:$0x10800] =	vst v63  }
0x7f: {  	_ =	swait.ge @p1 [sflag:s28], $0x800  }
0x80: {  	[sflag:s28] =	ssyncset.done @p1 $0x0  }
0x81: {  	s5 =	sadd.s32 @!p1 $0x600, s11;
	s24 =	simm.s32 @!p1 $0x9800;
	[sflag:s28] =	ssyncadd.s32 @p1 $0xFFFFF800  }
0x82: {  	[tilespmem:s24], [sflag:$0x5] =	stream.indirect.gather @!p1 [hbm4b:s4+s23], $0x10, s5, s23, $0xb8;
	[tilespmem:$0x10800] =	vst v63  }
0x83: {  	s5 =	simm.s32 @!p1 $0x6  }
0x84: {  	_ =	swait.ge @!p1 [sflag:s5], $0x800  }
0x85: {  	[sflag:s5] =	ssyncset.done @!p1 $0x0  }
0x86: {  	s24 =	simm.s32 @!p1 $0xA000;
	[sflag:s5] =	ssyncadd.s32 @!p1 $0xFFFFF800;
	s5 =	sadd.s32 @!p1 $0x3E80, s11  }
0x87: {  	[spmem:s1] =	stream.indirect.scatter.add.f32 @!p1 [tilespmem:s24], [sflag:$0x9], $0x10, s5, s23, $0xb8;
	[tilespmem:$0x10800] =	vst v63  }
0x88: {  	_ =	swait.ge @!p1 [sflag:s29], $0x800  }
0x89: {  	[sflag:s29] =	ssyncset.done @!p1 $0x0  }
0x8a: {  	s5 =	sadd.s32 @!p1 $0x680, s11;
	[sflag:s29] =	ssyncadd.s32 @!p1 $0xFFFFF800  }
0x8b: {  	[tilespmem:s24], [sflag:$0x6] =	stream.indirect.gather @!p1 [hbm4b:s4+s23], $0x10, s5, s23, $0xb8;
	[tilespmem:$0x10800] =	vst v63  }
0x8c: {  	_ =	swait.ge [sflag:s8], $0x800  }
0x8d: {  	[sflag:s8] =	ssyncset.done $0x0  }
.Ltmp3:
0x8e: {  	s31 =	sadd.s32 $0x3F00, s22;
	[sflag:s8] =	ssyncadd.s32 $0xFFFFF800;
	(pc) =	sbr.rel @p1 .LBB2_8-.Ltmp3, $4  }
0x8f: {  	[spmem:s1] =	stream.indirect.scatter.add.f32 [tilespmem:s30], [sflag:$0x9], $0x10, s31, s17, $0xb8;
	[tilespmem:$0x10800] =	vst v63  }
0x90: {  	_ =	swait.ge [sflag:s15], $0x800  }
0x91: {  	[sflag:s15] =	ssyncset.done $0x0  }
0x92: {  	[sflag:s15] =	ssyncadd.s32 $0xFFFFF800  }
0x93: {  	s5 =	sadd.s32 $0x700, s22  }
0x94: {  	[tilespmem:s30], [sflag:$0x7] =	stream.indirect.gather [hbm4b:s4+s17], $0x10, s5, s17, $0xb8;
	[tilespmem:$0x10800] =	vst v63  }
0x95: {  	_ =	swait.ge [sflag:s19], $0x800  }
0x96: {  	[sflag:s19] =	ssyncset.done $0x0  }
0x97: {  	s29 =	sadd.s32 $0x3F80, s22;
	[sflag:s19] =	ssyncadd.s32 $0xFFFFF800  }
0x98: {  	[spmem:s1] =	stream.indirect.scatter.add.f32 [tilespmem:s0], [sflag:$0x9], $0x10, s29, s17, $0xb8;
	[tilespmem:$0x10800] =	vst v63  }
.Ltmp4:
0x99: {  	_ = 	snop;
	(pc) =	sbr.rel .LBB2_6-.Ltmp4, $4  }
0x9a: {  	_ =	swait.ge [sflag:s15], $0x800  }
0x9b: {  	[sflag:s15] =	ssyncset.done $0x0  }
0x9c: {  	s31 =	sadd.s32 $0x780, s22;
	s10 =	sadd.s32 $0x1000, s10;
	[sflag:s15] =	ssyncadd.s32 $0xFFFFF800  }
0x9d: {  	[tilespmem:s0], [sflag:$0x8] =	stream.indirect.gather [hbm4b:s4+s17], $0x10, s31, s17, $0xb8;
	[tilespmem:$0x10800] =	vst v63  }
.LBB2_2:
0x9e: {  	s5 =	rddreg [dreg:$0x4];
	s11 =	simm.s32 $0x3C00  }
0x9f: {  	[tilespmem:s11], [sflag:$0x9] =	stream.linear.gather [hbm4b:s5+s10], $0x3C00, $0x38;
	[tilespmem:$0x10800] =	vst v63  }
0xa0: {  	_ =	swait.ge [sflag:s15], $0x3C00  }
0xa1: {  	[sflag:s15] =	ssyncset.done $0x0  }
0xa2: {  	s29 =	rddreg [dreg:$0x5];
	[sflag:s15] =	ssyncadd.s32 $0xFFFFC400  }
0xa3: {  	[tilespmem:s10], [sflag:$0x9] =	stream.linear.gather [hbm4b:s29+s10], $0x3C00, $0x38;
	[tilespmem:$0x10800] =	vst v63  }
0xa4: {  	_ =	swait.ge [sflag:s15], $0x3C00  }
0xa5: {  	[sflag:s15] =	ssyncset.done $0x0  }
0xa6: {  	[sflag:s15] =	ssyncadd.s32 $0xFFFFC400  }
0xa7: {  	[tilespmem:s18], [sflag:$0x1] =	stream.indirect.gather [hbm4b:s4+s17], $0x10, s10, s17, $0xb8;
	[tilespmem:$0x10800] =	vst v63  }
0xa8: {  	s31 =	simm.s32 $0x8000  }
0xa9: {  	[tilespmem:s31], [sflag:$0x2] =	stream.indirect.gather [hbm4b:s4+s17], $0x10, s17, s17, $0xb8;
	[tilespmem:$0x10800] =	vst v63  }
0xaa: {  	s11 =	simm.s32 $0x100  }
0xab: {  	[tilespmem:s21], [sflag:$0x3] =	stream.indirect.gather [hbm4b:s4+s17], $0x10, s11, s17, $0xb8;
	[tilespmem:$0x10800] =	vst v63  }
0xac: {  	s22 =	simm.s32 $0x180;
	s23 =	simm.s32 $0x9000  }
0xad: {  	[tilespmem:s23], [sflag:$0x4] =	stream.indirect.gather [hbm4b:s4+s17], $0x10, s22, s17, $0xb8;
	[tilespmem:$0x10800] =	vst v63  }
0xae: {  	s24 =	simm.s32 $0x200  }
0xaf: {  	[tilespmem:s25], [sflag:$0x5] =	stream.indirect.gather [hbm4b:s4+s17], $0x10, s24, s17, $0xb8;
	[tilespmem:$0x10800] =	vst v63  }
0xb0: {  	s26 =	simm.s32 $0x280;
	s28 =	simm.s32 $0xA000  }
0xb1: {  	[tilespmem:s28], [sflag:$0x6] =	stream.indirect.gather [hbm4b:s4+s17], $0x10, s26, s17, $0xb8;
	[tilespmem:$0x10800] =	vst v63  }
0xb2: {  	s29 =	simm.s32 $0x300  }
0xb3: {  	[tilespmem:s30], [sflag:$0x7] =	stream.indirect.gather [hbm4b:s4+s17], $0x10, s29, s17, $0xb8;
	[tilespmem:$0x10800] =	vst v63  }
0xb4: {  	s31 =	simm.s32 $0x380  }
0xb5: {  	[tilespmem:s0], [sflag:$0x8] =	stream.indirect.gather [hbm4b:s4+s17], $0x10, s31, s17, $0xb8;
	[tilespmem:$0x10800] =	vst v63  }
.LBB2_3:
0xb6: {  	_ =	swait.ge [sflag:s2], $0x800  }
0xb7: {  	s22 =	sshra.s32 s10, $0x2;
	[sflag:s2] =	ssyncset.done $0x0  }
0xb8: {  	s11 =	sadd.s32 $0x3C00, s22;
	[sflag:s2] =	ssyncadd.s32 $0xFFFFF800  }
0xb9: {  	[spmem:s1] =	stream.indirect.scatter.add.f32 [tilespmem:s18], [sflag:$0x9], $0x10, s11, s17, $0xb8;
	[tilespmem:$0x10800] =	vst v63  }
0xba: {  	_ =	swait.ge [sflag:s15], $0x800  }
0xbb: {  	p1 =	seq.s32 s10, $0xE000;
	[sflag:s15] =	ssyncset.done $0x0  }
0xbc: {  	s11 =	simm.s32 @p1 $0x2;
	[sflag:s15] =	ssyncadd.s32 $0xFFFFF800  }
0xbd: {  	s24 =	sshra.s32 @p1 s10, $0x2;
	_ =	swait.ge @p1 [sflag:s11], $0x800  }
0xbe: {  	s26 =	simm.s32 @p1 $0x80;
	s23 =	simm.s32 @p1 $0x8000;
	[sflag:s11] =	ssyncset.done @p1 $0x0  }
0xbf: {  	s28 =	simm.s32 @p1 $0x9;
	[sflag:s11] =	ssyncadd.s32 @p1 $0xFFFFF800;
	s11 =	sadd.s32 @p1 $0x3C80, s24  }
0xc0: {  	[spmem:s1] =	stream.indirect.scatter.add.f32 @p1 [tilespmem:s23], [sflag:$0x9], $0x10, s11, s26, $0xb8;
	[tilespmem:$0x10800] =	vst v63  }
0xc1: {  	_ =	swait.ge @p1 [sflag:s28], $0x800  }
0xc2: {  	s31 =	simm.s32 @!p1 $0x7800;
	s11 =	sshra.s32 @!p1 s10, $0x2;
	[sflag:s28] =	ssyncset.done @p1 $0x0  }
0xc3: {  	s23 =	simm.s32 @!p1 $0x80;
	s29 =	sadd.s32 @!p1 $0x400, s11;
	[sflag:s28] =	ssyncadd.s32 @p1 $0xFFFFF800  }
0xc4: {  	[tilespmem:s31], [sflag:$0x1] =	stream.indirect.gather @!p1 [hbm4b:s4+s23], $0x10, s29, s23, $0xb8;
	[tilespmem:$0x10800] =	vst v63  }
0xc5: {  	s29 =	simm.s32 @!p1 $0x2  }
0xc6: {  	_ =	swait.ge @!p1 [sflag:s29], $0x800  }
0xc7: {  	[sflag:s29] =	ssyncset.done @!p1 $0x0  }
0xc8: {  	s31 =	simm.s32 @!p1 $0x8000;
	[sflag:s29] =	ssyncadd.s32 @!p1 $0xFFFFF800;
	s29 =	sadd.s32 @!p1 $0x3C80, s11  }
0xc9: {  	[spmem:s1] =	stream.indirect.scatter.add.f32 @!p1 [tilespmem:s31], [sflag:$0x9], $0x10, s29, s23, $0xb8;
	[tilespmem:$0x10800] =	vst v63  }
0xca: {  	s29 =	simm.s32 @!p1 $0x9  }
0xcb: {  	_ =	swait.ge @!p1 [sflag:s29], $0x800  }
0xcc: {  	[sflag:s29] =	ssyncset.done @!p1 $0x0  }
0xcd: {  	s5 =	sadd.s32 @!p1 $0x480, s11;
	[sflag:s29] =	ssyncadd.s32 @!p1 $0xFFFFF800  }
0xce: {  	[tilespmem:s31], [sflag:$0x2] =	stream.indirect.gather @!p1 [hbm4b:s4+s23], $0x10, s5, s23, $0xb8;
	[tilespmem:$0x10800] =	vst v63  }
0xcf: {  	_ =	swait.ge [sflag:s3], $0x800  }
0xd0: {  	[sflag:s3] =	ssyncset.done $0x0  }
0xd1: {  	s31 =	sadd.s32 $0x3D00, s22;
	[sflag:s3] =	ssyncadd.s32 $0xFFFFF800  }
0xd2: {  	[spmem:s1] =	stream.indirect.scatter.add.f32 [tilespmem:s21], [sflag:$0x9], $0x10, s31, s17, $0xb8;
	[tilespmem:$0x10800] =	vst v63  }
0xd3: {  	_ =	swait.ge [sflag:s15], $0x800  }
0xd4: {  	[sflag:s15] =	ssyncset.done $0x0  }
0xd5: {  	s5 =	simm.s32 @p1 $0x4;
	[sflag:s15] =	ssyncadd.s32 $0xFFFFF800  }
0xd6: {  	_ =	swait.ge @p1 [sflag:s5], $0x800  }
0xd7: {  	[sflag:s5] =	ssyncset.done @p1 $0x0  }
0xd8: {  	s31 =	simm.s32 @p1 $0x9000;
	[sflag:s5] =	ssyncadd.s32 @p1 $0xFFFFF800;
	s5 =	sadd.s32 @p1 $0x3D80, s24  }
0xd9: {  	[spmem:s1] =	stream.indirect.scatter.add.f32 @p1 [tilespmem:s31], [sflag:$0x9], $0x10, s5, s26, $0xb8;
	[tilespmem:$0x10800] =	vst v63  }
0xda: {  	_ =	swait.ge @p1 [sflag:s28], $0x800  }
0xdb: {  	[sflag:s28] =	ssyncset.done @p1 $0x0  }
0xdc: {  	s5 =	sadd.s32 @!p1 $0x500, s11;
	s31 =	simm.s32 @!p1 $0x8800;
	[sflag:s28] =	ssyncadd.s32 @p1 $0xFFFFF800  }
0xdd: {  	[tilespmem:s31], [sflag:$0x3] =	stream.indirect.gather @!p1 [hbm4b:s4+s23], $0x10, s5, s23, $0xb8;
	[tilespmem:$0x10800] =	vst v63  }
0xde: {  	s5 =	simm.s32 @!p1 $0x4  }
0xdf: {  	_ =	swait.ge @!p1 [sflag:s5], $0x800  }
0xe0: {  	[sflag:s5] =	ssyncset.done @!p1 $0x0  }
0xe1: {  	s31 =	simm.s32 @!p1 $0x9000;
	[sflag:s5] =	ssyncadd.s32 @!p1 $0xFFFFF800;
	s5 =	sadd.s32 @!p1 $0x3D80, s11  }
0xe2: {  	[spmem:s1] =	stream.indirect.scatter.add.f32 @!p1 [tilespmem:s31], [sflag:$0x9], $0x10, s5, s23, $0xb8;
	[tilespmem:$0x10800] =	vst v63  }
0xe3: {  	_ =	swait.ge @!p1 [sflag:s29], $0x800  }
0xe4: {  	[sflag:s29] =	ssyncset.done @!p1 $0x0  }
0xe5: {  	s5 =	sadd.s32 @!p1 $0x580, s11;
	[sflag:s29] =	ssyncadd.s32 @!p1 $0xFFFFF800  }
0xe6: {  	[tilespmem:s31], [sflag:$0x4] =	stream.indirect.gather @!p1 [hbm4b:s4+s23], $0x10, s5, s23, $0xb8;
	[tilespmem:$0x10800] =	vst v63  }
0xe7: {  	_ =	swait.ge [sflag:s16], $0x800  }
0xe8: {  	[sflag:s16] =	ssyncset.done $0x0  }
0xe9: {  	s31 =	sadd.s32 $0x3E00, s22;
	[sflag:s16] =	ssyncadd.s32 $0xFFFFF800  }
0xea: {  	[spmem:s1] =	stream.indirect.scatter.add.f32 [tilespmem:s25], [sflag:$0x9], $0x10, s31, s17, $0xb8;
	[tilespmem:$0x10800] =	vst v63  }
0xeb: {  	_ =	swait.ge [sflag:s15], $0x800  }
0xec: {  	[sflag:s15] =	ssyncset.done $0x0  }
0xed: {  	s5 =	simm.s32 @p1 $0x6;
	[sflag:s15] =	ssyncadd.s32 $0xFFFFF800  }
0xee: {  	_ =	swait.ge @p1 [sflag:s5], $0x800  }
0xef: {  	[sflag:s5] =	ssyncset.done @p1 $0x0  }
0xf0: {  	[sflag:s5] =	ssyncadd.s32 @p1 $0xFFFFF800;
	s5 =	sadd.s32 @p1 $0x3E80, s24;
	s24 =	simm.s32 @p1 $0xA000  }
0xf1: {  	[spmem:s1] =	stream.indirect.scatter.add.f32 @p1 [tilespmem:s24], [sflag:$0x9], $0x10, s5, s26, $0xb8;
	[tilespmem:$0x10800] =	vst v63  }
0xf2: {  	_ =	swait.ge @p1 [sflag:s28], $0x800  }
0xf3: {  	[sflag:s28] =	ssyncset.done @p1 $0x0  }
0xf4: {  	s5 =	sadd.s32 @!p1 $0x600, s11;
	s24 =	simm.s32 @!p1 $0x9800;
	[sflag:s28] =	ssyncadd.s32 @p1 $0xFFFFF800  }
0xf5: {  	[tilespmem:s24], [sflag:$0x5] =	stream.indirect.gather @!p1 [hbm4b:s4+s23], $0x10, s5, s23, $0xb8;
	[tilespmem:$0x10800] =	vst v63  }
0xf6: {  	s5 =	simm.s32 @!p1 $0x6  }
0xf7: {  	_ =	swait.ge @!p1 [sflag:s5], $0x800  }
0xf8: {  	[sflag:s5] =	ssyncset.done @!p1 $0x0  }
0xf9: {  	s24 =	simm.s32 @!p1 $0xA000;
	[sflag:s5] =	ssyncadd.s32 @!p1 $0xFFFFF800;
	s5 =	sadd.s32 @!p1 $0x3E80, s11  }
0xfa: {  	[spmem:s1] =	stream.indirect.scatter.add.f32 @!p1 [tilespmem:s24], [sflag:$0x9], $0x10, s5, s23, $0xb8;
	[tilespmem:$0x10800] =	vst v63  }
0xfb: {  	_ =	swait.ge @!p1 [sflag:s29], $0x800  }
0xfc: {  	[sflag:s29] =	ssyncset.done @!p1 $0x0  }
0xfd: {  	s5 =	sadd.s32 @!p1 $0x680, s11;
	[sflag:s29] =	ssyncadd.s32 @!p1 $0xFFFFF800  }
0xfe: {  	[tilespmem:s24], [sflag:$0x6] =	stream.indirect.gather @!p1 [hbm4b:s4+s23], $0x10, s5, s23, $0xb8;
	[tilespmem:$0x10800] =	vst v63  }
0xff: {  	_ =	swait.ge [sflag:s8], $0x800  }
0x100: {  	[sflag:s8] =	ssyncset.done $0x0  }
.Ltmp5:
0x101: {  	s31 =	sadd.s32 $0x3F00, s22;
	[sflag:s8] =	ssyncadd.s32 $0xFFFFF800;
	(pc) =	sbr.rel @p1 .LBB2_8-.Ltmp5, $4  }
0x102: {  	[spmem:s1] =	stream.indirect.scatter.add.f32 [tilespmem:s30], [sflag:$0x9], $0x10, s31, s17, $0xb8;
	[tilespmem:$0x10800] =	vst v63  }
0x103: {  	_ =	swait.ge [sflag:s15], $0x800  }
0x104: {  	[sflag:s15] =	ssyncset.done $0x0  }
0x105: {  	[sflag:s15] =	ssyncadd.s32 $0xFFFFF800  }
0x106: {  	s5 =	sadd.s32 $0x700, s22  }
0x107: {  	[tilespmem:s30], [sflag:$0x7] =	stream.indirect.gather [hbm4b:s4+s17], $0x10, s5, s17, $0xb8;
	[tilespmem:$0x10800] =	vst v63  }
0x108: {  	_ =	swait.ge [sflag:s19], $0x800  }
0x109: {  	[sflag:s19] =	ssyncset.done $0x0  }
0x10a: {  	s29 =	sadd.s32 $0x3F80, s22;
	[sflag:s19] =	ssyncadd.s32 $0xFFFFF800  }
0x10b: {  	[spmem:s1] =	stream.indirect.scatter.add.f32 [tilespmem:s0], [sflag:$0x9], $0x10, s29, s17, $0xb8;
	[tilespmem:$0x10800] =	vst v63  }
.Ltmp6:
0x10c: {  	_ = 	snop;
	(pc) =	sbr.rel .LBB2_3-.Ltmp6, $4  }
0x10d: {  	_ =	swait.ge [sflag:s15], $0x800  }
0x10e: {  	[sflag:s15] =	ssyncset.done $0x0  }
0x10f: {  	s31 =	sadd.s32 $0x780, s22;
	s10 =	sadd.s32 $0x1000, s10;
	[sflag:s15] =	ssyncadd.s32 $0xFFFFF800  }
0x110: {  	[tilespmem:s0], [sflag:$0x8] =	stream.indirect.gather [hbm4b:s4+s17], $0x10, s31, s17, $0xb8;
	[tilespmem:$0x10800] =	vst v63  }
.LBB2_9:
0x111: {  	_ =	sfence.sel $0x180000  }
0x112: {  	[bflag:$0x0] =	sbarrier.arrive $0xFFFF  }
0x113: {  	_ =	strace $0x9000004A  }
0x114: {  	s0 =	stileid.u32;
	[bflag:$0x2] =	sbarrier.arrive $0xFFFF  }
0x115: {  	p0 =	sne.s32 s0, $0x0;
	s0 =	rddreg [dreg:$0x2]  }
0x116: {  	s0 =	sadd.s32 @!p0 $0x100000, s0  }
0x117: {  	[sflag:s0] =	ssyncadd.tile.s32 @!p0 $0x1;
	_ =	shalt  }
.Lfunc_end2:
_tile_overlayer_lowered:
.L_overlay_start_2:
0x118: {  	(tag) =	ssettag $0x2  }
0x119: {  	s0 =	rddreg [dreg:$0x0];
	s2 =	stileid.u32  }
0x11a: {  	s1 =	rddreg [dreg:$0x1];
	p0 =	sne.s32 s2, $0x0  }
0x11b: {  	s3 =	rddreg [dreg:$0x2];
	[bflag:$0x3] =	sbarrier.arrive $0xFFFF;
	s2 =	simm.s32 @!p0 $0x1C09  }
0x11c: {  	[timem:s3], [sflag:s2] =	dma.local @!p0 [hbm:s0], s1  }
0x11d: {  	s0 =	simm.s32 @!p0 $0x9  }
0x11e: {  	_ =	swait.ge @!p0 [sflag:s0], s1  }
0x11f: {  	s1 =	ssub.s32 @!p0 $0x0, s1;
	[sflag:s0] =	ssyncset.done @!p0 $0x0  }
0x120: {  	[sflag:s0] =	ssyncadd.s32 @!p0 s1  }
0x121: {  	[bflag:$0x3] =	sbarrier.arrive $0xFFFF  }
0x122: {  	_ =	shalt  }

// kernel: sc_edge_scatter.7.cloned.1.call-start
scs
__scs_entry_jumppad:
0x0: {  	(pc) =	sbr.rel $0x88, $3  }
0x1: {  	(tag) =	ssettag $0x0;
	lr =	simm.s32 $0x1  }
0x2: {  	[smem:$0x3F9A] =	sst lr;
	_ =	strace $0xD0000000  }
0x3: {  	_ = 	snop  }
0x4: {  	_ = 	snop  }
0x5: {  	_ = 	snop  }
0x6: {  	_ = 	snop  }
0x7: {  	_ = 	snop  }
__scs_overlays_trampoline_lowered:
0x8: {  	[smem:$0x3FA9] =	sst s0  }
0x9: {  	[smem:$0x3FAA] =	sst s1  }
0xa: {  	[smem:$0x3FAB] =	sst s2  }
0xb: {  	[smem:$0x3FAC] =	sst s3  }
0xc: {  	[smem:$0x3FAD] =	sst s4  }
0xd: {  	[smem:$0x3FAE] =	sst s5  }
0xe: {  	[smem:$0x3FAF] =	sst s6  }
0xf: {  	[smem:$0x3FB0] =	sst s7  }
0x10: {  	[smem:$0x3FB1] =	sst s8  }
0x11: {  	[smem:$0x3FB2] =	sst s9;
	s0 =	simm.s32 @!p0 $0x0  }
0x12: {  	s1 =	sld [smem:$0x3F98];
	s0 =	simm.s32 @p0 $0x1  }
0x13: {  	[smem:$0x3FB3] =	sst s0;
	s0 =	simm.s32 @!p1 $0x0  }
0x14: {  	s2 =	sld [smem:$0x3F97];
	s0 =	simm.s32 @p1 $0x1  }
0x15: {  	[smem:$0x3FB4] =	sst s0;
	s0 =	simm.s32 @!p2 $0x0  }
0x16: {  	s3 =	sld [smem:$0x3FDB];
	s0 =	simm.s32 @p2 $0x1  }
0x17: {  	s4 =	simm.s32 $0x1BF5;
	[smem:$0x3FB6] =	sst s0  }
0x18: {  	s0 =	sld [smem:$0x3F99];
	_ =	swait.ge [sflag:s4], $0x0  }
0x19: {  	s7 =	sld [smem:$0x3F9A]  }
0x1a: {  	s8 =	sadd.s32 $0xFFFFE003, lr  }
0x1b: {  	s9 =	sadd.s32 $0xFFFFFEF7, lr;
	s5 =	simm.s32 $0xFFFFFFFF;
	p2 =	slt.u32 s8, $0xFFFFF086  }
0x1c: {  	p1 =	slt.u32 s9, $0xF7A;
	s5 =	simm.s32 @!p2 $0x0  }
0x1d: {  	s5 =	simm.s32 @p1 $0x1;
	p0 =	seq.s32 s7, s2  }
0x1e: {  	s7 =	smul.u32 @!p0 $0xF7A, s2;
	p2 =	seq.s32 @!p0 s5, $0x0  }
0x1f: {  	s9 =	smul.u32 $0xF7A, s1;
	s8 =	simm.s32 @!p0 $0x1BF5;
	p2 =	por !p2, p0  }
0x20: {  	[sflag:s8] =	ssyncset.s32 @!p0 $0xFFFFF086;
	s6 =	sadd.s32 @!p0 s3, s7;
	s7 =	simm.s32 @!p0 $0x108  }
0x21: {  	s3 =	sadd.s32 s3, s9;
	s6 =	sadd.s32 @!p0 $0x88, s6;
	s7 =	simm.s32 @p2 $0x1082  }
0x22: {  	[simem:s7], [sflag:s8] =	dma.local @!p0 [hbm:s6], $0xF7A  }
0x23: {  	s9 =	sor.u32 $0xD0000000, s2;
	s6 =	simm.s32 $0x108;
	_ =	swait.ge @!p0 [sflag:s8], $0x0  }
0x24: {  	s3 =	sadd.s32 $0x88, s3;
	s6 =	simm.s32 @!p1 $0x1082;
	[sflag:s4] =	ssyncset.s32 $0xFFFFF086  }
0x25: {  	[simem:s6], [sflag:s4] =	dma.local [hbm:s3], $0xF7A  }
0x26: {  	[smem:$0x3F9A] =	sst s1;
	(tag) =	ssettag s2;
	_ =	strace s9  }
0x27: {  	s1 =	sld [smem:$0x3FAA]  }
0x28: {  	s2 =	sld [smem:$0x3FAB]  }
0x29: {  	s4 =	sld [smem:$0x3FAD]  }
0x2a: {  	p0 =	seq.s32 s5, $0x0;
	s5 =	sld [smem:$0x3FAE]  }
0x2b: {  	s6 =	sld [smem:$0x3FAF]  }
0x2c: {  	s7 =	sld [smem:$0x3FB0]  }
0x2d: {  	s3 =	simm.s32 $0x108;
	s8 =	sld [smem:$0x3FB1]  }
0x2e: {  	s3 =	simm.s32 @!p0 $0x1082;
	s9 =	sld [smem:$0x3FB2]  }
0x2f: {  	lr =	sadd.s32 s0, s3;
	s0 =	sld [smem:$0x3FA9]  }
0x30: {  	s3 =	sld [smem:$0x3FAC]  }
0x31: {  	[smem:$0x3FB5] =	sst s10  }
0x32: {  	s10 =	sld [smem:$0x3FB3];
	_ =	sdelay $0x3  }
0x33: {  	p0 =	seq.s32 s10, $0x1;
	s10 =	sld [smem:$0x3FB5];
	_ =	sdelay $0x3  }
0x34: {  	[smem:$0x3FB5] =	sst s10  }
0x35: {  	s10 =	sld [smem:$0x3FB4];
	_ =	sdelay $0x3  }
0x36: {  	p1 =	seq.s32 s10, $0x1;
	s10 =	sld [smem:$0x3FB5];
	_ =	sdelay $0x3  }
0x37: {  	[smem:$0x3FB5] =	sst s10  }
0x38: {  	s10 =	sld [smem:$0x3FB6]  }
0x39: {  	_ = 	snop;
	(pc) =	sbr.ind lr, $3  }
0x3a: {  	_ = 	snop  }
0x3b: {  	_ = 	snop  }
0x3c: {  	p2 =	seq.s32 s10, $0x1;
	s10 =	sld [smem:$0x3FB5]  }
0x3d: {  	_ =	shalt  }
0x3e: {  	_ =	shalt  }
0x3f: {  	_ =	shalt  }
0x40: {  	_ =	shalt  }
0x41: {  	_ =	shalt  }
0x42: {  	_ =	shalt  }
0x43: {  	_ =	shalt  }
0x44: {  	_ =	shalt  }
0x45: {  	_ =	shalt  }
0x46: {  	_ =	shalt  }
0x47: {  	_ =	shalt  }
0x48: {  	_ =	shalt  }
0x49: {  	_ =	shalt  }
0x4a: {  	_ =	shalt  }
0x4b: {  	_ =	shalt  }
0x4c: {  	_ =	shalt  }
0x4d: {  	_ =	shalt  }
0x4e: {  	_ =	shalt  }
0x4f: {  	_ =	shalt  }
0x50: {  	_ =	shalt  }
0x51: {  	_ =	shalt  }
0x52: {  	_ =	shalt  }
0x53: {  	_ =	shalt  }
0x54: {  	_ =	shalt  }
0x55: {  	_ =	shalt  }
0x56: {  	_ =	shalt  }
0x57: {  	_ =	shalt  }
0x58: {  	_ =	shalt  }
0x59: {  	_ =	shalt  }
0x5a: {  	_ =	shalt  }
0x5b: {  	_ =	shalt  }
0x5c: {  	_ =	shalt  }
0x5d: {  	_ =	shalt  }
0x5e: {  	_ =	shalt  }
0x5f: {  	_ =	shalt  }
0x60: {  	_ =	shalt  }
0x61: {  	_ =	shalt  }
0x62: {  	_ =	shalt  }
0x63: {  	_ =	shalt  }
0x64: {  	_ =	shalt  }
0x65: {  	_ =	shalt  }
0x66: {  	_ =	shalt  }
0x67: {  	_ =	shalt  }
0x68: {  	_ =	shalt  }
0x69: {  	_ =	shalt  }
0x6a: {  	_ =	shalt  }
0x6b: {  	_ =	shalt  }
0x6c: {  	_ =	shalt  }
0x6d: {  	_ =	shalt  }
0x6e: {  	_ =	shalt  }
0x6f: {  	_ =	shalt  }
0x70: {  	_ =	shalt  }
0x71: {  	_ =	shalt  }
0x72: {  	_ =	shalt  }
0x73: {  	_ =	shalt  }
0x74: {  	_ =	shalt  }
0x75: {  	_ =	shalt  }
0x76: {  	_ =	shalt  }
0x77: {  	_ =	shalt  }
0x78: {  	_ =	shalt  }
0x79: {  	_ =	shalt  }
0x7a: {  	_ =	shalt  }
0x7b: {  	_ =	shalt  }
0x7c: {  	_ =	shalt  }
0x7d: {  	_ =	shalt  }
0x7e: {  	_ =	shalt  }
0x7f: {  	_ =	shalt  }
0x80: {  	_ =	shalt  }
0x81: {  	_ =	shalt  }
0x82: {  	_ =	shalt  }
0x83: {  	_ =	shalt  }
0x84: {  	_ =	shalt  }
0x85: {  	_ =	shalt  }
0x86: {  	_ =	shalt  }
0x87: {  	_ =	shalt  }
.Lfunc_end0:
.L_simem_size_0:
called_computation.2_lowered:
.L_overlay_start_0:
0x88: {  	s2 =	sld [smem:$0x3FD9]  }
0x89: {  	s3 =	sld [smem:$0x3FFE];
	_ =	sdelay $0x1  }
0x8a: {  	s1 =	srdreg.scid  }
0x8b: {  	s0 =	sand.u32 $0x1, s1  }
0x8c: {  	s16 =	sshll.u32 s0, $0xA;
	s2 =	sadd.s32 s3, s2  }
0x8d: {  	s2 =	sadd.s32 s2, s16  }
0x8e: {  	[smem:$0x3FC1] =	sst s2  }
0x8f: {  	_ = 	snop  }
0x90: {  	(tm) =	ssettm $0x1  }
0x91: {  	s17 =	sld [smem:$0x3FFB];
	_ =	sdelay $0x3  }
0x92: {  	_ =	strace s17  }
0x93: {  	s2 =	sld [smem:$0x3FFC];
	_ =	sdelay $0x3  }
0x94: {  	_ =	strace s2  }
0x95: {  	s2 =	sld [smem:$0x3FFD];
	_ =	sdelay $0x3  }
0x96: {  	_ =	strace s2  }
0x97: {  	_ =	strace $0x8FFFFFFF  }
0x98: {  	s18 =	sld [smem:$0x3FDB];
	_ =	sdelay $0x1  }
0x99: {  	s19 =	simm.s32 $_scs_section_size  }
0x9a: {  	s4 =	simm.s32 $_size__tile_overlayer_lowered;
	s5 =	simm.s32 $_tile_overlayer_lowered  }
0x9b: {  	s22 =	simm.s32 $0x1BFF;
	s21 =	sshll.u32 s5, $0x1;
	s2 =	sadd.s32 s19, s18  }
0x9c: {  	s6 =	simm.s32 $0x0;
	s20 =	sshll.u32 s4, $0x1;
	s4 =	sadd.s32 s21, s2  }
0x9d: {  	[timem:s6], [sflag:s22] =	dma.local [hbm:s4], s20  }
0x9e: {  	_ =	swait.ge [sflag:s22], s20  }
0x9f: {  	s3 =	ssub.s32 $0x0, s20;
	[sflag:s22] =	ssyncset.done $0x0  }
0xa0: {  	[sflag:s22] =	ssyncadd.s32 s3;
	_ =	sdelay $0x1  }
0xa1: {  	s23 =	simm.s32 $0x1B8B  }
0xa2: {  	_ =	swait.ge [sflag:s23], $0x1  }
0xa3: {  	[sflag:s23] =	ssyncset.done $0x0  }
0xa4: {  	s25 =	simm.s32 $0x1B8E;
	s24 =	sld [smem:$0x3FFE];
	[sflag:s23] =	ssyncadd.s32 $0xFFFFFFFF  }
0xa5: {  	s26 =	simm.s32 $execute0_lowered;
	[smem:$0x3FD2] =	sst s25  }
0xa6: {  	s4 =	sshll.u32 s26, $0x1;
	_ =	strace $0x8000004C;
	[dreg:$0x1] =	wrdreg $0xFFFFFFFF  }
0xa7: {  	s28 =	simm.s32 $_size_execute0_lowered;
	s2 =	sadd.s32 s2, s4;
	[dreg:$0x0] =	wrdreg $0x0  }
0xa8: {  	s4 =	sshll.u32 s28, $0x1;
	[dreg:$0x2] =	wrdreg s2  }
0xa9: {  	[dreg:$0x3] =	wrdreg s4  }
0xaa: {  	[dreg:$0x4] =	wrdreg $0xC0  }
0xab: {  	_ =	task [dreg:s6], $0x5FFFF  }
0xac: {  	[dreg:$0x1] =	wrdreg $0xFFFFFFFF  }
0xad: {  	[dreg:$0x0] =	wrdreg $0x60  }
0xae: {  	[dreg:$0x2] =	wrdreg s24  }
0xaf: {  	[dreg:$0x3] =	wrdreg $0xE0000  }
0xb0: {  	[dreg:$0x4] =	wrdreg $0x9  }
0xb1: {  	_ =	task.clear_ibuf [dreg:s6], $0x5FFFF;
	_ =	strace $0x9000004C  }
0xb2: {  	s29 =	simm.s32 $0x9;
	_ =	strace $0x8000004E  }
0xb3: {  	_ =	swait.ge [sflag:s29], $0x1  }
0xb4: {  	[sflag:s29] =	ssyncadd.s32 $0xFFFFFFFF  }
0xb5: {  	_ =	strace $0x9000004E  }
0xb6: {  	_ =	sfence  }
0xb7: {  	s30 =	sld [smem:$0x0];
	_ =	sdelay $0x2  }
0xb8: {  	s31 =	sshll.u32 s1, $0xD;
	s1 =	sshrl.u32 s1, $0x2  }
0xb9: {  	s3 =	sand.u32 $0x4000, s31;
	s1 =	sadd.s32 s1, s30  }
0xba: {  	s0 =	sor.u32 s3, s0;
	s1 =	sshll.u32 s1, $0x11  }
0xbb: {  	s0 =	sor.u32 s1, s0  }
0xbc: {  	s0 =	sadd.s32 $0x8F2B, s0  }
0xbd: {  	[sflag:s0] =	ssyncadd.remote.s32 $0x1  }
0xbe: {  	_ =	sfence.sel $0xFFFF  }
0xbf: {  	[dreg:$0x0] =	wrdreg $0xFFFFFFFF;
	(pc) =	sbr.abs _section_cstart, $3  }
0xc0: {  	[dreg:$0x1] =	wrdreg $0xFFFFFFFF  }
0xc1: {  	_ =	task.clear_ibuf [dreg:s6], $0x2FFFF;
	_ =	strace $0x9FFFFFFF  }
0xc2: {  	(tm) =	ssettm $0x7FFFFFFF  }
0xc3: {  	_ =	shalt  }
tec
execute0_lowered:
.L_overlay_start_1:
0x0: {  	(tag) =	ssettag $0x1  }
0x1: {  	s0 =	rddreg [dreg:$0x0]  }
0x2: {  	s1 =	rddreg [dreg:$0x1]  }
0x3: {  	s2 =	simm.s32 $0x0;
	s20 =	srdreg.scid;
	s5 =	stileid.u32  }
0x4: {  	s15 =	simm.s32 $0x9;
	s17 =	simm.s32 $0x80;
	s18 =	simm.s32 $0x7800  }
0x5: {  	s30 =	simm.s32 $0xA800;
	s16 =	simm.s32 $0x5;
	s19 =	simm.s32 $0x8  }
0x6: {  	[smem:$0x7FF] =	sst s2;
	s2 =	sand.u32 $0x1, s20;
	s3 =	smul.u32 $0x500, s5  }
0x7: {  	s4 =	sadd.s32 $0x15E00, s0;
	s8 =	sadd.s32 $0xB800, s0;
	s10 =	smul.u32 $0xA000, s5  }
0x8: {  	s9 =	sadd.s32 $0x1800, s0;
	s7 =	sadd.s32 $0x15800, s0;
	s11 =	smul.u32 $0x1400, s5  }
0x9: {  	s25 =	sshll.u32 s5, $0x6;
	s26 =	smul.u32 $0x780, s5;
	s20 =	simm.s32 $0xB800  }
0xa: {  	_ =	strace $0x8000004D;
	s6 =	smul.u32 $0x5000, s2;
	[dreg:$0x3] =	wrdreg s7  }
0xb: {  	s21 =	ssub.s32 $0x2, s2;
	s7 =	sor.u32 $0x1C09, s25;
	p0 =	seq.s32 s2, $0x1  }
0xc: {  	s25 =	simm.s32 $0x9800;
	s22 =	sshrl.u32 s21, $0x1;
	s24 =	sshrl.u32 s10, $0x2  }
0xd: {  	s11 =	sshrl.u32 s11, $0x3;
	s28 =	sadd.s32 s9, s26;
	s5 =	sadd.s32 s8, s26  }
0xe: {  	s3 =	sadd.s32 s3, s6;
	s23 =	ssub.s32 s21, s22;
	[dreg:$0x4] =	wrdreg s28  }
0xf: {  	s6 =	sadd.s32 s24, s1;
	s29 =	sadd.s32 $0x7800, s11;
	[dreg:$0x5] =	wrdreg s5  }
.Ltmp0:
0x10: {  	s21 =	simm.s32 $0x8800;
	s0 =	sadd.s32 s3, s0;
	(pc) =	sbr.rel .LBB2_1-.Ltmp0, $4  }
0x11: {  	s31 =	sadd.s32 s9, s29;
	s2 =	sadd.s32 s8, s29;
	s13 =	smax.u32 s23, $0x1  }
0x12: {  	s14 =	sshrl.u32 s6, $0x3;
	s3 =	simm.s32 $0x3;
	[dreg:$0x6] =	wrdreg s31  }
0x13: {  	s8 =	simm.s32 $0x7;
	s9 =	simm.s32 $0x0;
	[dreg:$0x7] =	wrdreg s2  }
0x14: {  	s12 =	sadd.s32 $0x1AE00, s0;
	s0 =	simm.s32 $0xB000;
	s2 =	simm.s32 $0x1  }
.LBB2_8:
0x15: {  	_ =	swait.ge [sflag:s19], $0x800  }
0x16: {  	s5 =	sshra.s32 s10, $0x2;
	[sflag:s19] =	ssyncset.done $0x0  }
0x17: {  	s5 =	sadd.s32 $0x3F80, s5;
	[sflag:s19] =	ssyncadd.s32 $0xFFFFF800  }
0x18: {  	[spmem:s1] =	stream.indirect.scatter.add.f32 [tilespmem:s0], [sflag:$0x9], $0x10, s5, s17, $0xb8;
	[tilespmem:$0x10800] =	vst v63  }
0x19: {  	_ =	swait.ge [sflag:s15], $0x800  }
0x1a: {  	[sflag:s15] =	ssyncset.done $0x0  }
0x1b: {  	[sflag:s15] =	ssyncadd.s32 $0xFFFFF800  }
0x1c: {  	[bflag:$0x0] =	sbarrier.arrive $0xFFFF  }
0x1d: {  	[tilespmem:s20], [sflag:$0x9] =	stream.linear.gather [spmem:s6], $0x2800, $0x38;
	[tilespmem:$0x10800] =	vst v63  }
0x1e: {  	s9 =	sadd.s32 $0x1, s9;
	_ =	swait.ge [sflag:s15], $0x2800  }
0x1f: {  	p1 =	sne.s32 s9, s13;
	[sflag:s15] =	ssyncset.done $0x0  }
.Ltmp1:
0x20: {  	s31 =	simm.s32 $0x0;
	[sflag:s15] =	ssyncadd.s32 $0xFFFFD800;
	(pc) =	sbr.rel @!p1 .LBB2_9-.Ltmp1, $4  }
0x21: {  	[hbm4b:s12+s31] =	stream.linear.scatter [tilespmem:s20], [sflag:$0x9], $0x2800, $0x38;
	[tilespmem:$0x10800] =	vst v63  }
0x22: {  	_ =	swait.ge [sflag:s15], $0x2800  }
0x23: {  	[sflag:s15] =	ssyncset.done $0x0  }
0x24: {  	[sflag:s15] =	ssyncadd.s32 $0xFFFFD800  }
.LBB2_1:
0x25: {  	s5 =	rddreg [dreg:$0x3]  }
0x26: {  	[spmem:s14], [sflag:s7] =	dma.local [hbm:s5], $0x500  }
.Ltmp2:
0x27: {  	_ =	swait.ge [sflag:s15], $0x500;
	(pc) =	sbr.rel @!p0 .LBB2_2-.Ltmp2, $4  }
0x28: {  	[sflag:s15] =	ssyncset.done $0x0  }
0x29: {  	[sflag:s15] =	ssyncadd.s32 $0xFFFFFB00  }
0x2a: {  	[bflag:$0x0] =	sbarrier.arrive $0xFFFF  }
0x2b: {  	s10 =	simm.s32 $0x0  }
0x2c: {  	s5 =	rddreg [dreg:$0x6];
	s11 =	simm.s32 $0x3C00  }
0x2d: {  	[tilespmem:s11], [sflag:$0x9] =	stream.linear.gather [hbm4b:s5+s10], $0x1400, $0x38;
	[tilespmem:$0x10800] =	vst v63  }
0x2e: {  	_ =	swait.ge [sflag:s15], $0x1400  }
0x2f: {  	[sflag:s15] =	ssyncset.done $0x0  }
0x30: {  	s29 =	rddreg [dreg:$0x7];
	[sflag:s15] =	ssyncadd.s32 $0xFFFFEC00  }
0x31: {  	[tilespmem:s10], [sflag:$0x9] =	stream.linear.gather [hbm4b:s29+s10], $0x1400, $0x38;
	[tilespmem:$0x10800] =	vst v63  }
0x32: {  	_ =	swait.ge [sflag:s15], $0x1400  }
0x33: {  	[sflag:s15] =	ssyncset.done $0x0  }
0x34: {  	[sflag:s15] =	ssyncadd.s32 $0xFFFFEC00  }
0x35: {  	[tilespmem:s18], [sflag:$0x1] =	stream.indirect.gather [hbm4b:s4+s17], $0x10, s10, s17, $0xb8;
	[tilespmem:$0x10800] =	vst v63  }
0x36: {  	s31 =	simm.s32 $0x8000  }
0x37: {  	[tilespmem:s31], [sflag:$0x2] =	stream.indirect.gather [hbm4b:s4+s17], $0x10, s17, s17, $0xb8;
	[tilespmem:$0x10800] =	vst v63  }
0x38: {  	s11 =	simm.s32 $0x100  }
0x39: {  	[tilespmem:s21], [sflag:$0x3] =	stream.indirect.gather [hbm4b:s4+s17], $0x10, s11, s17, $0xb8;
	[tilespmem:$0x10800] =	vst v63  }
0x3a: {  	s22 =	simm.s32 $0x180;
	s23 =	simm.s32 $0x9000  }
0x3b: {  	[tilespmem:s23], [sflag:$0x4] =	stream.indirect.gather [hbm4b:s4+s17], $0x10, s22, s17, $0xb8;
	[tilespmem:$0x10800] =	vst v63  }
0x3c: {  	s24 =	simm.s32 $0x200  }
0x3d: {  	[tilespmem:s25], [sflag:$0x5] =	stream.indirect.gather [hbm4b:s4+s17], $0x10, s24, s17, $0xb8;
	[tilespmem:$0x10800] =	vst v63  }
0x3e: {  	s26 =	simm.s32 $0x280;
	s28 =	simm.s32 $0xA000  }
0x3f: {  	[tilespmem:s28], [sflag:$0x6] =	stream.indirect.gather [hbm4b:s4+s17], $0x10, s26, s17, $0xb8;
	[tilespmem:$0x10800] =	vst v63  }
0x40: {  	s29 =	simm.s32 $0x300  }
0x41: {  	[tilespmem:s30], [sflag:$0x7] =	stream.indirect.gather [hbm4b:s4+s17], $0x10, s29, s17, $0xb8;
	[tilespmem:$0x10800] =	vst v63  }
0x42: {  	s31 =	simm.s32 $0x380  }
0x43: {  	[tilespmem:s0], [sflag:$0x8] =	stream.indirect.gather [hbm4b:s4+s17], $0x10, s31, s17, $0xb8;
	[tilespmem:$0x10800] =	vst v63  }
.LBB2_6:
0x44: {  	_ =	swait.ge [sflag:s2], $0x800  }
0x45: {  	s22 =	sshra.s32 s10, $0x2;
	[sflag:s2] =	ssyncset.done $0x0  }
0x46: {  	s5 =	sadd.s32 $0x3C00, s22;
	[sflag:s2] =	ssyncadd.s32 $0xFFFFF800  }
0x47: {  	[spmem:s1] =	stream.indirect.scatter.add.f32 [tilespmem:s18], [sflag:$0x9], $0x10, s5, s17, $0xb8;
	[tilespmem:$0x10800] =	vst v63  }
0x48: {  	_ =	swait.ge [sflag:s15], $0x800  }
0x49: {  	p1 =	seq.s32 s10, $0x4000;
	[sflag:s15] =	ssyncset.done $0x0  }
0x4a: {  	s5 =	simm.s32 @p1 $0x2;
	[sflag:s15] =	ssyncadd.s32 $0xFFFFF800  }
0x4b: {  	s24 =	sshra.s32 @p1 s10, $0x2;
	_ =	swait.ge @p1 [sflag:s5], $0x800  }
0x4c: {  	s26 =	simm.s32 @p1 $0x80;
	s11 =	simm.s32 @p1 $0x8000;
	[sflag:s5] =	ssyncset.done @p1 $0x0  }
0x4d: {  	s28 =	simm.s32 @p1 $0x9;
	[sflag:s5] =	ssyncadd.s32 @p1 $0xFFFFF800;
	s5 =	sadd.s32 @p1 $0x3C80, s24  }
0x4e: {  	[spmem:s1] =	stream.indirect.scatter.add.f32 @p1 [tilespmem:s11], [sflag:$0x9], $0x10, s5, s26, $0xb8;
	[tilespmem:$0x10800] =	vst v63  }
0x4f: {  	_ =	swait.ge @p1 [sflag:s28], $0x800  }
0x50: {  	s23 =	simm.s32 @!p1 $0x80;
	s11 =	sshra.s32 @!p1 s10, $0x2;
	[sflag:s28] =	ssyncset.done @p1 $0x0  }
0x51: {  	s29 =	simm.s32 @!p1 $0x7800;
	s5 =	sadd.s32 @!p1 $0x400, s11;
	[sflag:s28] =	ssyncadd.s32 @p1 $0xFFFFF800  }
0x52: {  	[tilespmem:s29], [sflag:$0x1] =	stream.indirect.gather @!p1 [hbm4b:s4+s23], $0x10, s5, s23, $0xb8;
	[tilespmem:$0x10800] =	vst v63  }
0x53: {  	s5 =	simm.s32 @!p1 $0x2  }
0x54: {  	_ =	swait.ge @!p1 [sflag:s5], $0x800  }
0x55: {  	s31 =	simm.s32 @!p1 $0x8000;
	[sflag:s5] =	ssyncset.done @!p1 $0x0  }
0x56: {  	s29 =	simm.s32 @!p1 $0x9;
	[sflag:s5] =	ssyncadd.s32 @!p1 $0xFFFFF800;
	s5 =	sadd.s32 @!p1 $0x3C80, s11  }
0x57: {  	[spmem:s1] =	stream.indirect.scatter.add.f32 @!p1 [tilespmem:s31], [sflag:$0x9], $0x10, s5, s23, $0xb8;
	[tilespmem:$0x10800] =	vst v63  }
0x58: {  	_ =	swait.ge @!p1 [sflag:s29], $0x800  }
0x59: {  	[sflag:s29] =	ssyncset.done @!p1 $0x0  }
0x5a: {  	s5 =	sadd.s32 @!p1 $0x480, s11;
	[sflag:s29] =	ssyncadd.s32 @!p1 $0xFFFFF800  }
0x5b: {  	[tilespmem:s31], [sflag:$0x2] =	stream.indirect.gather @!p1 [hbm4b:s4+s23], $0x10, s5, s23, $0xb8;
	[tilespmem:$0x10800] =	vst v63  }
0x5c: {  	_ =	swait.ge [sflag:s3], $0x800  }
0x5d: {  	[sflag:s3] =	ssyncset.done $0x0  }
0x5e: {  	s31 =	sadd.s32 $0x3D00, s22;
	[sflag:s3] =	ssyncadd.s32 $0xFFFFF800  }
0x5f: {  	[spmem:s1] =	stream.indirect.scatter.add.f32 [tilespmem:s21], [sflag:$0x9], $0x10, s31, s17, $0xb8;
	[tilespmem:$0x10800] =	vst v63  }
0x60: {  	_ =	swait.ge [sflag:s15], $0x800  }
0x61: {  	[sflag:s15] =	ssyncset.done $0x0  }
0x62: {  	s5 =	simm.s32 @p1 $0x4;
	[sflag:s15] =	ssyncadd.s32 $0xFFFFF800  }
0x63: {  	_ =	swait.ge @p1 [sflag:s5], $0x800  }
0x64: {  	[sflag:s5] =	ssyncset.done @p1 $0x0  }
0x65: {  	s31 =	simm.s32 @p1 $0x9000;
	[sflag:s5] =	ssyncadd.s32 @p1 $0xFFFFF800;
	s5 =	sadd.s32 @p1 $0x3D80, s24  }
0x66: {  	[spmem:s1] =	stream.indirect.scatter.add.f32 @p1 [tilespmem:s31], [sflag:$0x9], $0x10, s5, s26, $0xb8;
	[tilespmem:$0x10800] =	vst v63  }
0x67: {  	_ =	swait.ge @p1 [sflag:s28], $0x800  }
0x68: {  	[sflag:s28] =	ssyncset.done @p1 $0x0  }
0x69: {  	s5 =	sadd.s32 @!p1 $0x500, s11;
	s31 =	simm.s32 @!p1 $0x8800;
	[sflag:s28] =	ssyncadd.s32 @p1 $0xFFFFF800  }
0x6a: {  	[tilespmem:s31], [sflag:$0x3] =	stream.indirect.gather @!p1 [hbm4b:s4+s23], $0x10, s5, s23, $0xb8;
	[tilespmem:$0x10800] =	vst v63  }
0x6b: {  	s5 =	simm.s32 @!p1 $0x4  }
0x6c: {  	_ =	swait.ge @!p1 [sflag:s5], $0x800  }
0x6d: {  	[sflag:s5] =	ssyncset.done @!p1 $0x0  }
0x6e: {  	s31 =	simm.s32 @!p1 $0x9000;
	[sflag:s5] =	ssyncadd.s32 @!p1 $0xFFFFF800;
	s5 =	sadd.s32 @!p1 $0x3D80, s11  }
0x6f: {  	[spmem:s1] =	stream.indirect.scatter.add.f32 @!p1 [tilespmem:s31], [sflag:$0x9], $0x10, s5, s23, $0xb8;
	[tilespmem:$0x10800] =	vst v63  }
0x70: {  	_ =	swait.ge @!p1 [sflag:s29], $0x800  }
0x71: {  	[sflag:s29] =	ssyncset.done @!p1 $0x0  }
0x72: {  	s5 =	sadd.s32 @!p1 $0x580, s11;
	[sflag:s29] =	ssyncadd.s32 @!p1 $0xFFFFF800  }
0x73: {  	[tilespmem:s31], [sflag:$0x4] =	stream.indirect.gather @!p1 [hbm4b:s4+s23], $0x10, s5, s23, $0xb8;
	[tilespmem:$0x10800] =	vst v63  }
0x74: {  	_ =	swait.ge [sflag:s16], $0x800  }
0x75: {  	[sflag:s16] =	ssyncset.done $0x0  }
0x76: {  	s31 =	sadd.s32 $0x3E00, s22;
	[sflag:s16] =	ssyncadd.s32 $0xFFFFF800  }
0x77: {  	[spmem:s1] =	stream.indirect.scatter.add.f32 [tilespmem:s25], [sflag:$0x9], $0x10, s31, s17, $0xb8;
	[tilespmem:$0x10800] =	vst v63  }
0x78: {  	_ =	swait.ge [sflag:s15], $0x800  }
0x79: {  	[sflag:s15] =	ssyncset.done $0x0  }
0x7a: {  	s5 =	simm.s32 @p1 $0x6;
	[sflag:s15] =	ssyncadd.s32 $0xFFFFF800  }
0x7b: {  	_ =	swait.ge @p1 [sflag:s5], $0x800  }
0x7c: {  	[sflag:s5] =	ssyncset.done @p1 $0x0  }
0x7d: {  	[sflag:s5] =	ssyncadd.s32 @p1 $0xFFFFF800;
	s5 =	sadd.s32 @p1 $0x3E80, s24;
	s24 =	simm.s32 @p1 $0xA000  }
0x7e: {  	[spmem:s1] =	stream.indirect.scatter.add.f32 @p1 [tilespmem:s24], [sflag:$0x9], $0x10, s5, s26, $0xb8;
	[tilespmem:$0x10800] =	vst v63  }
0x7f: {  	_ =	swait.ge @p1 [sflag:s28], $0x800  }
0x80: {  	[sflag:s28] =	ssyncset.done @p1 $0x0  }
0x81: {  	s5 =	sadd.s32 @!p1 $0x600, s11;
	s24 =	simm.s32 @!p1 $0x9800;
	[sflag:s28] =	ssyncadd.s32 @p1 $0xFFFFF800  }
0x82: {  	[tilespmem:s24], [sflag:$0x5] =	stream.indirect.gather @!p1 [hbm4b:s4+s23], $0x10, s5, s23, $0xb8;
	[tilespmem:$0x10800] =	vst v63  }
0x83: {  	s5 =	simm.s32 @!p1 $0x6  }
0x84: {  	_ =	swait.ge @!p1 [sflag:s5], $0x800  }
0x85: {  	[sflag:s5] =	ssyncset.done @!p1 $0x0  }
0x86: {  	s24 =	simm.s32 @!p1 $0xA000;
	[sflag:s5] =	ssyncadd.s32 @!p1 $0xFFFFF800;
	s5 =	sadd.s32 @!p1 $0x3E80, s11  }
0x87: {  	[spmem:s1] =	stream.indirect.scatter.add.f32 @!p1 [tilespmem:s24], [sflag:$0x9], $0x10, s5, s23, $0xb8;
	[tilespmem:$0x10800] =	vst v63  }
0x88: {  	_ =	swait.ge @!p1 [sflag:s29], $0x800  }
0x89: {  	[sflag:s29] =	ssyncset.done @!p1 $0x0  }
0x8a: {  	s5 =	sadd.s32 @!p1 $0x680, s11;
	[sflag:s29] =	ssyncadd.s32 @!p1 $0xFFFFF800  }
0x8b: {  	[tilespmem:s24], [sflag:$0x6] =	stream.indirect.gather @!p1 [hbm4b:s4+s23], $0x10, s5, s23, $0xb8;
	[tilespmem:$0x10800] =	vst v63  }
0x8c: {  	_ =	swait.ge [sflag:s8], $0x800  }
0x8d: {  	[sflag:s8] =	ssyncset.done $0x0  }
.Ltmp3:
0x8e: {  	s31 =	sadd.s32 $0x3F00, s22;
	[sflag:s8] =	ssyncadd.s32 $0xFFFFF800;
	(pc) =	sbr.rel @p1 .LBB2_8-.Ltmp3, $4  }
0x8f: {  	[spmem:s1] =	stream.indirect.scatter.add.f32 [tilespmem:s30], [sflag:$0x9], $0x10, s31, s17, $0xb8;
	[tilespmem:$0x10800] =	vst v63  }
0x90: {  	_ =	swait.ge [sflag:s15], $0x800  }
0x91: {  	[sflag:s15] =	ssyncset.done $0x0  }
0x92: {  	[sflag:s15] =	ssyncadd.s32 $0xFFFFF800  }
0x93: {  	s5 =	sadd.s32 $0x700, s22  }
0x94: {  	[tilespmem:s30], [sflag:$0x7] =	stream.indirect.gather [hbm4b:s4+s17], $0x10, s5, s17, $0xb8;
	[tilespmem:$0x10800] =	vst v63  }
0x95: {  	_ =	swait.ge [sflag:s19], $0x800  }
0x96: {  	[sflag:s19] =	ssyncset.done $0x0  }
0x97: {  	s29 =	sadd.s32 $0x3F80, s22;
	[sflag:s19] =	ssyncadd.s32 $0xFFFFF800  }
0x98: {  	[spmem:s1] =	stream.indirect.scatter.add.f32 [tilespmem:s0], [sflag:$0x9], $0x10, s29, s17, $0xb8;
	[tilespmem:$0x10800] =	vst v63  }
.Ltmp4:
0x99: {  	_ = 	snop;
	(pc) =	sbr.rel .LBB2_6-.Ltmp4, $4  }
0x9a: {  	_ =	swait.ge [sflag:s15], $0x800  }
0x9b: {  	[sflag:s15] =	ssyncset.done $0x0  }
0x9c: {  	s31 =	sadd.s32 $0x780, s22;
	s10 =	sadd.s32 $0x1000, s10;
	[sflag:s15] =	ssyncadd.s32 $0xFFFFF800  }
0x9d: {  	[tilespmem:s0], [sflag:$0x8] =	stream.indirect.gather [hbm4b:s4+s17], $0x10, s31, s17, $0xb8;
	[tilespmem:$0x10800] =	vst v63  }
.LBB2_2:
0x9e: {  	s5 =	rddreg [dreg:$0x4];
	s11 =	simm.s32 $0x3C00  }
0x9f: {  	[tilespmem:s11], [sflag:$0x9] =	stream.linear.gather [hbm4b:s5+s10], $0x3C00, $0x38;
	[tilespmem:$0x10800] =	vst v63  }
0xa0: {  	_ =	swait.ge [sflag:s15], $0x3C00  }
0xa1: {  	[sflag:s15] =	ssyncset.done $0x0  }
0xa2: {  	s29 =	rddreg [dreg:$0x5];
	[sflag:s15] =	ssyncadd.s32 $0xFFFFC400  }
0xa3: {  	[tilespmem:s10], [sflag:$0x9] =	stream.linear.gather [hbm4b:s29+s10], $0x3C00, $0x38;
	[tilespmem:$0x10800] =	vst v63  }
0xa4: {  	_ =	swait.ge [sflag:s15], $0x3C00  }
0xa5: {  	[sflag:s15] =	ssyncset.done $0x0  }
0xa6: {  	[sflag:s15] =	ssyncadd.s32 $0xFFFFC400  }
0xa7: {  	[tilespmem:s18], [sflag:$0x1] =	stream.indirect.gather [hbm4b:s4+s17], $0x10, s10, s17, $0xb8;
	[tilespmem:$0x10800] =	vst v63  }
0xa8: {  	s31 =	simm.s32 $0x8000  }
0xa9: {  	[tilespmem:s31], [sflag:$0x2] =	stream.indirect.gather [hbm4b:s4+s17], $0x10, s17, s17, $0xb8;
	[tilespmem:$0x10800] =	vst v63  }
0xaa: {  	s11 =	simm.s32 $0x100  }
0xab: {  	[tilespmem:s21], [sflag:$0x3] =	stream.indirect.gather [hbm4b:s4+s17], $0x10, s11, s17, $0xb8;
	[tilespmem:$0x10800] =	vst v63  }
0xac: {  	s22 =	simm.s32 $0x180;
	s23 =	simm.s32 $0x9000  }
0xad: {  	[tilespmem:s23], [sflag:$0x4] =	stream.indirect.gather [hbm4b:s4+s17], $0x10, s22, s17, $0xb8;
	[tilespmem:$0x10800] =	vst v63  }
0xae: {  	s24 =	simm.s32 $0x200  }
0xaf: {  	[tilespmem:s25], [sflag:$0x5] =	stream.indirect.gather [hbm4b:s4+s17], $0x10, s24, s17, $0xb8;
	[tilespmem:$0x10800] =	vst v63  }
0xb0: {  	s26 =	simm.s32 $0x280;
	s28 =	simm.s32 $0xA000  }
0xb1: {  	[tilespmem:s28], [sflag:$0x6] =	stream.indirect.gather [hbm4b:s4+s17], $0x10, s26, s17, $0xb8;
	[tilespmem:$0x10800] =	vst v63  }
0xb2: {  	s29 =	simm.s32 $0x300  }
0xb3: {  	[tilespmem:s30], [sflag:$0x7] =	stream.indirect.gather [hbm4b:s4+s17], $0x10, s29, s17, $0xb8;
	[tilespmem:$0x10800] =	vst v63  }
0xb4: {  	s31 =	simm.s32 $0x380  }
0xb5: {  	[tilespmem:s0], [sflag:$0x8] =	stream.indirect.gather [hbm4b:s4+s17], $0x10, s31, s17, $0xb8;
	[tilespmem:$0x10800] =	vst v63  }
.LBB2_3:
0xb6: {  	_ =	swait.ge [sflag:s2], $0x800  }
0xb7: {  	s22 =	sshra.s32 s10, $0x2;
	[sflag:s2] =	ssyncset.done $0x0  }
0xb8: {  	s11 =	sadd.s32 $0x3C00, s22;
	[sflag:s2] =	ssyncadd.s32 $0xFFFFF800  }
0xb9: {  	[spmem:s1] =	stream.indirect.scatter.add.f32 [tilespmem:s18], [sflag:$0x9], $0x10, s11, s17, $0xb8;
	[tilespmem:$0x10800] =	vst v63  }
0xba: {  	_ =	swait.ge [sflag:s15], $0x800  }
0xbb: {  	p1 =	seq.s32 s10, $0xE000;
	[sflag:s15] =	ssyncset.done $0x0  }
0xbc: {  	s11 =	simm.s32 @p1 $0x2;
	[sflag:s15] =	ssyncadd.s32 $0xFFFFF800  }
0xbd: {  	s24 =	sshra.s32 @p1 s10, $0x2;
	_ =	swait.ge @p1 [sflag:s11], $0x800  }
0xbe: {  	s26 =	simm.s32 @p1 $0x80;
	s23 =	simm.s32 @p1 $0x8000;
	[sflag:s11] =	ssyncset.done @p1 $0x0  }
0xbf: {  	s28 =	simm.s32 @p1 $0x9;
	[sflag:s11] =	ssyncadd.s32 @p1 $0xFFFFF800;
	s11 =	sadd.s32 @p1 $0x3C80, s24  }
0xc0: {  	[spmem:s1] =	stream.indirect.scatter.add.f32 @p1 [tilespmem:s23], [sflag:$0x9], $0x10, s11, s26, $0xb8;
	[tilespmem:$0x10800] =	vst v63  }
0xc1: {  	_ =	swait.ge @p1 [sflag:s28], $0x800  }
0xc2: {  	s31 =	simm.s32 @!p1 $0x7800;
	s11 =	sshra.s32 @!p1 s10, $0x2;
	[sflag:s28] =	ssyncset.done @p1 $0x0  }
0xc3: {  	s23 =	simm.s32 @!p1 $0x80;
	s29 =	sadd.s32 @!p1 $0x400, s11;
	[sflag:s28] =	ssyncadd.s32 @p1 $0xFFFFF800  }
0xc4: {  	[tilespmem:s31], [sflag:$0x1] =	stream.indirect.gather @!p1 [hbm4b:s4+s23], $0x10, s29, s23, $0xb8;
	[tilespmem:$0x10800] =	vst v63  }
0xc5: {  	s29 =	simm.s32 @!p1 $0x2  }
0xc6: {  	_ =	swait.ge @!p1 [sflag:s29], $0x800  }
0xc7: {  	[sflag:s29] =	ssyncset.done @!p1 $0x0  }
0xc8: {  	s31 =	simm.s32 @!p1 $0x8000;
	[sflag:s29] =	ssyncadd.s32 @!p1 $0xFFFFF800;
	s29 =	sadd.s32 @!p1 $0x3C80, s11  }
0xc9: {  	[spmem:s1] =	stream.indirect.scatter.add.f32 @!p1 [tilespmem:s31], [sflag:$0x9], $0x10, s29, s23, $0xb8;
	[tilespmem:$0x10800] =	vst v63  }
0xca: {  	s29 =	simm.s32 @!p1 $0x9  }
0xcb: {  	_ =	swait.ge @!p1 [sflag:s29], $0x800  }
0xcc: {  	[sflag:s29] =	ssyncset.done @!p1 $0x0  }
0xcd: {  	s5 =	sadd.s32 @!p1 $0x480, s11;
	[sflag:s29] =	ssyncadd.s32 @!p1 $0xFFFFF800  }
0xce: {  	[tilespmem:s31], [sflag:$0x2] =	stream.indirect.gather @!p1 [hbm4b:s4+s23], $0x10, s5, s23, $0xb8;
	[tilespmem:$0x10800] =	vst v63  }
0xcf: {  	_ =	swait.ge [sflag:s3], $0x800  }
0xd0: {  	[sflag:s3] =	ssyncset.done $0x0  }
0xd1: {  	s31 =	sadd.s32 $0x3D00, s22;
	[sflag:s3] =	ssyncadd.s32 $0xFFFFF800  }
0xd2: {  	[spmem:s1] =	stream.indirect.scatter.add.f32 [tilespmem:s21], [sflag:$0x9], $0x10, s31, s17, $0xb8;
	[tilespmem:$0x10800] =	vst v63  }
0xd3: {  	_ =	swait.ge [sflag:s15], $0x800  }
0xd4: {  	[sflag:s15] =	ssyncset.done $0x0  }
0xd5: {  	s5 =	simm.s32 @p1 $0x4;
	[sflag:s15] =	ssyncadd.s32 $0xFFFFF800  }
0xd6: {  	_ =	swait.ge @p1 [sflag:s5], $0x800  }
0xd7: {  	[sflag:s5] =	ssyncset.done @p1 $0x0  }
0xd8: {  	s31 =	simm.s32 @p1 $0x9000;
	[sflag:s5] =	ssyncadd.s32 @p1 $0xFFFFF800;
	s5 =	sadd.s32 @p1 $0x3D80, s24  }
0xd9: {  	[spmem:s1] =	stream.indirect.scatter.add.f32 @p1 [tilespmem:s31], [sflag:$0x9], $0x10, s5, s26, $0xb8;
	[tilespmem:$0x10800] =	vst v63  }
0xda: {  	_ =	swait.ge @p1 [sflag:s28], $0x800  }
0xdb: {  	[sflag:s28] =	ssyncset.done @p1 $0x0  }
0xdc: {  	s5 =	sadd.s32 @!p1 $0x500, s11;
	s31 =	simm.s32 @!p1 $0x8800;
	[sflag:s28] =	ssyncadd.s32 @p1 $0xFFFFF800  }
0xdd: {  	[tilespmem:s31], [sflag:$0x3] =	stream.indirect.gather @!p1 [hbm4b:s4+s23], $0x10, s5, s23, $0xb8;
	[tilespmem:$0x10800] =	vst v63  }
0xde: {  	s5 =	simm.s32 @!p1 $0x4  }
0xdf: {  	_ =	swait.ge @!p1 [sflag:s5], $0x800  }
0xe0: {  	[sflag:s5] =	ssyncset.done @!p1 $0x0  }
0xe1: {  	s31 =	simm.s32 @!p1 $0x9000;
	[sflag:s5] =	ssyncadd.s32 @!p1 $0xFFFFF800;
	s5 =	sadd.s32 @!p1 $0x3D80, s11  }
0xe2: {  	[spmem:s1] =	stream.indirect.scatter.add.f32 @!p1 [tilespmem:s31], [sflag:$0x9], $0x10, s5, s23, $0xb8;
	[tilespmem:$0x10800] =	vst v63  }
0xe3: {  	_ =	swait.ge @!p1 [sflag:s29], $0x800  }
0xe4: {  	[sflag:s29] =	ssyncset.done @!p1 $0x0  }
0xe5: {  	s5 =	sadd.s32 @!p1 $0x580, s11;
	[sflag:s29] =	ssyncadd.s32 @!p1 $0xFFFFF800  }
0xe6: {  	[tilespmem:s31], [sflag:$0x4] =	stream.indirect.gather @!p1 [hbm4b:s4+s23], $0x10, s5, s23, $0xb8;
	[tilespmem:$0x10800] =	vst v63  }
0xe7: {  	_ =	swait.ge [sflag:s16], $0x800  }
0xe8: {  	[sflag:s16] =	ssyncset.done $0x0  }
0xe9: {  	s31 =	sadd.s32 $0x3E00, s22;
	[sflag:s16] =	ssyncadd.s32 $0xFFFFF800  }
0xea: {  	[spmem:s1] =	stream.indirect.scatter.add.f32 [tilespmem:s25], [sflag:$0x9], $0x10, s31, s17, $0xb8;
	[tilespmem:$0x10800] =	vst v63  }
0xeb: {  	_ =	swait.ge [sflag:s15], $0x800  }
0xec: {  	[sflag:s15] =	ssyncset.done $0x0  }
0xed: {  	s5 =	simm.s32 @p1 $0x6;
	[sflag:s15] =	ssyncadd.s32 $0xFFFFF800  }
0xee: {  	_ =	swait.ge @p1 [sflag:s5], $0x800  }
0xef: {  	[sflag:s5] =	ssyncset.done @p1 $0x0  }
0xf0: {  	[sflag:s5] =	ssyncadd.s32 @p1 $0xFFFFF800;
	s5 =	sadd.s32 @p1 $0x3E80, s24;
	s24 =	simm.s32 @p1 $0xA000  }
0xf1: {  	[spmem:s1] =	stream.indirect.scatter.add.f32 @p1 [tilespmem:s24], [sflag:$0x9], $0x10, s5, s26, $0xb8;
	[tilespmem:$0x10800] =	vst v63  }
0xf2: {  	_ =	swait.ge @p1 [sflag:s28], $0x800  }
0xf3: {  	[sflag:s28] =	ssyncset.done @p1 $0x0  }
0xf4: {  	s5 =	sadd.s32 @!p1 $0x600, s11;
	s24 =	simm.s32 @!p1 $0x9800;
	[sflag:s28] =	ssyncadd.s32 @p1 $0xFFFFF800  }
0xf5: {  	[tilespmem:s24], [sflag:$0x5] =	stream.indirect.gather @!p1 [hbm4b:s4+s23], $0x10, s5, s23, $0xb8;
	[tilespmem:$0x10800] =	vst v63  }
0xf6: {  	s5 =	simm.s32 @!p1 $0x6  }
0xf7: {  	_ =	swait.ge @!p1 [sflag:s5], $0x800  }
0xf8: {  	[sflag:s5] =	ssyncset.done @!p1 $0x0  }
0xf9: {  	s24 =	simm.s32 @!p1 $0xA000;
	[sflag:s5] =	ssyncadd.s32 @!p1 $0xFFFFF800;
	s5 =	sadd.s32 @!p1 $0x3E80, s11  }
0xfa: {  	[spmem:s1] =	stream.indirect.scatter.add.f32 @!p1 [tilespmem:s24], [sflag:$0x9], $0x10, s5, s23, $0xb8;
	[tilespmem:$0x10800] =	vst v63  }
0xfb: {  	_ =	swait.ge @!p1 [sflag:s29], $0x800  }
0xfc: {  	[sflag:s29] =	ssyncset.done @!p1 $0x0  }
0xfd: {  	s5 =	sadd.s32 @!p1 $0x680, s11;
	[sflag:s29] =	ssyncadd.s32 @!p1 $0xFFFFF800  }
0xfe: {  	[tilespmem:s24], [sflag:$0x6] =	stream.indirect.gather @!p1 [hbm4b:s4+s23], $0x10, s5, s23, $0xb8;
	[tilespmem:$0x10800] =	vst v63  }
0xff: {  	_ =	swait.ge [sflag:s8], $0x800  }
0x100: {  	[sflag:s8] =	ssyncset.done $0x0  }
.Ltmp5:
0x101: {  	s31 =	sadd.s32 $0x3F00, s22;
	[sflag:s8] =	ssyncadd.s32 $0xFFFFF800;
	(pc) =	sbr.rel @p1 .LBB2_8-.Ltmp5, $4  }
0x102: {  	[spmem:s1] =	stream.indirect.scatter.add.f32 [tilespmem:s30], [sflag:$0x9], $0x10, s31, s17, $0xb8;
	[tilespmem:$0x10800] =	vst v63  }
0x103: {  	_ =	swait.ge [sflag:s15], $0x800  }
0x104: {  	[sflag:s15] =	ssyncset.done $0x0  }
0x105: {  	[sflag:s15] =	ssyncadd.s32 $0xFFFFF800  }
0x106: {  	s5 =	sadd.s32 $0x700, s22  }
0x107: {  	[tilespmem:s30], [sflag:$0x7] =	stream.indirect.gather [hbm4b:s4+s17], $0x10, s5, s17, $0xb8;
	[tilespmem:$0x10800] =	vst v63  }
0x108: {  	_ =	swait.ge [sflag:s19], $0x800  }
0x109: {  	[sflag:s19] =	ssyncset.done $0x0  }
0x10a: {  	s29 =	sadd.s32 $0x3F80, s22;
	[sflag:s19] =	ssyncadd.s32 $0xFFFFF800  }
0x10b: {  	[spmem:s1] =	stream.indirect.scatter.add.f32 [tilespmem:s0], [sflag:$0x9], $0x10, s29, s17, $0xb8;
	[tilespmem:$0x10800] =	vst v63  }
.Ltmp6:
0x10c: {  	_ = 	snop;
	(pc) =	sbr.rel .LBB2_3-.Ltmp6, $4  }
0x10d: {  	_ =	swait.ge [sflag:s15], $0x800  }
0x10e: {  	[sflag:s15] =	ssyncset.done $0x0  }
0x10f: {  	s31 =	sadd.s32 $0x780, s22;
	s10 =	sadd.s32 $0x1000, s10;
	[sflag:s15] =	ssyncadd.s32 $0xFFFFF800  }
0x110: {  	[tilespmem:s0], [sflag:$0x8] =	stream.indirect.gather [hbm4b:s4+s17], $0x10, s31, s17, $0xb8;
	[tilespmem:$0x10800] =	vst v63  }
.LBB2_9:
0x111: {  	_ =	sfence.sel $0x180000  }
0x112: {  	[bflag:$0x0] =	sbarrier.arrive $0xFFFF  }
0x113: {  	_ =	strace $0x9000004D  }
0x114: {  	s0 =	stileid.u32;
	[bflag:$0x2] =	sbarrier.arrive $0xFFFF  }
0x115: {  	p0 =	sne.s32 s0, $0x0;
	s0 =	rddreg [dreg:$0x2]  }
0x116: {  	s0 =	sadd.s32 @!p0 $0x100000, s0  }
0x117: {  	[sflag:s0] =	ssyncadd.tile.s32 @!p0 $0x1;
	_ =	shalt  }
.Lfunc_end2:
_tile_overlayer_lowered:
.L_overlay_start_2:
0x118: {  	(tag) =	ssettag $0x2  }
0x119: {  	s0 =	rddreg [dreg:$0x0];
	s2 =	stileid.u32  }
0x11a: {  	s1 =	rddreg [dreg:$0x1];
	p0 =	sne.s32 s2, $0x0  }
0x11b: {  	s3 =	rddreg [dreg:$0x2];
	[bflag:$0x3] =	sbarrier.arrive $0xFFFF;
	s2 =	simm.s32 @!p0 $0x1C09  }
0x11c: {  	[timem:s3], [sflag:s2] =	dma.local @!p0 [hbm:s0], s1  }
0x11d: {  	s0 =	simm.s32 @!p0 $0x9  }
0x11e: {  	_ =	swait.ge @!p0 [sflag:s0], s1  }
0x11f: {  	s1 =	ssub.s32 @!p0 $0x0, s1;
	[sflag:s0] =	ssyncset.done @!p0 $0x0  }
0x120: {  	[sflag:s0] =	ssyncadd.s32 @!p0 s1  }
0x121: {  	[bflag:$0x3] =	sbarrier.arrive $0xFFFF  }
0x122: {  	_ =	shalt  }

</sc_bundles>
